<compile_context>
chip_gen: v7x
topology: tpu7x:2x2x1
jax: 0.10.2.dev20260603
libtpu: 0.0.44.dev20260713+nightly
codegen_flags: <defaults>
</compile_context>

<pallas_src>
import functools

import jax
import jax.numpy as jnp
from jax import lax
from jax.experimental import pallas as pl
from jax.experimental.pallas import tpu as pltpu
from jax.experimental.pallas import tpu_sc as plsc

B, S, D = 2, 4096, 768
E, TOPK, INTER = 64, 2, 1024
CAP = 256
N = B * S
CAP2 = 2 * CAP
NSLOT = E * CAP2
EPAD = E + 1
NROWS = EPAD * CAP2
TRASH = 256
TBLK = 512
IBLK = 512
NC, NS = 2, 16
NW = NC * NS
NPW = N // NW
EPW = E // NW

def _sc_mesh():
    return plsc.VectorSubcoreMesh(
        core_axis_name="c", subcore_axis_name="s", num_cores=NC, num_subcores=NS)


def _routing_body(x_ref, cw_ref, cb_ref, ew_ref, s0_ref, s1_ref, w0_ref, w1_ref):
    x = x_ref[...]
    cw = cw_ref[...]
    conf = lax.dot_general(x, cw, (((1,), (1,)), ((), ())),
                           preferred_element_type=jnp.float32)
    bids = (conf + cb_ref[...]) * ew_ref[...]
    ii = lax.broadcasted_iota(jnp.int32, (TBLK, E), 1)
    v0 = jnp.max(bids, axis=1, keepdims=True)
    s0 = jnp.min(jnp.where(bids == v0, ii, E), axis=1, keepdims=True)
    masked = jnp.where(ii == s0, jnp.finfo(jnp.float32).min, bids)
    v1 = jnp.max(masked, axis=1, keepdims=True)
    s1 = jnp.min(jnp.where(masked == v1, ii, E), axis=1, keepdims=True)
    t = jnp.exp(v1 - v0)
    den = 1.0 + t
    s0_ref[0, 0, :] = s0[:, 0]
    s1_ref[0, 0, :] = s1[:, 0]
    w0_ref[0, 0, :] = (1.0 / den)[:, 0]
    w1_ref[0, 0, :] = (t / den)[:, 0]


def _routing(flat, conf_w, conf_b, expert_wealth):
    nblk = N // TBLK
    out_i = jax.ShapeDtypeStruct((nblk, 1, TBLK), jnp.int32)
    out_f = jax.ShapeDtypeStruct((nblk, 1, TBLK), jnp.float32)
    s0, s1, w0, w1 = pl.pallas_call(
        _routing_body,
        grid=(nblk,),
        in_specs=[
            pl.BlockSpec((TBLK, D), lambda i: (i, 0)),
            pl.BlockSpec((E, D), lambda i: (0, 0)),
            pl.BlockSpec((1, E), lambda i: (0, 0)),
            pl.BlockSpec((1, E), lambda i: (0, 0)),
        ],
        out_specs=[
            pl.BlockSpec((1, 1, TBLK), lambda i: (i, 0, 0)),
            pl.BlockSpec((1, 1, TBLK), lambda i: (i, 0, 0)),
            pl.BlockSpec((1, 1, TBLK), lambda i: (i, 0, 0)),
            pl.BlockSpec((1, 1, TBLK), lambda i: (i, 0, 0)),
        ],
        out_shape=[out_i, out_i, out_f, out_f],
    )(flat, conf_w, conf_b.reshape(1, E), expert_wealth.reshape(1, E))
    return (s0.reshape(N), s1.reshape(N), w0.reshape(N), w1.reshape(N))


def _dispatch_body(flat_hbm, sel0_hbm, sel1_hbm, rw0_hbm, rw1_hbm,
                   xg_hbm, ws_hbm, src0_hbm, src1_hbm,
                   sel0_v, sel1_v, rw0_v, rw1_v,
                   tok0_v, tok1_v, tok2_v, tok3_v,
                   wsl_v, idx_v, val_v, gidx0_v, gidx1_v, rows_v,
                   zs_v, sem_s, sem_g0, sem_g1):
    wid = lax.axis_index("s") * NC + lax.axis_index("c")
    sels_v = [sel0_v, sel1_v]
    rws_v = [rw0_v, rw1_v]
    toks_v = [tok0_v, tok1_v, tok2_v, tok3_v]
    gidxs_v = [gidx0_v, gidx1_v]
    pltpu.sync_copy(sel0_hbm, sel0_v)
    pltpu.sync_copy(sel1_hbm, sel1_v)
    pltpu.sync_copy(rw0_hbm, rw0_v)
    pltpu.sync_copy(rw1_hbm, rw1_v)

    lanes = lax.iota(jnp.int32, 16)

    zs_v[pl.ds(0, 16)] = jnp.zeros((16,), jnp.float32)
    pltpu.sync_copy(zs_v.at[pl.ds(0, 16)],
                    ws_hbm.at[pl.ds(NSLOT + wid * 16, 16)])

    cnts = [None] * 4
    for k in range(2):
        def chunk_body(c, offs, _k=k):
            s = sels_v[_k][pl.ds(c * 16, 16)]
            toks = lanes + c * 16
            new = []
            ones = jnp.ones((16,), jnp.int32)
            for el in range(EPW):
                e = wid * EPW + el
                m = s == e
                j = el * 2 + _k
                rank = plsc.cumsum(ones, mask=m)
                pos = jnp.where(m, offs[el] + rank - 1, N + lanes)
                plsc.store_scatter(toks_v[j], [pos], toks)
                new.append(offs[el] + jnp.sum(m.astype(jnp.int32)))
            return tuple(new)
        offs = lax.fori_loop(0, N // 16, chunk_body,
                             tuple(jnp.int32(0) for _ in range(EPW)))
        for el in range(EPW):
            cnts[el * 2 + k] = offs[el]

    for j in range(2 * EPW):
        el, k = j // 2, j % 2
        e = wid * EPW + el
        cnt = cnts[j]
        base = (e * 2 + k) * CAP

        for q in range(CAP // 16):
            lane = lanes + q * 16
            toks = jnp.where(lane < cnt, toks_v[j][pl.ds(q * 16, 16)], 0)
            w = plsc.load_gather(rws_v[k], [toks])
            wsl_v[pl.ds(q * 16, 16)] = jnp.where(lane < cnt, w, 0.0)
        pltpu.sync_copy(wsl_v, ws_hbm.at[pl.ds(base, CAP)])

        src_hbm = src0_hbm if k == 0 else src1_hbm
        def s_chunk(c, _, _cnt=cnt, _base=base, _j=j, _src=src_hbm):
            @pl.when(c * 128 < _cnt)
            def _():
                for q in range(8):
                    p0 = c * 128 + q * 16
                    lane = lanes + p0
                    toks = toks_v[_j][pl.ds(p0, 16)]
                    valid = lane < _cnt
                    idx_v[0, pl.ds(q * 16, 16)] = jnp.where(
                        valid, toks, N + (lane & (TRASH - 1)))
                    val_v[pl.ds(q * 16, 16)] = jnp.where(
                        lane < jnp.minimum(_cnt, CAP), _base + lane,
                        NSLOT + (lane & (CAP2 - 1)))
                pltpu.async_copy(val_v, _src.at[idx_v.at[0]], sem_s).wait()
            return 0
        lax.fori_loop(0, N // 128, s_chunk, 0)

        def g_chunk(c, _, _cnt=cnt, _base=base, _j=j):
            @pl.when(c * 16 < _cnt)
            def _():
                p0 = c * 16
                lane = lanes + p0
                toks = toks_v[_j][pl.ds(p0, 16)]
                gidx0_v[...] = jnp.where(lane < _cnt, toks, lane)
                pltpu.async_copy(flat_hbm.at[gidx0_v], rows_v.at[0],
                                 sem_g0).wait()
                pltpu.sync_copy(rows_v.at[0],
                                xg_hbm.at[pl.ds(_base + p0, 16), :])
            return 0
        lax.fori_loop(0, CAP // 16, g_chunk, 0)


def _dispatch(flat, sel0, sel1, rw0, rw1):
    f = pl.kernel(
        _dispatch_body,
        out_type=[
            jax.ShapeDtypeStruct((NSLOT, D), jnp.float32),
            jax.ShapeDtypeStruct((NROWS,), jnp.float32),
            jax.ShapeDtypeStruct((N + TRASH,), jnp.int32),
            jax.ShapeDtypeStruct((N + TRASH,), jnp.int32),
        ],
        mesh=_sc_mesh(),
        compiler_params=pltpu.CompilerParams(needs_layout_passes=False),
        scratch_types=[
            pltpu.VMEM((N,), jnp.int32),
            pltpu.VMEM((N,), jnp.int32),
            pltpu.VMEM((N,), jnp.float32),
            pltpu.VMEM((N,), jnp.float32),
            pltpu.VMEM((N + 16,), jnp.int32),
            pltpu.VMEM((N + 16,), jnp.int32),
            pltpu.VMEM((N + 16,), jnp.int32),
            pltpu.VMEM((N + 16,), jnp.int32),
            pltpu.VMEM((CAP,), jnp.float32),
            pltpu.VMEM((1, 128), jnp.int32),
            pltpu.VMEM((128,), jnp.int32),
            pltpu.VMEM((16,), jnp.int32),
            pltpu.VMEM((16,), jnp.int32),
            pltpu.VMEM((2, 16, D), jnp.float32),
            pltpu.VMEM((CAP,), jnp.float32),
            pltpu.SemaphoreType.DMA,
            pltpu.SemaphoreType.DMA,
            pltpu.SemaphoreType.DMA,
        ],
    )
    return f(flat, sel0, sel1, rw0, rw1)


def _ffn_body(xg_ref, gw_ref, uw_ref, dw_ref, ws_ref, out_ref, acc_ref):
    i = pl.program_id(1)
    x = xg_ref[0].astype(jnp.bfloat16)
    g = lax.dot(x, gw_ref[0].astype(jnp.bfloat16),
                preferred_element_type=jnp.float32)
    u = lax.dot(x, uw_ref[0].astype(jnp.bfloat16),
                preferred_element_type=jnp.float32)
    h = (g * jax.nn.sigmoid(g) * u).astype(jnp.bfloat16)
    p = lax.dot(h, dw_ref[0].astype(jnp.bfloat16),
                preferred_element_type=jnp.float32)

    @pl.when(i == 0)
    def _():
        acc_ref[...] = p

    @pl.when(i == 1)
    def _():
        out_ref[0] = (acc_ref[...] + p) * ws_ref[0]


def _ffn(xg, gate_w, up_w, down_w, wslot):
    nI = INTER // IBLK
    return pl.pallas_call(
        _ffn_body,
        grid=(EPAD, nI),
        in_specs=[
            pl.BlockSpec((1, CAP2, D), lambda e, i: (jnp.minimum(e, E - 1), 0, 0)),
            pl.BlockSpec((1, D, IBLK), lambda e, i: (jnp.minimum(e, E - 1), 0, i)),
            pl.BlockSpec((1, D, IBLK), lambda e, i: (jnp.minimum(e, E - 1), 0, i)),
            pl.BlockSpec((1, IBLK, D), lambda e, i: (jnp.minimum(e, E - 1), i, 0)),
            pl.BlockSpec((1, CAP2, 1), lambda e, i: (e, 0, 0)),
        ],
        out_specs=pl.BlockSpec((1, CAP2, D), lambda e, i: (e, 0, 0)),
        out_shape=jax.ShapeDtypeStruct((EPAD, CAP2, D), jnp.float32),
        scratch_shapes=[pltpu.VMEM((CAP2, D), jnp.float32)],
    )(xg.reshape(E, CAP2, D), gate_w, up_w, down_w,
      wslot.reshape(EPAD, CAP2, 1))


def _combine_body(eo_hbm, src0_hbm, src1_hbm, out_hbm,
                  s0_v, s1_v, ra0_v, ra1_v, rb0_v, rb1_v, ob0_v, ob1_v,
                  sem_a, sem_b, sem_o):
    wid = lax.axis_index("s") * NC + lax.axis_index("c")
    t0 = wid * NPW
    pltpu.sync_copy(src0_hbm.at[pl.ds(t0, NPW)], s0_v)
    pltpu.sync_copy(src1_hbm.at[pl.ds(t0, NPW)], s1_v)

    nch = NPW // 16

    def chunk(c, _):
        da = pltpu.async_copy(eo_hbm.at[s0_v.at[pl.ds(c * 16, 16)]],
                              ra0_v, sem_a)
        db = pltpu.async_copy(eo_hbm.at[s1_v.at[pl.ds(c * 16, 16)]],
                              rb0_v, sem_b)
        da.wait()
        db.wait()

        def add_body(i, _):
            r = i // (D // 16)
            w = (i % (D // 16)) * 16
            ob0_v[r, pl.ds(w, 16)] = (ra0_v[r, pl.ds(w, 16)]
                                      + rb0_v[r, pl.ds(w, 16)])
            return 0
        lax.fori_loop(0, 16 * (D // 16), add_body, 0)
        pltpu.sync_copy(ob0_v, out_hbm.at[pl.ds(t0 + c * 16, 16), :])
        return 0

    lax.fori_loop(0, nch, chunk, 0)


def _combine(eo, src0, src1):
    f = pl.kernel(
        _combine_body,
        out_type=jax.ShapeDtypeStruct((N, D), jnp.float32),
        mesh=_sc_mesh(),
        compiler_params=pltpu.CompilerParams(needs_layout_passes=False),
        scratch_types=[
            pltpu.VMEM((NPW,), jnp.int32),
            pltpu.VMEM((NPW,), jnp.int32),
            pltpu.VMEM((16, D), jnp.float32),
            pltpu.VMEM((16, D), jnp.float32),
            pltpu.VMEM((16, D), jnp.float32),
            pltpu.VMEM((16, D), jnp.float32),
            pltpu.VMEM((16, D), jnp.float32),
            pltpu.VMEM((16, D), jnp.float32),
            pltpu.SemaphoreType.DMA,
            pltpu.SemaphoreType.DMA,
            pltpu.SemaphoreType.DMA,
        ],
    )
    return f(eo, src0, src1)


def kernel(hidden_states, conf_w, conf_b, gate_w, up_w, down_w, expert_wealth):
    flat = hidden_states.reshape(N, D)
    sel0, sel1, rw0, rw1 = _routing(flat, conf_w, conf_b, expert_wealth)
    xg, wslot, src0, src1 = _dispatch(flat, sel0, sel1, rw0, rw1)
    eo = _ffn(xg, gate_w, up_w, down_w, wslot)
    out = _combine(eo.reshape(NROWS, D), src0, src1)
    return out.reshape(B, S, D)

# --- scband reference (transcript-rebuilt; emitter-appended) ---
"""Pipeline reference for scband-mixture-of-bidders-27839978013048 (READ-ONLY COPY).

The authoritative reference and input builder live on the scoring server;
editing this copy changes nothing except your own understanding.
"""

import jax, jax.numpy as jnp
import numpy as np

B, S, D = 2, 4096, 768
E, TOPK, INTER = 64, 2, 1024
CAP = 256  # 2x average load per top-k slot; drops are statistically negligible


def setup_inputs(seed: int = 0) -> dict:
    key = jax.random.key(seed)
    ks = jax.random.split(key, 6)
    hidden_states = jax.random.normal(ks[0], (B, S, D), dtype=jnp.float32)
    conf_w = jax.random.normal(ks[1], (E, D), dtype=jnp.float32) * (1.0 / np.sqrt(D))
    conf_b = jnp.zeros((E,), dtype=jnp.float32)
    gate_w = jax.random.normal(ks[2], (E, D, INTER), dtype=jnp.float32) * (1.0 / np.sqrt(D))
    up_w = jax.random.normal(ks[3], (E, D, INTER), dtype=jnp.float32) * (1.0 / np.sqrt(D))
    down_w = jax.random.normal(ks[4], (E, INTER, D), dtype=jnp.float32) * (1.0 / np.sqrt(INTER))
    expert_wealth = jnp.ones((E,), dtype=jnp.float32)  # initial_wealth = 1.0 buffer
    return {"hidden_states": hidden_states, "conf_w": conf_w, "conf_b": conf_b,
            "gate_w": gate_w, "up_w": up_w, "down_w": down_w, "expert_wealth": expert_wealth}


def reference(hidden_states, conf_w, conf_b, gate_w, up_w, down_w, expert_wealth):
    N = B * S
    flat = hidden_states.reshape(N, D)
    # per-expert confidence heads: Linear(D, 1) each, stacked -> [N, E]
    confidences = flat @ conf_w.T + conf_b[None, :]
    # VCG auctioneer: bids scaled by expert wealth, top-k selection,
    # routing weights = softmax over the selected bids
    bids = confidences * expert_wealth[None, :]
    vals, sel = jax.lax.top_k(bids, TOPK)          # [N, TOPK]
    rw = jax.nn.softmax(vals, axis=-1)             # [N, TOPK]
    out = jnp.zeros((N, D), dtype=jnp.float32)
    for k in range(TOPK):
        idx_k = sel[:, k]                          # [N] expert id per token
        w_k = rw[:, k]                             # [N]
        onehot = jax.nn.one_hot(idx_k, E, dtype=jnp.int32)
        pos = jnp.cumsum(onehot, axis=0) * onehot  # 1-based position within expert
        pos_tok = jnp.sum(pos, axis=1) - 1         # [N] 0-based slot
        valid = pos_tok < CAP
        dest = jnp.where(valid, idx_k * CAP + pos_tok, E * CAP)
        tokbuf = jnp.zeros(E * CAP + 1, dtype=jnp.int32).at[dest].set(jnp.arange(N, dtype=jnp.int32))
        valbuf = jnp.zeros(E * CAP + 1, dtype=jnp.float32).at[dest].set(1.0)
        tok_idx = tokbuf[: E * CAP].reshape(E, CAP)       # gather indices [E, CAP]
        slot_valid = valbuf[: E * CAP].reshape(E, CAP)    # [E, CAP]
        xg = jnp.take(flat, tok_idx, axis=0)              # [E, CAP, D] gather/dispatch
        g = jax.nn.silu(jnp.einsum('ecd,edf->ecf', xg, gate_w))
        u = jnp.einsum('ecd,edf->ecf', xg, up_w)
        eo = jnp.einsum('ecf,efd->ecd', g * u, down_w)    # [E, CAP, D]
        wslot = jnp.take(w_k, tok_idx) * slot_valid       # routing weight per slot
        out = out.at[tok_idx.reshape(-1)].add((eo * wslot[..., None]).reshape(-1, D))  # scatter-add combine (index_add_)
    return out.reshape(B, S, D)

if __name__ == "__main__":
    import jax
    _d = setup_inputs()
    print(jax.jit(kernel)(*tuple(_d.values())))

</pallas_src>

<mosaic_0001>
#map = affine_map<(d0, d1) -> (0, 0)>
#map1 = affine_map<(d0, d1) -> (0)>
module attributes {stable_mosaic.version = 14 : i64} {
  func.func @_combine_body(%arg0: i32, %arg1: i32, %arg2: memref<33280x768xf32, #tpu.memory_space<hbm>>, %arg3: memref<8448xi32, #tpu.memory_space<hbm>>, %arg4: memref<8448xi32, #tpu.memory_space<hbm>>, %arg5: memref<8192x768xf32, #tpu.memory_space<hbm>>, %arg6: memref<256xi32, #tpu.memory_space<vmem>>, %arg7: memref<256xi32, #tpu.memory_space<vmem>>, %arg8: memref<16x768xf32, #tpu.memory_space<vmem>>, %arg9: memref<16x768xf32, #tpu.memory_space<vmem>>, %arg10: memref<16x768xf32, #tpu.memory_space<vmem>>, %arg11: memref<16x768xf32, #tpu.memory_space<vmem>>, %arg12: memref<16x768xf32, #tpu.memory_space<vmem>>, %arg13: memref<16x768xf32, #tpu.memory_space<vmem>>, %arg14: memref<!tpu.dma_semaphore, #tpu.memory_space<semaphore_mem>>, %arg15: memref<!tpu.dma_semaphore, #tpu.memory_space<semaphore_mem>>, %arg16: memref<!tpu.dma_semaphore, #tpu.memory_space<semaphore_mem>>) attributes {dimension_semantics = [#tpu.dimension_semantics<core_parallel>, #tpu.dimension_semantics<subcore_parallel>], iteration_bounds = array<i64: 2, 16>, scalar_prefetch = 0 : i64, scratch_operands = 11 : i64, tpu.core_type = #tpu.core_type<sc_vector_subcore>, window_params = [{transform_indices = #map}, {transform_indices = #map1}, {transform_indices = #map1}, {transform_indices = #map}]} {
    %mul3A = arith.constant 2 : i32
    %mul3A_0 = arith.muli %arg1, %mul3A : i32
    %add3A = arith.addi %mul3A_0, %arg0 : i32
    %mul3A_1 = arith.constant 256 : i32
    %mul3A_2 = arith.muli %add3A, %mul3A_1 : i32
    "tpu.region"() ({
      %run_scoped3A = tpu.sem_alloc : memref<!tpu.dma_semaphore, #tpu.memory_space<semaphore_mem>>
      %dma_start3A = tpu.memref_slice %arg3[%mul3A_2] : memref<8448xi32, #tpu.memory_space<hbm>> -> memref<256xi32, #tpu.memory_space<hbm>>
      %dma_start3A_9 = tpu.memref_slice %arg3[%mul3A_2] : memref<8448xi32, #tpu.memory_space<hbm>> -> memref<256xi32, #tpu.memory_space<hbm>>
      tpu.enqueue_dma source(%dma_start3A_9 : memref<256xi32, #tpu.memory_space<hbm>>) target(%arg6 : memref<256xi32, #tpu.memory_space<vmem>>) target_semaphore(%run_scoped3A : memref<!tpu.dma_semaphore, #tpu.memory_space<semaphore_mem>>)
      %dma_wait3A = tpu.memref_slice %arg3[%mul3A_2] : memref<8448xi32, #tpu.memory_space<hbm>> -> memref<256xi32, #tpu.memory_space<hbm>>
      %dma_wait3A_10 = tpu.memref_slice %arg3[%mul3A_2] : memref<8448xi32, #tpu.memory_space<hbm>> -> memref<256xi32, #tpu.memory_space<hbm>>
      tpu.wait_dma2 semaphore(%run_scoped3A : memref<!tpu.dma_semaphore, #tpu.memory_space<semaphore_mem>>) src(%dma_wait3A_10 : memref<256xi32, #tpu.memory_space<hbm>>) dst(%arg6 : memref<256xi32, #tpu.memory_space<vmem>>)
      tpu.yield
    }) : () -> ()
    "tpu.region"() ({
      %run_scoped3A = tpu.sem_alloc : memref<!tpu.dma_semaphore, #tpu.memory_space<semaphore_mem>>
      %dma_start3A = tpu.memref_slice %arg4[%mul3A_2] : memref<8448xi32, #tpu.memory_space<hbm>> -> memref<256xi32, #tpu.memory_space<hbm>>
      %dma_start3A_9 = tpu.memref_slice %arg4[%mul3A_2] : memref<8448xi32, #tpu.memory_space<hbm>> -> memref<256xi32, #tpu.memory_space<hbm>>
      tpu.enqueue_dma source(%dma_start3A_9 : memref<256xi32, #tpu.memory_space<hbm>>) target(%arg7 : memref<256xi32, #tpu.memory_space<vmem>>) target_semaphore(%run_scoped3A : memref<!tpu.dma_semaphore, #tpu.memory_space<semaphore_mem>>)
      %dma_wait3A = tpu.memref_slice %arg4[%mul3A_2] : memref<8448xi32, #tpu.memory_space<hbm>> -> memref<256xi32, #tpu.memory_space<hbm>>
      %dma_wait3A_10 = tpu.memref_slice %arg4[%mul3A_2] : memref<8448xi32, #tpu.memory_space<hbm>> -> memref<256xi32, #tpu.memory_space<hbm>>
      tpu.wait_dma2 semaphore(%run_scoped3A : memref<!tpu.dma_semaphore, #tpu.memory_space<semaphore_mem>>) src(%dma_wait3A_10 : memref<256xi32, #tpu.memory_space<hbm>>) dst(%arg7 : memref<256xi32, #tpu.memory_space<vmem>>)
      tpu.yield
    }) : () -> ()
    %scan3A = arith.constant 0 : i32
    %scan3A_3 = arith.constant 0 : i32
    %scan3A_4 = arith.constant 16 : i32
    %scan3A_5 = arith.addi %scan3A_3, %scan3A_4 : i32
    %scan3A_6 = arith.constant 1 : i32
    %scan3A_7 = scf.for %scan3A_9 = %scan3A_3 to %scan3A_5 step %scan3A_6 iter_args(%scan3A_10 = %scan3A) -> (i32)  : i32 {
      %mul3A_11 = arith.constant 16 : i32
      %mul3A_12 = arith.muli %scan3A_9, %mul3A_11 : i32
      %dma_start3A = tpu.memref_slice %arg6[%mul3A_12] : memref<256xi32, #tpu.memory_space<vmem>> -> memref<16xi32, #tpu.memory_space<vmem>>
      %dma_start3A_13 = arith.constant 0 : i32
      %dma_start3A_14 = arith.constant 0 : i32
      %dma_start3A_15 = tpu.memref_slice %arg2[%dma_start3A_13, %dma_start3A_14] : memref<33280x768xf32, #tpu.memory_space<hbm>> -> memref<33280x768xf32, #tpu.memory_space<hbm>>
      tpu.enqueue_indirect_dma source(%dma_start3A_15 : memref<33280x768xf32, #tpu.memory_space<hbm>>) target(%arg8 : memref<16x768xf32, #tpu.memory_space<vmem>>) offsets(%dma_start3A : memref<16xi32, #tpu.memory_space<vmem>>) semaphore(%arg14 : memref<!tpu.dma_semaphore, #tpu.memory_space<semaphore_mem>>)
      %mul3A_16 = arith.constant 16 : i32
      %mul3A_17 = arith.muli %scan3A_9, %mul3A_16 : i32
      %dma_start3A_18 = tpu.memref_slice %arg7[%mul3A_17] : memref<256xi32, #tpu.memory_space<vmem>> -> memref<16xi32, #tpu.memory_space<vmem>>
      %dma_start3A_19 = arith.constant 0 : i32
      %dma_start3A_20 = arith.constant 0 : i32
      %dma_start3A_21 = tpu.memref_slice %arg2[%dma_start3A_19, %dma_start3A_20] : memref<33280x768xf32, #tpu.memory_space<hbm>> -> memref<33280x768xf32, #tpu.memory_space<hbm>>
      tpu.enqueue_indirect_dma source(%dma_start3A_21 : memref<33280x768xf32, #tpu.memory_space<hbm>>) target(%arg10 : memref<16x768xf32, #tpu.memory_space<vmem>>) offsets(%dma_start3A_18 : memref<16xi32, #tpu.memory_space<vmem>>) semaphore(%arg15 : memref<!tpu.dma_semaphore, #tpu.memory_space<semaphore_mem>>)
      %dma_wait3A = tpu.memref_slice %arg6[%mul3A_12] : memref<256xi32, #tpu.memory_space<vmem>> -> memref<16xi32, #tpu.memory_space<vmem>>
      %dma_wait3A_22 = arith.constant 0 : i32
      %dma_wait3A_23 = arith.constant 0 : i32
      %dma_wait3A_24 = tpu.memref_slice %arg2[%dma_wait3A_22, %dma_wait3A_23] : memref<33280x768xf32, #tpu.memory_space<hbm>> -> memref<33280x768xf32, #tpu.memory_space<hbm>>
      tpu.wait_indirect_dma semaphore(%arg14 : memref<!tpu.dma_semaphore, #tpu.memory_space<semaphore_mem>>) src(%dma_wait3A_24 : memref<33280x768xf32, #tpu.memory_space<hbm>>) dst(%arg8 : memref<16x768xf32, #tpu.memory_space<vmem>>)
      %dma_wait3A_25 = tpu.memref_slice %arg7[%mul3A_17] : memref<256xi32, #tpu.memory_space<vmem>> -> memref<16xi32, #tpu.memory_space<vmem>>
      %dma_wait3A_26 = arith.constant 0 : i32
      %dma_wait3A_27 = arith.constant 0 : i32
      %dma_wait3A_28 = tpu.memref_slice %arg2[%dma_wait3A_26, %dma_wait3A_27] : memref<33280x768xf32, #tpu.memory_space<hbm>> -> memref<33280x768xf32, #tpu.memory_space<hbm>>
      tpu.wait_indirect_dma semaphore(%arg15 : memref<!tpu.dma_semaphore, #tpu.memory_space<semaphore_mem>>) src(%dma_wait3A_28 : memref<33280x768xf32, #tpu.memory_space<hbm>>) dst(%arg10 : memref<16x768xf32, #tpu.memory_space<vmem>>)
      %scan3A_29 = arith.constant 0 : i32
      %scan3A_30 = arith.constant 0 : i32
      %scan3A_31 = arith.constant 768 : i32
      %scan3A_32 = arith.addi %scan3A_30, %scan3A_31 : i32
      %scan3A_33 = arith.constant 1 : i32
      %scan3A_34 = scf.for %scan3A_40 = %scan3A_30 to %scan3A_32 step %scan3A_33 iter_args(%scan3A_41 = %scan3A_29) -> (i32)  : i32 {
        %jit3A = arith.constant 48 : i32
        %div3A = arith.divsi %scan3A_40, %jit3A : i32
        %sign3A = arith.constant 0 : i32
        %sign3A_42 = arith.cmpi sgt, %scan3A_40, %sign3A : i32
        %sign3A_43 = arith.extui %sign3A_42 : i1 to i32
        %sign3A_44 = arith.constant 0 : i32
        %sign3A_45 = arith.cmpi slt, %scan3A_40, %sign3A_44 : i32
        %sign3A_46 = arith.extui %sign3A_45 : i1 to i32
        %sign3A_47 = arith.subi %sign3A_43, %sign3A_46 : i32
        %sign3A_48 = arith.constant 0 : i32
        %sign3A_49 = arith.cmpi sgt, %jit3A, %sign3A_48 : i32
        %sign3A_50 = arith.extui %sign3A_49 : i1 to i32
        %sign3A_51 = arith.constant 0 : i32
        %sign3A_52 = arith.cmpi slt, %jit3A, %sign3A_51 : i32
        %sign3A_53 = arith.extui %sign3A_52 : i1 to i32
        %sign3A_54 = arith.subi %sign3A_50, %sign3A_53 : i32
        %ne3A = arith.cmpi ne, %sign3A_47, %sign3A_54 : i32
        %rem3A = arith.remsi %scan3A_40, %jit3A : i32
        %ne3A_55 = arith.constant 0 : i32
        %ne3A_56 = arith.cmpi ne, %rem3A, %ne3A_55 : i32
        %and3A = arith.andi %ne3A, %ne3A_56 : i1
        %sub3A = arith.constant 1 : i32
        %sub3A_57 = arith.subi %div3A, %sub3A : i32
        %select_n3A = arith.select %and3A, %sub3A_57, %div3A : i32
        %jit3A_58 = arith.constant 48 : i32
        %eq3A = arith.constant 0 : i32
        %eq3A_59 = arith.cmpi eq, %jit3A_58, %eq3A : i32
        %jit3A_60 = arith.constant 1 : i32
        %select_n3A_61 = arith.select %eq3A_59, %jit3A_60, %jit3A_58 : i32
        %rem3A_62 = arith.remsi %scan3A_40, %select_n3A_61 : i32
        %ne3A_63 = arith.constant 0 : i32
        %ne3A_64 = arith.cmpi ne, %rem3A_62, %ne3A_63 : i32
        %lt3A = arith.constant 0 : i32
        %lt3A_65 = arith.cmpi slt, %rem3A_62, %lt3A : i32
        %lt3A_66 = arith.constant 0 : i32
        %lt3A_67 = arith.cmpi slt, %select_n3A_61, %lt3A_66 : i32
        %ne3A_68 = arith.xori %lt3A_65, %lt3A_67 : i1
        %and3A_69 = arith.andi %ne3A_68, %ne3A_64 : i1
        %add3A_70 = arith.addi %rem3A_62, %select_n3A_61 : i32
        %select_n3A_71 = arith.select %and3A_69, %add3A_70, %rem3A_62 : i32
        %mul3A_72 = arith.constant 16 : i32
        %mul3A_73 = arith.muli %select_n3A_71, %mul3A_72 : i32
        %get3A = arith.index_cast %select_n3A : i32 to index
        %get3A_74 = arith.index_cast %mul3A_73 : i32 to index
        %get3A_75 = tpu.vector_load %arg8[%get3A, %get3A_74] {strides = array<i32>} : memref<16x768xf32, #tpu.memory_space<vmem>>, vector<16xf32>,
        %get3A_76 = arith.index_cast %select_n3A : i32 to index
        %get3A_77 = arith.index_cast %mul3A_73 : i32 to index
        %get3A_78 = tpu.vector_load %arg10[%get3A_76, %get3A_77] {strides = array<i32>} : memref<16x768xf32, #tpu.memory_space<vmem>>, vector<16xf32>,
        %add3A_79 = arith.addf %get3A_75, %get3A_78 : vector<16xf32>
        %swap3A = arith.index_cast %select_n3A : i32 to index
        %swap3A_80 = arith.index_cast %mul3A_73 : i32 to index
        %swap3A_81 = tpu.vector_load %arg12[%swap3A, %swap3A_80] {strides = array<i32>} : memref<16x768xf32, #tpu.memory_space<vmem>>, vector<16xf32>,
        tpu.vector_store %arg12[%swap3A, %swap3A_80], %add3A_79 {strides = array<i32>} : memref<16x768xf32, #tpu.memory_space<vmem>>, vector<16xf32>,
        %scan3A_82 = arith.constant 0 : i32
        scf.yield %scan3A_82 : i32
      }
      %scan3A_35 = arith.constant 768 : i32
      %mul3A_36 = arith.constant 16 : i32
      %mul3A_37 = arith.muli %scan3A_9, %mul3A_36 : i32
      %add3A_38 = arith.addi %mul3A_2, %mul3A_37 : i32
      "tpu.region"() ({
        %run_scoped3A = tpu.sem_alloc : memref<!tpu.dma_semaphore, #tpu.memory_space<semaphore_mem>>
        %dma_start3A_40 = arith.constant 0 : i32
        %dma_start3A_41 = tpu.memref_slice %arg5[%add3A_38, %dma_start3A_40] : memref<8192x768xf32, #tpu.memory_space<hbm>> -> memref<16x768xf32, #tpu.memory_space<hbm>>
        %dma_start3A_42 = arith.constant 0 : i32
        %dma_start3A_43 = tpu.memref_slice %arg5[%add3A_38, %dma_start3A_42] : memref<8192x768xf32, #tpu.memory_space<hbm>> -> memref<16x768xf32, #tpu.memory_space<hbm>>
        tpu.enqueue_dma source(%arg12 : memref<16x768xf32, #tpu.memory_space<vmem>>) target(%dma_start3A_43 : memref<16x768xf32, #tpu.memory_space<hbm>>) target_semaphore(%run_scoped3A : memref<!tpu.dma_semaphore, #tpu.memory_space<semaphore_mem>>)
        %dma_wait3A_44 = arith.constant 0 : i32
        %dma_wait3A_45 = tpu.memref_slice %arg5[%add3A_38, %dma_wait3A_44] : memref<8192x768xf32, #tpu.memory_space<hbm>> -> memref<16x768xf32, #tpu.memory_space<hbm>>
        %dma_wait3A_46 = arith.constant 0 : i32
        %dma_wait3A_47 = tpu.memref_slice %arg5[%add3A_38, %dma_wait3A_46] : memref<8192x768xf32, #tpu.memory_space<hbm>> -> memref<16x768xf32, #tpu.memory_space<hbm>>
        tpu.wait_dma2 semaphore(%run_scoped3A : memref<!tpu.dma_semaphore, #tpu.memory_space<semaphore_mem>>) src(%arg12 : memref<16x768xf32, #tpu.memory_space<vmem>>) dst(%dma_wait3A_47 : memref<16x768xf32, #tpu.memory_space<hbm>>)
        tpu.yield
      }) : () -> ()
      %scan3A_39 = arith.constant 0 : i32
      scf.yield %scan3A_39 : i32
    }
    %scan3A_8 = arith.constant 16 : i32
    return
  }
}

#map = affine_map<(d0, d1) -> (0, 0)>
#map1 = affine_map<(d0, d1) -> (0)>
module attributes {stable_mosaic.version = 14 : i64} {
  func.func @_dispatch_body(%arg0: i32, %arg1: i32, %arg2: memref<8192x768xf32, #tpu.memory_space<hbm>>, %arg3: memref<8192xi32, #tpu.memory_space<hbm>>, %arg4: memref<8192xi32, #tpu.memory_space<hbm>>, %arg5: memref<8192xf32, #tpu.memory_space<hbm>>, %arg6: memref<8192xf32, #tpu.memory_space<hbm>>, %arg7: memref<32768x768xf32, #tpu.memory_space<hbm>>, %arg8: memref<33280xf32, #tpu.memory_space<hbm>>, %arg9: memref<8448xi32, #tpu.memory_space<hbm>>, %arg10: memref<8448xi32, #tpu.memory_space<hbm>>, %arg11: memref<8192xi32, #tpu.memory_space<vmem>>, %arg12: memref<8192xi32, #tpu.memory_space<vmem>>, %arg13: memref<8192xf32, #tpu.memory_space<vmem>>, %arg14: memref<8192xf32, #tpu.memory_space<vmem>>, %arg15: memref<8208xi32, #tpu.memory_space<vmem>>, %arg16: memref<8208xi32, #tpu.memory_space<vmem>>, %arg17: memref<8208xi32, #tpu.memory_space<vmem>>, %arg18: memref<8208xi32, #tpu.memory_space<vmem>>, %arg19: memref<256xf32, #tpu.memory_space<vmem>>, %arg20: memref<1x128xi32, #tpu.memory_space<vmem>>, %arg21: memref<128xi32, #tpu.memory_space<vmem>>, %arg22: memref<16xi32, #tpu.memory_space<vmem>>, %arg23: memref<16xi32, #tpu.memory_space<vmem>>, %arg24: memref<2x16x768xf32, #tpu.memory_space<vmem>>, %arg25: memref<256xf32, #tpu.memory_space<vmem>>, %arg26: memref<!tpu.dma_semaphore, #tpu.memory_space<semaphore_mem>>, %arg27: memref<!tpu.dma_semaphore, #tpu.memory_space<semaphore_mem>>, %arg28: memref<!tpu.dma_semaphore, #tpu.memory_space<semaphore_mem>>) attributes {dimension_semantics = [#tpu.dimension_semantics<core_parallel>, #tpu.dimension_semantics<subcore_parallel>], iteration_bounds = array<i64: 2, 16>, scalar_prefetch = 0 : i64, scratch_operands = 18 : i64, tpu.core_type = #tpu.core_type<sc_vector_subcore>, window_params = [{transform_indices = #map}, {transform_indices = #map1}, {transform_indices = #map1}, {transform_indices = #map1}, {transform_indices = #map1}, {transform_indices = #map}, {transform_indices = #map1}, {transform_indices = #map1}, {transform_indices = #map1}]} {
    %mul3A = arith.constant 2 : i32
    %mul3A_0 = arith.muli %arg1, %mul3A : i32
    %add3A = arith.addi %mul3A_0, %arg0 : i32
    "tpu.region"() ({
      %run_scoped3A = tpu.sem_alloc : memref<!tpu.dma_semaphore, #tpu.memory_space<semaphore_mem>>
      tpu.enqueue_dma source(%arg3 : memref<8192xi32, #tpu.memory_space<hbm>>) target(%arg11 : memref<8192xi32, #tpu.memory_space<vmem>>) target_semaphore(%run_scoped3A : memref<!tpu.dma_semaphore, #tpu.memory_space<semaphore_mem>>)
      tpu.wait_dma2 semaphore(%run_scoped3A : memref<!tpu.dma_semaphore, #tpu.memory_space<semaphore_mem>>) src(%arg3 : memref<8192xi32, #tpu.memory_space<hbm>>) dst(%arg11 : memref<8192xi32, #tpu.memory_space<vmem>>)
      tpu.yield
    }) : () -> ()
    "tpu.region"() ({
      %run_scoped3A = tpu.sem_alloc : memref<!tpu.dma_semaphore, #tpu.memory_space<semaphore_mem>>
      tpu.enqueue_dma source(%arg4 : memref<8192xi32, #tpu.memory_space<hbm>>) target(%arg12 : memref<8192xi32, #tpu.memory_space<vmem>>) target_semaphore(%run_scoped3A : memref<!tpu.dma_semaphore, #tpu.memory_space<semaphore_mem>>)
      tpu.wait_dma2 semaphore(%run_scoped3A : memref<!tpu.dma_semaphore, #tpu.memory_space<semaphore_mem>>) src(%arg4 : memref<8192xi32, #tpu.memory_space<hbm>>) dst(%arg12 : memref<8192xi32, #tpu.memory_space<vmem>>)
      tpu.yield
    }) : () -> ()
    "tpu.region"() ({
      %run_scoped3A = tpu.sem_alloc : memref<!tpu.dma_semaphore, #tpu.memory_space<semaphore_mem>>
      tpu.enqueue_dma source(%arg5 : memref<8192xf32, #tpu.memory_space<hbm>>) target(%arg13 : memref<8192xf32, #tpu.memory_space<vmem>>) target_semaphore(%run_scoped3A : memref<!tpu.dma_semaphore, #tpu.memory_space<semaphore_mem>>)
      tpu.wait_dma2 semaphore(%run_scoped3A : memref<!tpu.dma_semaphore, #tpu.memory_space<semaphore_mem>>) src(%arg5 : memref<8192xf32, #tpu.memory_space<hbm>>) dst(%arg13 : memref<8192xf32, #tpu.memory_space<vmem>>)
      tpu.yield
    }) : () -> ()
    "tpu.region"() ({
      %run_scoped3A = tpu.sem_alloc : memref<!tpu.dma_semaphore, #tpu.memory_space<semaphore_mem>>
      tpu.enqueue_dma source(%arg6 : memref<8192xf32, #tpu.memory_space<hbm>>) target(%arg14 : memref<8192xf32, #tpu.memory_space<vmem>>) target_semaphore(%run_scoped3A : memref<!tpu.dma_semaphore, #tpu.memory_space<semaphore_mem>>)
      tpu.wait_dma2 semaphore(%run_scoped3A : memref<!tpu.dma_semaphore, #tpu.memory_space<semaphore_mem>>) src(%arg6 : memref<8192xf32, #tpu.memory_space<hbm>>) dst(%arg14 : memref<8192xf32, #tpu.memory_space<vmem>>)
      tpu.yield
    }) : () -> ()
    %iota3A = tpu.iota {dimensions = array<i32: 0>} : vector<16xi32>
    %broadcast_in_dim3A = arith.constant 0.000000e+00 : f32
    %broadcast_in_dim3A_1 = vector.broadcast %broadcast_in_dim3A : f32 to vector<16xf32>
    %swap3A = arith.constant 0 : index
    %swap3A_2 = tpu.vector_load %arg25[%swap3A] {strides = array<i32>} : memref<256xf32, #tpu.memory_space<vmem>>, vector<16xf32>,
    tpu.vector_store %arg25[%swap3A], %broadcast_in_dim3A_1 {strides = array<i32>} : memref<256xf32, #tpu.memory_space<vmem>>, vector<16xf32>,
    %mul3A_3 = arith.constant 16 : i32
    %mul3A_4 = arith.muli %add3A, %mul3A_3 : i32
    %add3A_5 = arith.constant 32768 : i32
    %add3A_6 = arith.addi %add3A_5, %mul3A_4 : i32
    "tpu.region"() ({
      %run_scoped3A = tpu.sem_alloc : memref<!tpu.dma_semaphore, #tpu.memory_space<semaphore_mem>>
      %dma_start3A = arith.constant 0 : i32
      %dma_start3A_1265 = tpu.memref_slice %arg25[%dma_start3A] : memref<256xf32, #tpu.memory_space<vmem>> -> memref<16xf32, #tpu.memory_space<vmem>>
      %dma_start3A_1266 = tpu.memref_slice %arg8[%add3A_6] : memref<33280xf32, #tpu.memory_space<hbm>> -> memref<16xf32, #tpu.memory_space<hbm>>
      %dma_start3A_1267 = tpu.memref_slice %arg8[%add3A_6] : memref<33280xf32, #tpu.memory_space<hbm>> -> memref<16xf32, #tpu.memory_space<hbm>>
      %dma_start3A_1268 = arith.constant 0 : i32
      %dma_start3A_1269 = tpu.memref_slice %arg25[%dma_start3A_1268] : memref<256xf32, #tpu.memory_space<vmem>> -> memref<16xf32, #tpu.memory_space<vmem>>
      tpu.enqueue_dma source(%dma_start3A_1269 : memref<16xf32, #tpu.memory_space<vmem>>) target(%dma_start3A_1267 : memref<16xf32, #tpu.memory_space<hbm>>) target_semaphore(%run_scoped3A : memref<!tpu.dma_semaphore, #tpu.memory_space<semaphore_mem>>)
      %dma_wait3A = arith.constant 0 : i32
      %dma_wait3A_1270 = tpu.memref_slice %arg25[%dma_wait3A] : memref<256xf32, #tpu.memory_space<vmem>> -> memref<16xf32, #tpu.memory_space<vmem>>
      %dma_wait3A_1271 = tpu.memref_slice %arg8[%add3A_6] : memref<33280xf32, #tpu.memory_space<hbm>> -> memref<16xf32, #tpu.memory_space<hbm>>
      %dma_wait3A_1272 = tpu.memref_slice %arg8[%add3A_6] : memref<33280xf32, #tpu.memory_space<hbm>> -> memref<16xf32, #tpu.memory_space<hbm>>
      %dma_wait3A_1273 = arith.constant 0 : i32
      %dma_wait3A_1274 = tpu.memref_slice %arg25[%dma_wait3A_1273] : memref<256xf32, #tpu.memory_space<vmem>> -> memref<16xf32, #tpu.memory_space<vmem>>
      tpu.wait_dma2 semaphore(%run_scoped3A : memref<!tpu.dma_semaphore, #tpu.memory_space<semaphore_mem>>) src(%dma_wait3A_1274 : memref<16xf32, #tpu.memory_space<vmem>>) dst(%dma_wait3A_1272 : memref<16xf32, #tpu.memory_space<hbm>>)
      tpu.yield
    }) : () -> ()
    %scan3A = arith.constant 0 : i32
    %scan3A_7 = arith.constant 0 : i32
    %scan3A_8 = arith.constant 0 : i32
    %scan3A_9 = arith.constant 512 : i32
    %scan3A_10 = arith.addi %scan3A_8, %scan3A_9 : i32
    %scan3A_11 = arith.constant 1 : i32
    %scan3A_12:2 = scf.for %scan3A_1265 = %scan3A_8 to %scan3A_10 step %scan3A_11 iter_args(%scan3A_1266 = %scan3A, %scan3A_1267 = %scan3A_7) -> (i32, i32)  : i32 {
      %mul3A_1268 = arith.constant 16 : i32
      %mul3A_1269 = arith.muli %scan3A_1265, %mul3A_1268 : i32
      %get3A_1270 = arith.index_cast %mul3A_1269 : i32 to index
      %get3A_1271 = tpu.vector_load %arg11[%get3A_1270] {strides = array<i32>} : memref<8192xi32, #tpu.memory_space<vmem>>, vector<16xi32>,
      %mul3A_1272 = arith.constant 16 : i32
      %mul3A_1273 = arith.muli %scan3A_1265, %mul3A_1272 : i32
      %add3A_1274 = vector.broadcast %mul3A_1273 : i32 to vector<16xi32>
      %add3A_1275 = arith.addi %iota3A, %add3A_1274 : vector<16xi32>
      %broadcast_in_dim3A_1276 = arith.constant 1 : i32
      %broadcast_in_dim3A_1277 = vector.broadcast %broadcast_in_dim3A_1276 : i32 to vector<16xi32>
      %mul3A_1278 = arith.constant 2 : i32
      %mul3A_1279 = arith.muli %add3A, %mul3A_1278 : i32
      %add3A_1280 = arith.constant 0 : i32
      %add3A_1281 = arith.addi %mul3A_1279, %add3A_1280 : i32
      %eq3A = vector.broadcast %add3A_1281 : i32 to vector<16xi32>
      %eq3A_1282 = arith.cmpi eq, %get3A_1271, %eq3A : vector<16xi32>
      %masked_cumsum3A = tpu.scan <sum>, %broadcast_in_dim3A_1277 masked %eq3A_1282 : vector<16xi32>, vector<16xi1> -> vector<16xi32>
      %add3A_1283 = vector.broadcast %scan3A_1266 : i32 to vector<16xi32>
      %add3A_1284 = arith.addi %add3A_1283, %masked_cumsum3A : vector<16xi32>
      %sub3A = arith.constant 1 : i32
      %sub3A_1285 = vector.broadcast %sub3A : i32 to vector<16xi32>
      %sub3A_1286 = arith.subi %add3A_1284, %sub3A_1285 : vector<16xi32>
      %add3A_1287 = arith.constant 8192 : i32
      %add3A_1288 = vector.broadcast %add3A_1287 : i32 to vector<16xi32>
      %add3A_1289 = arith.addi %add3A_1288, %iota3A : vector<16xi32>
      %select_n3A_1290 = arith.select %eq3A_1282, %sub3A_1286, %add3A_1289 : vector<16xi1>, vector<16xi32>
      tpu.vector_store_idx %arg15[%select_n3A_1290], %add3A_1275 : memref<8208xi32, #tpu.memory_space<vmem>>[vector<16xi32>], vector<16xi32>,
      %convert_element_type3A = arith.extui %eq3A_1282 : vector<16xi1> to vector<16xi32>
      %reduce_sum3A = arith.constant true
      %reduce_sum3A_1291 = vector.broadcast %reduce_sum3A : i1 to vector<16xi1>
      %reduce_sum3A_1292 = tpu.scan <sum>, %convert_element_type3A masked %reduce_sum3A_1291 : vector<16xi32>, vector<16xi1> -> vector<16xi32>
      %reduce_sum3A_1293 = vector.extract %reduce_sum3A_1292[15] : i32 from vector<16xi32>
      %add3A_1294 = arith.addi %scan3A_1266, %reduce_sum3A_1293 : i32
      %mul3A_1295 = arith.constant 2 : i32
      %mul3A_1296 = arith.muli %add3A, %mul3A_1295 : i32
      %add3A_1297 = arith.constant 1 : i32
      %add3A_1298 = arith.addi %mul3A_1296, %add3A_1297 : i32
      %eq3A_1299 = vector.broadcast %add3A_1298 : i32 to vector<16xi32>
      %eq3A_1300 = arith.cmpi eq, %get3A_1271, %eq3A_1299 : vector<16xi32>
      %masked_cumsum3A_1301 = tpu.scan <sum>, %broadcast_in_dim3A_1277 masked %eq3A_1300 : vector<16xi32>, vector<16xi1> -> vector<16xi32>
      %add3A_1302 = vector.broadcast %scan3A_1267 : i32 to vector<16xi32>
      %add3A_1303 = arith.addi %add3A_1302, %masked_cumsum3A_1301 : vector<16xi32>
      %sub3A_1304 = arith.constant 1 : i32
      %sub3A_1305 = vector.broadcast %sub3A_1304 : i32 to vector<16xi32>
      %sub3A_1306 = arith.subi %add3A_1303, %sub3A_1305 : vector<16xi32>
      %add3A_1307 = arith.constant 8192 : i32
      %add3A_1308 = vector.broadcast %add3A_1307 : i32 to vector<16xi32>
      %add3A_1309 = arith.addi %add3A_1308, %iota3A : vector<16xi32>
      %select_n3A_1310 = arith.select %eq3A_1300, %sub3A_1306, %add3A_1309 : vector<16xi1>, vector<16xi32>
      tpu.vector_store_idx %arg17[%select_n3A_1310], %add3A_1275 : memref<8208xi32, #tpu.memory_space<vmem>>[vector<16xi32>], vector<16xi32>,
      %convert_element_type3A_1311 = arith.extui %eq3A_1300 : vector<16xi1> to vector<16xi32>
      %reduce_sum3A_1312 = arith.constant true
      %reduce_sum3A_1313 = vector.broadcast %reduce_sum3A_1312 : i1 to vector<16xi1>
      %reduce_sum3A_1314 = tpu.scan <sum>, %convert_element_type3A_1311 masked %reduce_sum3A_1313 : vector<16xi32>, vector<16xi1> -> vector<16xi32>
      %reduce_sum3A_1315 = vector.extract %reduce_sum3A_1314[15] : i32 from vector<16xi32>
      %add3A_1316 = arith.addi %scan3A_1267, %reduce_sum3A_1315 : i32
      scf.yield %add3A_1294, %add3A_1316 : i32, i32
    }
    %scan3A_13 = arith.constant 512 : i32
    %scan3A_14 = arith.constant 0 : i32
    %scan3A_15 = arith.constant 0 : i32
    %scan3A_16 = arith.constant 0 : i32
    %scan3A_17 = arith.constant 512 : i32
    %scan3A_18 = arith.addi %scan3A_16, %scan3A_17 : i32
    %scan3A_19 = arith.constant 1 : i32
    %scan3A_20:2 = scf.for %scan3A_1265 = %scan3A_16 to %scan3A_18 step %scan3A_19 iter_args(%scan3A_1266 = %scan3A_14, %scan3A_1267 = %scan3A_15) -> (i32, i32)  : i32 {
      %mul3A_1268 = arith.constant 16 : i32
      %mul3A_1269 = arith.muli %scan3A_1265, %mul3A_1268 : i32
      %get3A_1270 = arith.index_cast %mul3A_1269 : i32 to index
      %get3A_1271 = tpu.vector_load %arg12[%get3A_1270] {strides = array<i32>} : memref<8192xi32, #tpu.memory_space<vmem>>, vector<16xi32>,
      %mul3A_1272 = arith.constant 16 : i32
      %mul3A_1273 = arith.muli %scan3A_1265, %mul3A_1272 : i32
      %add3A_1274 = vector.broadcast %mul3A_1273 : i32 to vector<16xi32>
      %add3A_1275 = arith.addi %iota3A, %add3A_1274 : vector<16xi32>
      %broadcast_in_dim3A_1276 = arith.constant 1 : i32
      %broadcast_in_dim3A_1277 = vector.broadcast %broadcast_in_dim3A_1276 : i32 to vector<16xi32>
      %mul3A_1278 = arith.constant 2 : i32
      %mul3A_1279 = arith.muli %add3A, %mul3A_1278 : i32
      %add3A_1280 = arith.constant 0 : i32
      %add3A_1281 = arith.addi %mul3A_1279, %add3A_1280 : i32
      %eq3A = vector.broadcast %add3A_1281 : i32 to vector<16xi32>
      %eq3A_1282 = arith.cmpi eq, %get3A_1271, %eq3A : vector<16xi32>
      %masked_cumsum3A = tpu.scan <sum>, %broadcast_in_dim3A_1277 masked %eq3A_1282 : vector<16xi32>, vector<16xi1> -> vector<16xi32>
      %add3A_1283 = vector.broadcast %scan3A_1266 : i32 to vector<16xi32>
      %add3A_1284 = arith.addi %add3A_1283, %masked_cumsum3A : vector<16xi32>
      %sub3A = arith.constant 1 : i32
      %sub3A_1285 = vector.broadcast %sub3A : i32 to vector<16xi32>
      %sub3A_1286 = arith.subi %add3A_1284, %sub3A_1285 : vector<16xi32>
      %add3A_1287 = arith.constant 8192 : i32
      %add3A_1288 = vector.broadcast %add3A_1287 : i32 to vector<16xi32>
      %add3A_1289 = arith.addi %add3A_1288, %iota3A : vector<16xi32>
      %select_n3A_1290 = arith.select %eq3A_1282, %sub3A_1286, %add3A_1289 : vector<16xi1>, vector<16xi32>
      tpu.vector_store_idx %arg16[%select_n3A_1290], %add3A_1275 : memref<8208xi32, #tpu.memory_space<vmem>>[vector<16xi32>], vector<16xi32>,
      %convert_element_type3A = arith.extui %eq3A_1282 : vector<16xi1> to vector<16xi32>
      %reduce_sum3A = arith.constant true
      %reduce_sum3A_1291 = vector.broadcast %reduce_sum3A : i1 to vector<16xi1>
      %reduce_sum3A_1292 = tpu.scan <sum>, %convert_element_type3A masked %reduce_sum3A_1291 : vector<16xi32>, vector<16xi1> -> vector<16xi32>
      %reduce_sum3A_1293 = vector.extract %reduce_sum3A_1292[15] : i32 from vector<16xi32>
      %add3A_1294 = arith.addi %scan3A_1266, %reduce_sum3A_1293 : i32
      %mul3A_1295 = arith.constant 2 : i32
      %mul3A_1296 = arith.muli %add3A, %mul3A_1295 : i32
      %add3A_1297 = arith.constant 1 : i32
      %add3A_1298 = arith.addi %mul3A_1296, %add3A_1297 : i32
      %eq3A_1299 = vector.broadcast %add3A_1298 : i32 to vector<16xi32>
      %eq3A_1300 = arith.cmpi eq, %get3A_1271, %eq3A_1299 : vector<16xi32>
      %masked_cumsum3A_1301 = tpu.scan <sum>, %broadcast_in_dim3A_1277 masked %eq3A_1300 : vector<16xi32>, vector<16xi1> -> vector<16xi32>
      %add3A_1302 = vector.broadcast %scan3A_1267 : i32 to vector<16xi32>
      %add3A_1303 = arith.addi %add3A_1302, %masked_cumsum3A_1301 : vector<16xi32>
      %sub3A_1304 = arith.constant 1 : i32
      %sub3A_1305 = vector.broadcast %sub3A_1304 : i32 to vector<16xi32>
      %sub3A_1306 = arith.subi %add3A_1303, %sub3A_1305 : vector<16xi32>
      %add3A_1307 = arith.constant 8192 : i32
      %add3A_1308 = vector.broadcast %add3A_1307 : i32 to vector<16xi32>
      %add3A_1309 = arith.addi %add3A_1308, %iota3A : vector<16xi32>
      %select_n3A_1310 = arith.select %eq3A_1300, %sub3A_1306, %add3A_1309 : vector<16xi1>, vector<16xi32>
      tpu.vector_store_idx %arg18[%select_n3A_1310], %add3A_1275 : memref<8208xi32, #tpu.memory_space<vmem>>[vector<16xi32>], vector<16xi32>,
      %convert_element_type3A_1311 = arith.extui %eq3A_1300 : vector<16xi1> to vector<16xi32>
      %reduce_sum3A_1312 = arith.constant true
      %reduce_sum3A_1313 = vector.broadcast %reduce_sum3A_1312 : i1 to vector<16xi1>
      %reduce_sum3A_1314 = tpu.scan <sum>, %convert_element_type3A_1311 masked %reduce_sum3A_1313 : vector<16xi32>, vector<16xi1> -> vector<16xi32>
      %reduce_sum3A_1315 = vector.extract %reduce_sum3A_1314[15] : i32 from vector<16xi32>
      %add3A_1316 = arith.addi %scan3A_1267, %reduce_sum3A_1315 : i32
      scf.yield %add3A_1294, %add3A_1316 : i32, i32
    }
    %scan3A_21 = arith.constant 512 : i32
    %mul3A_22 = arith.constant 2 : i32
    %mul3A_23 = arith.muli %add3A, %mul3A_22 : i32
    %add3A_24 = arith.constant 0 : i32
    %add3A_25 = arith.addi %mul3A_23, %add3A_24 : i32
    %mul3A_26 = arith.constant 2 : i32
    %mul3A_27 = arith.muli %add3A_25, %mul3A_26 : i32
    %add3A_28 = arith.constant 0 : i32
    %add3A_29 = arith.addi %mul3A_27, %add3A_28 : i32
    %mul3A_30 = arith.constant 256 : i32
    %mul3A_31 = arith.muli %add3A_29, %mul3A_30 : i32
    %add3A_32 = arith.constant 0 : i32
    %add3A_33 = vector.broadcast %add3A_32 : i32 to vector<16xi32>
    %add3A_34 = arith.addi %iota3A, %add3A_33 : vector<16xi32>
    %lt3A = vector.broadcast %scan3A_12#0 : i32 to vector<16xi32>
    %lt3A_35 = arith.cmpi slt, %add3A_34, %lt3A : vector<16xi32>
    %get3A = arith.constant 0 : index
    %get3A_36 = tpu.vector_load %arg15[%get3A] {strides = array<i32>} : memref<8208xi32, #tpu.memory_space<vmem>>, vector<16xi32>,
    %jit3A = arith.constant 0 : i32
    %broadcast_in_dim3A_37 = vector.broadcast %jit3A : i32 to vector<16xi32>
    %select_n3A = arith.select %lt3A_35, %get3A_36, %broadcast_in_dim3A_37 : vector<16xi1>, vector<16xi32>
    %gather3A = tpu.vector_load_idx %arg13[%select_n3A] : memref<8192xf32, #tpu.memory_space<vmem>>[vector<16xi32>], vector<16xf32>,
    %lt3A_38 = vector.broadcast %scan3A_12#0 : i32 to vector<16xi32>
    %lt3A_39 = arith.cmpi slt, %add3A_34, %lt3A_38 : vector<16xi32>
    %jit3A_40 = arith.constant 0.000000e+00 : f32
    %broadcast_in_dim3A_41 = vector.broadcast %jit3A_40 : f32 to vector<16xf32>
    %select_n3A_42 = arith.select %lt3A_39, %gather3A, %broadcast_in_dim3A_41 : vector<16xi1>, vector<16xf32>
    %swap3A_43 = arith.constant 0 : index
    %swap3A_44 = tpu.vector_load %arg19[%swap3A_43] {strides = array<i32>} : memref<256xf32, #tpu.memory_space<vmem>>, vector<16xf32>,
    tpu.vector_store %arg19[%swap3A_43], %select_n3A_42 {strides = array<i32>} : memref<256xf32, #tpu.memory_space<vmem>>, vector<16xf32>,
    %add3A_45 = arith.constant 16 : i32
    %add3A_46 = vector.broadcast %add3A_45 : i32 to vector<16xi32>
    %add3A_47 = arith.addi %iota3A, %add3A_46 : vector<16xi32>
    %lt3A_48 = vector.broadcast %scan3A_12#0 : i32 to vector<16xi32>
    %lt3A_49 = arith.cmpi slt, %add3A_47, %lt3A_48 : vector<16xi32>
    %get3A_50 = arith.constant 16 : index
    %get3A_51 = tpu.vector_load %arg15[%get3A_50] {strides = array<i32>} : memref<8208xi32, #tpu.memory_space<vmem>>, vector<16xi32>,
    %jit3A_52 = arith.constant 0 : i32
    %broadcast_in_dim3A_53 = vector.broadcast %jit3A_52 : i32 to vector<16xi32>
    %select_n3A_54 = arith.select %lt3A_49, %get3A_51, %broadcast_in_dim3A_53 : vector<16xi1>, vector<16xi32>
    %gather3A_55 = tpu.vector_load_idx %arg13[%select_n3A_54] : memref<8192xf32, #tpu.memory_space<vmem>>[vector<16xi32>], vector<16xf32>,
    %lt3A_56 = vector.broadcast %scan3A_12#0 : i32 to vector<16xi32>
    %lt3A_57 = arith.cmpi slt, %add3A_47, %lt3A_56 : vector<16xi32>
    %jit3A_58 = arith.constant 0.000000e+00 : f32
    %broadcast_in_dim3A_59 = vector.broadcast %jit3A_58 : f32 to vector<16xf32>
    %select_n3A_60 = arith.select %lt3A_57, %gather3A_55, %broadcast_in_dim3A_59 : vector<16xi1>, vector<16xf32>
    %swap3A_61 = arith.constant 16 : index
    %swap3A_62 = tpu.vector_load %arg19[%swap3A_61] {strides = array<i32>} : memref<256xf32, #tpu.memory_space<vmem>>, vector<16xf32>,
    tpu.vector_store %arg19[%swap3A_61], %select_n3A_60 {strides = array<i32>} : memref<256xf32, #tpu.memory_space<vmem>>, vector<16xf32>,
    %add3A_63 = arith.constant 32 : i32
    %add3A_64 = vector.broadcast %add3A_63 : i32 to vector<16xi32>
    %add3A_65 = arith.addi %iota3A, %add3A_64 : vector<16xi32>
    %lt3A_66 = vector.broadcast %scan3A_12#0 : i32 to vector<16xi32>
    %lt3A_67 = arith.cmpi slt, %add3A_65, %lt3A_66 : vector<16xi32>
    %get3A_68 = arith.constant 32 : index
    %get3A_69 = tpu.vector_load %arg15[%get3A_68] {strides = array<i32>} : memref<8208xi32, #tpu.memory_space<vmem>>, vector<16xi32>,
    %jit3A_70 = arith.constant 0 : i32
    %broadcast_in_dim3A_71 = vector.broadcast %jit3A_70 : i32 to vector<16xi32>
    %select_n3A_72 = arith.select %lt3A_67, %get3A_69, %broadcast_in_dim3A_71 : vector<16xi1>, vector<16xi32>
    %gather3A_73 = tpu.vector_load_idx %arg13[%select_n3A_72] : memref<8192xf32, #tpu.memory_space<vmem>>[vector<16xi32>], vector<16xf32>,
    %lt3A_74 = vector.broadcast %scan3A_12#0 : i32 to vector<16xi32>
    %lt3A_75 = arith.cmpi slt, %add3A_65, %lt3A_74 : vector<16xi32>
    %jit3A_76 = arith.constant 0.000000e+00 : f32
    %broadcast_in_dim3A_77 = vector.broadcast %jit3A_76 : f32 to vector<16xf32>
    %select_n3A_78 = arith.select %lt3A_75, %gather3A_73, %broadcast_in_dim3A_77 : vector<16xi1>, vector<16xf32>
    %swap3A_79 = arith.constant 32 : index
    %swap3A_80 = tpu.vector_load %arg19[%swap3A_79] {strides = array<i32>} : memref<256xf32, #tpu.memory_space<vmem>>, vector<16xf32>,
    tpu.vector_store %arg19[%swap3A_79], %select_n3A_78 {strides = array<i32>} : memref<256xf32, #tpu.memory_space<vmem>>, vector<16xf32>,
    %add3A_81 = arith.constant 48 : i32
    %add3A_82 = vector.broadcast %add3A_81 : i32 to vector<16xi32>
    %add3A_83 = arith.addi %iota3A, %add3A_82 : vector<16xi32>
    %lt3A_84 = vector.broadcast %scan3A_12#0 : i32 to vector<16xi32>
    %lt3A_85 = arith.cmpi slt, %add3A_83, %lt3A_84 : vector<16xi32>
    %get3A_86 = arith.constant 48 : index
    %get3A_87 = tpu.vector_load %arg15[%get3A_86] {strides = array<i32>} : memref<8208xi32, #tpu.memory_space<vmem>>, vector<16xi32>,
    %jit3A_88 = arith.constant 0 : i32
    %broadcast_in_dim3A_89 = vector.broadcast %jit3A_88 : i32 to vector<16xi32>
    %select_n3A_90 = arith.select %lt3A_85, %get3A_87, %broadcast_in_dim3A_89 : vector<16xi1>, vector<16xi32>
    %gather3A_91 = tpu.vector_load_idx %arg13[%select_n3A_90] : memref<8192xf32, #tpu.memory_space<vmem>>[vector<16xi32>], vector<16xf32>,
    %lt3A_92 = vector.broadcast %scan3A_12#0 : i32 to vector<16xi32>
    %lt3A_93 = arith.cmpi slt, %add3A_83, %lt3A_92 : vector<16xi32>
    %jit3A_94 = arith.constant 0.000000e+00 : f32
    %broadcast_in_dim3A_95 = vector.broadcast %jit3A_94 : f32 to vector<16xf32>
    %select_n3A_96 = arith.select %lt3A_93, %gather3A_91, %broadcast_in_dim3A_95 : vector<16xi1>, vector<16xf32>
    %swap3A_97 = arith.constant 48 : index
    %swap3A_98 = tpu.vector_load %arg19[%swap3A_97] {strides = array<i32>} : memref<256xf32, #tpu.memory_space<vmem>>, vector<16xf32>,
    tpu.vector_store %arg19[%swap3A_97], %select_n3A_96 {strides = array<i32>} : memref<256xf32, #tpu.memory_space<vmem>>, vector<16xf32>,
    %add3A_99 = arith.constant 64 : i32
    %add3A_100 = vector.broadcast %add3A_99 : i32 to vector<16xi32>
    %add3A_101 = arith.addi %iota3A, %add3A_100 : vector<16xi32>
    %lt3A_102 = vector.broadcast %scan3A_12#0 : i32 to vector<16xi32>
    %lt3A_103 = arith.cmpi slt, %add3A_101, %lt3A_102 : vector<16xi32>
    %get3A_104 = arith.constant 64 : index
    %get3A_105 = tpu.vector_load %arg15[%get3A_104] {strides = array<i32>} : memref<8208xi32, #tpu.memory_space<vmem>>, vector<16xi32>,
    %jit3A_106 = arith.constant 0 : i32
    %broadcast_in_dim3A_107 = vector.broadcast %jit3A_106 : i32 to vector<16xi32>
    %select_n3A_108 = arith.select %lt3A_103, %get3A_105, %broadcast_in_dim3A_107 : vector<16xi1>, vector<16xi32>
    %gather3A_109 = tpu.vector_load_idx %arg13[%select_n3A_108] : memref<8192xf32, #tpu.memory_space<vmem>>[vector<16xi32>], vector<16xf32>,
    %lt3A_110 = vector.broadcast %scan3A_12#0 : i32 to vector<16xi32>
    %lt3A_111 = arith.cmpi slt, %add3A_101, %lt3A_110 : vector<16xi32>
    %jit3A_112 = arith.constant 0.000000e+00 : f32
    %broadcast_in_dim3A_113 = vector.broadcast %jit3A_112 : f32 to vector<16xf32>
    %select_n3A_114 = arith.select %lt3A_111, %gather3A_109, %broadcast_in_dim3A_113 : vector<16xi1>, vector<16xf32>
    %swap3A_115 = arith.constant 64 : index
    %swap3A_116 = tpu.vector_load %arg19[%swap3A_115] {strides = array<i32>} : memref<256xf32, #tpu.memory_space<vmem>>, vector<16xf32>,
    tpu.vector_store %arg19[%swap3A_115], %select_n3A_114 {strides = array<i32>} : memref<256xf32, #tpu.memory_space<vmem>>, vector<16xf32>,
    %add3A_117 = arith.constant 80 : i32
    %add3A_118 = vector.broadcast %add3A_117 : i32 to vector<16xi32>
    %add3A_119 = arith.addi %iota3A, %add3A_118 : vector<16xi32>
    %lt3A_120 = vector.broadcast %scan3A_12#0 : i32 to vector<16xi32>
    %lt3A_121 = arith.cmpi slt, %add3A_119, %lt3A_120 : vector<16xi32>
    %get3A_122 = arith.constant 80 : index
    %get3A_123 = tpu.vector_load %arg15[%get3A_122] {strides = array<i32>} : memref<8208xi32, #tpu.memory_space<vmem>>, vector<16xi32>,
    %jit3A_124 = arith.constant 0 : i32
    %broadcast_in_dim3A_125 = vector.broadcast %jit3A_124 : i32 to vector<16xi32>
    %select_n3A_126 = arith.select %lt3A_121, %get3A_123, %broadcast_in_dim3A_125 : vector<16xi1>, vector<16xi32>
    %gather3A_127 = tpu.vector_load_idx %arg13[%select_n3A_126] : memref<8192xf32, #tpu.memory_space<vmem>>[vector<16xi32>], vector<16xf32>,
    %lt3A_128 = vector.broadcast %scan3A_12#0 : i32 to vector<16xi32>
    %lt3A_129 = arith.cmpi slt, %add3A_119, %lt3A_128 : vector<16xi32>
    %jit3A_130 = arith.constant 0.000000e+00 : f32
    %broadcast_in_dim3A_131 = vector.broadcast %jit3A_130 : f32 to vector<16xf32>
    %select_n3A_132 = arith.select %lt3A_129, %gather3A_127, %broadcast_in_dim3A_131 : vector<16xi1>, vector<16xf32>
    %swap3A_133 = arith.constant 80 : index
    %swap3A_134 = tpu.vector_load %arg19[%swap3A_133] {strides = array<i32>} : memref<256xf32, #tpu.memory_space<vmem>>, vector<16xf32>,
    tpu.vector_store %arg19[%swap3A_133], %select_n3A_132 {strides = array<i32>} : memref<256xf32, #tpu.memory_space<vmem>>, vector<16xf32>,
    %add3A_135 = arith.constant 96 : i32
    %add3A_136 = vector.broadcast %add3A_135 : i32 to vector<16xi32>
    %add3A_137 = arith.addi %iota3A, %add3A_136 : vector<16xi32>
    %lt3A_138 = vector.broadcast %scan3A_12#0 : i32 to vector<16xi32>
    %lt3A_139 = arith.cmpi slt, %add3A_137, %lt3A_138 : vector<16xi32>
    %get3A_140 = arith.constant 96 : index
    %get3A_141 = tpu.vector_load %arg15[%get3A_140] {strides = array<i32>} : memref<8208xi32, #tpu.memory_space<vmem>>, vector<16xi32>,
    %jit3A_142 = arith.constant 0 : i32
    %broadcast_in_dim3A_143 = vector.broadcast %jit3A_142 : i32 to vector<16xi32>
    %select_n3A_144 = arith.select %lt3A_139, %get3A_141, %broadcast_in_dim3A_143 : vector<16xi1>, vector<16xi32>
    %gather3A_145 = tpu.vector_load_idx %arg13[%select_n3A_144] : memref<8192xf32, #tpu.memory_space<vmem>>[vector<16xi32>], vector<16xf32>,
    %lt3A_146 = vector.broadcast %scan3A_12#0 : i32 to vector<16xi32>
    %lt3A_147 = arith.cmpi slt, %add3A_137, %lt3A_146 : vector<16xi32>
    %jit3A_148 = arith.constant 0.000000e+00 : f32
    %broadcast_in_dim3A_149 = vector.broadcast %jit3A_148 : f32 to vector<16xf32>
    %select_n3A_150 = arith.select %lt3A_147, %gather3A_145, %broadcast_in_dim3A_149 : vector<16xi1>, vector<16xf32>
    %swap3A_151 = arith.constant 96 : index
    %swap3A_152 = tpu.vector_load %arg19[%swap3A_151] {strides = array<i32>} : memref<256xf32, #tpu.memory_space<vmem>>, vector<16xf32>,
    tpu.vector_store %arg19[%swap3A_151], %select_n3A_150 {strides = array<i32>} : memref<256xf32, #tpu.memory_space<vmem>>, vector<16xf32>,
    %add3A_153 = arith.constant 112 : i32
    %add3A_154 = vector.broadcast %add3A_153 : i32 to vector<16xi32>
    %add3A_155 = arith.addi %iota3A, %add3A_154 : vector<16xi32>
    %lt3A_156 = vector.broadcast %scan3A_12#0 : i32 to vector<16xi32>
    %lt3A_157 = arith.cmpi slt, %add3A_155, %lt3A_156 : vector<16xi32>
    %get3A_158 = arith.constant 112 : index
    %get3A_159 = tpu.vector_load %arg15[%get3A_158] {strides = array<i32>} : memref<8208xi32, #tpu.memory_space<vmem>>, vector<16xi32>,
    %jit3A_160 = arith.constant 0 : i32
    %broadcast_in_dim3A_161 = vector.broadcast %jit3A_160 : i32 to vector<16xi32>
    %select_n3A_162 = arith.select %lt3A_157, %get3A_159, %broadcast_in_dim3A_161 : vector<16xi1>, vector<16xi32>
    %gather3A_163 = tpu.vector_load_idx %arg13[%select_n3A_162] : memref<8192xf32, #tpu.memory_space<vmem>>[vector<16xi32>], vector<16xf32>,
    %lt3A_164 = vector.broadcast %scan3A_12#0 : i32 to vector<16xi32>
    %lt3A_165 = arith.cmpi slt, %add3A_155, %lt3A_164 : vector<16xi32>
    %jit3A_166 = arith.constant 0.000000e+00 : f32
    %broadcast_in_dim3A_167 = vector.broadcast %jit3A_166 : f32 to vector<16xf32>
    %select_n3A_168 = arith.select %lt3A_165, %gather3A_163, %broadcast_in_dim3A_167 : vector<16xi1>, vector<16xf32>
    %swap3A_169 = arith.constant 112 : index
    %swap3A_170 = tpu.vector_load %arg19[%swap3A_169] {strides = array<i32>} : memref<256xf32, #tpu.memory_space<vmem>>, vector<16xf32>,
    tpu.vector_store %arg19[%swap3A_169], %select_n3A_168 {strides = array<i32>} : memref<256xf32, #tpu.memory_space<vmem>>, vector<16xf32>,
    %add3A_171 = arith.constant 128 : i32
    %add3A_172 = vector.broadcast %add3A_171 : i32 to vector<16xi32>
    %add3A_173 = arith.addi %iota3A, %add3A_172 : vector<16xi32>
    %lt3A_174 = vector.broadcast %scan3A_12#0 : i32 to vector<16xi32>
    %lt3A_175 = arith.cmpi slt, %add3A_173, %lt3A_174 : vector<16xi32>
    %get3A_176 = arith.constant 128 : index
    %get3A_177 = tpu.vector_load %arg15[%get3A_176] {strides = array<i32>} : memref<8208xi32, #tpu.memory_space<vmem>>, vector<16xi32>,
    %jit3A_178 = arith.constant 0 : i32
    %broadcast_in_dim3A_179 = vector.broadcast %jit3A_178 : i32 to vector<16xi32>
    %select_n3A_180 = arith.select %lt3A_175, %get3A_177, %broadcast_in_dim3A_179 : vector<16xi1>, vector<16xi32>
    %gather3A_181 = tpu.vector_load_idx %arg13[%select_n3A_180] : memref<8192xf32, #tpu.memory_space<vmem>>[vector<16xi32>], vector<16xf32>,
    %lt3A_182 = vector.broadcast %scan3A_12#0 : i32 to vector<16xi32>
    %lt3A_183 = arith.cmpi slt, %add3A_173, %lt3A_182 : vector<16xi32>
    %jit3A_184 = arith.constant 0.000000e+00 : f32
    %broadcast_in_dim3A_185 = vector.broadcast %jit3A_184 : f32 to vector<16xf32>
    %select_n3A_186 = arith.select %lt3A_183, %gather3A_181, %broadcast_in_dim3A_185 : vector<16xi1>, vector<16xf32>
    %swap3A_187 = arith.constant 128 : index
    %swap3A_188 = tpu.vector_load %arg19[%swap3A_187] {strides = array<i32>} : memref<256xf32, #tpu.memory_space<vmem>>, vector<16xf32>,
    tpu.vector_store %arg19[%swap3A_187], %select_n3A_186 {strides = array<i32>} : memref<256xf32, #tpu.memory_space<vmem>>, vector<16xf32>,
    %add3A_189 = arith.constant 144 : i32
    %add3A_190 = vector.broadcast %add3A_189 : i32 to vector<16xi32>
    %add3A_191 = arith.addi %iota3A, %add3A_190 : vector<16xi32>
    %lt3A_192 = vector.broadcast %scan3A_12#0 : i32 to vector<16xi32>
    %lt3A_193 = arith.cmpi slt, %add3A_191, %lt3A_192 : vector<16xi32>
    %get3A_194 = arith.constant 144 : index
    %get3A_195 = tpu.vector_load %arg15[%get3A_194] {strides = array<i32>} : memref<8208xi32, #tpu.memory_space<vmem>>, vector<16xi32>,
    %jit3A_196 = arith.constant 0 : i32
    %broadcast_in_dim3A_197 = vector.broadcast %jit3A_196 : i32 to vector<16xi32>
    %select_n3A_198 = arith.select %lt3A_193, %get3A_195, %broadcast_in_dim3A_197 : vector<16xi1>, vector<16xi32>
    %gather3A_199 = tpu.vector_load_idx %arg13[%select_n3A_198] : memref<8192xf32, #tpu.memory_space<vmem>>[vector<16xi32>], vector<16xf32>,
    %lt3A_200 = vector.broadcast %scan3A_12#0 : i32 to vector<16xi32>
    %lt3A_201 = arith.cmpi slt, %add3A_191, %lt3A_200 : vector<16xi32>
    %jit3A_202 = arith.constant 0.000000e+00 : f32
    %broadcast_in_dim3A_203 = vector.broadcast %jit3A_202 : f32 to vector<16xf32>
    %select_n3A_204 = arith.select %lt3A_201, %gather3A_199, %broadcast_in_dim3A_203 : vector<16xi1>, vector<16xf32>
    %swap3A_205 = arith.constant 144 : index
    %swap3A_206 = tpu.vector_load %arg19[%swap3A_205] {strides = array<i32>} : memref<256xf32, #tpu.memory_space<vmem>>, vector<16xf32>,
    tpu.vector_store %arg19[%swap3A_205], %select_n3A_204 {strides = array<i32>} : memref<256xf32, #tpu.memory_space<vmem>>, vector<16xf32>,
    %add3A_207 = arith.constant 160 : i32
    %add3A_208 = vector.broadcast %add3A_207 : i32 to vector<16xi32>
    %add3A_209 = arith.addi %iota3A, %add3A_208 : vector<16xi32>
    %lt3A_210 = vector.broadcast %scan3A_12#0 : i32 to vector<16xi32>
    %lt3A_211 = arith.cmpi slt, %add3A_209, %lt3A_210 : vector<16xi32>
    %get3A_212 = arith.constant 160 : index
    %get3A_213 = tpu.vector_load %arg15[%get3A_212] {strides = array<i32>} : memref<8208xi32, #tpu.memory_space<vmem>>, vector<16xi32>,
    %jit3A_214 = arith.constant 0 : i32
    %broadcast_in_dim3A_215 = vector.broadcast %jit3A_214 : i32 to vector<16xi32>
    %select_n3A_216 = arith.select %lt3A_211, %get3A_213, %broadcast_in_dim3A_215 : vector<16xi1>, vector<16xi32>
    %gather3A_217 = tpu.vector_load_idx %arg13[%select_n3A_216] : memref<8192xf32, #tpu.memory_space<vmem>>[vector<16xi32>], vector<16xf32>,
    %lt3A_218 = vector.broadcast %scan3A_12#0 : i32 to vector<16xi32>
    %lt3A_219 = arith.cmpi slt, %add3A_209, %lt3A_218 : vector<16xi32>
    %jit3A_220 = arith.constant 0.000000e+00 : f32
    %broadcast_in_dim3A_221 = vector.broadcast %jit3A_220 : f32 to vector<16xf32>
    %select_n3A_222 = arith.select %lt3A_219, %gather3A_217, %broadcast_in_dim3A_221 : vector<16xi1>, vector<16xf32>
    %swap3A_223 = arith.constant 160 : index
    %swap3A_224 = tpu.vector_load %arg19[%swap3A_223] {strides = array<i32>} : memref<256xf32, #tpu.memory_space<vmem>>, vector<16xf32>,
    tpu.vector_store %arg19[%swap3A_223], %select_n3A_222 {strides = array<i32>} : memref<256xf32, #tpu.memory_space<vmem>>, vector<16xf32>,
    %add3A_225 = arith.constant 176 : i32
    %add3A_226 = vector.broadcast %add3A_225 : i32 to vector<16xi32>
    %add3A_227 = arith.addi %iota3A, %add3A_226 : vector<16xi32>
    %lt3A_228 = vector.broadcast %scan3A_12#0 : i32 to vector<16xi32>
    %lt3A_229 = arith.cmpi slt, %add3A_227, %lt3A_228 : vector<16xi32>
    %get3A_230 = arith.constant 176 : index
    %get3A_231 = tpu.vector_load %arg15[%get3A_230] {strides = array<i32>} : memref<8208xi32, #tpu.memory_space<vmem>>, vector<16xi32>,
    %jit3A_232 = arith.constant 0 : i32
    %broadcast_in_dim3A_233 = vector.broadcast %jit3A_232 : i32 to vector<16xi32>
    %select_n3A_234 = arith.select %lt3A_229, %get3A_231, %broadcast_in_dim3A_233 : vector<16xi1>, vector<16xi32>
    %gather3A_235 = tpu.vector_load_idx %arg13[%select_n3A_234] : memref<8192xf32, #tpu.memory_space<vmem>>[vector<16xi32>], vector<16xf32>,
    %lt3A_236 = vector.broadcast %scan3A_12#0 : i32 to vector<16xi32>
    %lt3A_237 = arith.cmpi slt, %add3A_227, %lt3A_236 : vector<16xi32>
    %jit3A_238 = arith.constant 0.000000e+00 : f32
    %broadcast_in_dim3A_239 = vector.broadcast %jit3A_238 : f32 to vector<16xf32>
    %select_n3A_240 = arith.select %lt3A_237, %gather3A_235, %broadcast_in_dim3A_239 : vector<16xi1>, vector<16xf32>
    %swap3A_241 = arith.constant 176 : index
    %swap3A_242 = tpu.vector_load %arg19[%swap3A_241] {strides = array<i32>} : memref<256xf32, #tpu.memory_space<vmem>>, vector<16xf32>,
    tpu.vector_store %arg19[%swap3A_241], %select_n3A_240 {strides = array<i32>} : memref<256xf32, #tpu.memory_space<vmem>>, vector<16xf32>,
    %add3A_243 = arith.constant 192 : i32
    %add3A_244 = vector.broadcast %add3A_243 : i32 to vector<16xi32>
    %add3A_245 = arith.addi %iota3A, %add3A_244 : vector<16xi32>
    %lt3A_246 = vector.broadcast %scan3A_12#0 : i32 to vector<16xi32>
    %lt3A_247 = arith.cmpi slt, %add3A_245, %lt3A_246 : vector<16xi32>
    %get3A_248 = arith.constant 192 : index
    %get3A_249 = tpu.vector_load %arg15[%get3A_248] {strides = array<i32>} : memref<8208xi32, #tpu.memory_space<vmem>>, vector<16xi32>,
    %jit3A_250 = arith.constant 0 : i32
    %broadcast_in_dim3A_251 = vector.broadcast %jit3A_250 : i32 to vector<16xi32>
    %select_n3A_252 = arith.select %lt3A_247, %get3A_249, %broadcast_in_dim3A_251 : vector<16xi1>, vector<16xi32>
    %gather3A_253 = tpu.vector_load_idx %arg13[%select_n3A_252] : memref<8192xf32, #tpu.memory_space<vmem>>[vector<16xi32>], vector<16xf32>,
    %lt3A_254 = vector.broadcast %scan3A_12#0 : i32 to vector<16xi32>
    %lt3A_255 = arith.cmpi slt, %add3A_245, %lt3A_254 : vector<16xi32>
    %jit3A_256 = arith.constant 0.000000e+00 : f32
    %broadcast_in_dim3A_257 = vector.broadcast %jit3A_256 : f32 to vector<16xf32>
    %select_n3A_258 = arith.select %lt3A_255, %gather3A_253, %broadcast_in_dim3A_257 : vector<16xi1>, vector<16xf32>
    %swap3A_259 = arith.constant 192 : index
    %swap3A_260 = tpu.vector_load %arg19[%swap3A_259] {strides = array<i32>} : memref<256xf32, #tpu.memory_space<vmem>>, vector<16xf32>,
    tpu.vector_store %arg19[%swap3A_259], %select_n3A_258 {strides = array<i32>} : memref<256xf32, #tpu.memory_space<vmem>>, vector<16xf32>,
    %add3A_261 = arith.constant 208 : i32
    %add3A_262 = vector.broadcast %add3A_261 : i32 to vector<16xi32>
    %add3A_263 = arith.addi %iota3A, %add3A_262 : vector<16xi32>
    %lt3A_264 = vector.broadcast %scan3A_12#0 : i32 to vector<16xi32>
    %lt3A_265 = arith.cmpi slt, %add3A_263, %lt3A_264 : vector<16xi32>
    %get3A_266 = arith.constant 208 : index
    %get3A_267 = tpu.vector_load %arg15[%get3A_266] {strides = array<i32>} : memref<8208xi32, #tpu.memory_space<vmem>>, vector<16xi32>,
    %jit3A_268 = arith.constant 0 : i32
    %broadcast_in_dim3A_269 = vector.broadcast %jit3A_268 : i32 to vector<16xi32>
    %select_n3A_270 = arith.select %lt3A_265, %get3A_267, %broadcast_in_dim3A_269 : vector<16xi1>, vector<16xi32>
    %gather3A_271 = tpu.vector_load_idx %arg13[%select_n3A_270] : memref<8192xf32, #tpu.memory_space<vmem>>[vector<16xi32>], vector<16xf32>,
    %lt3A_272 = vector.broadcast %scan3A_12#0 : i32 to vector<16xi32>
    %lt3A_273 = arith.cmpi slt, %add3A_263, %lt3A_272 : vector<16xi32>
    %jit3A_274 = arith.constant 0.000000e+00 : f32
    %broadcast_in_dim3A_275 = vector.broadcast %jit3A_274 : f32 to vector<16xf32>
    %select_n3A_276 = arith.select %lt3A_273, %gather3A_271, %broadcast_in_dim3A_275 : vector<16xi1>, vector<16xf32>
    %swap3A_277 = arith.constant 208 : index
    %swap3A_278 = tpu.vector_load %arg19[%swap3A_277] {strides = array<i32>} : memref<256xf32, #tpu.memory_space<vmem>>, vector<16xf32>,
    tpu.vector_store %arg19[%swap3A_277], %select_n3A_276 {strides = array<i32>} : memref<256xf32, #tpu.memory_space<vmem>>, vector<16xf32>,
    %add3A_279 = arith.constant 224 : i32
    %add3A_280 = vector.broadcast %add3A_279 : i32 to vector<16xi32>
    %add3A_281 = arith.addi %iota3A, %add3A_280 : vector<16xi32>
    %lt3A_282 = vector.broadcast %scan3A_12#0 : i32 to vector<16xi32>
    %lt3A_283 = arith.cmpi slt, %add3A_281, %lt3A_282 : vector<16xi32>
    %get3A_284 = arith.constant 224 : index
    %get3A_285 = tpu.vector_load %arg15[%get3A_284] {strides = array<i32>} : memref<8208xi32, #tpu.memory_space<vmem>>, vector<16xi32>,
    %jit3A_286 = arith.constant 0 : i32
    %broadcast_in_dim3A_287 = vector.broadcast %jit3A_286 : i32 to vector<16xi32>
    %select_n3A_288 = arith.select %lt3A_283, %get3A_285, %broadcast_in_dim3A_287 : vector<16xi1>, vector<16xi32>
    %gather3A_289 = tpu.vector_load_idx %arg13[%select_n3A_288] : memref<8192xf32, #tpu.memory_space<vmem>>[vector<16xi32>], vector<16xf32>,
    %lt3A_290 = vector.broadcast %scan3A_12#0 : i32 to vector<16xi32>
    %lt3A_291 = arith.cmpi slt, %add3A_281, %lt3A_290 : vector<16xi32>
    %jit3A_292 = arith.constant 0.000000e+00 : f32
    %broadcast_in_dim3A_293 = vector.broadcast %jit3A_292 : f32 to vector<16xf32>
    %select_n3A_294 = arith.select %lt3A_291, %gather3A_289, %broadcast_in_dim3A_293 : vector<16xi1>, vector<16xf32>
    %swap3A_295 = arith.constant 224 : index
    %swap3A_296 = tpu.vector_load %arg19[%swap3A_295] {strides = array<i32>} : memref<256xf32, #tpu.memory_space<vmem>>, vector<16xf32>,
    tpu.vector_store %arg19[%swap3A_295], %select_n3A_294 {strides = array<i32>} : memref<256xf32, #tpu.memory_space<vmem>>, vector<16xf32>,
    %add3A_297 = arith.constant 240 : i32
    %add3A_298 = vector.broadcast %add3A_297 : i32 to vector<16xi32>
    %add3A_299 = arith.addi %iota3A, %add3A_298 : vector<16xi32>
    %lt3A_300 = vector.broadcast %scan3A_12#0 : i32 to vector<16xi32>
    %lt3A_301 = arith.cmpi slt, %add3A_299, %lt3A_300 : vector<16xi32>
    %get3A_302 = arith.constant 240 : index
    %get3A_303 = tpu.vector_load %arg15[%get3A_302] {strides = array<i32>} : memref<8208xi32, #tpu.memory_space<vmem>>, vector<16xi32>,
    %jit3A_304 = arith.constant 0 : i32
    %broadcast_in_dim3A_305 = vector.broadcast %jit3A_304 : i32 to vector<16xi32>
    %select_n3A_306 = arith.select %lt3A_301, %get3A_303, %broadcast_in_dim3A_305 : vector<16xi1>, vector<16xi32>
    %gather3A_307 = tpu.vector_load_idx %arg13[%select_n3A_306] : memref<8192xf32, #tpu.memory_space<vmem>>[vector<16xi32>], vector<16xf32>,
    %lt3A_308 = vector.broadcast %scan3A_12#0 : i32 to vector<16xi32>
    %lt3A_309 = arith.cmpi slt, %add3A_299, %lt3A_308 : vector<16xi32>
    %jit3A_310 = arith.constant 0.000000e+00 : f32
    %broadcast_in_dim3A_311 = vector.broadcast %jit3A_310 : f32 to vector<16xf32>
    %select_n3A_312 = arith.select %lt3A_309, %gather3A_307, %broadcast_in_dim3A_311 : vector<16xi1>, vector<16xf32>
    %swap3A_313 = arith.constant 240 : index
    %swap3A_314 = tpu.vector_load %arg19[%swap3A_313] {strides = array<i32>} : memref<256xf32, #tpu.memory_space<vmem>>, vector<16xf32>,
    tpu.vector_store %arg19[%swap3A_313], %select_n3A_312 {strides = array<i32>} : memref<256xf32, #tpu.memory_space<vmem>>, vector<16xf32>,
    "tpu.region"() ({
      %run_scoped3A = tpu.sem_alloc : memref<!tpu.dma_semaphore, #tpu.memory_space<semaphore_mem>>
      %dma_start3A = tpu.memref_slice %arg8[%mul3A_31] : memref<33280xf32, #tpu.memory_space<hbm>> -> memref<256xf32, #tpu.memory_space<hbm>>
      %dma_start3A_1265 = tpu.memref_slice %arg8[%mul3A_31] : memref<33280xf32, #tpu.memory_space<hbm>> -> memref<256xf32, #tpu.memory_space<hbm>>
      tpu.enqueue_dma source(%arg19 : memref<256xf32, #tpu.memory_space<vmem>>) target(%dma_start3A_1265 : memref<256xf32, #tpu.memory_space<hbm>>) target_semaphore(%run_scoped3A : memref<!tpu.dma_semaphore, #tpu.memory_space<semaphore_mem>>)
      %dma_wait3A = tpu.memref_slice %arg8[%mul3A_31] : memref<33280xf32, #tpu.memory_space<hbm>> -> memref<256xf32, #tpu.memory_space<hbm>>
      %dma_wait3A_1266 = tpu.memref_slice %arg8[%mul3A_31] : memref<33280xf32, #tpu.memory_space<hbm>> -> memref<256xf32, #tpu.memory_space<hbm>>
      tpu.wait_dma2 semaphore(%run_scoped3A : memref<!tpu.dma_semaphore, #tpu.memory_space<semaphore_mem>>) src(%arg19 : memref<256xf32, #tpu.memory_space<vmem>>) dst(%dma_wait3A_1266 : memref<256xf32, #tpu.memory_space<hbm>>)
      tpu.yield
    }) : () -> ()
    %scan3A_315 = arith.constant 0 : i32
    %scan3A_316 = arith.constant 0 : i32
    %scan3A_317 = arith.constant 64 : i32
    %scan3A_318 = arith.addi %scan3A_316, %scan3A_317 : i32
    %scan3A_319 = arith.constant 1 : i32
    %scan3A_320 = scf.for %scan3A_1265 = %scan3A_316 to %scan3A_318 step %scan3A_319 iter_args(%scan3A_1266 = %scan3A_315) -> (i32)  : i32 {
      %mul3A_1267 = arith.constant 128 : i32
      %mul3A_1268 = arith.muli %scan3A_1265, %mul3A_1267 : i32
      %lt3A_1269 = arith.cmpi slt, %mul3A_1268, %scan3A_12#0 : i32
      %convert_element_type3A = arith.extui %lt3A_1269 : i1 to i32
      %cond3A = arith.constant 0 : i32
      %cond3A_1270 = arith.cmpi ne, %convert_element_type3A, %cond3A : i32
      scf.if %cond3A_1270 {
        %mul3A_1272 = arith.constant 128 : i32
        %mul3A_1273 = arith.muli %scan3A_1265, %mul3A_1272 : i32
        %add3A_1274 = arith.constant 0 : i32
        %add3A_1275 = arith.addi %mul3A_1273, %add3A_1274 : i32
        %add3A_1276 = vector.broadcast %add3A_1275 : i32 to vector<16xi32>
        %add3A_1277 = arith.addi %iota3A, %add3A_1276 : vector<16xi32>
        %get3A_1278 = arith.index_cast %add3A_1275 : i32 to index
        %get3A_1279 = tpu.vector_load %arg15[%get3A_1278] {strides = array<i32>} : memref<8208xi32, #tpu.memory_space<vmem>>, vector<16xi32>,
        %lt3A_1280 = vector.broadcast %scan3A_12#0 : i32 to vector<16xi32>
        %lt3A_1281 = arith.cmpi slt, %add3A_1277, %lt3A_1280 : vector<16xi32>
        %and3A = arith.constant 255 : i32
        %and3A_1282 = vector.broadcast %and3A : i32 to vector<16xi32>
        %and3A_1283 = arith.andi %add3A_1277, %and3A_1282 : vector<16xi32>
        %add3A_1284 = arith.constant 8192 : i32
        %add3A_1285 = vector.broadcast %add3A_1284 : i32 to vector<16xi32>
        %add3A_1286 = arith.addi %add3A_1285, %and3A_1283 : vector<16xi32>
        %select_n3A_1287 = arith.select %lt3A_1281, %get3A_1279, %add3A_1286 : vector<16xi1>, vector<16xi32>
        %swap3A_1288 = arith.constant 0 : i32
        %swap3A_1289 = arith.index_cast %swap3A_1288 : i32 to index
        %swap3A_1290 = arith.constant 0 : index
        %swap3A_1291 = tpu.vector_load %arg20[%swap3A_1289, %swap3A_1290] {strides = array<i32>} : memref<1x128xi32, #tpu.memory_space<vmem>>, vector<16xi32>,
        tpu.vector_store %arg20[%swap3A_1289, %swap3A_1290], %select_n3A_1287 {strides = array<i32>} : memref<1x128xi32, #tpu.memory_space<vmem>>, vector<16xi32>,
        %min3A = arith.constant 256 : i32
        %min3A_1292 = arith.minsi %scan3A_12#0, %min3A : i32
        %lt3A_1293 = vector.broadcast %min3A_1292 : i32 to vector<16xi32>
        %lt3A_1294 = arith.cmpi slt, %add3A_1277, %lt3A_1293 : vector<16xi32>
        %add3A_1295 = vector.broadcast %mul3A_31 : i32 to vector<16xi32>
        %add3A_1296 = arith.addi %add3A_1295, %add3A_1277 : vector<16xi32>
        %and3A_1297 = arith.constant 511 : i32
        %and3A_1298 = vector.broadcast %and3A_1297 : i32 to vector<16xi32>
        %and3A_1299 = arith.andi %add3A_1277, %and3A_1298 : vector<16xi32>
        %add3A_1300 = arith.constant 32768 : i32
        %add3A_1301 = vector.broadcast %add3A_1300 : i32 to vector<16xi32>
        %add3A_1302 = arith.addi %add3A_1301, %and3A_1299 : vector<16xi32>
        %select_n3A_1303 = arith.select %lt3A_1294, %add3A_1296, %add3A_1302 : vector<16xi1>, vector<16xi32>
        %swap3A_1304 = arith.constant 0 : index
        %swap3A_1305 = tpu.vector_load %arg21[%swap3A_1304] {strides = array<i32>} : memref<128xi32, #tpu.memory_space<vmem>>, vector<16xi32>,
        tpu.vector_store %arg21[%swap3A_1304], %select_n3A_1303 {strides = array<i32>} : memref<128xi32, #tpu.memory_space<vmem>>, vector<16xi32>,
        %mul3A_1306 = arith.constant 128 : i32
        %mul3A_1307 = arith.muli %scan3A_1265, %mul3A_1306 : i32
        %add3A_1308 = arith.constant 16 : i32
        %add3A_1309 = arith.addi %mul3A_1307, %add3A_1308 : i32
        %add3A_1310 = vector.broadcast %add3A_1309 : i32 to vector<16xi32>
        %add3A_1311 = arith.addi %iota3A, %add3A_1310 : vector<16xi32>
        %get3A_1312 = arith.index_cast %add3A_1309 : i32 to index
        %get3A_1313 = tpu.vector_load %arg15[%get3A_1312] {strides = array<i32>} : memref<8208xi32, #tpu.memory_space<vmem>>, vector<16xi32>,
        %lt3A_1314 = vector.broadcast %scan3A_12#0 : i32 to vector<16xi32>
        %lt3A_1315 = arith.cmpi slt, %add3A_1311, %lt3A_1314 : vector<16xi32>
        %and3A_1316 = arith.constant 255 : i32
        %and3A_1317 = vector.broadcast %and3A_1316 : i32 to vector<16xi32>
        %and3A_1318 = arith.andi %add3A_1311, %and3A_1317 : vector<16xi32>
        %add3A_1319 = arith.constant 8192 : i32
        %add3A_1320 = vector.broadcast %add3A_1319 : i32 to vector<16xi32>
        %add3A_1321 = arith.addi %add3A_1320, %and3A_1318 : vector<16xi32>
        %select_n3A_1322 = arith.select %lt3A_1315, %get3A_1313, %add3A_1321 : vector<16xi1>, vector<16xi32>
        %swap3A_1323 = arith.constant 0 : i32
        %swap3A_1324 = arith.index_cast %swap3A_1323 : i32 to index
        %swap3A_1325 = arith.constant 16 : index
        %swap3A_1326 = tpu.vector_load %arg20[%swap3A_1324, %swap3A_1325] {strides = array<i32>} : memref<1x128xi32, #tpu.memory_space<vmem>>, vector<16xi32>,
        tpu.vector_store %arg20[%swap3A_1324, %swap3A_1325], %select_n3A_1322 {strides = array<i32>} : memref<1x128xi32, #tpu.memory_space<vmem>>, vector<16xi32>,
        %min3A_1327 = arith.constant 256 : i32
        %min3A_1328 = arith.minsi %scan3A_12#0, %min3A_1327 : i32
        %lt3A_1329 = vector.broadcast %min3A_1328 : i32 to vector<16xi32>
        %lt3A_1330 = arith.cmpi slt, %add3A_1311, %lt3A_1329 : vector<16xi32>
        %add3A_1331 = vector.broadcast %mul3A_31 : i32 to vector<16xi32>
        %add3A_1332 = arith.addi %add3A_1331, %add3A_1311 : vector<16xi32>
        %and3A_1333 = arith.constant 511 : i32
        %and3A_1334 = vector.broadcast %and3A_1333 : i32 to vector<16xi32>
        %and3A_1335 = arith.andi %add3A_1311, %and3A_1334 : vector<16xi32>
        %add3A_1336 = arith.constant 32768 : i32
        %add3A_1337 = vector.broadcast %add3A_1336 : i32 to vector<16xi32>
        %add3A_1338 = arith.addi %add3A_1337, %and3A_1335 : vector<16xi32>
        %select_n3A_1339 = arith.select %lt3A_1330, %add3A_1332, %add3A_1338 : vector<16xi1>, vector<16xi32>
        %swap3A_1340 = arith.constant 16 : index
        %swap3A_1341 = tpu.vector_load %arg21[%swap3A_1340] {strides = array<i32>} : memref<128xi32, #tpu.memory_space<vmem>>, vector<16xi32>,
        tpu.vector_store %arg21[%swap3A_1340], %select_n3A_1339 {strides = array<i32>} : memref<128xi32, #tpu.memory_space<vmem>>, vector<16xi32>,
        %mul3A_1342 = arith.constant 128 : i32
        %mul3A_1343 = arith.muli %scan3A_1265, %mul3A_1342 : i32
        %add3A_1344 = arith.constant 32 : i32
        %add3A_1345 = arith.addi %mul3A_1343, %add3A_1344 : i32
        %add3A_1346 = vector.broadcast %add3A_1345 : i32 to vector<16xi32>
        %add3A_1347 = arith.addi %iota3A, %add3A_1346 : vector<16xi32>
        %get3A_1348 = arith.index_cast %add3A_1345 : i32 to index
        %get3A_1349 = tpu.vector_load %arg15[%get3A_1348] {strides = array<i32>} : memref<8208xi32, #tpu.memory_space<vmem>>, vector<16xi32>,
        %lt3A_1350 = vector.broadcast %scan3A_12#0 : i32 to vector<16xi32>
        %lt3A_1351 = arith.cmpi slt, %add3A_1347, %lt3A_1350 : vector<16xi32>
        %and3A_1352 = arith.constant 255 : i32
        %and3A_1353 = vector.broadcast %and3A_1352 : i32 to vector<16xi32>
        %and3A_1354 = arith.andi %add3A_1347, %and3A_1353 : vector<16xi32>
        %add3A_1355 = arith.constant 8192 : i32
        %add3A_1356 = vector.broadcast %add3A_1355 : i32 to vector<16xi32>
        %add3A_1357 = arith.addi %add3A_1356, %and3A_1354 : vector<16xi32>
        %select_n3A_1358 = arith.select %lt3A_1351, %get3A_1349, %add3A_1357 : vector<16xi1>, vector<16xi32>
        %swap3A_1359 = arith.constant 0 : i32
        %swap3A_1360 = arith.index_cast %swap3A_1359 : i32 to index
        %swap3A_1361 = arith.constant 32 : index
        %swap3A_1362 = tpu.vector_load %arg20[%swap3A_1360, %swap3A_1361] {strides = array<i32>} : memref<1x128xi32, #tpu.memory_space<vmem>>, vector<16xi32>,
        tpu.vector_store %arg20[%swap3A_1360, %swap3A_1361], %select_n3A_1358 {strides = array<i32>} : memref<1x128xi32, #tpu.memory_space<vmem>>, vector<16xi32>,
        %min3A_1363 = arith.constant 256 : i32
        %min3A_1364 = arith.minsi %scan3A_12#0, %min3A_1363 : i32
        %lt3A_1365 = vector.broadcast %min3A_1364 : i32 to vector<16xi32>
        %lt3A_1366 = arith.cmpi slt, %add3A_1347, %lt3A_1365 : vector<16xi32>
        %add3A_1367 = vector.broadcast %mul3A_31 : i32 to vector<16xi32>
        %add3A_1368 = arith.addi %add3A_1367, %add3A_1347 : vector<16xi32>
        %and3A_1369 = arith.constant 511 : i32
        %and3A_1370 = vector.broadcast %and3A_1369 : i32 to vector<16xi32>
        %and3A_1371 = arith.andi %add3A_1347, %and3A_1370 : vector<16xi32>
        %add3A_1372 = arith.constant 32768 : i32
        %add3A_1373 = vector.broadcast %add3A_1372 : i32 to vector<16xi32>
        %add3A_1374 = arith.addi %add3A_1373, %and3A_1371 : vector<16xi32>
        %select_n3A_1375 = arith.select %lt3A_1366, %add3A_1368, %add3A_1374 : vector<16xi1>, vector<16xi32>
        %swap3A_1376 = arith.constant 32 : index
        %swap3A_1377 = tpu.vector_load %arg21[%swap3A_1376] {strides = array<i32>} : memref<128xi32, #tpu.memory_space<vmem>>, vector<16xi32>,
        tpu.vector_store %arg21[%swap3A_1376], %select_n3A_1375 {strides = array<i32>} : memref<128xi32, #tpu.memory_space<vmem>>, vector<16xi32>,
        %mul3A_1378 = arith.constant 128 : i32
        %mul3A_1379 = arith.muli %scan3A_1265, %mul3A_1378 : i32
        %add3A_1380 = arith.constant 48 : i32
        %add3A_1381 = arith.addi %mul3A_1379, %add3A_1380 : i32
        %add3A_1382 = vector.broadcast %add3A_1381 : i32 to vector<16xi32>
        %add3A_1383 = arith.addi %iota3A, %add3A_1382 : vector<16xi32>
        %get3A_1384 = arith.index_cast %add3A_1381 : i32 to index
        %get3A_1385 = tpu.vector_load %arg15[%get3A_1384] {strides = array<i32>} : memref<8208xi32, #tpu.memory_space<vmem>>, vector<16xi32>,
        %lt3A_1386 = vector.broadcast %scan3A_12#0 : i32 to vector<16xi32>
        %lt3A_1387 = arith.cmpi slt, %add3A_1383, %lt3A_1386 : vector<16xi32>
        %and3A_1388 = arith.constant 255 : i32
        %and3A_1389 = vector.broadcast %and3A_1388 : i32 to vector<16xi32>
        %and3A_1390 = arith.andi %add3A_1383, %and3A_1389 : vector<16xi32>
        %add3A_1391 = arith.constant 8192 : i32
        %add3A_1392 = vector.broadcast %add3A_1391 : i32 to vector<16xi32>
        %add3A_1393 = arith.addi %add3A_1392, %and3A_1390 : vector<16xi32>
        %select_n3A_1394 = arith.select %lt3A_1387, %get3A_1385, %add3A_1393 : vector<16xi1>, vector<16xi32>
        %swap3A_1395 = arith.constant 0 : i32
        %swap3A_1396 = arith.index_cast %swap3A_1395 : i32 to index
        %swap3A_1397 = arith.constant 48 : index
        %swap3A_1398 = tpu.vector_load %arg20[%swap3A_1396, %swap3A_1397] {strides = array<i32>} : memref<1x128xi32, #tpu.memory_space<vmem>>, vector<16xi32>,
        tpu.vector_store %arg20[%swap3A_1396, %swap3A_1397], %select_n3A_1394 {strides = array<i32>} : memref<1x128xi32, #tpu.memory_space<vmem>>, vector<16xi32>,
        %min3A_1399 = arith.constant 256 : i32
        %min3A_1400 = arith.minsi %scan3A_12#0, %min3A_1399 : i32
        %lt3A_1401 = vector.broadcast %min3A_1400 : i32 to vector<16xi32>
        %lt3A_1402 = arith.cmpi slt, %add3A_1383, %lt3A_1401 : vector<16xi32>
        %add3A_1403 = vector.broadcast %mul3A_31 : i32 to vector<16xi32>
        %add3A_1404 = arith.addi %add3A_1403, %add3A_1383 : vector<16xi32>
        %and3A_1405 = arith.constant 511 : i32
        %and3A_1406 = vector.broadcast %and3A_1405 : i32 to vector<16xi32>
        %and3A_1407 = arith.andi %add3A_1383, %and3A_1406 : vector<16xi32>
        %add3A_1408 = arith.constant 32768 : i32
        %add3A_1409 = vector.broadcast %add3A_1408 : i32 to vector<16xi32>
        %add3A_1410 = arith.addi %add3A_1409, %and3A_1407 : vector<16xi32>
        %select_n3A_1411 = arith.select %lt3A_1402, %add3A_1404, %add3A_1410 : vector<16xi1>, vector<16xi32>
        %swap3A_1412 = arith.constant 48 : index
        %swap3A_1413 = tpu.vector_load %arg21[%swap3A_1412] {strides = array<i32>} : memref<128xi32, #tpu.memory_space<vmem>>, vector<16xi32>,
        tpu.vector_store %arg21[%swap3A_1412], %select_n3A_1411 {strides = array<i32>} : memref<128xi32, #tpu.memory_space<vmem>>, vector<16xi32>,
        %mul3A_1414 = arith.constant 128 : i32
        %mul3A_1415 = arith.muli %scan3A_1265, %mul3A_1414 : i32
        %add3A_1416 = arith.constant 64 : i32
        %add3A_1417 = arith.addi %mul3A_1415, %add3A_1416 : i32
        %add3A_1418 = vector.broadcast %add3A_1417 : i32 to vector<16xi32>
        %add3A_1419 = arith.addi %iota3A, %add3A_1418 : vector<16xi32>
        %get3A_1420 = arith.index_cast %add3A_1417 : i32 to index
        %get3A_1421 = tpu.vector_load %arg15[%get3A_1420] {strides = array<i32>} : memref<8208xi32, #tpu.memory_space<vmem>>, vector<16xi32>,
        %lt3A_1422 = vector.broadcast %scan3A_12#0 : i32 to vector<16xi32>
        %lt3A_1423 = arith.cmpi slt, %add3A_1419, %lt3A_1422 : vector<16xi32>
        %and3A_1424 = arith.constant 255 : i32
        %and3A_1425 = vector.broadcast %and3A_1424 : i32 to vector<16xi32>
        %and3A_1426 = arith.andi %add3A_1419, %and3A_1425 : vector<16xi32>
        %add3A_1427 = arith.constant 8192 : i32
        %add3A_1428 = vector.broadcast %add3A_1427 : i32 to vector<16xi32>
        %add3A_1429 = arith.addi %add3A_1428, %and3A_1426 : vector<16xi32>
        %select_n3A_1430 = arith.select %lt3A_1423, %get3A_1421, %add3A_1429 : vector<16xi1>, vector<16xi32>
        %swap3A_1431 = arith.constant 0 : i32
        %swap3A_1432 = arith.index_cast %swap3A_1431 : i32 to index
        %swap3A_1433 = arith.constant 64 : index
        %swap3A_1434 = tpu.vector_load %arg20[%swap3A_1432, %swap3A_1433] {strides = array<i32>} : memref<1x128xi32, #tpu.memory_space<vmem>>, vector<16xi32>,
        tpu.vector_store %arg20[%swap3A_1432, %swap3A_1433], %select_n3A_1430 {strides = array<i32>} : memref<1x128xi32, #tpu.memory_space<vmem>>, vector<16xi32>,
        %min3A_1435 = arith.constant 256 : i32
        %min3A_1436 = arith.minsi %scan3A_12#0, %min3A_1435 : i32
        %lt3A_1437 = vector.broadcast %min3A_1436 : i32 to vector<16xi32>
        %lt3A_1438 = arith.cmpi slt, %add3A_1419, %lt3A_1437 : vector<16xi32>
        %add3A_1439 = vector.broadcast %mul3A_31 : i32 to vector<16xi32>
        %add3A_1440 = arith.addi %add3A_1439, %add3A_1419 : vector<16xi32>
        %and3A_1441 = arith.constant 511 : i32
        %and3A_1442 = vector.broadcast %and3A_1441 : i32 to vector<16xi32>
        %and3A_1443 = arith.andi %add3A_1419, %and3A_1442 : vector<16xi32>
        %add3A_1444 = arith.constant 32768 : i32
        %add3A_1445 = vector.broadcast %add3A_1444 : i32 to vector<16xi32>
        %add3A_1446 = arith.addi %add3A_1445, %and3A_1443 : vector<16xi32>
        %select_n3A_1447 = arith.select %lt3A_1438, %add3A_1440, %add3A_1446 : vector<16xi1>, vector<16xi32>
        %swap3A_1448 = arith.constant 64 : index
        %swap3A_1449 = tpu.vector_load %arg21[%swap3A_1448] {strides = array<i32>} : memref<128xi32, #tpu.memory_space<vmem>>, vector<16xi32>,
        tpu.vector_store %arg21[%swap3A_1448], %select_n3A_1447 {strides = array<i32>} : memref<128xi32, #tpu.memory_space<vmem>>, vector<16xi32>,
        %mul3A_1450 = arith.constant 128 : i32
        %mul3A_1451 = arith.muli %scan3A_1265, %mul3A_1450 : i32
        %add3A_1452 = arith.constant 80 : i32
        %add3A_1453 = arith.addi %mul3A_1451, %add3A_1452 : i32
        %add3A_1454 = vector.broadcast %add3A_1453 : i32 to vector<16xi32>
        %add3A_1455 = arith.addi %iota3A, %add3A_1454 : vector<16xi32>
        %get3A_1456 = arith.index_cast %add3A_1453 : i32 to index
        %get3A_1457 = tpu.vector_load %arg15[%get3A_1456] {strides = array<i32>} : memref<8208xi32, #tpu.memory_space<vmem>>, vector<16xi32>,
        %lt3A_1458 = vector.broadcast %scan3A_12#0 : i32 to vector<16xi32>
        %lt3A_1459 = arith.cmpi slt, %add3A_1455, %lt3A_1458 : vector<16xi32>
        %and3A_1460 = arith.constant 255 : i32
        %and3A_1461 = vector.broadcast %and3A_1460 : i32 to vector<16xi32>
        %and3A_1462 = arith.andi %add3A_1455, %and3A_1461 : vector<16xi32>
        %add3A_1463 = arith.constant 8192 : i32
        %add3A_1464 = vector.broadcast %add3A_1463 : i32 to vector<16xi32>
        %add3A_1465 = arith.addi %add3A_1464, %and3A_1462 : vector<16xi32>
        %select_n3A_1466 = arith.select %lt3A_1459, %get3A_1457, %add3A_1465 : vector<16xi1>, vector<16xi32>
        %swap3A_1467 = arith.constant 0 : i32
        %swap3A_1468 = arith.index_cast %swap3A_1467 : i32 to index
        %swap3A_1469 = arith.constant 80 : index
        %swap3A_1470 = tpu.vector_load %arg20[%swap3A_1468, %swap3A_1469] {strides = array<i32>} : memref<1x128xi32, #tpu.memory_space<vmem>>, vector<16xi32>,
        tpu.vector_store %arg20[%swap3A_1468, %swap3A_1469], %select_n3A_1466 {strides = array<i32>} : memref<1x128xi32, #tpu.memory_space<vmem>>, vector<16xi32>,
        %min3A_1471 = arith.constant 256 : i32
        %min3A_1472 = arith.minsi %scan3A_12#0, %min3A_1471 : i32
        %lt3A_1473 = vector.broadcast %min3A_1472 : i32 to vector<16xi32>
        %lt3A_1474 = arith.cmpi slt, %add3A_1455, %lt3A_1473 : vector<16xi32>
        %add3A_1475 = vector.broadcast %mul3A_31 : i32 to vector<16xi32>
        %add3A_1476 = arith.addi %add3A_1475, %add3A_1455 : vector<16xi32>
        %and3A_1477 = arith.constant 511 : i32
        %and3A_1478 = vector.broadcast %and3A_1477 : i32 to vector<16xi32>
        %and3A_1479 = arith.andi %add3A_1455, %and3A_1478 : vector<16xi32>
        %add3A_1480 = arith.constant 32768 : i32
        %add3A_1481 = vector.broadcast %add3A_1480 : i32 to vector<16xi32>
        %add3A_1482 = arith.addi %add3A_1481, %and3A_1479 : vector<16xi32>
        %select_n3A_1483 = arith.select %lt3A_1474, %add3A_1476, %add3A_1482 : vector<16xi1>, vector<16xi32>
        %swap3A_1484 = arith.constant 80 : index
        %swap3A_1485 = tpu.vector_load %arg21[%swap3A_1484] {strides = array<i32>} : memref<128xi32, #tpu.memory_space<vmem>>, vector<16xi32>,
        tpu.vector_store %arg21[%swap3A_1484], %select_n3A_1483 {strides = array<i32>} : memref<128xi32, #tpu.memory_space<vmem>>, vector<16xi32>,
        %mul3A_1486 = arith.constant 128 : i32
        %mul3A_1487 = arith.muli %scan3A_1265, %mul3A_1486 : i32
        %add3A_1488 = arith.constant 96 : i32
        %add3A_1489 = arith.addi %mul3A_1487, %add3A_1488 : i32
        %add3A_1490 = vector.broadcast %add3A_1489 : i32 to vector<16xi32>
        %add3A_1491 = arith.addi %iota3A, %add3A_1490 : vector<16xi32>
        %get3A_1492 = arith.index_cast %add3A_1489 : i32 to index
        %get3A_1493 = tpu.vector_load %arg15[%get3A_1492] {strides = array<i32>} : memref<8208xi32, #tpu.memory_space<vmem>>, vector<16xi32>,
        %lt3A_1494 = vector.broadcast %scan3A_12#0 : i32 to vector<16xi32>
        %lt3A_1495 = arith.cmpi slt, %add3A_1491, %lt3A_1494 : vector<16xi32>
        %and3A_1496 = arith.constant 255 : i32
        %and3A_1497 = vector.broadcast %and3A_1496 : i32 to vector<16xi32>
        %and3A_1498 = arith.andi %add3A_1491, %and3A_1497 : vector<16xi32>
        %add3A_1499 = arith.constant 8192 : i32
        %add3A_1500 = vector.broadcast %add3A_1499 : i32 to vector<16xi32>
        %add3A_1501 = arith.addi %add3A_1500, %and3A_1498 : vector<16xi32>
        %select_n3A_1502 = arith.select %lt3A_1495, %get3A_1493, %add3A_1501 : vector<16xi1>, vector<16xi32>
        %swap3A_1503 = arith.constant 0 : i32
        %swap3A_1504 = arith.index_cast %swap3A_1503 : i32 to index
        %swap3A_1505 = arith.constant 96 : index
        %swap3A_1506 = tpu.vector_load %arg20[%swap3A_1504, %swap3A_1505] {strides = array<i32>} : memref<1x128xi32, #tpu.memory_space<vmem>>, vector<16xi32>,
        tpu.vector_store %arg20[%swap3A_1504, %swap3A_1505], %select_n3A_1502 {strides = array<i32>} : memref<1x128xi32, #tpu.memory_space<vmem>>, vector<16xi32>,
        %min3A_1507 = arith.constant 256 : i32
        %min3A_1508 = arith.minsi %scan3A_12#0, %min3A_1507 : i32
        %lt3A_1509 = vector.broadcast %min3A_1508 : i32 to vector<16xi32>
        %lt3A_1510 = arith.cmpi slt, %add3A_1491, %lt3A_1509 : vector<16xi32>
        %add3A_1511 = vector.broadcast %mul3A_31 : i32 to vector<16xi32>
        %add3A_1512 = arith.addi %add3A_1511, %add3A_1491 : vector<16xi32>
        %and3A_1513 = arith.constant 511 : i32
        %and3A_1514 = vector.broadcast %and3A_1513 : i32 to vector<16xi32>
        %and3A_1515 = arith.andi %add3A_1491, %and3A_1514 : vector<16xi32>
        %add3A_1516 = arith.constant 32768 : i32
        %add3A_1517 = vector.broadcast %add3A_1516 : i32 to vector<16xi32>
        %add3A_1518 = arith.addi %add3A_1517, %and3A_1515 : vector<16xi32>
        %select_n3A_1519 = arith.select %lt3A_1510, %add3A_1512, %add3A_1518 : vector<16xi1>, vector<16xi32>
        %swap3A_1520 = arith.constant 96 : index
        %swap3A_1521 = tpu.vector_load %arg21[%swap3A_1520] {strides = array<i32>} : memref<128xi32, #tpu.memory_space<vmem>>, vector<16xi32>,
        tpu.vector_store %arg21[%swap3A_1520], %select_n3A_1519 {strides = array<i32>} : memref<128xi32, #tpu.memory_space<vmem>>, vector<16xi32>,
        %mul3A_1522 = arith.constant 128 : i32
        %mul3A_1523 = arith.muli %scan3A_1265, %mul3A_1522 : i32
        %add3A_1524 = arith.constant 112 : i32
        %add3A_1525 = arith.addi %mul3A_1523, %add3A_1524 : i32
        %add3A_1526 = vector.broadcast %add3A_1525 : i32 to vector<16xi32>
        %add3A_1527 = arith.addi %iota3A, %add3A_1526 : vector<16xi32>
        %get3A_1528 = arith.index_cast %add3A_1525 : i32 to index
        %get3A_1529 = tpu.vector_load %arg15[%get3A_1528] {strides = array<i32>} : memref<8208xi32, #tpu.memory_space<vmem>>, vector<16xi32>,
        %lt3A_1530 = vector.broadcast %scan3A_12#0 : i32 to vector<16xi32>
        %lt3A_1531 = arith.cmpi slt, %add3A_1527, %lt3A_1530 : vector<16xi32>
        %and3A_1532 = arith.constant 255 : i32
        %and3A_1533 = vector.broadcast %and3A_1532 : i32 to vector<16xi32>
        %and3A_1534 = arith.andi %add3A_1527, %and3A_1533 : vector<16xi32>
        %add3A_1535 = arith.constant 8192 : i32
        %add3A_1536 = vector.broadcast %add3A_1535 : i32 to vector<16xi32>
        %add3A_1537 = arith.addi %add3A_1536, %and3A_1534 : vector<16xi32>
        %select_n3A_1538 = arith.select %lt3A_1531, %get3A_1529, %add3A_1537 : vector<16xi1>, vector<16xi32>
        %swap3A_1539 = arith.constant 0 : i32
        %swap3A_1540 = arith.index_cast %swap3A_1539 : i32 to index
        %swap3A_1541 = arith.constant 112 : index
        %swap3A_1542 = tpu.vector_load %arg20[%swap3A_1540, %swap3A_1541] {strides = array<i32>} : memref<1x128xi32, #tpu.memory_space<vmem>>, vector<16xi32>,
        tpu.vector_store %arg20[%swap3A_1540, %swap3A_1541], %select_n3A_1538 {strides = array<i32>} : memref<1x128xi32, #tpu.memory_space<vmem>>, vector<16xi32>,
        %min3A_1543 = arith.constant 256 : i32
        %min3A_1544 = arith.minsi %scan3A_12#0, %min3A_1543 : i32
        %lt3A_1545 = vector.broadcast %min3A_1544 : i32 to vector<16xi32>
        %lt3A_1546 = arith.cmpi slt, %add3A_1527, %lt3A_1545 : vector<16xi32>
        %add3A_1547 = vector.broadcast %mul3A_31 : i32 to vector<16xi32>
        %add3A_1548 = arith.addi %add3A_1547, %add3A_1527 : vector<16xi32>
        %and3A_1549 = arith.constant 511 : i32
        %and3A_1550 = vector.broadcast %and3A_1549 : i32 to vector<16xi32>
        %and3A_1551 = arith.andi %add3A_1527, %and3A_1550 : vector<16xi32>
        %add3A_1552 = arith.constant 32768 : i32
        %add3A_1553 = vector.broadcast %add3A_1552 : i32 to vector<16xi32>
        %add3A_1554 = arith.addi %add3A_1553, %and3A_1551 : vector<16xi32>
        %select_n3A_1555 = arith.select %lt3A_1546, %add3A_1548, %add3A_1554 : vector<16xi1>, vector<16xi32>
        %swap3A_1556 = arith.constant 112 : index
        %swap3A_1557 = tpu.vector_load %arg21[%swap3A_1556] {strides = array<i32>} : memref<128xi32, #tpu.memory_space<vmem>>, vector<16xi32>,
        tpu.vector_store %arg21[%swap3A_1556], %select_n3A_1555 {strides = array<i32>} : memref<128xi32, #tpu.memory_space<vmem>>, vector<16xi32>,
        %dma_start3A = arith.constant 0 : i32
        %dma_start3A_1558 = arith.constant 0 : i32
        %dma_start3A_1559 = tpu.memref_slice %arg20[%dma_start3A, %dma_start3A_1558] : memref<1x128xi32, #tpu.memory_space<vmem>> -> memref<1x128xi32, #tpu.memory_space<vmem>>
        %dma_start3A_1560 = tpu.memref_squeeze %dma_start3A_1559 : memref<1x128xi32, #tpu.memory_space<vmem>> -> memref<128xi32, #tpu.memory_space<vmem>>
        %dma_start3A_1561 = arith.constant 0 : i32
        %dma_start3A_1562 = tpu.memref_slice %arg9[%dma_start3A_1561] : memref<8448xi32, #tpu.memory_space<hbm>> -> memref<8448xi32, #tpu.memory_space<hbm>>
        tpu.enqueue_indirect_dma source(%arg21 : memref<128xi32, #tpu.memory_space<vmem>>) target(%dma_start3A_1562 : memref<8448xi32, #tpu.memory_space<hbm>>) offsets(%dma_start3A_1560 : memref<128xi32, #tpu.memory_space<vmem>>) semaphore(%arg26 : memref<!tpu.dma_semaphore, #tpu.memory_space<semaphore_mem>>)
        %dma_wait3A = arith.constant 0 : i32
        %dma_wait3A_1563 = arith.constant 0 : i32
        %dma_wait3A_1564 = tpu.memref_slice %arg20[%dma_wait3A, %dma_wait3A_1563] : memref<1x128xi32, #tpu.memory_space<vmem>> -> memref<1x128xi32, #tpu.memory_space<vmem>>
        %dma_wait3A_1565 = tpu.memref_squeeze %dma_wait3A_1564 : memref<1x128xi32, #tpu.memory_space<vmem>> -> memref<128xi32, #tpu.memory_space<vmem>>
        %dma_wait3A_1566 = arith.constant 0 : i32
        %dma_wait3A_1567 = tpu.memref_slice %arg9[%dma_wait3A_1566] : memref<8448xi32, #tpu.memory_space<hbm>> -> memref<8448xi32, #tpu.memory_space<hbm>>
        tpu.wait_indirect_dma semaphore(%arg26 : memref<!tpu.dma_semaphore, #tpu.memory_space<semaphore_mem>>) src(%arg21 : memref<128xi32, #tpu.memory_space<vmem>>) dst(%dma_wait3A_1567 : memref<8448xi32, #tpu.memory_space<hbm>>)
      } else {
      }
      %scan3A_1271 = arith.constant 0 : i32
      scf.yield %scan3A_1271 : i32
    }
    %scan3A_321 = arith.constant 64 : i32
    %scan3A_322 = arith.constant 0 : i32
    %scan3A_323 = arith.constant 0 : i32
    %scan3A_324 = arith.constant 16 : i32
    %scan3A_325 = arith.addi %scan3A_323, %scan3A_324 : i32
    %scan3A_326 = arith.constant 1 : i32
    %scan3A_327 = scf.for %scan3A_1265 = %scan3A_323 to %scan3A_325 step %scan3A_326 iter_args(%scan3A_1266 = %scan3A_322) -> (i32)  : i32 {
      %mul3A_1267 = arith.constant 16 : i32
      %mul3A_1268 = arith.muli %scan3A_1265, %mul3A_1267 : i32
      %lt3A_1269 = arith.cmpi slt, %mul3A_1268, %scan3A_12#0 : i32
      %convert_element_type3A = arith.extui %lt3A_1269 : i1 to i32
      %cond3A = arith.constant 0 : i32
      %cond3A_1270 = arith.cmpi ne, %convert_element_type3A, %cond3A : i32
      scf.if %cond3A_1270 {
        %mul3A_1272 = arith.constant 16 : i32
        %mul3A_1273 = arith.muli %scan3A_1265, %mul3A_1272 : i32
        %add3A_1274 = vector.broadcast %mul3A_1273 : i32 to vector<16xi32>
        %add3A_1275 = arith.addi %iota3A, %add3A_1274 : vector<16xi32>
        %get3A_1276 = arith.index_cast %mul3A_1273 : i32 to index
        %get3A_1277 = tpu.vector_load %arg15[%get3A_1276] {strides = array<i32>} : memref<8208xi32, #tpu.memory_space<vmem>>, vector<16xi32>,
        %lt3A_1278 = vector.broadcast %scan3A_12#0 : i32 to vector<16xi32>
        %lt3A_1279 = arith.cmpi slt, %add3A_1275, %lt3A_1278 : vector<16xi32>
        %select_n3A_1280 = arith.select %lt3A_1279, %get3A_1277, %add3A_1275 : vector<16xi1>, vector<16xi32>
        %swap3A_1281 = arith.constant 0 : index
        %swap3A_1282 = tpu.vector_load %arg22[%swap3A_1281] {strides = array<i32>} : memref<16xi32, #tpu.memory_space<vmem>>, vector<16xi32>,
        tpu.vector_store %arg22[%swap3A_1281], %select_n3A_1280 {strides = array<i32>} : memref<16xi32, #tpu.memory_space<vmem>>, vector<16xi32>,
        %dma_start3A = arith.constant 0 : i32
        %dma_start3A_1283 = arith.constant 0 : i32
        %dma_start3A_1284 = arith.constant 0 : i32
        %dma_start3A_1285 = tpu.memref_slice %arg24[%dma_start3A, %dma_start3A_1283, %dma_start3A_1284] : memref<2x16x768xf32, #tpu.memory_space<vmem>> -> memref<1x16x768xf32, #tpu.memory_space<vmem>>
        %dma_start3A_1286 = tpu.memref_squeeze %dma_start3A_1285 : memref<1x16x768xf32, #tpu.memory_space<vmem>> -> memref<16x768xf32, #tpu.memory_space<vmem>>
        %dma_start3A_1287 = arith.constant 0 : i32
        %dma_start3A_1288 = arith.constant 0 : i32
        %dma_start3A_1289 = tpu.memref_slice %arg2[%dma_start3A_1287, %dma_start3A_1288] : memref<8192x768xf32, #tpu.memory_space<hbm>> -> memref<8192x768xf32, #tpu.memory_space<hbm>>
        tpu.enqueue_indirect_dma source(%dma_start3A_1289 : memref<8192x768xf32, #tpu.memory_space<hbm>>) target(%dma_start3A_1286 : memref<16x768xf32, #tpu.memory_space<vmem>>) offsets(%arg22 : memref<16xi32, #tpu.memory_space<vmem>>) semaphore(%arg27 : memref<!tpu.dma_semaphore, #tpu.memory_space<semaphore_mem>>)
        %dma_wait3A = arith.constant 0 : i32
        %dma_wait3A_1290 = arith.constant 0 : i32
        %dma_wait3A_1291 = arith.constant 0 : i32
        %dma_wait3A_1292 = tpu.memref_slice %arg24[%dma_wait3A, %dma_wait3A_1290, %dma_wait3A_1291] : memref<2x16x768xf32, #tpu.memory_space<vmem>> -> memref<1x16x768xf32, #tpu.memory_space<vmem>>
        %dma_wait3A_1293 = tpu.memref_squeeze %dma_wait3A_1292 : memref<1x16x768xf32, #tpu.memory_space<vmem>> -> memref<16x768xf32, #tpu.memory_space<vmem>>
        %dma_wait3A_1294 = arith.constant 0 : i32
        %dma_wait3A_1295 = arith.constant 0 : i32
        %dma_wait3A_1296 = tpu.memref_slice %arg2[%dma_wait3A_1294, %dma_wait3A_1295] : memref<8192x768xf32, #tpu.memory_space<hbm>> -> memref<8192x768xf32, #tpu.memory_space<hbm>>
        tpu.wait_indirect_dma semaphore(%arg27 : memref<!tpu.dma_semaphore, #tpu.memory_space<semaphore_mem>>) src(%dma_wait3A_1296 : memref<8192x768xf32, #tpu.memory_space<hbm>>) dst(%dma_wait3A_1293 : memref<16x768xf32, #tpu.memory_space<vmem>>)
        %add3A_1297 = arith.addi %mul3A_31, %mul3A_1273 : i32
        %run_scoped3A = arith.constant 0 : i32
        "tpu.region"() ({
          %run_scoped3A_1298 = tpu.sem_alloc : memref<!tpu.dma_semaphore, #tpu.memory_space<semaphore_mem>>
          %dma_start3A_1299 = arith.constant 0 : i32
          %dma_start3A_1300 = arith.constant 0 : i32
          %dma_start3A_1301 = tpu.memref_slice %arg24[%run_scoped3A, %dma_start3A_1299, %dma_start3A_1300] : memref<2x16x768xf32, #tpu.memory_space<vmem>> -> memref<1x16x768xf32, #tpu.memory_space<vmem>>
          %dma_start3A_1302 = tpu.memref_squeeze %dma_start3A_1301 : memref<1x16x768xf32, #tpu.memory_space<vmem>> -> memref<16x768xf32, #tpu.memory_space<vmem>>
          %dma_start3A_1303 = arith.constant 0 : i32
          %dma_start3A_1304 = tpu.memref_slice %arg7[%add3A_1297, %dma_start3A_1303] : memref<32768x768xf32, #tpu.memory_space<hbm>> -> memref<16x768xf32, #tpu.memory_space<hbm>>
          %dma_start3A_1305 = arith.constant 0 : i32
          %dma_start3A_1306 = tpu.memref_slice %arg7[%add3A_1297, %dma_start3A_1305] : memref<32768x768xf32, #tpu.memory_space<hbm>> -> memref<16x768xf32, #tpu.memory_space<hbm>>
          %dma_start3A_1307 = arith.constant 0 : i32
          %dma_start3A_1308 = arith.constant 0 : i32
          %dma_start3A_1309 = tpu.memref_slice %arg24[%run_scoped3A, %dma_start3A_1307, %dma_start3A_1308] : memref<2x16x768xf32, #tpu.memory_space<vmem>> -> memref<1x16x768xf32, #tpu.memory_space<vmem>>
          %dma_start3A_1310 = tpu.memref_squeeze %dma_start3A_1309 : memref<1x16x768xf32, #tpu.memory_space<vmem>> -> memref<16x768xf32, #tpu.memory_space<vmem>>
          tpu.enqueue_dma source(%dma_start3A_1310 : memref<16x768xf32, #tpu.memory_space<vmem>>) target(%dma_start3A_1306 : memref<16x768xf32, #tpu.memory_space<hbm>>) target_semaphore(%run_scoped3A_1298 : memref<!tpu.dma_semaphore, #tpu.memory_space<semaphore_mem>>)
          %dma_wait3A_1311 = arith.constant 0 : i32
          %dma_wait3A_1312 = arith.constant 0 : i32
          %dma_wait3A_1313 = tpu.memref_slice %arg24[%run_scoped3A, %dma_wait3A_1311, %dma_wait3A_1312] : memref<2x16x768xf32, #tpu.memory_space<vmem>> -> memref<1x16x768xf32, #tpu.memory_space<vmem>>
          %dma_wait3A_1314 = tpu.memref_squeeze %dma_wait3A_1313 : memref<1x16x768xf32, #tpu.memory_space<vmem>> -> memref<16x768xf32, #tpu.memory_space<vmem>>
          %dma_wait3A_1315 = arith.constant 0 : i32
          %dma_wait3A_1316 = tpu.memref_slice %arg7[%add3A_1297, %dma_wait3A_1315] : memref<32768x768xf32, #tpu.memory_space<hbm>> -> memref<16x768xf32, #tpu.memory_space<hbm>>
          %dma_wait3A_1317 = arith.constant 0 : i32
          %dma_wait3A_1318 = tpu.memref_slice %arg7[%add3A_1297, %dma_wait3A_1317] : memref<32768x768xf32, #tpu.memory_space<hbm>> -> memref<16x768xf32, #tpu.memory_space<hbm>>
          %dma_wait3A_1319 = arith.constant 0 : i32
          %dma_wait3A_1320 = arith.constant 0 : i32
          %dma_wait3A_1321 = tpu.memref_slice %arg24[%run_scoped3A, %dma_wait3A_1319, %dma_wait3A_1320] : memref<2x16x768xf32, #tpu.memory_space<vmem>> -> memref<1x16x768xf32, #tpu.memory_space<vmem>>
          %dma_wait3A_1322 = tpu.memref_squeeze %dma_wait3A_1321 : memref<1x16x768xf32, #tpu.memory_space<vmem>> -> memref<16x768xf32, #tpu.memory_space<vmem>>
          tpu.wait_dma2 semaphore(%run_scoped3A_1298 : memref<!tpu.dma_semaphore, #tpu.memory_space<semaphore_mem>>) src(%dma_wait3A_1322 : memref<16x768xf32, #tpu.memory_space<vmem>>) dst(%dma_wait3A_1318 : memref<16x768xf32, #tpu.memory_space<hbm>>)
          tpu.yield
        }) : () -> ()
      } else {
      }
      %scan3A_1271 = arith.constant 0 : i32
      scf.yield %scan3A_1271 : i32
    }
    %scan3A_328 = arith.constant 16 : i32
    %mul3A_329 = arith.constant 2 : i32
    %mul3A_330 = arith.muli %add3A, %mul3A_329 : i32
    %add3A_331 = arith.constant 0 : i32
    %add3A_332 = arith.addi %mul3A_330, %add3A_331 : i32
    %mul3A_333 = arith.constant 2 : i32
    %mul3A_334 = arith.muli %add3A_332, %mul3A_333 : i32
    %add3A_335 = arith.constant 1 : i32
    %add3A_336 = arith.addi %mul3A_334, %add3A_335 : i32
    %mul3A_337 = arith.constant 256 : i32
    %mul3A_338 = arith.muli %add3A_336, %mul3A_337 : i32
    %add3A_339 = arith.constant 0 : i32
    %add3A_340 = vector.broadcast %add3A_339 : i32 to vector<16xi32>
    %add3A_341 = arith.addi %iota3A, %add3A_340 : vector<16xi32>
    %lt3A_342 = vector.broadcast %scan3A_20#0 : i32 to vector<16xi32>
    %lt3A_343 = arith.cmpi slt, %add3A_341, %lt3A_342 : vector<16xi32>
    %get3A_344 = arith.constant 0 : index
    %get3A_345 = tpu.vector_load %arg16[%get3A_344] {strides = array<i32>} : memref<8208xi32, #tpu.memory_space<vmem>>, vector<16xi32>,
    %jit3A_346 = arith.constant 0 : i32
    %broadcast_in_dim3A_347 = vector.broadcast %jit3A_346 : i32 to vector<16xi32>
    %select_n3A_348 = arith.select %lt3A_343, %get3A_345, %broadcast_in_dim3A_347 : vector<16xi1>, vector<16xi32>
    %gather3A_349 = tpu.vector_load_idx %arg14[%select_n3A_348] : memref<8192xf32, #tpu.memory_space<vmem>>[vector<16xi32>], vector<16xf32>,
    %lt3A_350 = vector.broadcast %scan3A_20#0 : i32 to vector<16xi32>
    %lt3A_351 = arith.cmpi slt, %add3A_341, %lt3A_350 : vector<16xi32>
    %jit3A_352 = arith.constant 0.000000e+00 : f32
    %broadcast_in_dim3A_353 = vector.broadcast %jit3A_352 : f32 to vector<16xf32>
    %select_n3A_354 = arith.select %lt3A_351, %gather3A_349, %broadcast_in_dim3A_353 : vector<16xi1>, vector<16xf32>
    %swap3A_355 = arith.constant 0 : index
    %swap3A_356 = tpu.vector_load %arg19[%swap3A_355] {strides = array<i32>} : memref<256xf32, #tpu.memory_space<vmem>>, vector<16xf32>,
    tpu.vector_store %arg19[%swap3A_355], %select_n3A_354 {strides = array<i32>} : memref<256xf32, #tpu.memory_space<vmem>>, vector<16xf32>,
    %add3A_357 = arith.constant 16 : i32
    %add3A_358 = vector.broadcast %add3A_357 : i32 to vector<16xi32>
    %add3A_359 = arith.addi %iota3A, %add3A_358 : vector<16xi32>
    %lt3A_360 = vector.broadcast %scan3A_20#0 : i32 to vector<16xi32>
    %lt3A_361 = arith.cmpi slt, %add3A_359, %lt3A_360 : vector<16xi32>
    %get3A_362 = arith.constant 16 : index
    %get3A_363 = tpu.vector_load %arg16[%get3A_362] {strides = array<i32>} : memref<8208xi32, #tpu.memory_space<vmem>>, vector<16xi32>,
    %jit3A_364 = arith.constant 0 : i32
    %broadcast_in_dim3A_365 = vector.broadcast %jit3A_364 : i32 to vector<16xi32>
    %select_n3A_366 = arith.select %lt3A_361, %get3A_363, %broadcast_in_dim3A_365 : vector<16xi1>, vector<16xi32>
    %gather3A_367 = tpu.vector_load_idx %arg14[%select_n3A_366] : memref<8192xf32, #tpu.memory_space<vmem>>[vector<16xi32>], vector<16xf32>,
    %lt3A_368 = vector.broadcast %scan3A_20#0 : i32 to vector<16xi32>
    %lt3A_369 = arith.cmpi slt, %add3A_359, %lt3A_368 : vector<16xi32>
    %jit3A_370 = arith.constant 0.000000e+00 : f32
    %broadcast_in_dim3A_371 = vector.broadcast %jit3A_370 : f32 to vector<16xf32>
    %select_n3A_372 = arith.select %lt3A_369, %gather3A_367, %broadcast_in_dim3A_371 : vector<16xi1>, vector<16xf32>
    %swap3A_373 = arith.constant 16 : index
    %swap3A_374 = tpu.vector_load %arg19[%swap3A_373] {strides = array<i32>} : memref<256xf32, #tpu.memory_space<vmem>>, vector<16xf32>,
    tpu.vector_store %arg19[%swap3A_373], %select_n3A_372 {strides = array<i32>} : memref<256xf32, #tpu.memory_space<vmem>>, vector<16xf32>,
    %add3A_375 = arith.constant 32 : i32
    %add3A_376 = vector.broadcast %add3A_375 : i32 to vector<16xi32>
    %add3A_377 = arith.addi %iota3A, %add3A_376 : vector<16xi32>
    %lt3A_378 = vector.broadcast %scan3A_20#0 : i32 to vector<16xi32>
    %lt3A_379 = arith.cmpi slt, %add3A_377, %lt3A_378 : vector<16xi32>
    %get3A_380 = arith.constant 32 : index
    %get3A_381 = tpu.vector_load %arg16[%get3A_380] {strides = array<i32>} : memref<8208xi32, #tpu.memory_space<vmem>>, vector<16xi32>,
    %jit3A_382 = arith.constant 0 : i32
    %broadcast_in_dim3A_383 = vector.broadcast %jit3A_382 : i32 to vector<16xi32>
    %select_n3A_384 = arith.select %lt3A_379, %get3A_381, %broadcast_in_dim3A_383 : vector<16xi1>, vector<16xi32>
    %gather3A_385 = tpu.vector_load_idx %arg14[%select_n3A_384] : memref<8192xf32, #tpu.memory_space<vmem>>[vector<16xi32>], vector<16xf32>,
    %lt3A_386 = vector.broadcast %scan3A_20#0 : i32 to vector<16xi32>
    %lt3A_387 = arith.cmpi slt, %add3A_377, %lt3A_386 : vector<16xi32>
    %jit3A_388 = arith.constant 0.000000e+00 : f32
    %broadcast_in_dim3A_389 = vector.broadcast %jit3A_388 : f32 to vector<16xf32>
    %select_n3A_390 = arith.select %lt3A_387, %gather3A_385, %broadcast_in_dim3A_389 : vector<16xi1>, vector<16xf32>
    %swap3A_391 = arith.constant 32 : index
    %swap3A_392 = tpu.vector_load %arg19[%swap3A_391] {strides = array<i32>} : memref<256xf32, #tpu.memory_space<vmem>>, vector<16xf32>,
    tpu.vector_store %arg19[%swap3A_391], %select_n3A_390 {strides = array<i32>} : memref<256xf32, #tpu.memory_space<vmem>>, vector<16xf32>,
    %add3A_393 = arith.constant 48 : i32
    %add3A_394 = vector.broadcast %add3A_393 : i32 to vector<16xi32>
    %add3A_395 = arith.addi %iota3A, %add3A_394 : vector<16xi32>
    %lt3A_396 = vector.broadcast %scan3A_20#0 : i32 to vector<16xi32>
    %lt3A_397 = arith.cmpi slt, %add3A_395, %lt3A_396 : vector<16xi32>
    %get3A_398 = arith.constant 48 : index
    %get3A_399 = tpu.vector_load %arg16[%get3A_398] {strides = array<i32>} : memref<8208xi32, #tpu.memory_space<vmem>>, vector<16xi32>,
    %jit3A_400 = arith.constant 0 : i32
    %broadcast_in_dim3A_401 = vector.broadcast %jit3A_400 : i32 to vector<16xi32>
    %select_n3A_402 = arith.select %lt3A_397, %get3A_399, %broadcast_in_dim3A_401 : vector<16xi1>, vector<16xi32>
    %gather3A_403 = tpu.vector_load_idx %arg14[%select_n3A_402] : memref<8192xf32, #tpu.memory_space<vmem>>[vector<16xi32>], vector<16xf32>,
    %lt3A_404 = vector.broadcast %scan3A_20#0 : i32 to vector<16xi32>
    %lt3A_405 = arith.cmpi slt, %add3A_395, %lt3A_404 : vector<16xi32>
    %jit3A_406 = arith.constant 0.000000e+00 : f32
    %broadcast_in_dim3A_407 = vector.broadcast %jit3A_406 : f32 to vector<16xf32>
    %select_n3A_408 = arith.select %lt3A_405, %gather3A_403, %broadcast_in_dim3A_407 : vector<16xi1>, vector<16xf32>
    %swap3A_409 = arith.constant 48 : index
    %swap3A_410 = tpu.vector_load %arg19[%swap3A_409] {strides = array<i32>} : memref<256xf32, #tpu.memory_space<vmem>>, vector<16xf32>,
    tpu.vector_store %arg19[%swap3A_409], %select_n3A_408 {strides = array<i32>} : memref<256xf32, #tpu.memory_space<vmem>>, vector<16xf32>,
    %add3A_411 = arith.constant 64 : i32
    %add3A_412 = vector.broadcast %add3A_411 : i32 to vector<16xi32>
    %add3A_413 = arith.addi %iota3A, %add3A_412 : vector<16xi32>
    %lt3A_414 = vector.broadcast %scan3A_20#0 : i32 to vector<16xi32>
    %lt3A_415 = arith.cmpi slt, %add3A_413, %lt3A_414 : vector<16xi32>
    %get3A_416 = arith.constant 64 : index
    %get3A_417 = tpu.vector_load %arg16[%get3A_416] {strides = array<i32>} : memref<8208xi32, #tpu.memory_space<vmem>>, vector<16xi32>,
    %jit3A_418 = arith.constant 0 : i32
    %broadcast_in_dim3A_419 = vector.broadcast %jit3A_418 : i32 to vector<16xi32>
    %select_n3A_420 = arith.select %lt3A_415, %get3A_417, %broadcast_in_dim3A_419 : vector<16xi1>, vector<16xi32>
    %gather3A_421 = tpu.vector_load_idx %arg14[%select_n3A_420] : memref<8192xf32, #tpu.memory_space<vmem>>[vector<16xi32>], vector<16xf32>,
    %lt3A_422 = vector.broadcast %scan3A_20#0 : i32 to vector<16xi32>
    %lt3A_423 = arith.cmpi slt, %add3A_413, %lt3A_422 : vector<16xi32>
    %jit3A_424 = arith.constant 0.000000e+00 : f32
    %broadcast_in_dim3A_425 = vector.broadcast %jit3A_424 : f32 to vector<16xf32>
    %select_n3A_426 = arith.select %lt3A_423, %gather3A_421, %broadcast_in_dim3A_425 : vector<16xi1>, vector<16xf32>
    %swap3A_427 = arith.constant 64 : index
    %swap3A_428 = tpu.vector_load %arg19[%swap3A_427] {strides = array<i32>} : memref<256xf32, #tpu.memory_space<vmem>>, vector<16xf32>,
    tpu.vector_store %arg19[%swap3A_427], %select_n3A_426 {strides = array<i32>} : memref<256xf32, #tpu.memory_space<vmem>>, vector<16xf32>,
    %add3A_429 = arith.constant 80 : i32
    %add3A_430 = vector.broadcast %add3A_429 : i32 to vector<16xi32>
    %add3A_431 = arith.addi %iota3A, %add3A_430 : vector<16xi32>
    %lt3A_432 = vector.broadcast %scan3A_20#0 : i32 to vector<16xi32>
    %lt3A_433 = arith.cmpi slt, %add3A_431, %lt3A_432 : vector<16xi32>
    %get3A_434 = arith.constant 80 : index
    %get3A_435 = tpu.vector_load %arg16[%get3A_434] {strides = array<i32>} : memref<8208xi32, #tpu.memory_space<vmem>>, vector<16xi32>,
    %jit3A_436 = arith.constant 0 : i32
    %broadcast_in_dim3A_437 = vector.broadcast %jit3A_436 : i32 to vector<16xi32>
    %select_n3A_438 = arith.select %lt3A_433, %get3A_435, %broadcast_in_dim3A_437 : vector<16xi1>, vector<16xi32>
    %gather3A_439 = tpu.vector_load_idx %arg14[%select_n3A_438] : memref<8192xf32, #tpu.memory_space<vmem>>[vector<16xi32>], vector<16xf32>,
    %lt3A_440 = vector.broadcast %scan3A_20#0 : i32 to vector<16xi32>
    %lt3A_441 = arith.cmpi slt, %add3A_431, %lt3A_440 : vector<16xi32>
    %jit3A_442 = arith.constant 0.000000e+00 : f32
    %broadcast_in_dim3A_443 = vector.broadcast %jit3A_442 : f32 to vector<16xf32>
    %select_n3A_444 = arith.select %lt3A_441, %gather3A_439, %broadcast_in_dim3A_443 : vector<16xi1>, vector<16xf32>
    %swap3A_445 = arith.constant 80 : index
    %swap3A_446 = tpu.vector_load %arg19[%swap3A_445] {strides = array<i32>} : memref<256xf32, #tpu.memory_space<vmem>>, vector<16xf32>,
    tpu.vector_store %arg19[%swap3A_445], %select_n3A_444 {strides = array<i32>} : memref<256xf32, #tpu.memory_space<vmem>>, vector<16xf32>,
    %add3A_447 = arith.constant 96 : i32
    %add3A_448 = vector.broadcast %add3A_447 : i32 to vector<16xi32>
    %add3A_449 = arith.addi %iota3A, %add3A_448 : vector<16xi32>
    %lt3A_450 = vector.broadcast %scan3A_20#0 : i32 to vector<16xi32>
    %lt3A_451 = arith.cmpi slt, %add3A_449, %lt3A_450 : vector<16xi32>
    %get3A_452 = arith.constant 96 : index
    %get3A_453 = tpu.vector_load %arg16[%get3A_452] {strides = array<i32>} : memref<8208xi32, #tpu.memory_space<vmem>>, vector<16xi32>,
    %jit3A_454 = arith.constant 0 : i32
    %broadcast_in_dim3A_455 = vector.broadcast %jit3A_454 : i32 to vector<16xi32>
    %select_n3A_456 = arith.select %lt3A_451, %get3A_453, %broadcast_in_dim3A_455 : vector<16xi1>, vector<16xi32>
    %gather3A_457 = tpu.vector_load_idx %arg14[%select_n3A_456] : memref<8192xf32, #tpu.memory_space<vmem>>[vector<16xi32>], vector<16xf32>,
    %lt3A_458 = vector.broadcast %scan3A_20#0 : i32 to vector<16xi32>
    %lt3A_459 = arith.cmpi slt, %add3A_449, %lt3A_458 : vector<16xi32>
    %jit3A_460 = arith.constant 0.000000e+00 : f32
    %broadcast_in_dim3A_461 = vector.broadcast %jit3A_460 : f32 to vector<16xf32>
    %select_n3A_462 = arith.select %lt3A_459, %gather3A_457, %broadcast_in_dim3A_461 : vector<16xi1>, vector<16xf32>
    %swap3A_463 = arith.constant 96 : index
    %swap3A_464 = tpu.vector_load %arg19[%swap3A_463] {strides = array<i32>} : memref<256xf32, #tpu.memory_space<vmem>>, vector<16xf32>,
    tpu.vector_store %arg19[%swap3A_463], %select_n3A_462 {strides = array<i32>} : memref<256xf32, #tpu.memory_space<vmem>>, vector<16xf32>,
    %add3A_465 = arith.constant 112 : i32
    %add3A_466 = vector.broadcast %add3A_465 : i32 to vector<16xi32>
    %add3A_467 = arith.addi %iota3A, %add3A_466 : vector<16xi32>
    %lt3A_468 = vector.broadcast %scan3A_20#0 : i32 to vector<16xi32>
    %lt3A_469 = arith.cmpi slt, %add3A_467, %lt3A_468 : vector<16xi32>
    %get3A_470 = arith.constant 112 : index
    %get3A_471 = tpu.vector_load %arg16[%get3A_470] {strides = array<i32>} : memref<8208xi32, #tpu.memory_space<vmem>>, vector<16xi32>,
    %jit3A_472 = arith.constant 0 : i32
    %broadcast_in_dim3A_473 = vector.broadcast %jit3A_472 : i32 to vector<16xi32>
    %select_n3A_474 = arith.select %lt3A_469, %get3A_471, %broadcast_in_dim3A_473 : vector<16xi1>, vector<16xi32>
    %gather3A_475 = tpu.vector_load_idx %arg14[%select_n3A_474] : memref<8192xf32, #tpu.memory_space<vmem>>[vector<16xi32>], vector<16xf32>,
    %lt3A_476 = vector.broadcast %scan3A_20#0 : i32 to vector<16xi32>
    %lt3A_477 = arith.cmpi slt, %add3A_467, %lt3A_476 : vector<16xi32>
    %jit3A_478 = arith.constant 0.000000e+00 : f32
    %broadcast_in_dim3A_479 = vector.broadcast %jit3A_478 : f32 to vector<16xf32>
    %select_n3A_480 = arith.select %lt3A_477, %gather3A_475, %broadcast_in_dim3A_479 : vector<16xi1>, vector<16xf32>
    %swap3A_481 = arith.constant 112 : index
    %swap3A_482 = tpu.vector_load %arg19[%swap3A_481] {strides = array<i32>} : memref<256xf32, #tpu.memory_space<vmem>>, vector<16xf32>,
    tpu.vector_store %arg19[%swap3A_481], %select_n3A_480 {strides = array<i32>} : memref<256xf32, #tpu.memory_space<vmem>>, vector<16xf32>,
    %add3A_483 = arith.constant 128 : i32
    %add3A_484 = vector.broadcast %add3A_483 : i32 to vector<16xi32>
    %add3A_485 = arith.addi %iota3A, %add3A_484 : vector<16xi32>
    %lt3A_486 = vector.broadcast %scan3A_20#0 : i32 to vector<16xi32>
    %lt3A_487 = arith.cmpi slt, %add3A_485, %lt3A_486 : vector<16xi32>
    %get3A_488 = arith.constant 128 : index
    %get3A_489 = tpu.vector_load %arg16[%get3A_488] {strides = array<i32>} : memref<8208xi32, #tpu.memory_space<vmem>>, vector<16xi32>,
    %jit3A_490 = arith.constant 0 : i32
    %broadcast_in_dim3A_491 = vector.broadcast %jit3A_490 : i32 to vector<16xi32>
    %select_n3A_492 = arith.select %lt3A_487, %get3A_489, %broadcast_in_dim3A_491 : vector<16xi1>, vector<16xi32>
    %gather3A_493 = tpu.vector_load_idx %arg14[%select_n3A_492] : memref<8192xf32, #tpu.memory_space<vmem>>[vector<16xi32>], vector<16xf32>,
    %lt3A_494 = vector.broadcast %scan3A_20#0 : i32 to vector<16xi32>
    %lt3A_495 = arith.cmpi slt, %add3A_485, %lt3A_494 : vector<16xi32>
    %jit3A_496 = arith.constant 0.000000e+00 : f32
    %broadcast_in_dim3A_497 = vector.broadcast %jit3A_496 : f32 to vector<16xf32>
    %select_n3A_498 = arith.select %lt3A_495, %gather3A_493, %broadcast_in_dim3A_497 : vector<16xi1>, vector<16xf32>
    %swap3A_499 = arith.constant 128 : index
    %swap3A_500 = tpu.vector_load %arg19[%swap3A_499] {strides = array<i32>} : memref<256xf32, #tpu.memory_space<vmem>>, vector<16xf32>,
    tpu.vector_store %arg19[%swap3A_499], %select_n3A_498 {strides = array<i32>} : memref<256xf32, #tpu.memory_space<vmem>>, vector<16xf32>,
    %add3A_501 = arith.constant 144 : i32
    %add3A_502 = vector.broadcast %add3A_501 : i32 to vector<16xi32>
    %add3A_503 = arith.addi %iota3A, %add3A_502 : vector<16xi32>
    %lt3A_504 = vector.broadcast %scan3A_20#0 : i32 to vector<16xi32>
    %lt3A_505 = arith.cmpi slt, %add3A_503, %lt3A_504 : vector<16xi32>
    %get3A_506 = arith.constant 144 : index
    %get3A_507 = tpu.vector_load %arg16[%get3A_506] {strides = array<i32>} : memref<8208xi32, #tpu.memory_space<vmem>>, vector<16xi32>,
    %jit3A_508 = arith.constant 0 : i32
    %broadcast_in_dim3A_509 = vector.broadcast %jit3A_508 : i32 to vector<16xi32>
    %select_n3A_510 = arith.select %lt3A_505, %get3A_507, %broadcast_in_dim3A_509 : vector<16xi1>, vector<16xi32>
    %gather3A_511 = tpu.vector_load_idx %arg14[%select_n3A_510] : memref<8192xf32, #tpu.memory_space<vmem>>[vector<16xi32>], vector<16xf32>,
    %lt3A_512 = vector.broadcast %scan3A_20#0 : i32 to vector<16xi32>
    %lt3A_513 = arith.cmpi slt, %add3A_503, %lt3A_512 : vector<16xi32>
    %jit3A_514 = arith.constant 0.000000e+00 : f32
    %broadcast_in_dim3A_515 = vector.broadcast %jit3A_514 : f32 to vector<16xf32>
    %select_n3A_516 = arith.select %lt3A_513, %gather3A_511, %broadcast_in_dim3A_515 : vector<16xi1>, vector<16xf32>
    %swap3A_517 = arith.constant 144 : index
    %swap3A_518 = tpu.vector_load %arg19[%swap3A_517] {strides = array<i32>} : memref<256xf32, #tpu.memory_space<vmem>>, vector<16xf32>,
    tpu.vector_store %arg19[%swap3A_517], %select_n3A_516 {strides = array<i32>} : memref<256xf32, #tpu.memory_space<vmem>>, vector<16xf32>,
    %add3A_519 = arith.constant 160 : i32
    %add3A_520 = vector.broadcast %add3A_519 : i32 to vector<16xi32>
    %add3A_521 = arith.addi %iota3A, %add3A_520 : vector<16xi32>
    %lt3A_522 = vector.broadcast %scan3A_20#0 : i32 to vector<16xi32>
    %lt3A_523 = arith.cmpi slt, %add3A_521, %lt3A_522 : vector<16xi32>
    %get3A_524 = arith.constant 160 : index
    %get3A_525 = tpu.vector_load %arg16[%get3A_524] {strides = array<i32>} : memref<8208xi32, #tpu.memory_space<vmem>>, vector<16xi32>,
    %jit3A_526 = arith.constant 0 : i32
    %broadcast_in_dim3A_527 = vector.broadcast %jit3A_526 : i32 to vector<16xi32>
    %select_n3A_528 = arith.select %lt3A_523, %get3A_525, %broadcast_in_dim3A_527 : vector<16xi1>, vector<16xi32>
    %gather3A_529 = tpu.vector_load_idx %arg14[%select_n3A_528] : memref<8192xf32, #tpu.memory_space<vmem>>[vector<16xi32>], vector<16xf32>,
    %lt3A_530 = vector.broadcast %scan3A_20#0 : i32 to vector<16xi32>
    %lt3A_531 = arith.cmpi slt, %add3A_521, %lt3A_530 : vector<16xi32>
    %jit3A_532 = arith.constant 0.000000e+00 : f32
    %broadcast_in_dim3A_533 = vector.broadcast %jit3A_532 : f32 to vector<16xf32>
    %select_n3A_534 = arith.select %lt3A_531, %gather3A_529, %broadcast_in_dim3A_533 : vector<16xi1>, vector<16xf32>
    %swap3A_535 = arith.constant 160 : index
    %swap3A_536 = tpu.vector_load %arg19[%swap3A_535] {strides = array<i32>} : memref<256xf32, #tpu.memory_space<vmem>>, vector<16xf32>,
    tpu.vector_store %arg19[%swap3A_535], %select_n3A_534 {strides = array<i32>} : memref<256xf32, #tpu.memory_space<vmem>>, vector<16xf32>,
    %add3A_537 = arith.constant 176 : i32
    %add3A_538 = vector.broadcast %add3A_537 : i32 to vector<16xi32>
    %add3A_539 = arith.addi %iota3A, %add3A_538 : vector<16xi32>
    %lt3A_540 = vector.broadcast %scan3A_20#0 : i32 to vector<16xi32>
    %lt3A_541 = arith.cmpi slt, %add3A_539, %lt3A_540 : vector<16xi32>
    %get3A_542 = arith.constant 176 : index
    %get3A_543 = tpu.vector_load %arg16[%get3A_542] {strides = array<i32>} : memref<8208xi32, #tpu.memory_space<vmem>>, vector<16xi32>,
    %jit3A_544 = arith.constant 0 : i32
    %broadcast_in_dim3A_545 = vector.broadcast %jit3A_544 : i32 to vector<16xi32>
    %select_n3A_546 = arith.select %lt3A_541, %get3A_543, %broadcast_in_dim3A_545 : vector<16xi1>, vector<16xi32>
    %gather3A_547 = tpu.vector_load_idx %arg14[%select_n3A_546] : memref<8192xf32, #tpu.memory_space<vmem>>[vector<16xi32>], vector<16xf32>,
    %lt3A_548 = vector.broadcast %scan3A_20#0 : i32 to vector<16xi32>
    %lt3A_549 = arith.cmpi slt, %add3A_539, %lt3A_548 : vector<16xi32>
    %jit3A_550 = arith.constant 0.000000e+00 : f32
    %broadcast_in_dim3A_551 = vector.broadcast %jit3A_550 : f32 to vector<16xf32>
    %select_n3A_552 = arith.select %lt3A_549, %gather3A_547, %broadcast_in_dim3A_551 : vector<16xi1>, vector<16xf32>
    %swap3A_553 = arith.constant 176 : index
    %swap3A_554 = tpu.vector_load %arg19[%swap3A_553] {strides = array<i32>} : memref<256xf32, #tpu.memory_space<vmem>>, vector<16xf32>,
    tpu.vector_store %arg19[%swap3A_553], %select_n3A_552 {strides = array<i32>} : memref<256xf32, #tpu.memory_space<vmem>>, vector<16xf32>,
    %add3A_555 = arith.constant 192 : i32
    %add3A_556 = vector.broadcast %add3A_555 : i32 to vector<16xi32>
    %add3A_557 = arith.addi %iota3A, %add3A_556 : vector<16xi32>
    %lt3A_558 = vector.broadcast %scan3A_20#0 : i32 to vector<16xi32>
    %lt3A_559 = arith.cmpi slt, %add3A_557, %lt3A_558 : vector<16xi32>
    %get3A_560 = arith.constant 192 : index
    %get3A_561 = tpu.vector_load %arg16[%get3A_560] {strides = array<i32>} : memref<8208xi32, #tpu.memory_space<vmem>>, vector<16xi32>,
    %jit3A_562 = arith.constant 0 : i32
    %broadcast_in_dim3A_563 = vector.broadcast %jit3A_562 : i32 to vector<16xi32>
    %select_n3A_564 = arith.select %lt3A_559, %get3A_561, %broadcast_in_dim3A_563 : vector<16xi1>, vector<16xi32>
    %gather3A_565 = tpu.vector_load_idx %arg14[%select_n3A_564] : memref<8192xf32, #tpu.memory_space<vmem>>[vector<16xi32>], vector<16xf32>,
    %lt3A_566 = vector.broadcast %scan3A_20#0 : i32 to vector<16xi32>
    %lt3A_567 = arith.cmpi slt, %add3A_557, %lt3A_566 : vector<16xi32>
    %jit3A_568 = arith.constant 0.000000e+00 : f32
    %broadcast_in_dim3A_569 = vector.broadcast %jit3A_568 : f32 to vector<16xf32>
    %select_n3A_570 = arith.select %lt3A_567, %gather3A_565, %broadcast_in_dim3A_569 : vector<16xi1>, vector<16xf32>
    %swap3A_571 = arith.constant 192 : index
    %swap3A_572 = tpu.vector_load %arg19[%swap3A_571] {strides = array<i32>} : memref<256xf32, #tpu.memory_space<vmem>>, vector<16xf32>,
    tpu.vector_store %arg19[%swap3A_571], %select_n3A_570 {strides = array<i32>} : memref<256xf32, #tpu.memory_space<vmem>>, vector<16xf32>,
    %add3A_573 = arith.constant 208 : i32
    %add3A_574 = vector.broadcast %add3A_573 : i32 to vector<16xi32>
    %add3A_575 = arith.addi %iota3A, %add3A_574 : vector<16xi32>
    %lt3A_576 = vector.broadcast %scan3A_20#0 : i32 to vector<16xi32>
    %lt3A_577 = arith.cmpi slt, %add3A_575, %lt3A_576 : vector<16xi32>
    %get3A_578 = arith.constant 208 : index
    %get3A_579 = tpu.vector_load %arg16[%get3A_578] {strides = array<i32>} : memref<8208xi32, #tpu.memory_space<vmem>>, vector<16xi32>,
    %jit3A_580 = arith.constant 0 : i32
    %broadcast_in_dim3A_581 = vector.broadcast %jit3A_580 : i32 to vector<16xi32>
    %select_n3A_582 = arith.select %lt3A_577, %get3A_579, %broadcast_in_dim3A_581 : vector<16xi1>, vector<16xi32>
    %gather3A_583 = tpu.vector_load_idx %arg14[%select_n3A_582] : memref<8192xf32, #tpu.memory_space<vmem>>[vector<16xi32>], vector<16xf32>,
    %lt3A_584 = vector.broadcast %scan3A_20#0 : i32 to vector<16xi32>
    %lt3A_585 = arith.cmpi slt, %add3A_575, %lt3A_584 : vector<16xi32>
    %jit3A_586 = arith.constant 0.000000e+00 : f32
    %broadcast_in_dim3A_587 = vector.broadcast %jit3A_586 : f32 to vector<16xf32>
    %select_n3A_588 = arith.select %lt3A_585, %gather3A_583, %broadcast_in_dim3A_587 : vector<16xi1>, vector<16xf32>
    %swap3A_589 = arith.constant 208 : index
    %swap3A_590 = tpu.vector_load %arg19[%swap3A_589] {strides = array<i32>} : memref<256xf32, #tpu.memory_space<vmem>>, vector<16xf32>,
    tpu.vector_store %arg19[%swap3A_589], %select_n3A_588 {strides = array<i32>} : memref<256xf32, #tpu.memory_space<vmem>>, vector<16xf32>,
    %add3A_591 = arith.constant 224 : i32
    %add3A_592 = vector.broadcast %add3A_591 : i32 to vector<16xi32>
    %add3A_593 = arith.addi %iota3A, %add3A_592 : vector<16xi32>
    %lt3A_594 = vector.broadcast %scan3A_20#0 : i32 to vector<16xi32>
    %lt3A_595 = arith.cmpi slt, %add3A_593, %lt3A_594 : vector<16xi32>
    %get3A_596 = arith.constant 224 : index
    %get3A_597 = tpu.vector_load %arg16[%get3A_596] {strides = array<i32>} : memref<8208xi32, #tpu.memory_space<vmem>>, vector<16xi32>,
    %jit3A_598 = arith.constant 0 : i32
    %broadcast_in_dim3A_599 = vector.broadcast %jit3A_598 : i32 to vector<16xi32>
    %select_n3A_600 = arith.select %lt3A_595, %get3A_597, %broadcast_in_dim3A_599 : vector<16xi1>, vector<16xi32>
    %gather3A_601 = tpu.vector_load_idx %arg14[%select_n3A_600] : memref<8192xf32, #tpu.memory_space<vmem>>[vector<16xi32>], vector<16xf32>,
    %lt3A_602 = vector.broadcast %scan3A_20#0 : i32 to vector<16xi32>
    %lt3A_603 = arith.cmpi slt, %add3A_593, %lt3A_602 : vector<16xi32>
    %jit3A_604 = arith.constant 0.000000e+00 : f32
    %broadcast_in_dim3A_605 = vector.broadcast %jit3A_604 : f32 to vector<16xf32>
    %select_n3A_606 = arith.select %lt3A_603, %gather3A_601, %broadcast_in_dim3A_605 : vector<16xi1>, vector<16xf32>
    %swap3A_607 = arith.constant 224 : index
    %swap3A_608 = tpu.vector_load %arg19[%swap3A_607] {strides = array<i32>} : memref<256xf32, #tpu.memory_space<vmem>>, vector<16xf32>,
    tpu.vector_store %arg19[%swap3A_607], %select_n3A_606 {strides = array<i32>} : memref<256xf32, #tpu.memory_space<vmem>>, vector<16xf32>,
    %add3A_609 = arith.constant 240 : i32
    %add3A_610 = vector.broadcast %add3A_609 : i32 to vector<16xi32>
    %add3A_611 = arith.addi %iota3A, %add3A_610 : vector<16xi32>
    %lt3A_612 = vector.broadcast %scan3A_20#0 : i32 to vector<16xi32>
    %lt3A_613 = arith.cmpi slt, %add3A_611, %lt3A_612 : vector<16xi32>
    %get3A_614 = arith.constant 240 : index
    %get3A_615 = tpu.vector_load %arg16[%get3A_614] {strides = array<i32>} : memref<8208xi32, #tpu.memory_space<vmem>>, vector<16xi32>,
    %jit3A_616 = arith.constant 0 : i32
    %broadcast_in_dim3A_617 = vector.broadcast %jit3A_616 : i32 to vector<16xi32>
    %select_n3A_618 = arith.select %lt3A_613, %get3A_615, %broadcast_in_dim3A_617 : vector<16xi1>, vector<16xi32>
    %gather3A_619 = tpu.vector_load_idx %arg14[%select_n3A_618] : memref<8192xf32, #tpu.memory_space<vmem>>[vector<16xi32>], vector<16xf32>,
    %lt3A_620 = vector.broadcast %scan3A_20#0 : i32 to vector<16xi32>
    %lt3A_621 = arith.cmpi slt, %add3A_611, %lt3A_620 : vector<16xi32>
    %jit3A_622 = arith.constant 0.000000e+00 : f32
    %broadcast_in_dim3A_623 = vector.broadcast %jit3A_622 : f32 to vector<16xf32>
    %select_n3A_624 = arith.select %lt3A_621, %gather3A_619, %broadcast_in_dim3A_623 : vector<16xi1>, vector<16xf32>
    %swap3A_625 = arith.constant 240 : index
    %swap3A_626 = tpu.vector_load %arg19[%swap3A_625] {strides = array<i32>} : memref<256xf32, #tpu.memory_space<vmem>>, vector<16xf32>,
    tpu.vector_store %arg19[%swap3A_625], %select_n3A_624 {strides = array<i32>} : memref<256xf32, #tpu.memory_space<vmem>>, vector<16xf32>,
    "tpu.region"() ({
      %run_scoped3A = tpu.sem_alloc : memref<!tpu.dma_semaphore, #tpu.memory_space<semaphore_mem>>
      %dma_start3A = tpu.memref_slice %arg8[%mul3A_338] : memref<33280xf32, #tpu.memory_space<hbm>> -> memref<256xf32, #tpu.memory_space<hbm>>
      %dma_start3A_1265 = tpu.memref_slice %arg8[%mul3A_338] : memref<33280xf32, #tpu.memory_space<hbm>> -> memref<256xf32, #tpu.memory_space<hbm>>
      tpu.enqueue_dma source(%arg19 : memref<256xf32, #tpu.memory_space<vmem>>) target(%dma_start3A_1265 : memref<256xf32, #tpu.memory_space<hbm>>) target_semaphore(%run_scoped3A : memref<!tpu.dma_semaphore, #tpu.memory_space<semaphore_mem>>)
      %dma_wait3A = tpu.memref_slice %arg8[%mul3A_338] : memref<33280xf32, #tpu.memory_space<hbm>> -> memref<256xf32, #tpu.memory_space<hbm>>
      %dma_wait3A_1266 = tpu.memref_slice %arg8[%mul3A_338] : memref<33280xf32, #tpu.memory_space<hbm>> -> memref<256xf32, #tpu.memory_space<hbm>>
      tpu.wait_dma2 semaphore(%run_scoped3A : memref<!tpu.dma_semaphore, #tpu.memory_space<semaphore_mem>>) src(%arg19 : memref<256xf32, #tpu.memory_space<vmem>>) dst(%dma_wait3A_1266 : memref<256xf32, #tpu.memory_space<hbm>>)
      tpu.yield
    }) : () -> ()
    %scan3A_627 = arith.constant 0 : i32
    %scan3A_628 = arith.constant 0 : i32
    %scan3A_629 = arith.constant 64 : i32
    %scan3A_630 = arith.addi %scan3A_628, %scan3A_629 : i32
    %scan3A_631 = arith.constant 1 : i32
    %scan3A_632 = scf.for %scan3A_1265 = %scan3A_628 to %scan3A_630 step %scan3A_631 iter_args(%scan3A_1266 = %scan3A_627) -> (i32)  : i32 {
      %mul3A_1267 = arith.constant 128 : i32
      %mul3A_1268 = arith.muli %scan3A_1265, %mul3A_1267 : i32
      %lt3A_1269 = arith.cmpi slt, %mul3A_1268, %scan3A_20#0 : i32
      %convert_element_type3A = arith.extui %lt3A_1269 : i1 to i32
      %cond3A = arith.constant 0 : i32
      %cond3A_1270 = arith.cmpi ne, %convert_element_type3A, %cond3A : i32
      scf.if %cond3A_1270 {
        %mul3A_1272 = arith.constant 128 : i32
        %mul3A_1273 = arith.muli %scan3A_1265, %mul3A_1272 : i32
        %add3A_1274 = arith.constant 0 : i32
        %add3A_1275 = arith.addi %mul3A_1273, %add3A_1274 : i32
        %add3A_1276 = vector.broadcast %add3A_1275 : i32 to vector<16xi32>
        %add3A_1277 = arith.addi %iota3A, %add3A_1276 : vector<16xi32>
        %get3A_1278 = arith.index_cast %add3A_1275 : i32 to index
        %get3A_1279 = tpu.vector_load %arg16[%get3A_1278] {strides = array<i32>} : memref<8208xi32, #tpu.memory_space<vmem>>, vector<16xi32>,
        %lt3A_1280 = vector.broadcast %scan3A_20#0 : i32 to vector<16xi32>
        %lt3A_1281 = arith.cmpi slt, %add3A_1277, %lt3A_1280 : vector<16xi32>
        %and3A = arith.constant 255 : i32
        %and3A_1282 = vector.broadcast %and3A : i32 to vector<16xi32>
        %and3A_1283 = arith.andi %add3A_1277, %and3A_1282 : vector<16xi32>
        %add3A_1284 = arith.constant 8192 : i32
        %add3A_1285 = vector.broadcast %add3A_1284 : i32 to vector<16xi32>
        %add3A_1286 = arith.addi %add3A_1285, %and3A_1283 : vector<16xi32>
        %select_n3A_1287 = arith.select %lt3A_1281, %get3A_1279, %add3A_1286 : vector<16xi1>, vector<16xi32>
        %swap3A_1288 = arith.constant 0 : i32
        %swap3A_1289 = arith.index_cast %swap3A_1288 : i32 to index
        %swap3A_1290 = arith.constant 0 : index
        %swap3A_1291 = tpu.vector_load %arg20[%swap3A_1289, %swap3A_1290] {strides = array<i32>} : memref<1x128xi32, #tpu.memory_space<vmem>>, vector<16xi32>,
        tpu.vector_store %arg20[%swap3A_1289, %swap3A_1290], %select_n3A_1287 {strides = array<i32>} : memref<1x128xi32, #tpu.memory_space<vmem>>, vector<16xi32>,
        %min3A = arith.constant 256 : i32
        %min3A_1292 = arith.minsi %scan3A_20#0, %min3A : i32
        %lt3A_1293 = vector.broadcast %min3A_1292 : i32 to vector<16xi32>
        %lt3A_1294 = arith.cmpi slt, %add3A_1277, %lt3A_1293 : vector<16xi32>
        %add3A_1295 = vector.broadcast %mul3A_338 : i32 to vector<16xi32>
        %add3A_1296 = arith.addi %add3A_1295, %add3A_1277 : vector<16xi32>
        %and3A_1297 = arith.constant 511 : i32
        %and3A_1298 = vector.broadcast %and3A_1297 : i32 to vector<16xi32>
        %and3A_1299 = arith.andi %add3A_1277, %and3A_1298 : vector<16xi32>
        %add3A_1300 = arith.constant 32768 : i32
        %add3A_1301 = vector.broadcast %add3A_1300 : i32 to vector<16xi32>
        %add3A_1302 = arith.addi %add3A_1301, %and3A_1299 : vector<16xi32>
        %select_n3A_1303 = arith.select %lt3A_1294, %add3A_1296, %add3A_1302 : vector<16xi1>, vector<16xi32>
        %swap3A_1304 = arith.constant 0 : index
        %swap3A_1305 = tpu.vector_load %arg21[%swap3A_1304] {strides = array<i32>} : memref<128xi32, #tpu.memory_space<vmem>>, vector<16xi32>,
        tpu.vector_store %arg21[%swap3A_1304], %select_n3A_1303 {strides = array<i32>} : memref<128xi32, #tpu.memory_space<vmem>>, vector<16xi32>,
        %mul3A_1306 = arith.constant 128 : i32
        %mul3A_1307 = arith.muli %scan3A_1265, %mul3A_1306 : i32
        %add3A_1308 = arith.constant 16 : i32
        %add3A_1309 = arith.addi %mul3A_1307, %add3A_1308 : i32
        %add3A_1310 = vector.broadcast %add3A_1309 : i32 to vector<16xi32>
        %add3A_1311 = arith.addi %iota3A, %add3A_1310 : vector<16xi32>
        %get3A_1312 = arith.index_cast %add3A_1309 : i32 to index
        %get3A_1313 = tpu.vector_load %arg16[%get3A_1312] {strides = array<i32>} : memref<8208xi32, #tpu.memory_space<vmem>>, vector<16xi32>,
        %lt3A_1314 = vector.broadcast %scan3A_20#0 : i32 to vector<16xi32>
        %lt3A_1315 = arith.cmpi slt, %add3A_1311, %lt3A_1314 : vector<16xi32>
        %and3A_1316 = arith.constant 255 : i32
        %and3A_1317 = vector.broadcast %and3A_1316 : i32 to vector<16xi32>
        %and3A_1318 = arith.andi %add3A_1311, %and3A_1317 : vector<16xi32>
        %add3A_1319 = arith.constant 8192 : i32
        %add3A_1320 = vector.broadcast %add3A_1319 : i32 to vector<16xi32>
        %add3A_1321 = arith.addi %add3A_1320, %and3A_1318 : vector<16xi32>
        %select_n3A_1322 = arith.select %lt3A_1315, %get3A_1313, %add3A_1321 : vector<16xi1>, vector<16xi32>
        %swap3A_1323 = arith.constant 0 : i32
        %swap3A_1324 = arith.index_cast %swap3A_1323 : i32 to index
        %swap3A_1325 = arith.constant 16 : index
        %swap3A_1326 = tpu.vector_load %arg20[%swap3A_1324, %swap3A_1325] {strides = array<i32>} : memref<1x128xi32, #tpu.memory_space<vmem>>, vector<16xi32>,
        tpu.vector_store %arg20[%swap3A_1324, %swap3A_1325], %select_n3A_1322 {strides = array<i32>} : memref<1x128xi32, #tpu.memory_space<vmem>>, vector<16xi32>,
        %min3A_1327 = arith.constant 256 : i32
        %min3A_1328 = arith.minsi %scan3A_20#0, %min3A_1327 : i32
        %lt3A_1329 = vector.broadcast %min3A_1328 : i32 to vector<16xi32>
        %lt3A_1330 = arith.cmpi slt, %add3A_1311, %lt3A_1329 : vector<16xi32>
        %add3A_1331 = vector.broadcast %mul3A_338 : i32 to vector<16xi32>
        %add3A_1332 = arith.addi %add3A_1331, %add3A_1311 : vector<16xi32>
        %and3A_1333 = arith.constant 511 : i32
        %and3A_1334 = vector.broadcast %and3A_1333 : i32 to vector<16xi32>
        %and3A_1335 = arith.andi %add3A_1311, %and3A_1334 : vector<16xi32>
        %add3A_1336 = arith.constant 32768 : i32
        %add3A_1337 = vector.broadcast %add3A_1336 : i32 to vector<16xi32>
        %add3A_1338 = arith.addi %add3A_1337, %and3A_1335 : vector<16xi32>
        %select_n3A_1339 = arith.select %lt3A_1330, %add3A_1332, %add3A_1338 : vector<16xi1>, vector<16xi32>
        %swap3A_1340 = arith.constant 16 : index
        %swap3A_1341 = tpu.vector_load %arg21[%swap3A_1340] {strides = array<i32>} : memref<128xi32, #tpu.memory_space<vmem>>, vector<16xi32>,
        tpu.vector_store %arg21[%swap3A_1340], %select_n3A_1339 {strides = array<i32>} : memref<128xi32, #tpu.memory_space<vmem>>, vector<16xi32>,
        %mul3A_1342 = arith.constant 128 : i32
        %mul3A_1343 = arith.muli %scan3A_1265, %mul3A_1342 : i32
        %add3A_1344 = arith.constant 32 : i32
        %add3A_1345 = arith.addi %mul3A_1343, %add3A_1344 : i32
        %add3A_1346 = vector.broadcast %add3A_1345 : i32 to vector<16xi32>
        %add3A_1347 = arith.addi %iota3A, %add3A_1346 : vector<16xi32>
        %get3A_1348 = arith.index_cast %add3A_1345 : i32 to index
        %get3A_1349 = tpu.vector_load %arg16[%get3A_1348] {strides = array<i32>} : memref<8208xi32, #tpu.memory_space<vmem>>, vector<16xi32>,
        %lt3A_1350 = vector.broadcast %scan3A_20#0 : i32 to vector<16xi32>
        %lt3A_1351 = arith.cmpi slt, %add3A_1347, %lt3A_1350 : vector<16xi32>
        %and3A_1352 = arith.constant 255 : i32
        %and3A_1353 = vector.broadcast %and3A_1352 : i32 to vector<16xi32>
        %and3A_1354 = arith.andi %add3A_1347, %and3A_1353 : vector<16xi32>
        %add3A_1355 = arith.constant 8192 : i32
        %add3A_1356 = vector.broadcast %add3A_1355 : i32 to vector<16xi32>
        %add3A_1357 = arith.addi %add3A_1356, %and3A_1354 : vector<16xi32>
        %select_n3A_1358 = arith.select %lt3A_1351, %get3A_1349, %add3A_1357 : vector<16xi1>, vector<16xi32>
        %swap3A_1359 = arith.constant 0 : i32
        %swap3A_1360 = arith.index_cast %swap3A_1359 : i32 to index
        %swap3A_1361 = arith.constant 32 : index
        %swap3A_1362 = tpu.vector_load %arg20[%swap3A_1360, %swap3A_1361] {strides = array<i32>} : memref<1x128xi32, #tpu.memory_space<vmem>>, vector<16xi32>,
        tpu.vector_store %arg20[%swap3A_1360, %swap3A_1361], %select_n3A_1358 {strides = array<i32>} : memref<1x128xi32, #tpu.memory_space<vmem>>, vector<16xi32>,
        %min3A_1363 = arith.constant 256 : i32
        %min3A_1364 = arith.minsi %scan3A_20#0, %min3A_1363 : i32
        %lt3A_1365 = vector.broadcast %min3A_1364 : i32 to vector<16xi32>
        %lt3A_1366 = arith.cmpi slt, %add3A_1347, %lt3A_1365 : vector<16xi32>
        %add3A_1367 = vector.broadcast %mul3A_338 : i32 to vector<16xi32>
        %add3A_1368 = arith.addi %add3A_1367, %add3A_1347 : vector<16xi32>
        %and3A_1369 = arith.constant 511 : i32
        %and3A_1370 = vector.broadcast %and3A_1369 : i32 to vector<16xi32>
        %and3A_1371 = arith.andi %add3A_1347, %and3A_1370 : vector<16xi32>
        %add3A_1372 = arith.constant 32768 : i32
        %add3A_1373 = vector.broadcast %add3A_1372 : i32 to vector<16xi32>
        %add3A_1374 = arith.addi %add3A_1373, %and3A_1371 : vector<16xi32>
        %select_n3A_1375 = arith.select %lt3A_1366, %add3A_1368, %add3A_1374 : vector<16xi1>, vector<16xi32>
        %swap3A_1376 = arith.constant 32 : index
        %swap3A_1377 = tpu.vector_load %arg21[%swap3A_1376] {strides = array<i32>} : memref<128xi32, #tpu.memory_space<vmem>>, vector<16xi32>,
        tpu.vector_store %arg21[%swap3A_1376], %select_n3A_1375 {strides = array<i32>} : memref<128xi32, #tpu.memory_space<vmem>>, vector<16xi32>,
        %mul3A_1378 = arith.constant 128 : i32
        %mul3A_1379 = arith.muli %scan3A_1265, %mul3A_1378 : i32
        %add3A_1380 = arith.constant 48 : i32
        %add3A_1381 = arith.addi %mul3A_1379, %add3A_1380 : i32
        %add3A_1382 = vector.broadcast %add3A_1381 : i32 to vector<16xi32>
        %add3A_1383 = arith.addi %iota3A, %add3A_1382 : vector<16xi32>
        %get3A_1384 = arith.index_cast %add3A_1381 : i32 to index
        %get3A_1385 = tpu.vector_load %arg16[%get3A_1384] {strides = array<i32>} : memref<8208xi32, #tpu.memory_space<vmem>>, vector<16xi32>,
        %lt3A_1386 = vector.broadcast %scan3A_20#0 : i32 to vector<16xi32>
        %lt3A_1387 = arith.cmpi slt, %add3A_1383, %lt3A_1386 : vector<16xi32>
        %and3A_1388 = arith.constant 255 : i32
        %and3A_1389 = vector.broadcast %and3A_1388 : i32 to vector<16xi32>
        %and3A_1390 = arith.andi %add3A_1383, %and3A_1389 : vector<16xi32>
        %add3A_1391 = arith.constant 8192 : i32
        %add3A_1392 = vector.broadcast %add3A_1391 : i32 to vector<16xi32>
        %add3A_1393 = arith.addi %add3A_1392, %and3A_1390 : vector<16xi32>
        %select_n3A_1394 = arith.select %lt3A_1387, %get3A_1385, %add3A_1393 : vector<16xi1>, vector<16xi32>
        %swap3A_1395 = arith.constant 0 : i32
        %swap3A_1396 = arith.index_cast %swap3A_1395 : i32 to index
        %swap3A_1397 = arith.constant 48 : index
        %swap3A_1398 = tpu.vector_load %arg20[%swap3A_1396, %swap3A_1397] {strides = array<i32>} : memref<1x128xi32, #tpu.memory_space<vmem>>, vector<16xi32>,
        tpu.vector_store %arg20[%swap3A_1396, %swap3A_1397], %select_n3A_1394 {strides = array<i32>} : memref<1x128xi32, #tpu.memory_space<vmem>>, vector<16xi32>,
        %min3A_1399 = arith.constant 256 : i32
        %min3A_1400 = arith.minsi %scan3A_20#0, %min3A_1399 : i32
        %lt3A_1401 = vector.broadcast %min3A_1400 : i32 to vector<16xi32>
        %lt3A_1402 = arith.cmpi slt, %add3A_1383, %lt3A_1401 : vector<16xi32>
        %add3A_1403 = vector.broadcast %mul3A_338 : i32 to vector<16xi32>
        %add3A_1404 = arith.addi %add3A_1403, %add3A_1383 : vector<16xi32>
        %and3A_1405 = arith.constant 511 : i32
        %and3A_1406 = vector.broadcast %and3A_1405 : i32 to vector<16xi32>
        %and3A_1407 = arith.andi %add3A_1383, %and3A_1406 : vector<16xi32>
        %add3A_1408 = arith.constant 32768 : i32
        %add3A_1409 = vector.broadcast %add3A_1408 : i32 to vector<16xi32>
        %add3A_1410 = arith.addi %add3A_1409, %and3A_1407 : vector<16xi32>
        %select_n3A_1411 = arith.select %lt3A_1402, %add3A_1404, %add3A_1410 : vector<16xi1>, vector<16xi32>
        %swap3A_1412 = arith.constant 48 : index
        %swap3A_1413 = tpu.vector_load %arg21[%swap3A_1412] {strides = array<i32>} : memref<128xi32, #tpu.memory_space<vmem>>, vector<16xi32>,
        tpu.vector_store %arg21[%swap3A_1412], %select_n3A_1411 {strides = array<i32>} : memref<128xi32, #tpu.memory_space<vmem>>, vector<16xi32>,
        %mul3A_1414 = arith.constant 128 : i32
        %mul3A_1415 = arith.muli %scan3A_1265, %mul3A_1414 : i32
        %add3A_1416 = arith.constant 64 : i32
        %add3A_1417 = arith.addi %mul3A_1415, %add3A_1416 : i32
        %add3A_1418 = vector.broadcast %add3A_1417 : i32 to vector<16xi32>
        %add3A_1419 = arith.addi %iota3A, %add3A_1418 : vector<16xi32>
        %get3A_1420 = arith.index_cast %add3A_1417 : i32 to index
        %get3A_1421 = tpu.vector_load %arg16[%get3A_1420] {strides = array<i32>} : memref<8208xi32, #tpu.memory_space<vmem>>, vector<16xi32>,
        %lt3A_1422 = vector.broadcast %scan3A_20#0 : i32 to vector<16xi32>
        %lt3A_1423 = arith.cmpi slt, %add3A_1419, %lt3A_1422 : vector<16xi32>
        %and3A_1424 = arith.constant 255 : i32
        %and3A_1425 = vector.broadcast %and3A_1424 : i32 to vector<16xi32>
        %and3A_1426 = arith.andi %add3A_1419, %and3A_1425 : vector<16xi32>
        %add3A_1427 = arith.constant 8192 : i32
        %add3A_1428 = vector.broadcast %add3A_1427 : i32 to vector<16xi32>
        %add3A_1429 = arith.addi %add3A_1428, %and3A_1426 : vector<16xi32>
        %select_n3A_1430 = arith.select %lt3A_1423, %get3A_1421, %add3A_1429 : vector<16xi1>, vector<16xi32>
        %swap3A_1431 = arith.constant 0 : i32
        %swap3A_1432 = arith.index_cast %swap3A_1431 : i32 to index
        %swap3A_1433 = arith.constant 64 : index
        %swap3A_1434 = tpu.vector_load %arg20[%swap3A_1432, %swap3A_1433] {strides = array<i32>} : memref<1x128xi32, #tpu.memory_space<vmem>>, vector<16xi32>,
        tpu.vector_store %arg20[%swap3A_1432, %swap3A_1433], %select_n3A_1430 {strides = array<i32>} : memref<1x128xi32, #tpu.memory_space<vmem>>, vector<16xi32>,
        %min3A_1435 = arith.constant 256 : i32
        %min3A_1436 = arith.minsi %scan3A_20#0, %min3A_1435 : i32
        %lt3A_1437 = vector.broadcast %min3A_1436 : i32 to vector<16xi32>
        %lt3A_1438 = arith.cmpi slt, %add3A_1419, %lt3A_1437 : vector<16xi32>
        %add3A_1439 = vector.broadcast %mul3A_338 : i32 to vector<16xi32>
        %add3A_1440 = arith.addi %add3A_1439, %add3A_1419 : vector<16xi32>
        %and3A_1441 = arith.constant 511 : i32
        %and3A_1442 = vector.broadcast %and3A_1441 : i32 to vector<16xi32>
        %and3A_1443 = arith.andi %add3A_1419, %and3A_1442 : vector<16xi32>
        %add3A_1444 = arith.constant 32768 : i32
        %add3A_1445 = vector.broadcast %add3A_1444 : i32 to vector<16xi32>
        %add3A_1446 = arith.addi %add3A_1445, %and3A_1443 : vector<16xi32>
        %select_n3A_1447 = arith.select %lt3A_1438, %add3A_1440, %add3A_1446 : vector<16xi1>, vector<16xi32>
        %swap3A_1448 = arith.constant 64 : index
        %swap3A_1449 = tpu.vector_load %arg21[%swap3A_1448] {strides = array<i32>} : memref<128xi32, #tpu.memory_space<vmem>>, vector<16xi32>,
        tpu.vector_store %arg21[%swap3A_1448], %select_n3A_1447 {strides = array<i32>} : memref<128xi32, #tpu.memory_space<vmem>>, vector<16xi32>,
        %mul3A_1450 = arith.constant 128 : i32
        %mul3A_1451 = arith.muli %scan3A_1265, %mul3A_1450 : i32
        %add3A_1452 = arith.constant 80 : i32
        %add3A_1453 = arith.addi %mul3A_1451, %add3A_1452 : i32
        %add3A_1454 = vector.broadcast %add3A_1453 : i32 to vector<16xi32>
        %add3A_1455 = arith.addi %iota3A, %add3A_1454 : vector<16xi32>
        %get3A_1456 = arith.index_cast %add3A_1453 : i32 to index
        %get3A_1457 = tpu.vector_load %arg16[%get3A_1456] {strides = array<i32>} : memref<8208xi32, #tpu.memory_space<vmem>>, vector<16xi32>,
        %lt3A_1458 = vector.broadcast %scan3A_20#0 : i32 to vector<16xi32>
        %lt3A_1459 = arith.cmpi slt, %add3A_1455, %lt3A_1458 : vector<16xi32>
        %and3A_1460 = arith.constant 255 : i32
        %and3A_1461 = vector.broadcast %and3A_1460 : i32 to vector<16xi32>
        %and3A_1462 = arith.andi %add3A_1455, %and3A_1461 : vector<16xi32>
        %add3A_1463 = arith.constant 8192 : i32
        %add3A_1464 = vector.broadcast %add3A_1463 : i32 to vector<16xi32>
        %add3A_1465 = arith.addi %add3A_1464, %and3A_1462 : vector<16xi32>
        %select_n3A_1466 = arith.select %lt3A_1459, %get3A_1457, %add3A_1465 : vector<16xi1>, vector<16xi32>
        %swap3A_1467 = arith.constant 0 : i32
        %swap3A_1468 = arith.index_cast %swap3A_1467 : i32 to index
        %swap3A_1469 = arith.constant 80 : index
        %swap3A_1470 = tpu.vector_load %arg20[%swap3A_1468, %swap3A_1469] {strides = array<i32>} : memref<1x128xi32, #tpu.memory_space<vmem>>, vector<16xi32>,
        tpu.vector_store %arg20[%swap3A_1468, %swap3A_1469], %select_n3A_1466 {strides = array<i32>} : memref<1x128xi32, #tpu.memory_space<vmem>>, vector<16xi32>,
        %min3A_1471 = arith.constant 256 : i32
        %min3A_1472 = arith.minsi %scan3A_20#0, %min3A_1471 : i32
        %lt3A_1473 = vector.broadcast %min3A_1472 : i32 to vector<16xi32>
        %lt3A_1474 = arith.cmpi slt, %add3A_1455, %lt3A_1473 : vector<16xi32>
        %add3A_1475 = vector.broadcast %mul3A_338 : i32 to vector<16xi32>
        %add3A_1476 = arith.addi %add3A_1475, %add3A_1455 : vector<16xi32>
        %and3A_1477 = arith.constant 511 : i32
        %and3A_1478 = vector.broadcast %and3A_1477 : i32 to vector<16xi32>
        %and3A_1479 = arith.andi %add3A_1455, %and3A_1478 : vector<16xi32>
        %add3A_1480 = arith.constant 32768 : i32
        %add3A_1481 = vector.broadcast %add3A_1480 : i32 to vector<16xi32>
        %add3A_1482 = arith.addi %add3A_1481, %and3A_1479 : vector<16xi32>
        %select_n3A_1483 = arith.select %lt3A_1474, %add3A_1476, %add3A_1482 : vector<16xi1>, vector<16xi32>
        %swap3A_1484 = arith.constant 80 : index
        %swap3A_1485 = tpu.vector_load %arg21[%swap3A_1484] {strides = array<i32>} : memref<128xi32, #tpu.memory_space<vmem>>, vector<16xi32>,
        tpu.vector_store %arg21[%swap3A_1484], %select_n3A_1483 {strides = array<i32>} : memref<128xi32, #tpu.memory_space<vmem>>, vector<16xi32>,
        %mul3A_1486 = arith.constant 128 : i32
        %mul3A_1487 = arith.muli %scan3A_1265, %mul3A_1486 : i32
        %add3A_1488 = arith.constant 96 : i32
        %add3A_1489 = arith.addi %mul3A_1487, %add3A_1488 : i32
        %add3A_1490 = vector.broadcast %add3A_1489 : i32 to vector<16xi32>
        %add3A_1491 = arith.addi %iota3A, %add3A_1490 : vector<16xi32>
        %get3A_1492 = arith.index_cast %add3A_1489 : i32 to index
        %get3A_1493 = tpu.vector_load %arg16[%get3A_1492] {strides = array<i32>} : memref<8208xi32, #tpu.memory_space<vmem>>, vector<16xi32>,
        %lt3A_1494 = vector.broadcast %scan3A_20#0 : i32 to vector<16xi32>
        %lt3A_1495 = arith.cmpi slt, %add3A_1491, %lt3A_1494 : vector<16xi32>
        %and3A_1496 = arith.constant 255 : i32
        %and3A_1497 = vector.broadcast %and3A_1496 : i32 to vector<16xi32>
        %and3A_1498 = arith.andi %add3A_1491, %and3A_1497 : vector<16xi32>
        %add3A_1499 = arith.constant 8192 : i32
        %add3A_1500 = vector.broadcast %add3A_1499 : i32 to vector<16xi32>
        %add3A_1501 = arith.addi %add3A_1500, %and3A_1498 : vector<16xi32>
        %select_n3A_1502 = arith.select %lt3A_1495, %get3A_1493, %add3A_1501 : vector<16xi1>, vector<16xi32>
        %swap3A_1503 = arith.constant 0 : i32
        %swap3A_1504 = arith.index_cast %swap3A_1503 : i32 to index
        %swap3A_1505 = arith.constant 96 : index
        %swap3A_1506 = tpu.vector_load %arg20[%swap3A_1504, %swap3A_1505] {strides = array<i32>} : memref<1x128xi32, #tpu.memory_space<vmem>>, vector<16xi32>,
        tpu.vector_store %arg20[%swap3A_1504, %swap3A_1505], %select_n3A_1502 {strides = array<i32>} : memref<1x128xi32, #tpu.memory_space<vmem>>, vector<16xi32>,
        %min3A_1507 = arith.constant 256 : i32
        %min3A_1508 = arith.minsi %scan3A_20#0, %min3A_1507 : i32
        %lt3A_1509 = vector.broadcast %min3A_1508 : i32 to vector<16xi32>
        %lt3A_1510 = arith.cmpi slt, %add3A_1491, %lt3A_1509 : vector<16xi32>
        %add3A_1511 = vector.broadcast %mul3A_338 : i32 to vector<16xi32>
        %add3A_1512 = arith.addi %add3A_1511, %add3A_1491 : vector<16xi32>
        %and3A_1513 = arith.constant 511 : i32
        %and3A_1514 = vector.broadcast %and3A_1513 : i32 to vector<16xi32>
        %and3A_1515 = arith.andi %add3A_1491, %and3A_1514 : vector<16xi32>
        %add3A_1516 = arith.constant 32768 : i32
        %add3A_1517 = vector.broadcast %add3A_1516 : i32 to vector<16xi32>
        %add3A_1518 = arith.addi %add3A_1517, %and3A_1515 : vector<16xi32>
        %select_n3A_1519 = arith.select %lt3A_1510, %add3A_1512, %add3A_1518 : vector<16xi1>, vector<16xi32>
        %swap3A_1520 = arith.constant 96 : index
        %swap3A_1521 = tpu.vector_load %arg21[%swap3A_1520] {strides = array<i32>} : memref<128xi32, #tpu.memory_space<vmem>>, vector<16xi32>,
        tpu.vector_store %arg21[%swap3A_1520], %select_n3A_1519 {strides = array<i32>} : memref<128xi32, #tpu.memory_space<vmem>>, vector<16xi32>,
        %mul3A_1522 = arith.constant 128 : i32
        %mul3A_1523 = arith.muli %scan3A_1265, %mul3A_1522 : i32
        %add3A_1524 = arith.constant 112 : i32
        %add3A_1525 = arith.addi %mul3A_1523, %add3A_1524 : i32
        %add3A_1526 = vector.broadcast %add3A_1525 : i32 to vector<16xi32>
        %add3A_1527 = arith.addi %iota3A, %add3A_1526 : vector<16xi32>
        %get3A_1528 = arith.index_cast %add3A_1525 : i32 to index
        %get3A_1529 = tpu.vector_load %arg16[%get3A_1528] {strides = array<i32>} : memref<8208xi32, #tpu.memory_space<vmem>>, vector<16xi32>,
        %lt3A_1530 = vector.broadcast %scan3A_20#0 : i32 to vector<16xi32>
        %lt3A_1531 = arith.cmpi slt, %add3A_1527, %lt3A_1530 : vector<16xi32>
        %and3A_1532 = arith.constant 255 : i32
        %and3A_1533 = vector.broadcast %and3A_1532 : i32 to vector<16xi32>
        %and3A_1534 = arith.andi %add3A_1527, %and3A_1533 : vector<16xi32>
        %add3A_1535 = arith.constant 8192 : i32
        %add3A_1536 = vector.broadcast %add3A_1535 : i32 to vector<16xi32>
        %add3A_1537 = arith.addi %add3A_1536, %and3A_1534 : vector<16xi32>
        %select_n3A_1538 = arith.select %lt3A_1531, %get3A_1529, %add3A_1537 : vector<16xi1>, vector<16xi32>
        %swap3A_1539 = arith.constant 0 : i32
        %swap3A_1540 = arith.index_cast %swap3A_1539 : i32 to index
        %swap3A_1541 = arith.constant 112 : index
        %swap3A_1542 = tpu.vector_load %arg20[%swap3A_1540, %swap3A_1541] {strides = array<i32>} : memref<1x128xi32, #tpu.memory_space<vmem>>, vector<16xi32>,
        tpu.vector_store %arg20[%swap3A_1540, %swap3A_1541], %select_n3A_1538 {strides = array<i32>} : memref<1x128xi32, #tpu.memory_space<vmem>>, vector<16xi32>,
        %min3A_1543 = arith.constant 256 : i32
        %min3A_1544 = arith.minsi %scan3A_20#0, %min3A_1543 : i32
        %lt3A_1545 = vector.broadcast %min3A_1544 : i32 to vector<16xi32>
        %lt3A_1546 = arith.cmpi slt, %add3A_1527, %lt3A_1545 : vector<16xi32>
        %add3A_1547 = vector.broadcast %mul3A_338 : i32 to vector<16xi32>
        %add3A_1548 = arith.addi %add3A_1547, %add3A_1527 : vector<16xi32>
        %and3A_1549 = arith.constant 511 : i32
        %and3A_1550 = vector.broadcast %and3A_1549 : i32 to vector<16xi32>
        %and3A_1551 = arith.andi %add3A_1527, %and3A_1550 : vector<16xi32>
        %add3A_1552 = arith.constant 32768 : i32
        %add3A_1553 = vector.broadcast %add3A_1552 : i32 to vector<16xi32>
        %add3A_1554 = arith.addi %add3A_1553, %and3A_1551 : vector<16xi32>
        %select_n3A_1555 = arith.select %lt3A_1546, %add3A_1548, %add3A_1554 : vector<16xi1>, vector<16xi32>
        %swap3A_1556 = arith.constant 112 : index
        %swap3A_1557 = tpu.vector_load %arg21[%swap3A_1556] {strides = array<i32>} : memref<128xi32, #tpu.memory_space<vmem>>, vector<16xi32>,
        tpu.vector_store %arg21[%swap3A_1556], %select_n3A_1555 {strides = array<i32>} : memref<128xi32, #tpu.memory_space<vmem>>, vector<16xi32>,
        %dma_start3A = arith.constant 0 : i32
        %dma_start3A_1558 = arith.constant 0 : i32
        %dma_start3A_1559 = tpu.memref_slice %arg20[%dma_start3A, %dma_start3A_1558] : memref<1x128xi32, #tpu.memory_space<vmem>> -> memref<1x128xi32, #tpu.memory_space<vmem>>
        %dma_start3A_1560 = tpu.memref_squeeze %dma_start3A_1559 : memref<1x128xi32, #tpu.memory_space<vmem>> -> memref<128xi32, #tpu.memory_space<vmem>>
        %dma_start3A_1561 = arith.constant 0 : i32
        %dma_start3A_1562 = tpu.memref_slice %arg10[%dma_start3A_1561] : memref<8448xi32, #tpu.memory_space<hbm>> -> memref<8448xi32, #tpu.memory_space<hbm>>
        tpu.enqueue_indirect_dma source(%arg21 : memref<128xi32, #tpu.memory_space<vmem>>) target(%dma_start3A_1562 : memref<8448xi32, #tpu.memory_space<hbm>>) offsets(%dma_start3A_1560 : memref<128xi32, #tpu.memory_space<vmem>>) semaphore(%arg26 : memref<!tpu.dma_semaphore, #tpu.memory_space<semaphore_mem>>)
        %dma_wait3A = arith.constant 0 : i32
        %dma_wait3A_1563 = arith.constant 0 : i32
        %dma_wait3A_1564 = tpu.memref_slice %arg20[%dma_wait3A, %dma_wait3A_1563] : memref<1x128xi32, #tpu.memory_space<vmem>> -> memref<1x128xi32, #tpu.memory_space<vmem>>
        %dma_wait3A_1565 = tpu.memref_squeeze %dma_wait3A_1564 : memref<1x128xi32, #tpu.memory_space<vmem>> -> memref<128xi32, #tpu.memory_space<vmem>>
        %dma_wait3A_1566 = arith.constant 0 : i32
        %dma_wait3A_1567 = tpu.memref_slice %arg10[%dma_wait3A_1566] : memref<8448xi32, #tpu.memory_space<hbm>> -> memref<8448xi32, #tpu.memory_space<hbm>>
        tpu.wait_indirect_dma semaphore(%arg26 : memref<!tpu.dma_semaphore, #tpu.memory_space<semaphore_mem>>) src(%arg21 : memref<128xi32, #tpu.memory_space<vmem>>) dst(%dma_wait3A_1567 : memref<8448xi32, #tpu.memory_space<hbm>>)
      } else {
      }
      %scan3A_1271 = arith.constant 0 : i32
      scf.yield %scan3A_1271 : i32
    }
    %scan3A_633 = arith.constant 64 : i32
    %scan3A_634 = arith.constant 0 : i32
    %scan3A_635 = arith.constant 0 : i32
    %scan3A_636 = arith.constant 16 : i32
    %scan3A_637 = arith.addi %scan3A_635, %scan3A_636 : i32
    %scan3A_638 = arith.constant 1 : i32
    %scan3A_639 = scf.for %scan3A_1265 = %scan3A_635 to %scan3A_637 step %scan3A_638 iter_args(%scan3A_1266 = %scan3A_634) -> (i32)  : i32 {
      %mul3A_1267 = arith.constant 16 : i32
      %mul3A_1268 = arith.muli %scan3A_1265, %mul3A_1267 : i32
      %lt3A_1269 = arith.cmpi slt, %mul3A_1268, %scan3A_20#0 : i32
      %convert_element_type3A = arith.extui %lt3A_1269 : i1 to i32
      %cond3A = arith.constant 0 : i32
      %cond3A_1270 = arith.cmpi ne, %convert_element_type3A, %cond3A : i32
      scf.if %cond3A_1270 {
        %mul3A_1272 = arith.constant 16 : i32
        %mul3A_1273 = arith.muli %scan3A_1265, %mul3A_1272 : i32
        %add3A_1274 = vector.broadcast %mul3A_1273 : i32 to vector<16xi32>
        %add3A_1275 = arith.addi %iota3A, %add3A_1274 : vector<16xi32>
        %get3A_1276 = arith.index_cast %mul3A_1273 : i32 to index
        %get3A_1277 = tpu.vector_load %arg16[%get3A_1276] {strides = array<i32>} : memref<8208xi32, #tpu.memory_space<vmem>>, vector<16xi32>,
        %lt3A_1278 = vector.broadcast %scan3A_20#0 : i32 to vector<16xi32>
        %lt3A_1279 = arith.cmpi slt, %add3A_1275, %lt3A_1278 : vector<16xi32>
        %select_n3A_1280 = arith.select %lt3A_1279, %get3A_1277, %add3A_1275 : vector<16xi1>, vector<16xi32>
        %swap3A_1281 = arith.constant 0 : index
        %swap3A_1282 = tpu.vector_load %arg22[%swap3A_1281] {strides = array<i32>} : memref<16xi32, #tpu.memory_space<vmem>>, vector<16xi32>,
        tpu.vector_store %arg22[%swap3A_1281], %select_n3A_1280 {strides = array<i32>} : memref<16xi32, #tpu.memory_space<vmem>>, vector<16xi32>,
        %dma_start3A = arith.constant 0 : i32
        %dma_start3A_1283 = arith.constant 0 : i32
        %dma_start3A_1284 = arith.constant 0 : i32
        %dma_start3A_1285 = tpu.memref_slice %arg24[%dma_start3A, %dma_start3A_1283, %dma_start3A_1284] : memref<2x16x768xf32, #tpu.memory_space<vmem>> -> memref<1x16x768xf32, #tpu.memory_space<vmem>>
        %dma_start3A_1286 = tpu.memref_squeeze %dma_start3A_1285 : memref<1x16x768xf32, #tpu.memory_space<vmem>> -> memref<16x768xf32, #tpu.memory_space<vmem>>
        %dma_start3A_1287 = arith.constant 0 : i32
        %dma_start3A_1288 = arith.constant 0 : i32
        %dma_start3A_1289 = tpu.memref_slice %arg2[%dma_start3A_1287, %dma_start3A_1288] : memref<8192x768xf32, #tpu.memory_space<hbm>> -> memref<8192x768xf32, #tpu.memory_space<hbm>>
        tpu.enqueue_indirect_dma source(%dma_start3A_1289 : memref<8192x768xf32, #tpu.memory_space<hbm>>) target(%dma_start3A_1286 : memref<16x768xf32, #tpu.memory_space<vmem>>) offsets(%arg22 : memref<16xi32, #tpu.memory_space<vmem>>) semaphore(%arg27 : memref<!tpu.dma_semaphore, #tpu.memory_space<semaphore_mem>>)
        %dma_wait3A = arith.constant 0 : i32
        %dma_wait3A_1290 = arith.constant 0 : i32
        %dma_wait3A_1291 = arith.constant 0 : i32
        %dma_wait3A_1292 = tpu.memref_slice %arg24[%dma_wait3A, %dma_wait3A_1290, %dma_wait3A_1291] : memref<2x16x768xf32, #tpu.memory_space<vmem>> -> memref<1x16x768xf32, #tpu.memory_space<vmem>>
        %dma_wait3A_1293 = tpu.memref_squeeze %dma_wait3A_1292 : memref<1x16x768xf32, #tpu.memory_space<vmem>> -> memref<16x768xf32, #tpu.memory_space<vmem>>
        %dma_wait3A_1294 = arith.constant 0 : i32
        %dma_wait3A_1295 = arith.constant 0 : i32
        %dma_wait3A_1296 = tpu.memref_slice %arg2[%dma_wait3A_1294, %dma_wait3A_1295] : memref<8192x768xf32, #tpu.memory_space<hbm>> -> memref<8192x768xf32, #tpu.memory_space<hbm>>
        tpu.wait_indirect_dma semaphore(%arg27 : memref<!tpu.dma_semaphore, #tpu.memory_space<semaphore_mem>>) src(%dma_wait3A_1296 : memref<8192x768xf32, #tpu.memory_space<hbm>>) dst(%dma_wait3A_1293 : memref<16x768xf32, #tpu.memory_space<vmem>>)
        %add3A_1297 = arith.addi %mul3A_338, %mul3A_1273 : i32
        %run_scoped3A = arith.constant 0 : i32
        "tpu.region"() ({
          %run_scoped3A_1298 = tpu.sem_alloc : memref<!tpu.dma_semaphore, #tpu.memory_space<semaphore_mem>>
          %dma_start3A_1299 = arith.constant 0 : i32
          %dma_start3A_1300 = arith.constant 0 : i32
          %dma_start3A_1301 = tpu.memref_slice %arg24[%run_scoped3A, %dma_start3A_1299, %dma_start3A_1300] : memref<2x16x768xf32, #tpu.memory_space<vmem>> -> memref<1x16x768xf32, #tpu.memory_space<vmem>>
          %dma_start3A_1302 = tpu.memref_squeeze %dma_start3A_1301 : memref<1x16x768xf32, #tpu.memory_space<vmem>> -> memref<16x768xf32, #tpu.memory_space<vmem>>
          %dma_start3A_1303 = arith.constant 0 : i32
          %dma_start3A_1304 = tpu.memref_slice %arg7[%add3A_1297, %dma_start3A_1303] : memref<32768x768xf32, #tpu.memory_space<hbm>> -> memref<16x768xf32, #tpu.memory_space<hbm>>
          %dma_start3A_1305 = arith.constant 0 : i32
          %dma_start3A_1306 = tpu.memref_slice %arg7[%add3A_1297, %dma_start3A_1305] : memref<32768x768xf32, #tpu.memory_space<hbm>> -> memref<16x768xf32, #tpu.memory_space<hbm>>
          %dma_start3A_1307 = arith.constant 0 : i32
          %dma_start3A_1308 = arith.constant 0 : i32
          %dma_start3A_1309 = tpu.memref_slice %arg24[%run_scoped3A, %dma_start3A_1307, %dma_start3A_1308] : memref<2x16x768xf32, #tpu.memory_space<vmem>> -> memref<1x16x768xf32, #tpu.memory_space<vmem>>
          %dma_start3A_1310 = tpu.memref_squeeze %dma_start3A_1309 : memref<1x16x768xf32, #tpu.memory_space<vmem>> -> memref<16x768xf32, #tpu.memory_space<vmem>>
          tpu.enqueue_dma source(%dma_start3A_1310 : memref<16x768xf32, #tpu.memory_space<vmem>>) target(%dma_start3A_1306 : memref<16x768xf32, #tpu.memory_space<hbm>>) target_semaphore(%run_scoped3A_1298 : memref<!tpu.dma_semaphore, #tpu.memory_space<semaphore_mem>>)
          %dma_wait3A_1311 = arith.constant 0 : i32
          %dma_wait3A_1312 = arith.constant 0 : i32
          %dma_wait3A_1313 = tpu.memref_slice %arg24[%run_scoped3A, %dma_wait3A_1311, %dma_wait3A_1312] : memref<2x16x768xf32, #tpu.memory_space<vmem>> -> memref<1x16x768xf32, #tpu.memory_space<vmem>>
          %dma_wait3A_1314 = tpu.memref_squeeze %dma_wait3A_1313 : memref<1x16x768xf32, #tpu.memory_space<vmem>> -> memref<16x768xf32, #tpu.memory_space<vmem>>
          %dma_wait3A_1315 = arith.constant 0 : i32
          %dma_wait3A_1316 = tpu.memref_slice %arg7[%add3A_1297, %dma_wait3A_1315] : memref<32768x768xf32, #tpu.memory_space<hbm>> -> memref<16x768xf32, #tpu.memory_space<hbm>>
          %dma_wait3A_1317 = arith.constant 0 : i32
          %dma_wait3A_1318 = tpu.memref_slice %arg7[%add3A_1297, %dma_wait3A_1317] : memref<32768x768xf32, #tpu.memory_space<hbm>> -> memref<16x768xf32, #tpu.memory_space<hbm>>
          %dma_wait3A_1319 = arith.constant 0 : i32
          %dma_wait3A_1320 = arith.constant 0 : i32
          %dma_wait3A_1321 = tpu.memref_slice %arg24[%run_scoped3A, %dma_wait3A_1319, %dma_wait3A_1320] : memref<2x16x768xf32, #tpu.memory_space<vmem>> -> memref<1x16x768xf32, #tpu.memory_space<vmem>>
          %dma_wait3A_1322 = tpu.memref_squeeze %dma_wait3A_1321 : memref<1x16x768xf32, #tpu.memory_space<vmem>> -> memref<16x768xf32, #tpu.memory_space<vmem>>
          tpu.wait_dma2 semaphore(%run_scoped3A_1298 : memref<!tpu.dma_semaphore, #tpu.memory_space<semaphore_mem>>) src(%dma_wait3A_1322 : memref<16x768xf32, #tpu.memory_space<vmem>>) dst(%dma_wait3A_1318 : memref<16x768xf32, #tpu.memory_space<hbm>>)
          tpu.yield
        }) : () -> ()
      } else {
      }
      %scan3A_1271 = arith.constant 0 : i32
      scf.yield %scan3A_1271 : i32
    }
    %scan3A_640 = arith.constant 16 : i32
    %mul3A_641 = arith.constant 2 : i32
    %mul3A_642 = arith.muli %add3A, %mul3A_641 : i32
    %add3A_643 = arith.constant 1 : i32
    %add3A_644 = arith.addi %mul3A_642, %add3A_643 : i32
    %mul3A_645 = arith.constant 2 : i32
    %mul3A_646 = arith.muli %add3A_644, %mul3A_645 : i32
    %add3A_647 = arith.constant 0 : i32
    %add3A_648 = arith.addi %mul3A_646, %add3A_647 : i32
    %mul3A_649 = arith.constant 256 : i32
    %mul3A_650 = arith.muli %add3A_648, %mul3A_649 : i32
    %add3A_651 = arith.constant 0 : i32
    %add3A_652 = vector.broadcast %add3A_651 : i32 to vector<16xi32>
    %add3A_653 = arith.addi %iota3A, %add3A_652 : vector<16xi32>
    %lt3A_654 = vector.broadcast %scan3A_12#1 : i32 to vector<16xi32>
    %lt3A_655 = arith.cmpi slt, %add3A_653, %lt3A_654 : vector<16xi32>
    %get3A_656 = arith.constant 0 : index
    %get3A_657 = tpu.vector_load %arg17[%get3A_656] {strides = array<i32>} : memref<8208xi32, #tpu.memory_space<vmem>>, vector<16xi32>,
    %jit3A_658 = arith.constant 0 : i32
    %broadcast_in_dim3A_659 = vector.broadcast %jit3A_658 : i32 to vector<16xi32>
    %select_n3A_660 = arith.select %lt3A_655, %get3A_657, %broadcast_in_dim3A_659 : vector<16xi1>, vector<16xi32>
    %gather3A_661 = tpu.vector_load_idx %arg13[%select_n3A_660] : memref<8192xf32, #tpu.memory_space<vmem>>[vector<16xi32>], vector<16xf32>,
    %lt3A_662 = vector.broadcast %scan3A_12#1 : i32 to vector<16xi32>
    %lt3A_663 = arith.cmpi slt, %add3A_653, %lt3A_662 : vector<16xi32>
    %jit3A_664 = arith.constant 0.000000e+00 : f32
    %broadcast_in_dim3A_665 = vector.broadcast %jit3A_664 : f32 to vector<16xf32>
    %select_n3A_666 = arith.select %lt3A_663, %gather3A_661, %broadcast_in_dim3A_665 : vector<16xi1>, vector<16xf32>
    %swap3A_667 = arith.constant 0 : index
    %swap3A_668 = tpu.vector_load %arg19[%swap3A_667] {strides = array<i32>} : memref<256xf32, #tpu.memory_space<vmem>>, vector<16xf32>,
    tpu.vector_store %arg19[%swap3A_667], %select_n3A_666 {strides = array<i32>} : memref<256xf32, #tpu.memory_space<vmem>>, vector<16xf32>,
    %add3A_669 = arith.constant 16 : i32
    %add3A_670 = vector.broadcast %add3A_669 : i32 to vector<16xi32>
    %add3A_671 = arith.addi %iota3A, %add3A_670 : vector<16xi32>
    %lt3A_672 = vector.broadcast %scan3A_12#1 : i32 to vector<16xi32>
    %lt3A_673 = arith.cmpi slt, %add3A_671, %lt3A_672 : vector<16xi32>
    %get3A_674 = arith.constant 16 : index
    %get3A_675 = tpu.vector_load %arg17[%get3A_674] {strides = array<i32>} : memref<8208xi32, #tpu.memory_space<vmem>>, vector<16xi32>,
    %jit3A_676 = arith.constant 0 : i32
    %broadcast_in_dim3A_677 = vector.broadcast %jit3A_676 : i32 to vector<16xi32>
    %select_n3A_678 = arith.select %lt3A_673, %get3A_675, %broadcast_in_dim3A_677 : vector<16xi1>, vector<16xi32>
    %gather3A_679 = tpu.vector_load_idx %arg13[%select_n3A_678] : memref<8192xf32, #tpu.memory_space<vmem>>[vector<16xi32>], vector<16xf32>,
    %lt3A_680 = vector.broadcast %scan3A_12#1 : i32 to vector<16xi32>
    %lt3A_681 = arith.cmpi slt, %add3A_671, %lt3A_680 : vector<16xi32>
    %jit3A_682 = arith.constant 0.000000e+00 : f32
    %broadcast_in_dim3A_683 = vector.broadcast %jit3A_682 : f32 to vector<16xf32>
    %select_n3A_684 = arith.select %lt3A_681, %gather3A_679, %broadcast_in_dim3A_683 : vector<16xi1>, vector<16xf32>
    %swap3A_685 = arith.constant 16 : index
    %swap3A_686 = tpu.vector_load %arg19[%swap3A_685] {strides = array<i32>} : memref<256xf32, #tpu.memory_space<vmem>>, vector<16xf32>,
    tpu.vector_store %arg19[%swap3A_685], %select_n3A_684 {strides = array<i32>} : memref<256xf32, #tpu.memory_space<vmem>>, vector<16xf32>,
    %add3A_687 = arith.constant 32 : i32
    %add3A_688 = vector.broadcast %add3A_687 : i32 to vector<16xi32>
    %add3A_689 = arith.addi %iota3A, %add3A_688 : vector<16xi32>
    %lt3A_690 = vector.broadcast %scan3A_12#1 : i32 to vector<16xi32>
    %lt3A_691 = arith.cmpi slt, %add3A_689, %lt3A_690 : vector<16xi32>
    %get3A_692 = arith.constant 32 : index
    %get3A_693 = tpu.vector_load %arg17[%get3A_692] {strides = array<i32>} : memref<8208xi32, #tpu.memory_space<vmem>>, vector<16xi32>,
    %jit3A_694 = arith.constant 0 : i32
    %broadcast_in_dim3A_695 = vector.broadcast %jit3A_694 : i32 to vector<16xi32>
    %select_n3A_696 = arith.select %lt3A_691, %get3A_693, %broadcast_in_dim3A_695 : vector<16xi1>, vector<16xi32>
    %gather3A_697 = tpu.vector_load_idx %arg13[%select_n3A_696] : memref<8192xf32, #tpu.memory_space<vmem>>[vector<16xi32>], vector<16xf32>,
    %lt3A_698 = vector.broadcast %scan3A_12#1 : i32 to vector<16xi32>
    %lt3A_699 = arith.cmpi slt, %add3A_689, %lt3A_698 : vector<16xi32>
    %jit3A_700 = arith.constant 0.000000e+00 : f32
    %broadcast_in_dim3A_701 = vector.broadcast %jit3A_700 : f32 to vector<16xf32>
    %select_n3A_702 = arith.select %lt3A_699, %gather3A_697, %broadcast_in_dim3A_701 : vector<16xi1>, vector<16xf32>
    %swap3A_703 = arith.constant 32 : index
    %swap3A_704 = tpu.vector_load %arg19[%swap3A_703] {strides = array<i32>} : memref<256xf32, #tpu.memory_space<vmem>>, vector<16xf32>,
    tpu.vector_store %arg19[%swap3A_703], %select_n3A_702 {strides = array<i32>} : memref<256xf32, #tpu.memory_space<vmem>>, vector<16xf32>,
    %add3A_705 = arith.constant 48 : i32
    %add3A_706 = vector.broadcast %add3A_705 : i32 to vector<16xi32>
    %add3A_707 = arith.addi %iota3A, %add3A_706 : vector<16xi32>
    %lt3A_708 = vector.broadcast %scan3A_12#1 : i32 to vector<16xi32>
    %lt3A_709 = arith.cmpi slt, %add3A_707, %lt3A_708 : vector<16xi32>
    %get3A_710 = arith.constant 48 : index
    %get3A_711 = tpu.vector_load %arg17[%get3A_710] {strides = array<i32>} : memref<8208xi32, #tpu.memory_space<vmem>>, vector<16xi32>,
    %jit3A_712 = arith.constant 0 : i32
    %broadcast_in_dim3A_713 = vector.broadcast %jit3A_712 : i32 to vector<16xi32>
    %select_n3A_714 = arith.select %lt3A_709, %get3A_711, %broadcast_in_dim3A_713 : vector<16xi1>, vector<16xi32>
    %gather3A_715 = tpu.vector_load_idx %arg13[%select_n3A_714] : memref<8192xf32, #tpu.memory_space<vmem>>[vector<16xi32>], vector<16xf32>,
    %lt3A_716 = vector.broadcast %scan3A_12#1 : i32 to vector<16xi32>
    %lt3A_717 = arith.cmpi slt, %add3A_707, %lt3A_716 : vector<16xi32>
    %jit3A_718 = arith.constant 0.000000e+00 : f32
    %broadcast_in_dim3A_719 = vector.broadcast %jit3A_718 : f32 to vector<16xf32>
    %select_n3A_720 = arith.select %lt3A_717, %gather3A_715, %broadcast_in_dim3A_719 : vector<16xi1>, vector<16xf32>
    %swap3A_721 = arith.constant 48 : index
    %swap3A_722 = tpu.vector_load %arg19[%swap3A_721] {strides = array<i32>} : memref<256xf32, #tpu.memory_space<vmem>>, vector<16xf32>,
    tpu.vector_store %arg19[%swap3A_721], %select_n3A_720 {strides = array<i32>} : memref<256xf32, #tpu.memory_space<vmem>>, vector<16xf32>,
    %add3A_723 = arith.constant 64 : i32
    %add3A_724 = vector.broadcast %add3A_723 : i32 to vector<16xi32>
    %add3A_725 = arith.addi %iota3A, %add3A_724 : vector<16xi32>
    %lt3A_726 = vector.broadcast %scan3A_12#1 : i32 to vector<16xi32>
    %lt3A_727 = arith.cmpi slt, %add3A_725, %lt3A_726 : vector<16xi32>
    %get3A_728 = arith.constant 64 : index
    %get3A_729 = tpu.vector_load %arg17[%get3A_728] {strides = array<i32>} : memref<8208xi32, #tpu.memory_space<vmem>>, vector<16xi32>,
    %jit3A_730 = arith.constant 0 : i32
    %broadcast_in_dim3A_731 = vector.broadcast %jit3A_730 : i32 to vector<16xi32>
    %select_n3A_732 = arith.select %lt3A_727, %get3A_729, %broadcast_in_dim3A_731 : vector<16xi1>, vector<16xi32>
    %gather3A_733 = tpu.vector_load_idx %arg13[%select_n3A_732] : memref<8192xf32, #tpu.memory_space<vmem>>[vector<16xi32>], vector<16xf32>,
    %lt3A_734 = vector.broadcast %scan3A_12#1 : i32 to vector<16xi32>
    %lt3A_735 = arith.cmpi slt, %add3A_725, %lt3A_734 : vector<16xi32>
    %jit3A_736 = arith.constant 0.000000e+00 : f32
    %broadcast_in_dim3A_737 = vector.broadcast %jit3A_736 : f32 to vector<16xf32>
    %select_n3A_738 = arith.select %lt3A_735, %gather3A_733, %broadcast_in_dim3A_737 : vector<16xi1>, vector<16xf32>
    %swap3A_739 = arith.constant 64 : index
    %swap3A_740 = tpu.vector_load %arg19[%swap3A_739] {strides = array<i32>} : memref<256xf32, #tpu.memory_space<vmem>>, vector<16xf32>,
    tpu.vector_store %arg19[%swap3A_739], %select_n3A_738 {strides = array<i32>} : memref<256xf32, #tpu.memory_space<vmem>>, vector<16xf32>,
    %add3A_741 = arith.constant 80 : i32
    %add3A_742 = vector.broadcast %add3A_741 : i32 to vector<16xi32>
    %add3A_743 = arith.addi %iota3A, %add3A_742 : vector<16xi32>
    %lt3A_744 = vector.broadcast %scan3A_12#1 : i32 to vector<16xi32>
    %lt3A_745 = arith.cmpi slt, %add3A_743, %lt3A_744 : vector<16xi32>
    %get3A_746 = arith.constant 80 : index
    %get3A_747 = tpu.vector_load %arg17[%get3A_746] {strides = array<i32>} : memref<8208xi32, #tpu.memory_space<vmem>>, vector<16xi32>,
    %jit3A_748 = arith.constant 0 : i32
    %broadcast_in_dim3A_749 = vector.broadcast %jit3A_748 : i32 to vector<16xi32>
    %select_n3A_750 = arith.select %lt3A_745, %get3A_747, %broadcast_in_dim3A_749 : vector<16xi1>, vector<16xi32>
    %gather3A_751 = tpu.vector_load_idx %arg13[%select_n3A_750] : memref<8192xf32, #tpu.memory_space<vmem>>[vector<16xi32>], vector<16xf32>,
    %lt3A_752 = vector.broadcast %scan3A_12#1 : i32 to vector<16xi32>
    %lt3A_753 = arith.cmpi slt, %add3A_743, %lt3A_752 : vector<16xi32>
    %jit3A_754 = arith.constant 0.000000e+00 : f32
    %broadcast_in_dim3A_755 = vector.broadcast %jit3A_754 : f32 to vector<16xf32>
    %select_n3A_756 = arith.select %lt3A_753, %gather3A_751, %broadcast_in_dim3A_755 : vector<16xi1>, vector<16xf32>
    %swap3A_757 = arith.constant 80 : index
    %swap3A_758 = tpu.vector_load %arg19[%swap3A_757] {strides = array<i32>} : memref<256xf32, #tpu.memory_space<vmem>>, vector<16xf32>,
    tpu.vector_store %arg19[%swap3A_757], %select_n3A_756 {strides = array<i32>} : memref<256xf32, #tpu.memory_space<vmem>>, vector<16xf32>,
    %add3A_759 = arith.constant 96 : i32
    %add3A_760 = vector.broadcast %add3A_759 : i32 to vector<16xi32>
    %add3A_761 = arith.addi %iota3A, %add3A_760 : vector<16xi32>
    %lt3A_762 = vector.broadcast %scan3A_12#1 : i32 to vector<16xi32>
    %lt3A_763 = arith.cmpi slt, %add3A_761, %lt3A_762 : vector<16xi32>
    %get3A_764 = arith.constant 96 : index
    %get3A_765 = tpu.vector_load %arg17[%get3A_764] {strides = array<i32>} : memref<8208xi32, #tpu.memory_space<vmem>>, vector<16xi32>,
    %jit3A_766 = arith.constant 0 : i32
    %broadcast_in_dim3A_767 = vector.broadcast %jit3A_766 : i32 to vector<16xi32>
    %select_n3A_768 = arith.select %lt3A_763, %get3A_765, %broadcast_in_dim3A_767 : vector<16xi1>, vector<16xi32>
    %gather3A_769 = tpu.vector_load_idx %arg13[%select_n3A_768] : memref<8192xf32, #tpu.memory_space<vmem>>[vector<16xi32>], vector<16xf32>,
    %lt3A_770 = vector.broadcast %scan3A_12#1 : i32 to vector<16xi32>
    %lt3A_771 = arith.cmpi slt, %add3A_761, %lt3A_770 : vector<16xi32>
    %jit3A_772 = arith.constant 0.000000e+00 : f32
    %broadcast_in_dim3A_773 = vector.broadcast %jit3A_772 : f32 to vector<16xf32>
    %select_n3A_774 = arith.select %lt3A_771, %gather3A_769, %broadcast_in_dim3A_773 : vector<16xi1>, vector<16xf32>
    %swap3A_775 = arith.constant 96 : index
    %swap3A_776 = tpu.vector_load %arg19[%swap3A_775] {strides = array<i32>} : memref<256xf32, #tpu.memory_space<vmem>>, vector<16xf32>,
    tpu.vector_store %arg19[%swap3A_775], %select_n3A_774 {strides = array<i32>} : memref<256xf32, #tpu.memory_space<vmem>>, vector<16xf32>,
    %add3A_777 = arith.constant 112 : i32
    %add3A_778 = vector.broadcast %add3A_777 : i32 to vector<16xi32>
    %add3A_779 = arith.addi %iota3A, %add3A_778 : vector<16xi32>
    %lt3A_780 = vector.broadcast %scan3A_12#1 : i32 to vector<16xi32>
    %lt3A_781 = arith.cmpi slt, %add3A_779, %lt3A_780 : vector<16xi32>
    %get3A_782 = arith.constant 112 : index
    %get3A_783 = tpu.vector_load %arg17[%get3A_782] {strides = array<i32>} : memref<8208xi32, #tpu.memory_space<vmem>>, vector<16xi32>,
    %jit3A_784 = arith.constant 0 : i32
    %broadcast_in_dim3A_785 = vector.broadcast %jit3A_784 : i32 to vector<16xi32>
    %select_n3A_786 = arith.select %lt3A_781, %get3A_783, %broadcast_in_dim3A_785 : vector<16xi1>, vector<16xi32>
    %gather3A_787 = tpu.vector_load_idx %arg13[%select_n3A_786] : memref<8192xf32, #tpu.memory_space<vmem>>[vector<16xi32>], vector<16xf32>,
    %lt3A_788 = vector.broadcast %scan3A_12#1 : i32 to vector<16xi32>
    %lt3A_789 = arith.cmpi slt, %add3A_779, %lt3A_788 : vector<16xi32>
    %jit3A_790 = arith.constant 0.000000e+00 : f32
    %broadcast_in_dim3A_791 = vector.broadcast %jit3A_790 : f32 to vector<16xf32>
    %select_n3A_792 = arith.select %lt3A_789, %gather3A_787, %broadcast_in_dim3A_791 : vector<16xi1>, vector<16xf32>
    %swap3A_793 = arith.constant 112 : index
    %swap3A_794 = tpu.vector_load %arg19[%swap3A_793] {strides = array<i32>} : memref<256xf32, #tpu.memory_space<vmem>>, vector<16xf32>,
    tpu.vector_store %arg19[%swap3A_793], %select_n3A_792 {strides = array<i32>} : memref<256xf32, #tpu.memory_space<vmem>>, vector<16xf32>,
    %add3A_795 = arith.constant 128 : i32
    %add3A_796 = vector.broadcast %add3A_795 : i32 to vector<16xi32>
    %add3A_797 = arith.addi %iota3A, %add3A_796 : vector<16xi32>
    %lt3A_798 = vector.broadcast %scan3A_12#1 : i32 to vector<16xi32>
    %lt3A_799 = arith.cmpi slt, %add3A_797, %lt3A_798 : vector<16xi32>
    %get3A_800 = arith.constant 128 : index
    %get3A_801 = tpu.vector_load %arg17[%get3A_800] {strides = array<i32>} : memref<8208xi32, #tpu.memory_space<vmem>>, vector<16xi32>,
    %jit3A_802 = arith.constant 0 : i32
    %broadcast_in_dim3A_803 = vector.broadcast %jit3A_802 : i32 to vector<16xi32>
    %select_n3A_804 = arith.select %lt3A_799, %get3A_801, %broadcast_in_dim3A_803 : vector<16xi1>, vector<16xi32>
    %gather3A_805 = tpu.vector_load_idx %arg13[%select_n3A_804] : memref<8192xf32, #tpu.memory_space<vmem>>[vector<16xi32>], vector<16xf32>,
    %lt3A_806 = vector.broadcast %scan3A_12#1 : i32 to vector<16xi32>
    %lt3A_807 = arith.cmpi slt, %add3A_797, %lt3A_806 : vector<16xi32>
    %jit3A_808 = arith.constant 0.000000e+00 : f32
    %broadcast_in_dim3A_809 = vector.broadcast %jit3A_808 : f32 to vector<16xf32>
    %select_n3A_810 = arith.select %lt3A_807, %gather3A_805, %broadcast_in_dim3A_809 : vector<16xi1>, vector<16xf32>
    %swap3A_811 = arith.constant 128 : index
    %swap3A_812 = tpu.vector_load %arg19[%swap3A_811] {strides = array<i32>} : memref<256xf32, #tpu.memory_space<vmem>>, vector<16xf32>,
    tpu.vector_store %arg19[%swap3A_811], %select_n3A_810 {strides = array<i32>} : memref<256xf32, #tpu.memory_space<vmem>>, vector<16xf32>,
    %add3A_813 = arith.constant 144 : i32
    %add3A_814 = vector.broadcast %add3A_813 : i32 to vector<16xi32>
    %add3A_815 = arith.addi %iota3A, %add3A_814 : vector<16xi32>
    %lt3A_816 = vector.broadcast %scan3A_12#1 : i32 to vector<16xi32>
    %lt3A_817 = arith.cmpi slt, %add3A_815, %lt3A_816 : vector<16xi32>
    %get3A_818 = arith.constant 144 : index
    %get3A_819 = tpu.vector_load %arg17[%get3A_818] {strides = array<i32>} : memref<8208xi32, #tpu.memory_space<vmem>>, vector<16xi32>,
    %jit3A_820 = arith.constant 0 : i32
    %broadcast_in_dim3A_821 = vector.broadcast %jit3A_820 : i32 to vector<16xi32>
    %select_n3A_822 = arith.select %lt3A_817, %get3A_819, %broadcast_in_dim3A_821 : vector<16xi1>, vector<16xi32>
    %gather3A_823 = tpu.vector_load_idx %arg13[%select_n3A_822] : memref<8192xf32, #tpu.memory_space<vmem>>[vector<16xi32>], vector<16xf32>,
    %lt3A_824 = vector.broadcast %scan3A_12#1 : i32 to vector<16xi32>
    %lt3A_825 = arith.cmpi slt, %add3A_815, %lt3A_824 : vector<16xi32>
    %jit3A_826 = arith.constant 0.000000e+00 : f32
    %broadcast_in_dim3A_827 = vector.broadcast %jit3A_826 : f32 to vector<16xf32>
    %select_n3A_828 = arith.select %lt3A_825, %gather3A_823, %broadcast_in_dim3A_827 : vector<16xi1>, vector<16xf32>
    %swap3A_829 = arith.constant 144 : index
    %swap3A_830 = tpu.vector_load %arg19[%swap3A_829] {strides = array<i32>} : memref<256xf32, #tpu.memory_space<vmem>>, vector<16xf32>,
    tpu.vector_store %arg19[%swap3A_829], %select_n3A_828 {strides = array<i32>} : memref<256xf32, #tpu.memory_space<vmem>>, vector<16xf32>,
    %add3A_831 = arith.constant 160 : i32
    %add3A_832 = vector.broadcast %add3A_831 : i32 to vector<16xi32>
    %add3A_833 = arith.addi %iota3A, %add3A_832 : vector<16xi32>
    %lt3A_834 = vector.broadcast %scan3A_12#1 : i32 to vector<16xi32>
    %lt3A_835 = arith.cmpi slt, %add3A_833, %lt3A_834 : vector<16xi32>
    %get3A_836 = arith.constant 160 : index
    %get3A_837 = tpu.vector_load %arg17[%get3A_836] {strides = array<i32>} : memref<8208xi32, #tpu.memory_space<vmem>>, vector<16xi32>,
    %jit3A_838 = arith.constant 0 : i32
    %broadcast_in_dim3A_839 = vector.broadcast %jit3A_838 : i32 to vector<16xi32>
    %select_n3A_840 = arith.select %lt3A_835, %get3A_837, %broadcast_in_dim3A_839 : vector<16xi1>, vector<16xi32>
    %gather3A_841 = tpu.vector_load_idx %arg13[%select_n3A_840] : memref<8192xf32, #tpu.memory_space<vmem>>[vector<16xi32>], vector<16xf32>,
    %lt3A_842 = vector.broadcast %scan3A_12#1 : i32 to vector<16xi32>
    %lt3A_843 = arith.cmpi slt, %add3A_833, %lt3A_842 : vector<16xi32>
    %jit3A_844 = arith.constant 0.000000e+00 : f32
    %broadcast_in_dim3A_845 = vector.broadcast %jit3A_844 : f32 to vector<16xf32>
    %select_n3A_846 = arith.select %lt3A_843, %gather3A_841, %broadcast_in_dim3A_845 : vector<16xi1>, vector<16xf32>
    %swap3A_847 = arith.constant 160 : index
    %swap3A_848 = tpu.vector_load %arg19[%swap3A_847] {strides = array<i32>} : memref<256xf32, #tpu.memory_space<vmem>>, vector<16xf32>,
    tpu.vector_store %arg19[%swap3A_847], %select_n3A_846 {strides = array<i32>} : memref<256xf32, #tpu.memory_space<vmem>>, vector<16xf32>,
    %add3A_849 = arith.constant 176 : i32
    %add3A_850 = vector.broadcast %add3A_849 : i32 to vector<16xi32>
    %add3A_851 = arith.addi %iota3A, %add3A_850 : vector<16xi32>
    %lt3A_852 = vector.broadcast %scan3A_12#1 : i32 to vector<16xi32>
    %lt3A_853 = arith.cmpi slt, %add3A_851, %lt3A_852 : vector<16xi32>
    %get3A_854 = arith.constant 176 : index
    %get3A_855 = tpu.vector_load %arg17[%get3A_854] {strides = array<i32>} : memref<8208xi32, #tpu.memory_space<vmem>>, vector<16xi32>,
    %jit3A_856 = arith.constant 0 : i32
    %broadcast_in_dim3A_857 = vector.broadcast %jit3A_856 : i32 to vector<16xi32>
    %select_n3A_858 = arith.select %lt3A_853, %get3A_855, %broadcast_in_dim3A_857 : vector<16xi1>, vector<16xi32>
    %gather3A_859 = tpu.vector_load_idx %arg13[%select_n3A_858] : memref<8192xf32, #tpu.memory_space<vmem>>[vector<16xi32>], vector<16xf32>,
    %lt3A_860 = vector.broadcast %scan3A_12#1 : i32 to vector<16xi32>
    %lt3A_861 = arith.cmpi slt, %add3A_851, %lt3A_860 : vector<16xi32>
    %jit3A_862 = arith.constant 0.000000e+00 : f32
    %broadcast_in_dim3A_863 = vector.broadcast %jit3A_862 : f32 to vector<16xf32>
    %select_n3A_864 = arith.select %lt3A_861, %gather3A_859, %broadcast_in_dim3A_863 : vector<16xi1>, vector<16xf32>
    %swap3A_865 = arith.constant 176 : index
    %swap3A_866 = tpu.vector_load %arg19[%swap3A_865] {strides = array<i32>} : memref<256xf32, #tpu.memory_space<vmem>>, vector<16xf32>,
    tpu.vector_store %arg19[%swap3A_865], %select_n3A_864 {strides = array<i32>} : memref<256xf32, #tpu.memory_space<vmem>>, vector<16xf32>,
    %add3A_867 = arith.constant 192 : i32
    %add3A_868 = vector.broadcast %add3A_867 : i32 to vector<16xi32>
    %add3A_869 = arith.addi %iota3A, %add3A_868 : vector<16xi32>
    %lt3A_870 = vector.broadcast %scan3A_12#1 : i32 to vector<16xi32>
    %lt3A_871 = arith.cmpi slt, %add3A_869, %lt3A_870 : vector<16xi32>
    %get3A_872 = arith.constant 192 : index
    %get3A_873 = tpu.vector_load %arg17[%get3A_872] {strides = array<i32>} : memref<8208xi32, #tpu.memory_space<vmem>>, vector<16xi32>,
    %jit3A_874 = arith.constant 0 : i32
    %broadcast_in_dim3A_875 = vector.broadcast %jit3A_874 : i32 to vector<16xi32>
    %select_n3A_876 = arith.select %lt3A_871, %get3A_873, %broadcast_in_dim3A_875 : vector<16xi1>, vector<16xi32>
    %gather3A_877 = tpu.vector_load_idx %arg13[%select_n3A_876] : memref<8192xf32, #tpu.memory_space<vmem>>[vector<16xi32>], vector<16xf32>,
    %lt3A_878 = vector.broadcast %scan3A_12#1 : i32 to vector<16xi32>
    %lt3A_879 = arith.cmpi slt, %add3A_869, %lt3A_878 : vector<16xi32>
    %jit3A_880 = arith.constant 0.000000e+00 : f32
    %broadcast_in_dim3A_881 = vector.broadcast %jit3A_880 : f32 to vector<16xf32>
    %select_n3A_882 = arith.select %lt3A_879, %gather3A_877, %broadcast_in_dim3A_881 : vector<16xi1>, vector<16xf32>
    %swap3A_883 = arith.constant 192 : index
    %swap3A_884 = tpu.vector_load %arg19[%swap3A_883] {strides = array<i32>} : memref<256xf32, #tpu.memory_space<vmem>>, vector<16xf32>,
    tpu.vector_store %arg19[%swap3A_883], %select_n3A_882 {strides = array<i32>} : memref<256xf32, #tpu.memory_space<vmem>>, vector<16xf32>,
    %add3A_885 = arith.constant 208 : i32
    %add3A_886 = vector.broadcast %add3A_885 : i32 to vector<16xi32>
    %add3A_887 = arith.addi %iota3A, %add3A_886 : vector<16xi32>
    %lt3A_888 = vector.broadcast %scan3A_12#1 : i32 to vector<16xi32>
    %lt3A_889 = arith.cmpi slt, %add3A_887, %lt3A_888 : vector<16xi32>
    %get3A_890 = arith.constant 208 : index
    %get3A_891 = tpu.vector_load %arg17[%get3A_890] {strides = array<i32>} : memref<8208xi32, #tpu.memory_space<vmem>>, vector<16xi32>,
    %jit3A_892 = arith.constant 0 : i32
    %broadcast_in_dim3A_893 = vector.broadcast %jit3A_892 : i32 to vector<16xi32>
    %select_n3A_894 = arith.select %lt3A_889, %get3A_891, %broadcast_in_dim3A_893 : vector<16xi1>, vector<16xi32>
    %gather3A_895 = tpu.vector_load_idx %arg13[%select_n3A_894] : memref<8192xf32, #tpu.memory_space<vmem>>[vector<16xi32>], vector<16xf32>,
    %lt3A_896 = vector.broadcast %scan3A_12#1 : i32 to vector<16xi32>
    %lt3A_897 = arith.cmpi slt, %add3A_887, %lt3A_896 : vector<16xi32>
    %jit3A_898 = arith.constant 0.000000e+00 : f32
    %broadcast_in_dim3A_899 = vector.broadcast %jit3A_898 : f32 to vector<16xf32>
    %select_n3A_900 = arith.select %lt3A_897, %gather3A_895, %broadcast_in_dim3A_899 : vector<16xi1>, vector<16xf32>
    %swap3A_901 = arith.constant 208 : index
    %swap3A_902 = tpu.vector_load %arg19[%swap3A_901] {strides = array<i32>} : memref<256xf32, #tpu.memory_space<vmem>>, vector<16xf32>,
    tpu.vector_store %arg19[%swap3A_901], %select_n3A_900 {strides = array<i32>} : memref<256xf32, #tpu.memory_space<vmem>>, vector<16xf32>,
    %add3A_903 = arith.constant 224 : i32
    %add3A_904 = vector.broadcast %add3A_903 : i32 to vector<16xi32>
    %add3A_905 = arith.addi %iota3A, %add3A_904 : vector<16xi32>
    %lt3A_906 = vector.broadcast %scan3A_12#1 : i32 to vector<16xi32>
    %lt3A_907 = arith.cmpi slt, %add3A_905, %lt3A_906 : vector<16xi32>
    %get3A_908 = arith.constant 224 : index
    %get3A_909 = tpu.vector_load %arg17[%get3A_908] {strides = array<i32>} : memref<8208xi32, #tpu.memory_space<vmem>>, vector<16xi32>,
    %jit3A_910 = arith.constant 0 : i32
    %broadcast_in_dim3A_911 = vector.broadcast %jit3A_910 : i32 to vector<16xi32>
    %select_n3A_912 = arith.select %lt3A_907, %get3A_909, %broadcast_in_dim3A_911 : vector<16xi1>, vector<16xi32>
    %gather3A_913 = tpu.vector_load_idx %arg13[%select_n3A_912] : memref<8192xf32, #tpu.memory_space<vmem>>[vector<16xi32>], vector<16xf32>,
    %lt3A_914 = vector.broadcast %scan3A_12#1 : i32 to vector<16xi32>
    %lt3A_915 = arith.cmpi slt, %add3A_905, %lt3A_914 : vector<16xi32>
    %jit3A_916 = arith.constant 0.000000e+00 : f32
    %broadcast_in_dim3A_917 = vector.broadcast %jit3A_916 : f32 to vector<16xf32>
    %select_n3A_918 = arith.select %lt3A_915, %gather3A_913, %broadcast_in_dim3A_917 : vector<16xi1>, vector<16xf32>
    %swap3A_919 = arith.constant 224 : index
    %swap3A_920 = tpu.vector_load %arg19[%swap3A_919] {strides = array<i32>} : memref<256xf32, #tpu.memory_space<vmem>>, vector<16xf32>,
    tpu.vector_store %arg19[%swap3A_919], %select_n3A_918 {strides = array<i32>} : memref<256xf32, #tpu.memory_space<vmem>>, vector<16xf32>,
    %add3A_921 = arith.constant 240 : i32
    %add3A_922 = vector.broadcast %add3A_921 : i32 to vector<16xi32>
    %add3A_923 = arith.addi %iota3A, %add3A_922 : vector<16xi32>
    %lt3A_924 = vector.broadcast %scan3A_12#1 : i32 to vector<16xi32>
    %lt3A_925 = arith.cmpi slt, %add3A_923, %lt3A_924 : vector<16xi32>
    %get3A_926 = arith.constant 240 : index
    %get3A_927 = tpu.vector_load %arg17[%get3A_926] {strides = array<i32>} : memref<8208xi32, #tpu.memory_space<vmem>>, vector<16xi32>,
    %jit3A_928 = arith.constant 0 : i32
    %broadcast_in_dim3A_929 = vector.broadcast %jit3A_928 : i32 to vector<16xi32>
    %select_n3A_930 = arith.select %lt3A_925, %get3A_927, %broadcast_in_dim3A_929 : vector<16xi1>, vector<16xi32>
    %gather3A_931 = tpu.vector_load_idx %arg13[%select_n3A_930] : memref<8192xf32, #tpu.memory_space<vmem>>[vector<16xi32>], vector<16xf32>,
    %lt3A_932 = vector.broadcast %scan3A_12#1 : i32 to vector<16xi32>
    %lt3A_933 = arith.cmpi slt, %add3A_923, %lt3A_932 : vector<16xi32>
    %jit3A_934 = arith.constant 0.000000e+00 : f32
    %broadcast_in_dim3A_935 = vector.broadcast %jit3A_934 : f32 to vector<16xf32>
    %select_n3A_936 = arith.select %lt3A_933, %gather3A_931, %broadcast_in_dim3A_935 : vector<16xi1>, vector<16xf32>
    %swap3A_937 = arith.constant 240 : index
    %swap3A_938 = tpu.vector_load %arg19[%swap3A_937] {strides = array<i32>} : memref<256xf32, #tpu.memory_space<vmem>>, vector<16xf32>,
    tpu.vector_store %arg19[%swap3A_937], %select_n3A_936 {strides = array<i32>} : memref<256xf32, #tpu.memory_space<vmem>>, vector<16xf32>,
    "tpu.region"() ({
      %run_scoped3A = tpu.sem_alloc : memref<!tpu.dma_semaphore, #tpu.memory_space<semaphore_mem>>
      %dma_start3A = tpu.memref_slice %arg8[%mul3A_650] : memref<33280xf32, #tpu.memory_space<hbm>> -> memref<256xf32, #tpu.memory_space<hbm>>
      %dma_start3A_1265 = tpu.memref_slice %arg8[%mul3A_650] : memref<33280xf32, #tpu.memory_space<hbm>> -> memref<256xf32, #tpu.memory_space<hbm>>
      tpu.enqueue_dma source(%arg19 : memref<256xf32, #tpu.memory_space<vmem>>) target(%dma_start3A_1265 : memref<256xf32, #tpu.memory_space<hbm>>) target_semaphore(%run_scoped3A : memref<!tpu.dma_semaphore, #tpu.memory_space<semaphore_mem>>)
      %dma_wait3A = tpu.memref_slice %arg8[%mul3A_650] : memref<33280xf32, #tpu.memory_space<hbm>> -> memref<256xf32, #tpu.memory_space<hbm>>
      %dma_wait3A_1266 = tpu.memref_slice %arg8[%mul3A_650] : memref<33280xf32, #tpu.memory_space<hbm>> -> memref<256xf32, #tpu.memory_space<hbm>>
      tpu.wait_dma2 semaphore(%run_scoped3A : memref<!tpu.dma_semaphore, #tpu.memory_space<semaphore_mem>>) src(%arg19 : memref<256xf32, #tpu.memory_space<vmem>>) dst(%dma_wait3A_1266 : memref<256xf32, #tpu.memory_space<hbm>>)
      tpu.yield
    }) : () -> ()
    %scan3A_939 = arith.constant 0 : i32
    %scan3A_940 = arith.constant 0 : i32
    %scan3A_941 = arith.constant 64 : i32
    %scan3A_942 = arith.addi %scan3A_940, %scan3A_941 : i32
    %scan3A_943 = arith.constant 1 : i32
    %scan3A_944 = scf.for %scan3A_1265 = %scan3A_940 to %scan3A_942 step %scan3A_943 iter_args(%scan3A_1266 = %scan3A_939) -> (i32)  : i32 {
      %mul3A_1267 = arith.constant 128 : i32
      %mul3A_1268 = arith.muli %scan3A_1265, %mul3A_1267 : i32
      %lt3A_1269 = arith.cmpi slt, %mul3A_1268, %scan3A_12#1 : i32
      %convert_element_type3A = arith.extui %lt3A_1269 : i1 to i32
      %cond3A = arith.constant 0 : i32
      %cond3A_1270 = arith.cmpi ne, %convert_element_type3A, %cond3A : i32
      scf.if %cond3A_1270 {
        %mul3A_1272 = arith.constant 128 : i32
        %mul3A_1273 = arith.muli %scan3A_1265, %mul3A_1272 : i32
        %add3A_1274 = arith.constant 0 : i32
        %add3A_1275 = arith.addi %mul3A_1273, %add3A_1274 : i32
        %add3A_1276 = vector.broadcast %add3A_1275 : i32 to vector<16xi32>
        %add3A_1277 = arith.addi %iota3A, %add3A_1276 : vector<16xi32>
        %get3A_1278 = arith.index_cast %add3A_1275 : i32 to index
        %get3A_1279 = tpu.vector_load %arg17[%get3A_1278] {strides = array<i32>} : memref<8208xi32, #tpu.memory_space<vmem>>, vector<16xi32>,
        %lt3A_1280 = vector.broadcast %scan3A_12#1 : i32 to vector<16xi32>
        %lt3A_1281 = arith.cmpi slt, %add3A_1277, %lt3A_1280 : vector<16xi32>
        %and3A = arith.constant 255 : i32
        %and3A_1282 = vector.broadcast %and3A : i32 to vector<16xi32>
        %and3A_1283 = arith.andi %add3A_1277, %and3A_1282 : vector<16xi32>
        %add3A_1284 = arith.constant 8192 : i32
        %add3A_1285 = vector.broadcast %add3A_1284 : i32 to vector<16xi32>
        %add3A_1286 = arith.addi %add3A_1285, %and3A_1283 : vector<16xi32>
        %select_n3A_1287 = arith.select %lt3A_1281, %get3A_1279, %add3A_1286 : vector<16xi1>, vector<16xi32>
        %swap3A_1288 = arith.constant 0 : i32
        %swap3A_1289 = arith.index_cast %swap3A_1288 : i32 to index
        %swap3A_1290 = arith.constant 0 : index
        %swap3A_1291 = tpu.vector_load %arg20[%swap3A_1289, %swap3A_1290] {strides = array<i32>} : memref<1x128xi32, #tpu.memory_space<vmem>>, vector<16xi32>,
        tpu.vector_store %arg20[%swap3A_1289, %swap3A_1290], %select_n3A_1287 {strides = array<i32>} : memref<1x128xi32, #tpu.memory_space<vmem>>, vector<16xi32>,
        %min3A = arith.constant 256 : i32
        %min3A_1292 = arith.minsi %scan3A_12#1, %min3A : i32
        %lt3A_1293 = vector.broadcast %min3A_1292 : i32 to vector<16xi32>
        %lt3A_1294 = arith.cmpi slt, %add3A_1277, %lt3A_1293 : vector<16xi32>
        %add3A_1295 = vector.broadcast %mul3A_650 : i32 to vector<16xi32>
        %add3A_1296 = arith.addi %add3A_1295, %add3A_1277 : vector<16xi32>
        %and3A_1297 = arith.constant 511 : i32
        %and3A_1298 = vector.broadcast %and3A_1297 : i32 to vector<16xi32>
        %and3A_1299 = arith.andi %add3A_1277, %and3A_1298 : vector<16xi32>
        %add3A_1300 = arith.constant 32768 : i32
        %add3A_1301 = vector.broadcast %add3A_1300 : i32 to vector<16xi32>
        %add3A_1302 = arith.addi %add3A_1301, %and3A_1299 : vector<16xi32>
        %select_n3A_1303 = arith.select %lt3A_1294, %add3A_1296, %add3A_1302 : vector<16xi1>, vector<16xi32>
        %swap3A_1304 = arith.constant 0 : index
        %swap3A_1305 = tpu.vector_load %arg21[%swap3A_1304] {strides = array<i32>} : memref<128xi32, #tpu.memory_space<vmem>>, vector<16xi32>,
        tpu.vector_store %arg21[%swap3A_1304], %select_n3A_1303 {strides = array<i32>} : memref<128xi32, #tpu.memory_space<vmem>>, vector<16xi32>,
        %mul3A_1306 = arith.constant 128 : i32
        %mul3A_1307 = arith.muli %scan3A_1265, %mul3A_1306 : i32
        %add3A_1308 = arith.constant 16 : i32
        %add3A_1309 = arith.addi %mul3A_1307, %add3A_1308 : i32
        %add3A_1310 = vector.broadcast %add3A_1309 : i32 to vector<16xi32>
        %add3A_1311 = arith.addi %iota3A, %add3A_1310 : vector<16xi32>
        %get3A_1312 = arith.index_cast %add3A_1309 : i32 to index
        %get3A_1313 = tpu.vector_load %arg17[%get3A_1312] {strides = array<i32>} : memref<8208xi32, #tpu.memory_space<vmem>>, vector<16xi32>,
        %lt3A_1314 = vector.broadcast %scan3A_12#1 : i32 to vector<16xi32>
        %lt3A_1315 = arith.cmpi slt, %add3A_1311, %lt3A_1314 : vector<16xi32>
        %and3A_1316 = arith.constant 255 : i32
        %and3A_1317 = vector.broadcast %and3A_1316 : i32 to vector<16xi32>
        %and3A_1318 = arith.andi %add3A_1311, %and3A_1317 : vector<16xi32>
        %add3A_1319 = arith.constant 8192 : i32
        %add3A_1320 = vector.broadcast %add3A_1319 : i32 to vector<16xi32>
        %add3A_1321 = arith.addi %add3A_1320, %and3A_1318 : vector<16xi32>
        %select_n3A_1322 = arith.select %lt3A_1315, %get3A_1313, %add3A_1321 : vector<16xi1>, vector<16xi32>
        %swap3A_1323 = arith.constant 0 : i32
        %swap3A_1324 = arith.index_cast %swap3A_1323 : i32 to index
        %swap3A_1325 = arith.constant 16 : index
        %swap3A_1326 = tpu.vector_load %arg20[%swap3A_1324, %swap3A_1325] {strides = array<i32>} : memref<1x128xi32, #tpu.memory_space<vmem>>, vector<16xi32>,
        tpu.vector_store %arg20[%swap3A_1324, %swap3A_1325], %select_n3A_1322 {strides = array<i32>} : memref<1x128xi32, #tpu.memory_space<vmem>>, vector<16xi32>,
        %min3A_1327 = arith.constant 256 : i32
        %min3A_1328 = arith.minsi %scan3A_12#1, %min3A_1327 : i32
        %lt3A_1329 = vector.broadcast %min3A_1328 : i32 to vector<16xi32>
        %lt3A_1330 = arith.cmpi slt, %add3A_1311, %lt3A_1329 : vector<16xi32>
        %add3A_1331 = vector.broadcast %mul3A_650 : i32 to vector<16xi32>
        %add3A_1332 = arith.addi %add3A_1331, %add3A_1311 : vector<16xi32>
        %and3A_1333 = arith.constant 511 : i32
        %and3A_1334 = vector.broadcast %and3A_1333 : i32 to vector<16xi32>
        %and3A_1335 = arith.andi %add3A_1311, %and3A_1334 : vector<16xi32>
        %add3A_1336 = arith.constant 32768 : i32
        %add3A_1337 = vector.broadcast %add3A_1336 : i32 to vector<16xi32>
        %add3A_1338 = arith.addi %add3A_1337, %and3A_1335 : vector<16xi32>
        %select_n3A_1339 = arith.select %lt3A_1330, %add3A_1332, %add3A_1338 : vector<16xi1>, vector<16xi32>
        %swap3A_1340 = arith.constant 16 : index
        %swap3A_1341 = tpu.vector_load %arg21[%swap3A_1340] {strides = array<i32>} : memref<128xi32, #tpu.memory_space<vmem>>, vector<16xi32>,
        tpu.vector_store %arg21[%swap3A_1340], %select_n3A_1339 {strides = array<i32>} : memref<128xi32, #tpu.memory_space<vmem>>, vector<16xi32>,
        %mul3A_1342 = arith.constant 128 : i32
        %mul3A_1343 = arith.muli %scan3A_1265, %mul3A_1342 : i32
        %add3A_1344 = arith.constant 32 : i32
        %add3A_1345 = arith.addi %mul3A_1343, %add3A_1344 : i32
        %add3A_1346 = vector.broadcast %add3A_1345 : i32 to vector<16xi32>
        %add3A_1347 = arith.addi %iota3A, %add3A_1346 : vector<16xi32>
        %get3A_1348 = arith.index_cast %add3A_1345 : i32 to index
        %get3A_1349 = tpu.vector_load %arg17[%get3A_1348] {strides = array<i32>} : memref<8208xi32, #tpu.memory_space<vmem>>, vector<16xi32>,
        %lt3A_1350 = vector.broadcast %scan3A_12#1 : i32 to vector<16xi32>
        %lt3A_1351 = arith.cmpi slt, %add3A_1347, %lt3A_1350 : vector<16xi32>
        %and3A_1352 = arith.constant 255 : i32
        %and3A_1353 = vector.broadcast %and3A_1352 : i32 to vector<16xi32>
        %and3A_1354 = arith.andi %add3A_1347, %and3A_1353 : vector<16xi32>
        %add3A_1355 = arith.constant 8192 : i32
        %add3A_1356 = vector.broadcast %add3A_1355 : i32 to vector<16xi32>
        %add3A_1357 = arith.addi %add3A_1356, %and3A_1354 : vector<16xi32>
        %select_n3A_1358 = arith.select %lt3A_1351, %get3A_1349, %add3A_1357 : vector<16xi1>, vector<16xi32>
        %swap3A_1359 = arith.constant 0 : i32
        %swap3A_1360 = arith.index_cast %swap3A_1359 : i32 to index
        %swap3A_1361 = arith.constant 32 : index
        %swap3A_1362 = tpu.vector_load %arg20[%swap3A_1360, %swap3A_1361] {strides = array<i32>} : memref<1x128xi32, #tpu.memory_space<vmem>>, vector<16xi32>,
        tpu.vector_store %arg20[%swap3A_1360, %swap3A_1361], %select_n3A_1358 {strides = array<i32>} : memref<1x128xi32, #tpu.memory_space<vmem>>, vector<16xi32>,
        %min3A_1363 = arith.constant 256 : i32
        %min3A_1364 = arith.minsi %scan3A_12#1, %min3A_1363 : i32
        %lt3A_1365 = vector.broadcast %min3A_1364 : i32 to vector<16xi32>
        %lt3A_1366 = arith.cmpi slt, %add3A_1347, %lt3A_1365 : vector<16xi32>
        %add3A_1367 = vector.broadcast %mul3A_650 : i32 to vector<16xi32>
        %add3A_1368 = arith.addi %add3A_1367, %add3A_1347 : vector<16xi32>
        %and3A_1369 = arith.constant 511 : i32
        %and3A_1370 = vector.broadcast %and3A_1369 : i32 to vector<16xi32>
        %and3A_1371 = arith.andi %add3A_1347, %and3A_1370 : vector<16xi32>
        %add3A_1372 = arith.constant 32768 : i32
        %add3A_1373 = vector.broadcast %add3A_1372 : i32 to vector<16xi32>
        %add3A_1374 = arith.addi %add3A_1373, %and3A_1371 : vector<16xi32>
        %select_n3A_1375 = arith.select %lt3A_1366, %add3A_1368, %add3A_1374 : vector<16xi1>, vector<16xi32>
        %swap3A_1376 = arith.constant 32 : index
        %swap3A_1377 = tpu.vector_load %arg21[%swap3A_1376] {strides = array<i32>} : memref<128xi32, #tpu.memory_space<vmem>>, vector<16xi32>,
        tpu.vector_store %arg21[%swap3A_1376], %select_n3A_1375 {strides = array<i32>} : memref<128xi32, #tpu.memory_space<vmem>>, vector<16xi32>,
        %mul3A_1378 = arith.constant 128 : i32
        %mul3A_1379 = arith.muli %scan3A_1265, %mul3A_1378 : i32
        %add3A_1380 = arith.constant 48 : i32
        %add3A_1381 = arith.addi %mul3A_1379, %add3A_1380 : i32
        %add3A_1382 = vector.broadcast %add3A_1381 : i32 to vector<16xi32>
        %add3A_1383 = arith.addi %iota3A, %add3A_1382 : vector<16xi32>
        %get3A_1384 = arith.index_cast %add3A_1381 : i32 to index
        %get3A_1385 = tpu.vector_load %arg17[%get3A_1384] {strides = array<i32>} : memref<8208xi32, #tpu.memory_space<vmem>>, vector<16xi32>,
        %lt3A_1386 = vector.broadcast %scan3A_12#1 : i32 to vector<16xi32>
        %lt3A_1387 = arith.cmpi slt, %add3A_1383, %lt3A_1386 : vector<16xi32>
        %and3A_1388 = arith.constant 255 : i32
        %and3A_1389 = vector.broadcast %and3A_1388 : i32 to vector<16xi32>
        %and3A_1390 = arith.andi %add3A_1383, %and3A_1389 : vector<16xi32>
        %add3A_1391 = arith.constant 8192 : i32
        %add3A_1392 = vector.broadcast %add3A_1391 : i32 to vector<16xi32>
        %add3A_1393 = arith.addi %add3A_1392, %and3A_1390 : vector<16xi32>
        %select_n3A_1394 = arith.select %lt3A_1387, %get3A_1385, %add3A_1393 : vector<16xi1>, vector<16xi32>
        %swap3A_1395 = arith.constant 0 : i32
        %swap3A_1396 = arith.index_cast %swap3A_1395 : i32 to index
        %swap3A_1397 = arith.constant 48 : index
        %swap3A_1398 = tpu.vector_load %arg20[%swap3A_1396, %swap3A_1397] {strides = array<i32>} : memref<1x128xi32, #tpu.memory_space<vmem>>, vector<16xi32>,
        tpu.vector_store %arg20[%swap3A_1396, %swap3A_1397], %select_n3A_1394 {strides = array<i32>} : memref<1x128xi32, #tpu.memory_space<vmem>>, vector<16xi32>,
        %min3A_1399 = arith.constant 256 : i32
        %min3A_1400 = arith.minsi %scan3A_12#1, %min3A_1399 : i32
        %lt3A_1401 = vector.broadcast %min3A_1400 : i32 to vector<16xi32>
        %lt3A_1402 = arith.cmpi slt, %add3A_1383, %lt3A_1401 : vector<16xi32>
        %add3A_1403 = vector.broadcast %mul3A_650 : i32 to vector<16xi32>
        %add3A_1404 = arith.addi %add3A_1403, %add3A_1383 : vector<16xi32>
        %and3A_1405 = arith.constant 511 : i32
        %and3A_1406 = vector.broadcast %and3A_1405 : i32 to vector<16xi32>
        %and3A_1407 = arith.andi %add3A_1383, %and3A_1406 : vector<16xi32>
        %add3A_1408 = arith.constant 32768 : i32
        %add3A_1409 = vector.broadcast %add3A_1408 : i32 to vector<16xi32>
        %add3A_1410 = arith.addi %add3A_1409, %and3A_1407 : vector<16xi32>
        %select_n3A_1411 = arith.select %lt3A_1402, %add3A_1404, %add3A_1410 : vector<16xi1>, vector<16xi32>
        %swap3A_1412 = arith.constant 48 : index
        %swap3A_1413 = tpu.vector_load %arg21[%swap3A_1412] {strides = array<i32>} : memref<128xi32, #tpu.memory_space<vmem>>, vector<16xi32>,
        tpu.vector_store %arg21[%swap3A_1412], %select_n3A_1411 {strides = array<i32>} : memref<128xi32, #tpu.memory_space<vmem>>, vector<16xi32>,
        %mul3A_1414 = arith.constant 128 : i32
        %mul3A_1415 = arith.muli %scan3A_1265, %mul3A_1414 : i32
        %add3A_1416 = arith.constant 64 : i32
        %add3A_1417 = arith.addi %mul3A_1415, %add3A_1416 : i32
        %add3A_1418 = vector.broadcast %add3A_1417 : i32 to vector<16xi32>
        %add3A_1419 = arith.addi %iota3A, %add3A_1418 : vector<16xi32>
        %get3A_1420 = arith.index_cast %add3A_1417 : i32 to index
        %get3A_1421 = tpu.vector_load %arg17[%get3A_1420] {strides = array<i32>} : memref<8208xi32, #tpu.memory_space<vmem>>, vector<16xi32>,
        %lt3A_1422 = vector.broadcast %scan3A_12#1 : i32 to vector<16xi32>
        %lt3A_1423 = arith.cmpi slt, %add3A_1419, %lt3A_1422 : vector<16xi32>
        %and3A_1424 = arith.constant 255 : i32
        %and3A_1425 = vector.broadcast %and3A_1424 : i32 to vector<16xi32>
        %and3A_1426 = arith.andi %add3A_1419, %and3A_1425 : vector<16xi32>
        %add3A_1427 = arith.constant 8192 : i32
        %add3A_1428 = vector.broadcast %add3A_1427 : i32 to vector<16xi32>
        %add3A_1429 = arith.addi %add3A_1428, %and3A_1426 : vector<16xi32>
        %select_n3A_1430 = arith.select %lt3A_1423, %get3A_1421, %add3A_1429 : vector<16xi1>, vector<16xi32>
        %swap3A_1431 = arith.constant 0 : i32
        %swap3A_1432 = arith.index_cast %swap3A_1431 : i32 to index
        %swap3A_1433 = arith.constant 64 : index
        %swap3A_1434 = tpu.vector_load %arg20[%swap3A_1432, %swap3A_1433] {strides = array<i32>} : memref<1x128xi32, #tpu.memory_space<vmem>>, vector<16xi32>,
        tpu.vector_store %arg20[%swap3A_1432, %swap3A_1433], %select_n3A_1430 {strides = array<i32>} : memref<1x128xi32, #tpu.memory_space<vmem>>, vector<16xi32>,
        %min3A_1435 = arith.constant 256 : i32
        %min3A_1436 = arith.minsi %scan3A_12#1, %min3A_1435 : i32
        %lt3A_1437 = vector.broadcast %min3A_1436 : i32 to vector<16xi32>
        %lt3A_1438 = arith.cmpi slt, %add3A_1419, %lt3A_1437 : vector<16xi32>
        %add3A_1439 = vector.broadcast %mul3A_650 : i32 to vector<16xi32>
        %add3A_1440 = arith.addi %add3A_1439, %add3A_1419 : vector<16xi32>
        %and3A_1441 = arith.constant 511 : i32
        %and3A_1442 = vector.broadcast %and3A_1441 : i32 to vector<16xi32>
        %and3A_1443 = arith.andi %add3A_1419, %and3A_1442 : vector<16xi32>
        %add3A_1444 = arith.constant 32768 : i32
        %add3A_1445 = vector.broadcast %add3A_1444 : i32 to vector<16xi32>
        %add3A_1446 = arith.addi %add3A_1445, %and3A_1443 : vector<16xi32>
        %select_n3A_1447 = arith.select %lt3A_1438, %add3A_1440, %add3A_1446 : vector<16xi1>, vector<16xi32>
        %swap3A_1448 = arith.constant 64 : index
        %swap3A_1449 = tpu.vector_load %arg21[%swap3A_1448] {strides = array<i32>} : memref<128xi32, #tpu.memory_space<vmem>>, vector<16xi32>,
        tpu.vector_store %arg21[%swap3A_1448], %select_n3A_1447 {strides = array<i32>} : memref<128xi32, #tpu.memory_space<vmem>>, vector<16xi32>,
        %mul3A_1450 = arith.constant 128 : i32
        %mul3A_1451 = arith.muli %scan3A_1265, %mul3A_1450 : i32
        %add3A_1452 = arith.constant 80 : i32
        %add3A_1453 = arith.addi %mul3A_1451, %add3A_1452 : i32
        %add3A_1454 = vector.broadcast %add3A_1453 : i32 to vector<16xi32>
        %add3A_1455 = arith.addi %iota3A, %add3A_1454 : vector<16xi32>
        %get3A_1456 = arith.index_cast %add3A_1453 : i32 to index
        %get3A_1457 = tpu.vector_load %arg17[%get3A_1456] {strides = array<i32>} : memref<8208xi32, #tpu.memory_space<vmem>>, vector<16xi32>,
        %lt3A_1458 = vector.broadcast %scan3A_12#1 : i32 to vector<16xi32>
        %lt3A_1459 = arith.cmpi slt, %add3A_1455, %lt3A_1458 : vector<16xi32>
        %and3A_1460 = arith.constant 255 : i32
        %and3A_1461 = vector.broadcast %and3A_1460 : i32 to vector<16xi32>
        %and3A_1462 = arith.andi %add3A_1455, %and3A_1461 : vector<16xi32>
        %add3A_1463 = arith.constant 8192 : i32
        %add3A_1464 = vector.broadcast %add3A_1463 : i32 to vector<16xi32>
        %add3A_1465 = arith.addi %add3A_1464, %and3A_1462 : vector<16xi32>
        %select_n3A_1466 = arith.select %lt3A_1459, %get3A_1457, %add3A_1465 : vector<16xi1>, vector<16xi32>
        %swap3A_1467 = arith.constant 0 : i32
        %swap3A_1468 = arith.index_cast %swap3A_1467 : i32 to index
        %swap3A_1469 = arith.constant 80 : index
        %swap3A_1470 = tpu.vector_load %arg20[%swap3A_1468, %swap3A_1469] {strides = array<i32>} : memref<1x128xi32, #tpu.memory_space<vmem>>, vector<16xi32>,
        tpu.vector_store %arg20[%swap3A_1468, %swap3A_1469], %select_n3A_1466 {strides = array<i32>} : memref<1x128xi32, #tpu.memory_space<vmem>>, vector<16xi32>,
        %min3A_1471 = arith.constant 256 : i32
        %min3A_1472 = arith.minsi %scan3A_12#1, %min3A_1471 : i32
        %lt3A_1473 = vector.broadcast %min3A_1472 : i32 to vector<16xi32>
        %lt3A_1474 = arith.cmpi slt, %add3A_1455, %lt3A_1473 : vector<16xi32>
        %add3A_1475 = vector.broadcast %mul3A_650 : i32 to vector<16xi32>
        %add3A_1476 = arith.addi %add3A_1475, %add3A_1455 : vector<16xi32>
        %and3A_1477 = arith.constant 511 : i32
        %and3A_1478 = vector.broadcast %and3A_1477 : i32 to vector<16xi32>
        %and3A_1479 = arith.andi %add3A_1455, %and3A_1478 : vector<16xi32>
        %add3A_1480 = arith.constant 32768 : i32
        %add3A_1481 = vector.broadcast %add3A_1480 : i32 to vector<16xi32>
        %add3A_1482 = arith.addi %add3A_1481, %and3A_1479 : vector<16xi32>
        %select_n3A_1483 = arith.select %lt3A_1474, %add3A_1476, %add3A_1482 : vector<16xi1>, vector<16xi32>
        %swap3A_1484 = arith.constant 80 : index
        %swap3A_1485 = tpu.vector_load %arg21[%swap3A_1484] {strides = array<i32>} : memref<128xi32, #tpu.memory_space<vmem>>, vector<16xi32>,
        tpu.vector_store %arg21[%swap3A_1484], %select_n3A_1483 {strides = array<i32>} : memref<128xi32, #tpu.memory_space<vmem>>, vector<16xi32>,
        %mul3A_1486 = arith.constant 128 : i32
        %mul3A_1487 = arith.muli %scan3A_1265, %mul3A_1486 : i32
        %add3A_1488 = arith.constant 96 : i32
        %add3A_1489 = arith.addi %mul3A_1487, %add3A_1488 : i32
        %add3A_1490 = vector.broadcast %add3A_1489 : i32 to vector<16xi32>
        %add3A_1491 = arith.addi %iota3A, %add3A_1490 : vector<16xi32>
        %get3A_1492 = arith.index_cast %add3A_1489 : i32 to index
        %get3A_1493 = tpu.vector_load %arg17[%get3A_1492] {strides = array<i32>} : memref<8208xi32, #tpu.memory_space<vmem>>, vector<16xi32>,
        %lt3A_1494 = vector.broadcast %scan3A_12#1 : i32 to vector<16xi32>
        %lt3A_1495 = arith.cmpi slt, %add3A_1491, %lt3A_1494 : vector<16xi32>
        %and3A_1496 = arith.constant 255 : i32
        %and3A_1497 = vector.broadcast %and3A_1496 : i32 to vector<16xi32>
        %and3A_1498 = arith.andi %add3A_1491, %and3A_1497 : vector<16xi32>
        %add3A_1499 = arith.constant 8192 : i32
        %add3A_1500 = vector.broadcast %add3A_1499 : i32 to vector<16xi32>
        %add3A_1501 = arith.addi %add3A_1500, %and3A_1498 : vector<16xi32>
        %select_n3A_1502 = arith.select %lt3A_1495, %get3A_1493, %add3A_1501 : vector<16xi1>, vector<16xi32>
        %swap3A_1503 = arith.constant 0 : i32
        %swap3A_1504 = arith.index_cast %swap3A_1503 : i32 to index
        %swap3A_1505 = arith.constant 96 : index
        %swap3A_1506 = tpu.vector_load %arg20[%swap3A_1504, %swap3A_1505] {strides = array<i32>} : memref<1x128xi32, #tpu.memory_space<vmem>>, vector<16xi32>,
        tpu.vector_store %arg20[%swap3A_1504, %swap3A_1505], %select_n3A_1502 {strides = array<i32>} : memref<1x128xi32, #tpu.memory_space<vmem>>, vector<16xi32>,
        %min3A_1507 = arith.constant 256 : i32
        %min3A_1508 = arith.minsi %scan3A_12#1, %min3A_1507 : i32
        %lt3A_1509 = vector.broadcast %min3A_1508 : i32 to vector<16xi32>
        %lt3A_1510 = arith.cmpi slt, %add3A_1491, %lt3A_1509 : vector<16xi32>
        %add3A_1511 = vector.broadcast %mul3A_650 : i32 to vector<16xi32>
        %add3A_1512 = arith.addi %add3A_1511, %add3A_1491 : vector<16xi32>
        %and3A_1513 = arith.constant 511 : i32
        %and3A_1514 = vector.broadcast %and3A_1513 : i32 to vector<16xi32>
        %and3A_1515 = arith.andi %add3A_1491, %and3A_1514 : vector<16xi32>
        %add3A_1516 = arith.constant 32768 : i32
        %add3A_1517 = vector.broadcast %add3A_1516 : i32 to vector<16xi32>
        %add3A_1518 = arith.addi %add3A_1517, %and3A_1515 : vector<16xi32>
        %select_n3A_1519 = arith.select %lt3A_1510, %add3A_1512, %add3A_1518 : vector<16xi1>, vector<16xi32>
        %swap3A_1520 = arith.constant 96 : index
        %swap3A_1521 = tpu.vector_load %arg21[%swap3A_1520] {strides = array<i32>} : memref<128xi32, #tpu.memory_space<vmem>>, vector<16xi32>,
        tpu.vector_store %arg21[%swap3A_1520], %select_n3A_1519 {strides = array<i32>} : memref<128xi32, #tpu.memory_space<vmem>>, vector<16xi32>,
        %mul3A_1522 = arith.constant 128 : i32
        %mul3A_1523 = arith.muli %scan3A_1265, %mul3A_1522 : i32
        %add3A_1524 = arith.constant 112 : i32
        %add3A_1525 = arith.addi %mul3A_1523, %add3A_1524 : i32
        %add3A_1526 = vector.broadcast %add3A_1525 : i32 to vector<16xi32>
        %add3A_1527 = arith.addi %iota3A, %add3A_1526 : vector<16xi32>
        %get3A_1528 = arith.index_cast %add3A_1525 : i32 to index
        %get3A_1529 = tpu.vector_load %arg17[%get3A_1528] {strides = array<i32>} : memref<8208xi32, #tpu.memory_space<vmem>>, vector<16xi32>,
        %lt3A_1530 = vector.broadcast %scan3A_12#1 : i32 to vector<16xi32>
        %lt3A_1531 = arith.cmpi slt, %add3A_1527, %lt3A_1530 : vector<16xi32>
        %and3A_1532 = arith.constant 255 : i32
        %and3A_1533 = vector.broadcast %and3A_1532 : i32 to vector<16xi32>
        %and3A_1534 = arith.andi %add3A_1527, %and3A_1533 : vector<16xi32>
        %add3A_1535 = arith.constant 8192 : i32
        %add3A_1536 = vector.broadcast %add3A_1535 : i32 to vector<16xi32>
        %add3A_1537 = arith.addi %add3A_1536, %and3A_1534 : vector<16xi32>
        %select_n3A_1538 = arith.select %lt3A_1531, %get3A_1529, %add3A_1537 : vector<16xi1>, vector<16xi32>
        %swap3A_1539 = arith.constant 0 : i32
        %swap3A_1540 = arith.index_cast %swap3A_1539 : i32 to index
        %swap3A_1541 = arith.constant 112 : index
        %swap3A_1542 = tpu.vector_load %arg20[%swap3A_1540, %swap3A_1541] {strides = array<i32>} : memref<1x128xi32, #tpu.memory_space<vmem>>, vector<16xi32>,
        tpu.vector_store %arg20[%swap3A_1540, %swap3A_1541], %select_n3A_1538 {strides = array<i32>} : memref<1x128xi32, #tpu.memory_space<vmem>>, vector<16xi32>,
        %min3A_1543 = arith.constant 256 : i32
        %min3A_1544 = arith.minsi %scan3A_12#1, %min3A_1543 : i32
        %lt3A_1545 = vector.broadcast %min3A_1544 : i32 to vector<16xi32>
        %lt3A_1546 = arith.cmpi slt, %add3A_1527, %lt3A_1545 : vector<16xi32>
        %add3A_1547 = vector.broadcast %mul3A_650 : i32 to vector<16xi32>
        %add3A_1548 = arith.addi %add3A_1547, %add3A_1527 : vector<16xi32>
        %and3A_1549 = arith.constant 511 : i32
        %and3A_1550 = vector.broadcast %and3A_1549 : i32 to vector<16xi32>
        %and3A_1551 = arith.andi %add3A_1527, %and3A_1550 : vector<16xi32>
        %add3A_1552 = arith.constant 32768 : i32
        %add3A_1553 = vector.broadcast %add3A_1552 : i32 to vector<16xi32>
        %add3A_1554 = arith.addi %add3A_1553, %and3A_1551 : vector<16xi32>
        %select_n3A_1555 = arith.select %lt3A_1546, %add3A_1548, %add3A_1554 : vector<16xi1>, vector<16xi32>
        %swap3A_1556 = arith.constant 112 : index
        %swap3A_1557 = tpu.vector_load %arg21[%swap3A_1556] {strides = array<i32>} : memref<128xi32, #tpu.memory_space<vmem>>, vector<16xi32>,
        tpu.vector_store %arg21[%swap3A_1556], %select_n3A_1555 {strides = array<i32>} : memref<128xi32, #tpu.memory_space<vmem>>, vector<16xi32>,
        %dma_start3A = arith.constant 0 : i32
        %dma_start3A_1558 = arith.constant 0 : i32
        %dma_start3A_1559 = tpu.memref_slice %arg20[%dma_start3A, %dma_start3A_1558] : memref<1x128xi32, #tpu.memory_space<vmem>> -> memref<1x128xi32, #tpu.memory_space<vmem>>
        %dma_start3A_1560 = tpu.memref_squeeze %dma_start3A_1559 : memref<1x128xi32, #tpu.memory_space<vmem>> -> memref<128xi32, #tpu.memory_space<vmem>>
        %dma_start3A_1561 = arith.constant 0 : i32
        %dma_start3A_1562 = tpu.memref_slice %arg9[%dma_start3A_1561] : memref<8448xi32, #tpu.memory_space<hbm>> -> memref<8448xi32, #tpu.memory_space<hbm>>
        tpu.enqueue_indirect_dma source(%arg21 : memref<128xi32, #tpu.memory_space<vmem>>) target(%dma_start3A_1562 : memref<8448xi32, #tpu.memory_space<hbm>>) offsets(%dma_start3A_1560 : memref<128xi32, #tpu.memory_space<vmem>>) semaphore(%arg26 : memref<!tpu.dma_semaphore, #tpu.memory_space<semaphore_mem>>)
        %dma_wait3A = arith.constant 0 : i32
        %dma_wait3A_1563 = arith.constant 0 : i32
        %dma_wait3A_1564 = tpu.memref_slice %arg20[%dma_wait3A, %dma_wait3A_1563] : memref<1x128xi32, #tpu.memory_space<vmem>> -> memref<1x128xi32, #tpu.memory_space<vmem>>
        %dma_wait3A_1565 = tpu.memref_squeeze %dma_wait3A_1564 : memref<1x128xi32, #tpu.memory_space<vmem>> -> memref<128xi32, #tpu.memory_space<vmem>>
        %dma_wait3A_1566 = arith.constant 0 : i32
        %dma_wait3A_1567 = tpu.memref_slice %arg9[%dma_wait3A_1566] : memref<8448xi32, #tpu.memory_space<hbm>> -> memref<8448xi32, #tpu.memory_space<hbm>>
        tpu.wait_indirect_dma semaphore(%arg26 : memref<!tpu.dma_semaphore, #tpu.memory_space<semaphore_mem>>) src(%arg21 : memref<128xi32, #tpu.memory_space<vmem>>) dst(%dma_wait3A_1567 : memref<8448xi32, #tpu.memory_space<hbm>>)
      } else {
      }
      %scan3A_1271 = arith.constant 0 : i32
      scf.yield %scan3A_1271 : i32
    }
    %scan3A_945 = arith.constant 64 : i32
    %scan3A_946 = arith.constant 0 : i32
    %scan3A_947 = arith.constant 0 : i32
    %scan3A_948 = arith.constant 16 : i32
    %scan3A_949 = arith.addi %scan3A_947, %scan3A_948 : i32
    %scan3A_950 = arith.constant 1 : i32
    %scan3A_951 = scf.for %scan3A_1265 = %scan3A_947 to %scan3A_949 step %scan3A_950 iter_args(%scan3A_1266 = %scan3A_946) -> (i32)  : i32 {
      %mul3A_1267 = arith.constant 16 : i32
      %mul3A_1268 = arith.muli %scan3A_1265, %mul3A_1267 : i32
      %lt3A_1269 = arith.cmpi slt, %mul3A_1268, %scan3A_12#1 : i32
      %convert_element_type3A = arith.extui %lt3A_1269 : i1 to i32
      %cond3A = arith.constant 0 : i32
      %cond3A_1270 = arith.cmpi ne, %convert_element_type3A, %cond3A : i32
      scf.if %cond3A_1270 {
        %mul3A_1272 = arith.constant 16 : i32
        %mul3A_1273 = arith.muli %scan3A_1265, %mul3A_1272 : i32
        %add3A_1274 = vector.broadcast %mul3A_1273 : i32 to vector<16xi32>
        %add3A_1275 = arith.addi %iota3A, %add3A_1274 : vector<16xi32>
        %get3A_1276 = arith.index_cast %mul3A_1273 : i32 to index
        %get3A_1277 = tpu.vector_load %arg17[%get3A_1276] {strides = array<i32>} : memref<8208xi32, #tpu.memory_space<vmem>>, vector<16xi32>,
        %lt3A_1278 = vector.broadcast %scan3A_12#1 : i32 to vector<16xi32>
        %lt3A_1279 = arith.cmpi slt, %add3A_1275, %lt3A_1278 : vector<16xi32>
        %select_n3A_1280 = arith.select %lt3A_1279, %get3A_1277, %add3A_1275 : vector<16xi1>, vector<16xi32>
        %swap3A_1281 = arith.constant 0 : index
        %swap3A_1282 = tpu.vector_load %arg22[%swap3A_1281] {strides = array<i32>} : memref<16xi32, #tpu.memory_space<vmem>>, vector<16xi32>,
        tpu.vector_store %arg22[%swap3A_1281], %select_n3A_1280 {strides = array<i32>} : memref<16xi32, #tpu.memory_space<vmem>>, vector<16xi32>,
        %dma_start3A = arith.constant 0 : i32
        %dma_start3A_1283 = arith.constant 0 : i32
        %dma_start3A_1284 = arith.constant 0 : i32
        %dma_start3A_1285 = tpu.memref_slice %arg24[%dma_start3A, %dma_start3A_1283, %dma_start3A_1284] : memref<2x16x768xf32, #tpu.memory_space<vmem>> -> memref<1x16x768xf32, #tpu.memory_space<vmem>>
        %dma_start3A_1286 = tpu.memref_squeeze %dma_start3A_1285 : memref<1x16x768xf32, #tpu.memory_space<vmem>> -> memref<16x768xf32, #tpu.memory_space<vmem>>
        %dma_start3A_1287 = arith.constant 0 : i32
        %dma_start3A_1288 = arith.constant 0 : i32
        %dma_start3A_1289 = tpu.memref_slice %arg2[%dma_start3A_1287, %dma_start3A_1288] : memref<8192x768xf32, #tpu.memory_space<hbm>> -> memref<8192x768xf32, #tpu.memory_space<hbm>>
        tpu.enqueue_indirect_dma source(%dma_start3A_1289 : memref<8192x768xf32, #tpu.memory_space<hbm>>) target(%dma_start3A_1286 : memref<16x768xf32, #tpu.memory_space<vmem>>) offsets(%arg22 : memref<16xi32, #tpu.memory_space<vmem>>) semaphore(%arg27 : memref<!tpu.dma_semaphore, #tpu.memory_space<semaphore_mem>>)
        %dma_wait3A = arith.constant 0 : i32
        %dma_wait3A_1290 = arith.constant 0 : i32
        %dma_wait3A_1291 = arith.constant 0 : i32
        %dma_wait3A_1292 = tpu.memref_slice %arg24[%dma_wait3A, %dma_wait3A_1290, %dma_wait3A_1291] : memref<2x16x768xf32, #tpu.memory_space<vmem>> -> memref<1x16x768xf32, #tpu.memory_space<vmem>>
        %dma_wait3A_1293 = tpu.memref_squeeze %dma_wait3A_1292 : memref<1x16x768xf32, #tpu.memory_space<vmem>> -> memref<16x768xf32, #tpu.memory_space<vmem>>
        %dma_wait3A_1294 = arith.constant 0 : i32
        %dma_wait3A_1295 = arith.constant 0 : i32
        %dma_wait3A_1296 = tpu.memref_slice %arg2[%dma_wait3A_1294, %dma_wait3A_1295] : memref<8192x768xf32, #tpu.memory_space<hbm>> -> memref<8192x768xf32, #tpu.memory_space<hbm>>
        tpu.wait_indirect_dma semaphore(%arg27 : memref<!tpu.dma_semaphore, #tpu.memory_space<semaphore_mem>>) src(%dma_wait3A_1296 : memref<8192x768xf32, #tpu.memory_space<hbm>>) dst(%dma_wait3A_1293 : memref<16x768xf32, #tpu.memory_space<vmem>>)
        %add3A_1297 = arith.addi %mul3A_650, %mul3A_1273 : i32
        %run_scoped3A = arith.constant 0 : i32
        "tpu.region"() ({
          %run_scoped3A_1298 = tpu.sem_alloc : memref<!tpu.dma_semaphore, #tpu.memory_space<semaphore_mem>>
          %dma_start3A_1299 = arith.constant 0 : i32
          %dma_start3A_1300 = arith.constant 0 : i32
          %dma_start3A_1301 = tpu.memref_slice %arg24[%run_scoped3A, %dma_start3A_1299, %dma_start3A_1300] : memref<2x16x768xf32, #tpu.memory_space<vmem>> -> memref<1x16x768xf32, #tpu.memory_space<vmem>>
          %dma_start3A_1302 = tpu.memref_squeeze %dma_start3A_1301 : memref<1x16x768xf32, #tpu.memory_space<vmem>> -> memref<16x768xf32, #tpu.memory_space<vmem>>
          %dma_start3A_1303 = arith.constant 0 : i32
          %dma_start3A_1304 = tpu.memref_slice %arg7[%add3A_1297, %dma_start3A_1303] : memref<32768x768xf32, #tpu.memory_space<hbm>> -> memref<16x768xf32, #tpu.memory_space<hbm>>
          %dma_start3A_1305 = arith.constant 0 : i32
          %dma_start3A_1306 = tpu.memref_slice %arg7[%add3A_1297, %dma_start3A_1305] : memref<32768x768xf32, #tpu.memory_space<hbm>> -> memref<16x768xf32, #tpu.memory_space<hbm>>
          %dma_start3A_1307 = arith.constant 0 : i32
          %dma_start3A_1308 = arith.constant 0 : i32
          %dma_start3A_1309 = tpu.memref_slice %arg24[%run_scoped3A, %dma_start3A_1307, %dma_start3A_1308] : memref<2x16x768xf32, #tpu.memory_space<vmem>> -> memref<1x16x768xf32, #tpu.memory_space<vmem>>
          %dma_start3A_1310 = tpu.memref_squeeze %dma_start3A_1309 : memref<1x16x768xf32, #tpu.memory_space<vmem>> -> memref<16x768xf32, #tpu.memory_space<vmem>>
          tpu.enqueue_dma source(%dma_start3A_1310 : memref<16x768xf32, #tpu.memory_space<vmem>>) target(%dma_start3A_1306 : memref<16x768xf32, #tpu.memory_space<hbm>>) target_semaphore(%run_scoped3A_1298 : memref<!tpu.dma_semaphore, #tpu.memory_space<semaphore_mem>>)
          %dma_wait3A_1311 = arith.constant 0 : i32
          %dma_wait3A_1312 = arith.constant 0 : i32
          %dma_wait3A_1313 = tpu.memref_slice %arg24[%run_scoped3A, %dma_wait3A_1311, %dma_wait3A_1312] : memref<2x16x768xf32, #tpu.memory_space<vmem>> -> memref<1x16x768xf32, #tpu.memory_space<vmem>>
          %dma_wait3A_1314 = tpu.memref_squeeze %dma_wait3A_1313 : memref<1x16x768xf32, #tpu.memory_space<vmem>> -> memref<16x768xf32, #tpu.memory_space<vmem>>
          %dma_wait3A_1315 = arith.constant 0 : i32
          %dma_wait3A_1316 = tpu.memref_slice %arg7[%add3A_1297, %dma_wait3A_1315] : memref<32768x768xf32, #tpu.memory_space<hbm>> -> memref<16x768xf32, #tpu.memory_space<hbm>>
          %dma_wait3A_1317 = arith.constant 0 : i32
          %dma_wait3A_1318 = tpu.memref_slice %arg7[%add3A_1297, %dma_wait3A_1317] : memref<32768x768xf32, #tpu.memory_space<hbm>> -> memref<16x768xf32, #tpu.memory_space<hbm>>
          %dma_wait3A_1319 = arith.constant 0 : i32
          %dma_wait3A_1320 = arith.constant 0 : i32
          %dma_wait3A_1321 = tpu.memref_slice %arg24[%run_scoped3A, %dma_wait3A_1319, %dma_wait3A_1320] : memref<2x16x768xf32, #tpu.memory_space<vmem>> -> memref<1x16x768xf32, #tpu.memory_space<vmem>>
          %dma_wait3A_1322 = tpu.memref_squeeze %dma_wait3A_1321 : memref<1x16x768xf32, #tpu.memory_space<vmem>> -> memref<16x768xf32, #tpu.memory_space<vmem>>
          tpu.wait_dma2 semaphore(%run_scoped3A_1298 : memref<!tpu.dma_semaphore, #tpu.memory_space<semaphore_mem>>) src(%dma_wait3A_1322 : memref<16x768xf32, #tpu.memory_space<vmem>>) dst(%dma_wait3A_1318 : memref<16x768xf32, #tpu.memory_space<hbm>>)
          tpu.yield
        }) : () -> ()
      } else {
      }
      %scan3A_1271 = arith.constant 0 : i32
      scf.yield %scan3A_1271 : i32
    }
    %scan3A_952 = arith.constant 16 : i32
    %mul3A_953 = arith.constant 2 : i32
    %mul3A_954 = arith.muli %add3A, %mul3A_953 : i32
    %add3A_955 = arith.constant 1 : i32
    %add3A_956 = arith.addi %mul3A_954, %add3A_955 : i32
    %mul3A_957 = arith.constant 2 : i32
    %mul3A_958 = arith.muli %add3A_956, %mul3A_957 : i32
    %add3A_959 = arith.constant 1 : i32
    %add3A_960 = arith.addi %mul3A_958, %add3A_959 : i32
    %mul3A_961 = arith.constant 256 : i32
    %mul3A_962 = arith.muli %add3A_960, %mul3A_961 : i32
    %add3A_963 = arith.constant 0 : i32
    %add3A_964 = vector.broadcast %add3A_963 : i32 to vector<16xi32>
    %add3A_965 = arith.addi %iota3A, %add3A_964 : vector<16xi32>
    %lt3A_966 = vector.broadcast %scan3A_20#1 : i32 to vector<16xi32>
    %lt3A_967 = arith.cmpi slt, %add3A_965, %lt3A_966 : vector<16xi32>
    %get3A_968 = arith.constant 0 : index
    %get3A_969 = tpu.vector_load %arg18[%get3A_968] {strides = array<i32>} : memref<8208xi32, #tpu.memory_space<vmem>>, vector<16xi32>,
    %jit3A_970 = arith.constant 0 : i32
    %broadcast_in_dim3A_971 = vector.broadcast %jit3A_970 : i32 to vector<16xi32>
    %select_n3A_972 = arith.select %lt3A_967, %get3A_969, %broadcast_in_dim3A_971 : vector<16xi1>, vector<16xi32>
    %gather3A_973 = tpu.vector_load_idx %arg14[%select_n3A_972] : memref<8192xf32, #tpu.memory_space<vmem>>[vector<16xi32>], vector<16xf32>,
    %lt3A_974 = vector.broadcast %scan3A_20#1 : i32 to vector<16xi32>
    %lt3A_975 = arith.cmpi slt, %add3A_965, %lt3A_974 : vector<16xi32>
    %jit3A_976 = arith.constant 0.000000e+00 : f32
    %broadcast_in_dim3A_977 = vector.broadcast %jit3A_976 : f32 to vector<16xf32>
    %select_n3A_978 = arith.select %lt3A_975, %gather3A_973, %broadcast_in_dim3A_977 : vector<16xi1>, vector<16xf32>
    %swap3A_979 = arith.constant 0 : index
    %swap3A_980 = tpu.vector_load %arg19[%swap3A_979] {strides = array<i32>} : memref<256xf32, #tpu.memory_space<vmem>>, vector<16xf32>,
    tpu.vector_store %arg19[%swap3A_979], %select_n3A_978 {strides = array<i32>} : memref<256xf32, #tpu.memory_space<vmem>>, vector<16xf32>,
    %add3A_981 = arith.constant 16 : i32
    %add3A_982 = vector.broadcast %add3A_981 : i32 to vector<16xi32>
    %add3A_983 = arith.addi %iota3A, %add3A_982 : vector<16xi32>
    %lt3A_984 = vector.broadcast %scan3A_20#1 : i32 to vector<16xi32>
    %lt3A_985 = arith.cmpi slt, %add3A_983, %lt3A_984 : vector<16xi32>
    %get3A_986 = arith.constant 16 : index
    %get3A_987 = tpu.vector_load %arg18[%get3A_986] {strides = array<i32>} : memref<8208xi32, #tpu.memory_space<vmem>>, vector<16xi32>,
    %jit3A_988 = arith.constant 0 : i32
    %broadcast_in_dim3A_989 = vector.broadcast %jit3A_988 : i32 to vector<16xi32>
    %select_n3A_990 = arith.select %lt3A_985, %get3A_987, %broadcast_in_dim3A_989 : vector<16xi1>, vector<16xi32>
    %gather3A_991 = tpu.vector_load_idx %arg14[%select_n3A_990] : memref<8192xf32, #tpu.memory_space<vmem>>[vector<16xi32>], vector<16xf32>,
    %lt3A_992 = vector.broadcast %scan3A_20#1 : i32 to vector<16xi32>
    %lt3A_993 = arith.cmpi slt, %add3A_983, %lt3A_992 : vector<16xi32>
    %jit3A_994 = arith.constant 0.000000e+00 : f32
    %broadcast_in_dim3A_995 = vector.broadcast %jit3A_994 : f32 to vector<16xf32>
    %select_n3A_996 = arith.select %lt3A_993, %gather3A_991, %broadcast_in_dim3A_995 : vector<16xi1>, vector<16xf32>
    %swap3A_997 = arith.constant 16 : index
    %swap3A_998 = tpu.vector_load %arg19[%swap3A_997] {strides = array<i32>} : memref<256xf32, #tpu.memory_space<vmem>>, vector<16xf32>,
    tpu.vector_store %arg19[%swap3A_997], %select_n3A_996 {strides = array<i32>} : memref<256xf32, #tpu.memory_space<vmem>>, vector<16xf32>,
    %add3A_999 = arith.constant 32 : i32
    %add3A_1000 = vector.broadcast %add3A_999 : i32 to vector<16xi32>
    %add3A_1001 = arith.addi %iota3A, %add3A_1000 : vector<16xi32>
    %lt3A_1002 = vector.broadcast %scan3A_20#1 : i32 to vector<16xi32>
    %lt3A_1003 = arith.cmpi slt, %add3A_1001, %lt3A_1002 : vector<16xi32>
    %get3A_1004 = arith.constant 32 : index
    %get3A_1005 = tpu.vector_load %arg18[%get3A_1004] {strides = array<i32>} : memref<8208xi32, #tpu.memory_space<vmem>>, vector<16xi32>,
    %jit3A_1006 = arith.constant 0 : i32
    %broadcast_in_dim3A_1007 = vector.broadcast %jit3A_1006 : i32 to vector<16xi32>
    %select_n3A_1008 = arith.select %lt3A_1003, %get3A_1005, %broadcast_in_dim3A_1007 : vector<16xi1>, vector<16xi32>
    %gather3A_1009 = tpu.vector_load_idx %arg14[%select_n3A_1008] : memref<8192xf32, #tpu.memory_space<vmem>>[vector<16xi32>], vector<16xf32>,
    %lt3A_1010 = vector.broadcast %scan3A_20#1 : i32 to vector<16xi32>
    %lt3A_1011 = arith.cmpi slt, %add3A_1001, %lt3A_1010 : vector<16xi32>
    %jit3A_1012 = arith.constant 0.000000e+00 : f32
    %broadcast_in_dim3A_1013 = vector.broadcast %jit3A_1012 : f32 to vector<16xf32>
    %select_n3A_1014 = arith.select %lt3A_1011, %gather3A_1009, %broadcast_in_dim3A_1013 : vector<16xi1>, vector<16xf32>
    %swap3A_1015 = arith.constant 32 : index
    %swap3A_1016 = tpu.vector_load %arg19[%swap3A_1015] {strides = array<i32>} : memref<256xf32, #tpu.memory_space<vmem>>, vector<16xf32>,
    tpu.vector_store %arg19[%swap3A_1015], %select_n3A_1014 {strides = array<i32>} : memref<256xf32, #tpu.memory_space<vmem>>, vector<16xf32>,
    %add3A_1017 = arith.constant 48 : i32
    %add3A_1018 = vector.broadcast %add3A_1017 : i32 to vector<16xi32>
    %add3A_1019 = arith.addi %iota3A, %add3A_1018 : vector<16xi32>
    %lt3A_1020 = vector.broadcast %scan3A_20#1 : i32 to vector<16xi32>
    %lt3A_1021 = arith.cmpi slt, %add3A_1019, %lt3A_1020 : vector<16xi32>
    %get3A_1022 = arith.constant 48 : index
    %get3A_1023 = tpu.vector_load %arg18[%get3A_1022] {strides = array<i32>} : memref<8208xi32, #tpu.memory_space<vmem>>, vector<16xi32>,
    %jit3A_1024 = arith.constant 0 : i32
    %broadcast_in_dim3A_1025 = vector.broadcast %jit3A_1024 : i32 to vector<16xi32>
    %select_n3A_1026 = arith.select %lt3A_1021, %get3A_1023, %broadcast_in_dim3A_1025 : vector<16xi1>, vector<16xi32>
    %gather3A_1027 = tpu.vector_load_idx %arg14[%select_n3A_1026] : memref<8192xf32, #tpu.memory_space<vmem>>[vector<16xi32>], vector<16xf32>,
    %lt3A_1028 = vector.broadcast %scan3A_20#1 : i32 to vector<16xi32>
    %lt3A_1029 = arith.cmpi slt, %add3A_1019, %lt3A_1028 : vector<16xi32>
    %jit3A_1030 = arith.constant 0.000000e+00 : f32
    %broadcast_in_dim3A_1031 = vector.broadcast %jit3A_1030 : f32 to vector<16xf32>
    %select_n3A_1032 = arith.select %lt3A_1029, %gather3A_1027, %broadcast_in_dim3A_1031 : vector<16xi1>, vector<16xf32>
    %swap3A_1033 = arith.constant 48 : index
    %swap3A_1034 = tpu.vector_load %arg19[%swap3A_1033] {strides = array<i32>} : memref<256xf32, #tpu.memory_space<vmem>>, vector<16xf32>,
    tpu.vector_store %arg19[%swap3A_1033], %select_n3A_1032 {strides = array<i32>} : memref<256xf32, #tpu.memory_space<vmem>>, vector<16xf32>,
    %add3A_1035 = arith.constant 64 : i32
    %add3A_1036 = vector.broadcast %add3A_1035 : i32 to vector<16xi32>
    %add3A_1037 = arith.addi %iota3A, %add3A_1036 : vector<16xi32>
    %lt3A_1038 = vector.broadcast %scan3A_20#1 : i32 to vector<16xi32>
    %lt3A_1039 = arith.cmpi slt, %add3A_1037, %lt3A_1038 : vector<16xi32>
    %get3A_1040 = arith.constant 64 : index
    %get3A_1041 = tpu.vector_load %arg18[%get3A_1040] {strides = array<i32>} : memref<8208xi32, #tpu.memory_space<vmem>>, vector<16xi32>,
    %jit3A_1042 = arith.constant 0 : i32
    %broadcast_in_dim3A_1043 = vector.broadcast %jit3A_1042 : i32 to vector<16xi32>
    %select_n3A_1044 = arith.select %lt3A_1039, %get3A_1041, %broadcast_in_dim3A_1043 : vector<16xi1>, vector<16xi32>
    %gather3A_1045 = tpu.vector_load_idx %arg14[%select_n3A_1044] : memref<8192xf32, #tpu.memory_space<vmem>>[vector<16xi32>], vector<16xf32>,
    %lt3A_1046 = vector.broadcast %scan3A_20#1 : i32 to vector<16xi32>
    %lt3A_1047 = arith.cmpi slt, %add3A_1037, %lt3A_1046 : vector<16xi32>
    %jit3A_1048 = arith.constant 0.000000e+00 : f32
    %broadcast_in_dim3A_1049 = vector.broadcast %jit3A_1048 : f32 to vector<16xf32>
    %select_n3A_1050 = arith.select %lt3A_1047, %gather3A_1045, %broadcast_in_dim3A_1049 : vector<16xi1>, vector<16xf32>
    %swap3A_1051 = arith.constant 64 : index
    %swap3A_1052 = tpu.vector_load %arg19[%swap3A_1051] {strides = array<i32>} : memref<256xf32, #tpu.memory_space<vmem>>, vector<16xf32>,
    tpu.vector_store %arg19[%swap3A_1051], %select_n3A_1050 {strides = array<i32>} : memref<256xf32, #tpu.memory_space<vmem>>, vector<16xf32>,
    %add3A_1053 = arith.constant 80 : i32
    %add3A_1054 = vector.broadcast %add3A_1053 : i32 to vector<16xi32>
    %add3A_1055 = arith.addi %iota3A, %add3A_1054 : vector<16xi32>
    %lt3A_1056 = vector.broadcast %scan3A_20#1 : i32 to vector<16xi32>
    %lt3A_1057 = arith.cmpi slt, %add3A_1055, %lt3A_1056 : vector<16xi32>
    %get3A_1058 = arith.constant 80 : index
    %get3A_1059 = tpu.vector_load %arg18[%get3A_1058] {strides = array<i32>} : memref<8208xi32, #tpu.memory_space<vmem>>, vector<16xi32>,
    %jit3A_1060 = arith.constant 0 : i32
    %broadcast_in_dim3A_1061 = vector.broadcast %jit3A_1060 : i32 to vector<16xi32>
    %select_n3A_1062 = arith.select %lt3A_1057, %get3A_1059, %broadcast_in_dim3A_1061 : vector<16xi1>, vector<16xi32>
    %gather3A_1063 = tpu.vector_load_idx %arg14[%select_n3A_1062] : memref<8192xf32, #tpu.memory_space<vmem>>[vector<16xi32>], vector<16xf32>,
    %lt3A_1064 = vector.broadcast %scan3A_20#1 : i32 to vector<16xi32>
    %lt3A_1065 = arith.cmpi slt, %add3A_1055, %lt3A_1064 : vector<16xi32>
    %jit3A_1066 = arith.constant 0.000000e+00 : f32
    %broadcast_in_dim3A_1067 = vector.broadcast %jit3A_1066 : f32 to vector<16xf32>
    %select_n3A_1068 = arith.select %lt3A_1065, %gather3A_1063, %broadcast_in_dim3A_1067 : vector<16xi1>, vector<16xf32>
    %swap3A_1069 = arith.constant 80 : index
    %swap3A_1070 = tpu.vector_load %arg19[%swap3A_1069] {strides = array<i32>} : memref<256xf32, #tpu.memory_space<vmem>>, vector<16xf32>,
    tpu.vector_store %arg19[%swap3A_1069], %select_n3A_1068 {strides = array<i32>} : memref<256xf32, #tpu.memory_space<vmem>>, vector<16xf32>,
    %add3A_1071 = arith.constant 96 : i32
    %add3A_1072 = vector.broadcast %add3A_1071 : i32 to vector<16xi32>
    %add3A_1073 = arith.addi %iota3A, %add3A_1072 : vector<16xi32>
    %lt3A_1074 = vector.broadcast %scan3A_20#1 : i32 to vector<16xi32>
    %lt3A_1075 = arith.cmpi slt, %add3A_1073, %lt3A_1074 : vector<16xi32>
    %get3A_1076 = arith.constant 96 : index
    %get3A_1077 = tpu.vector_load %arg18[%get3A_1076] {strides = array<i32>} : memref<8208xi32, #tpu.memory_space<vmem>>, vector<16xi32>,
    %jit3A_1078 = arith.constant 0 : i32
    %broadcast_in_dim3A_1079 = vector.broadcast %jit3A_1078 : i32 to vector<16xi32>
    %select_n3A_1080 = arith.select %lt3A_1075, %get3A_1077, %broadcast_in_dim3A_1079 : vector<16xi1>, vector<16xi32>
    %gather3A_1081 = tpu.vector_load_idx %arg14[%select_n3A_1080] : memref<8192xf32, #tpu.memory_space<vmem>>[vector<16xi32>], vector<16xf32>,
    %lt3A_1082 = vector.broadcast %scan3A_20#1 : i32 to vector<16xi32>
    %lt3A_1083 = arith.cmpi slt, %add3A_1073, %lt3A_1082 : vector<16xi32>
    %jit3A_1084 = arith.constant 0.000000e+00 : f32
    %broadcast_in_dim3A_1085 = vector.broadcast %jit3A_1084 : f32 to vector<16xf32>
    %select_n3A_1086 = arith.select %lt3A_1083, %gather3A_1081, %broadcast_in_dim3A_1085 : vector<16xi1>, vector<16xf32>
    %swap3A_1087 = arith.constant 96 : index
    %swap3A_1088 = tpu.vector_load %arg19[%swap3A_1087] {strides = array<i32>} : memref<256xf32, #tpu.memory_space<vmem>>, vector<16xf32>,
    tpu.vector_store %arg19[%swap3A_1087], %select_n3A_1086 {strides = array<i32>} : memref<256xf32, #tpu.memory_space<vmem>>, vector<16xf32>,
    %add3A_1089 = arith.constant 112 : i32
    %add3A_1090 = vector.broadcast %add3A_1089 : i32 to vector<16xi32>
    %add3A_1091 = arith.addi %iota3A, %add3A_1090 : vector<16xi32>
    %lt3A_1092 = vector.broadcast %scan3A_20#1 : i32 to vector<16xi32>
    %lt3A_1093 = arith.cmpi slt, %add3A_1091, %lt3A_1092 : vector<16xi32>
    %get3A_1094 = arith.constant 112 : index
    %get3A_1095 = tpu.vector_load %arg18[%get3A_1094] {strides = array<i32>} : memref<8208xi32, #tpu.memory_space<vmem>>, vector<16xi32>,
    %jit3A_1096 = arith.constant 0 : i32
    %broadcast_in_dim3A_1097 = vector.broadcast %jit3A_1096 : i32 to vector<16xi32>
    %select_n3A_1098 = arith.select %lt3A_1093, %get3A_1095, %broadcast_in_dim3A_1097 : vector<16xi1>, vector<16xi32>
    %gather3A_1099 = tpu.vector_load_idx %arg14[%select_n3A_1098] : memref<8192xf32, #tpu.memory_space<vmem>>[vector<16xi32>], vector<16xf32>,
    %lt3A_1100 = vector.broadcast %scan3A_20#1 : i32 to vector<16xi32>
    %lt3A_1101 = arith.cmpi slt, %add3A_1091, %lt3A_1100 : vector<16xi32>
    %jit3A_1102 = arith.constant 0.000000e+00 : f32
    %broadcast_in_dim3A_1103 = vector.broadcast %jit3A_1102 : f32 to vector<16xf32>
    %select_n3A_1104 = arith.select %lt3A_1101, %gather3A_1099, %broadcast_in_dim3A_1103 : vector<16xi1>, vector<16xf32>
    %swap3A_1105 = arith.constant 112 : index
    %swap3A_1106 = tpu.vector_load %arg19[%swap3A_1105] {strides = array<i32>} : memref<256xf32, #tpu.memory_space<vmem>>, vector<16xf32>,
    tpu.vector_store %arg19[%swap3A_1105], %select_n3A_1104 {strides = array<i32>} : memref<256xf32, #tpu.memory_space<vmem>>, vector<16xf32>,
    %add3A_1107 = arith.constant 128 : i32
    %add3A_1108 = vector.broadcast %add3A_1107 : i32 to vector<16xi32>
    %add3A_1109 = arith.addi %iota3A, %add3A_1108 : vector<16xi32>
    %lt3A_1110 = vector.broadcast %scan3A_20#1 : i32 to vector<16xi32>
    %lt3A_1111 = arith.cmpi slt, %add3A_1109, %lt3A_1110 : vector<16xi32>
    %get3A_1112 = arith.constant 128 : index
    %get3A_1113 = tpu.vector_load %arg18[%get3A_1112] {strides = array<i32>} : memref<8208xi32, #tpu.memory_space<vmem>>, vector<16xi32>,
    %jit3A_1114 = arith.constant 0 : i32
    %broadcast_in_dim3A_1115 = vector.broadcast %jit3A_1114 : i32 to vector<16xi32>
    %select_n3A_1116 = arith.select %lt3A_1111, %get3A_1113, %broadcast_in_dim3A_1115 : vector<16xi1>, vector<16xi32>
    %gather3A_1117 = tpu.vector_load_idx %arg14[%select_n3A_1116] : memref<8192xf32, #tpu.memory_space<vmem>>[vector<16xi32>], vector<16xf32>,
    %lt3A_1118 = vector.broadcast %scan3A_20#1 : i32 to vector<16xi32>
    %lt3A_1119 = arith.cmpi slt, %add3A_1109, %lt3A_1118 : vector<16xi32>
    %jit3A_1120 = arith.constant 0.000000e+00 : f32
    %broadcast_in_dim3A_1121 = vector.broadcast %jit3A_1120 : f32 to vector<16xf32>
    %select_n3A_1122 = arith.select %lt3A_1119, %gather3A_1117, %broadcast_in_dim3A_1121 : vector<16xi1>, vector<16xf32>
    %swap3A_1123 = arith.constant 128 : index
    %swap3A_1124 = tpu.vector_load %arg19[%swap3A_1123] {strides = array<i32>} : memref<256xf32, #tpu.memory_space<vmem>>, vector<16xf32>,
    tpu.vector_store %arg19[%swap3A_1123], %select_n3A_1122 {strides = array<i32>} : memref<256xf32, #tpu.memory_space<vmem>>, vector<16xf32>,
    %add3A_1125 = arith.constant 144 : i32
    %add3A_1126 = vector.broadcast %add3A_1125 : i32 to vector<16xi32>
    %add3A_1127 = arith.addi %iota3A, %add3A_1126 : vector<16xi32>
    %lt3A_1128 = vector.broadcast %scan3A_20#1 : i32 to vector<16xi32>
    %lt3A_1129 = arith.cmpi slt, %add3A_1127, %lt3A_1128 : vector<16xi32>
    %get3A_1130 = arith.constant 144 : index
    %get3A_1131 = tpu.vector_load %arg18[%get3A_1130] {strides = array<i32>} : memref<8208xi32, #tpu.memory_space<vmem>>, vector<16xi32>,
    %jit3A_1132 = arith.constant 0 : i32
    %broadcast_in_dim3A_1133 = vector.broadcast %jit3A_1132 : i32 to vector<16xi32>
    %select_n3A_1134 = arith.select %lt3A_1129, %get3A_1131, %broadcast_in_dim3A_1133 : vector<16xi1>, vector<16xi32>
    %gather3A_1135 = tpu.vector_load_idx %arg14[%select_n3A_1134] : memref<8192xf32, #tpu.memory_space<vmem>>[vector<16xi32>], vector<16xf32>,
    %lt3A_1136 = vector.broadcast %scan3A_20#1 : i32 to vector<16xi32>
    %lt3A_1137 = arith.cmpi slt, %add3A_1127, %lt3A_1136 : vector<16xi32>
    %jit3A_1138 = arith.constant 0.000000e+00 : f32
    %broadcast_in_dim3A_1139 = vector.broadcast %jit3A_1138 : f32 to vector<16xf32>
    %select_n3A_1140 = arith.select %lt3A_1137, %gather3A_1135, %broadcast_in_dim3A_1139 : vector<16xi1>, vector<16xf32>
    %swap3A_1141 = arith.constant 144 : index
    %swap3A_1142 = tpu.vector_load %arg19[%swap3A_1141] {strides = array<i32>} : memref<256xf32, #tpu.memory_space<vmem>>, vector<16xf32>,
    tpu.vector_store %arg19[%swap3A_1141], %select_n3A_1140 {strides = array<i32>} : memref<256xf32, #tpu.memory_space<vmem>>, vector<16xf32>,
    %add3A_1143 = arith.constant 160 : i32
    %add3A_1144 = vector.broadcast %add3A_1143 : i32 to vector<16xi32>
    %add3A_1145 = arith.addi %iota3A, %add3A_1144 : vector<16xi32>
    %lt3A_1146 = vector.broadcast %scan3A_20#1 : i32 to vector<16xi32>
    %lt3A_1147 = arith.cmpi slt, %add3A_1145, %lt3A_1146 : vector<16xi32>
    %get3A_1148 = arith.constant 160 : index
    %get3A_1149 = tpu.vector_load %arg18[%get3A_1148] {strides = array<i32>} : memref<8208xi32, #tpu.memory_space<vmem>>, vector<16xi32>,
    %jit3A_1150 = arith.constant 0 : i32
    %broadcast_in_dim3A_1151 = vector.broadcast %jit3A_1150 : i32 to vector<16xi32>
    %select_n3A_1152 = arith.select %lt3A_1147, %get3A_1149, %broadcast_in_dim3A_1151 : vector<16xi1>, vector<16xi32>
    %gather3A_1153 = tpu.vector_load_idx %arg14[%select_n3A_1152] : memref<8192xf32, #tpu.memory_space<vmem>>[vector<16xi32>], vector<16xf32>,
    %lt3A_1154 = vector.broadcast %scan3A_20#1 : i32 to vector<16xi32>
    %lt3A_1155 = arith.cmpi slt, %add3A_1145, %lt3A_1154 : vector<16xi32>
    %jit3A_1156 = arith.constant 0.000000e+00 : f32
    %broadcast_in_dim3A_1157 = vector.broadcast %jit3A_1156 : f32 to vector<16xf32>
    %select_n3A_1158 = arith.select %lt3A_1155, %gather3A_1153, %broadcast_in_dim3A_1157 : vector<16xi1>, vector<16xf32>
    %swap3A_1159 = arith.constant 160 : index
    %swap3A_1160 = tpu.vector_load %arg19[%swap3A_1159] {strides = array<i32>} : memref<256xf32, #tpu.memory_space<vmem>>, vector<16xf32>,
    tpu.vector_store %arg19[%swap3A_1159], %select_n3A_1158 {strides = array<i32>} : memref<256xf32, #tpu.memory_space<vmem>>, vector<16xf32>,
    %add3A_1161 = arith.constant 176 : i32
    %add3A_1162 = vector.broadcast %add3A_1161 : i32 to vector<16xi32>
    %add3A_1163 = arith.addi %iota3A, %add3A_1162 : vector<16xi32>
    %lt3A_1164 = vector.broadcast %scan3A_20#1 : i32 to vector<16xi32>
    %lt3A_1165 = arith.cmpi slt, %add3A_1163, %lt3A_1164 : vector<16xi32>
    %get3A_1166 = arith.constant 176 : index
    %get3A_1167 = tpu.vector_load %arg18[%get3A_1166] {strides = array<i32>} : memref<8208xi32, #tpu.memory_space<vmem>>, vector<16xi32>,
    %jit3A_1168 = arith.constant 0 : i32
    %broadcast_in_dim3A_1169 = vector.broadcast %jit3A_1168 : i32 to vector<16xi32>
    %select_n3A_1170 = arith.select %lt3A_1165, %get3A_1167, %broadcast_in_dim3A_1169 : vector<16xi1>, vector<16xi32>
    %gather3A_1171 = tpu.vector_load_idx %arg14[%select_n3A_1170] : memref<8192xf32, #tpu.memory_space<vmem>>[vector<16xi32>], vector<16xf32>,
    %lt3A_1172 = vector.broadcast %scan3A_20#1 : i32 to vector<16xi32>
    %lt3A_1173 = arith.cmpi slt, %add3A_1163, %lt3A_1172 : vector<16xi32>
    %jit3A_1174 = arith.constant 0.000000e+00 : f32
    %broadcast_in_dim3A_1175 = vector.broadcast %jit3A_1174 : f32 to vector<16xf32>
    %select_n3A_1176 = arith.select %lt3A_1173, %gather3A_1171, %broadcast_in_dim3A_1175 : vector<16xi1>, vector<16xf32>
    %swap3A_1177 = arith.constant 176 : index
    %swap3A_1178 = tpu.vector_load %arg19[%swap3A_1177] {strides = array<i32>} : memref<256xf32, #tpu.memory_space<vmem>>, vector<16xf32>,
    tpu.vector_store %arg19[%swap3A_1177], %select_n3A_1176 {strides = array<i32>} : memref<256xf32, #tpu.memory_space<vmem>>, vector<16xf32>,
    %add3A_1179 = arith.constant 192 : i32
    %add3A_1180 = vector.broadcast %add3A_1179 : i32 to vector<16xi32>
    %add3A_1181 = arith.addi %iota3A, %add3A_1180 : vector<16xi32>
    %lt3A_1182 = vector.broadcast %scan3A_20#1 : i32 to vector<16xi32>
    %lt3A_1183 = arith.cmpi slt, %add3A_1181, %lt3A_1182 : vector<16xi32>
    %get3A_1184 = arith.constant 192 : index
    %get3A_1185 = tpu.vector_load %arg18[%get3A_1184] {strides = array<i32>} : memref<8208xi32, #tpu.memory_space<vmem>>, vector<16xi32>,
    %jit3A_1186 = arith.constant 0 : i32
    %broadcast_in_dim3A_1187 = vector.broadcast %jit3A_1186 : i32 to vector<16xi32>
    %select_n3A_1188 = arith.select %lt3A_1183, %get3A_1185, %broadcast_in_dim3A_1187 : vector<16xi1>, vector<16xi32>
    %gather3A_1189 = tpu.vector_load_idx %arg14[%select_n3A_1188] : memref<8192xf32, #tpu.memory_space<vmem>>[vector<16xi32>], vector<16xf32>,
    %lt3A_1190 = vector.broadcast %scan3A_20#1 : i32 to vector<16xi32>
    %lt3A_1191 = arith.cmpi slt, %add3A_1181, %lt3A_1190 : vector<16xi32>
    %jit3A_1192 = arith.constant 0.000000e+00 : f32
    %broadcast_in_dim3A_1193 = vector.broadcast %jit3A_1192 : f32 to vector<16xf32>
    %select_n3A_1194 = arith.select %lt3A_1191, %gather3A_1189, %broadcast_in_dim3A_1193 : vector<16xi1>, vector<16xf32>
    %swap3A_1195 = arith.constant 192 : index
    %swap3A_1196 = tpu.vector_load %arg19[%swap3A_1195] {strides = array<i32>} : memref<256xf32, #tpu.memory_space<vmem>>, vector<16xf32>,
    tpu.vector_store %arg19[%swap3A_1195], %select_n3A_1194 {strides = array<i32>} : memref<256xf32, #tpu.memory_space<vmem>>, vector<16xf32>,
    %add3A_1197 = arith.constant 208 : i32
    %add3A_1198 = vector.broadcast %add3A_1197 : i32 to vector<16xi32>
    %add3A_1199 = arith.addi %iota3A, %add3A_1198 : vector<16xi32>
    %lt3A_1200 = vector.broadcast %scan3A_20#1 : i32 to vector<16xi32>
    %lt3A_1201 = arith.cmpi slt, %add3A_1199, %lt3A_1200 : vector<16xi32>
    %get3A_1202 = arith.constant 208 : index
    %get3A_1203 = tpu.vector_load %arg18[%get3A_1202] {strides = array<i32>} : memref<8208xi32, #tpu.memory_space<vmem>>, vector<16xi32>,
    %jit3A_1204 = arith.constant 0 : i32
    %broadcast_in_dim3A_1205 = vector.broadcast %jit3A_1204 : i32 to vector<16xi32>
    %select_n3A_1206 = arith.select %lt3A_1201, %get3A_1203, %broadcast_in_dim3A_1205 : vector<16xi1>, vector<16xi32>
    %gather3A_1207 = tpu.vector_load_idx %arg14[%select_n3A_1206] : memref<8192xf32, #tpu.memory_space<vmem>>[vector<16xi32>], vector<16xf32>,
    %lt3A_1208 = vector.broadcast %scan3A_20#1 : i32 to vector<16xi32>
    %lt3A_1209 = arith.cmpi slt, %add3A_1199, %lt3A_1208 : vector<16xi32>
    %jit3A_1210 = arith.constant 0.000000e+00 : f32
    %broadcast_in_dim3A_1211 = vector.broadcast %jit3A_1210 : f32 to vector<16xf32>
    %select_n3A_1212 = arith.select %lt3A_1209, %gather3A_1207, %broadcast_in_dim3A_1211 : vector<16xi1>, vector<16xf32>
    %swap3A_1213 = arith.constant 208 : index
    %swap3A_1214 = tpu.vector_load %arg19[%swap3A_1213] {strides = array<i32>} : memref<256xf32, #tpu.memory_space<vmem>>, vector<16xf32>,
    tpu.vector_store %arg19[%swap3A_1213], %select_n3A_1212 {strides = array<i32>} : memref<256xf32, #tpu.memory_space<vmem>>, vector<16xf32>,
    %add3A_1215 = arith.constant 224 : i32
    %add3A_1216 = vector.broadcast %add3A_1215 : i32 to vector<16xi32>
    %add3A_1217 = arith.addi %iota3A, %add3A_1216 : vector<16xi32>
    %lt3A_1218 = vector.broadcast %scan3A_20#1 : i32 to vector<16xi32>
    %lt3A_1219 = arith.cmpi slt, %add3A_1217, %lt3A_1218 : vector<16xi32>
    %get3A_1220 = arith.constant 224 : index
    %get3A_1221 = tpu.vector_load %arg18[%get3A_1220] {strides = array<i32>} : memref<8208xi32, #tpu.memory_space<vmem>>, vector<16xi32>,
    %jit3A_1222 = arith.constant 0 : i32
    %broadcast_in_dim3A_1223 = vector.broadcast %jit3A_1222 : i32 to vector<16xi32>
    %select_n3A_1224 = arith.select %lt3A_1219, %get3A_1221, %broadcast_in_dim3A_1223 : vector<16xi1>, vector<16xi32>
    %gather3A_1225 = tpu.vector_load_idx %arg14[%select_n3A_1224] : memref<8192xf32, #tpu.memory_space<vmem>>[vector<16xi32>], vector<16xf32>,
    %lt3A_1226 = vector.broadcast %scan3A_20#1 : i32 to vector<16xi32>
    %lt3A_1227 = arith.cmpi slt, %add3A_1217, %lt3A_1226 : vector<16xi32>
    %jit3A_1228 = arith.constant 0.000000e+00 : f32
    %broadcast_in_dim3A_1229 = vector.broadcast %jit3A_1228 : f32 to vector<16xf32>
    %select_n3A_1230 = arith.select %lt3A_1227, %gather3A_1225, %broadcast_in_dim3A_1229 : vector<16xi1>, vector<16xf32>
    %swap3A_1231 = arith.constant 224 : index
    %swap3A_1232 = tpu.vector_load %arg19[%swap3A_1231] {strides = array<i32>} : memref<256xf32, #tpu.memory_space<vmem>>, vector<16xf32>,
    tpu.vector_store %arg19[%swap3A_1231], %select_n3A_1230 {strides = array<i32>} : memref<256xf32, #tpu.memory_space<vmem>>, vector<16xf32>,
    %add3A_1233 = arith.constant 240 : i32
    %add3A_1234 = vector.broadcast %add3A_1233 : i32 to vector<16xi32>
    %add3A_1235 = arith.addi %iota3A, %add3A_1234 : vector<16xi32>
    %lt3A_1236 = vector.broadcast %scan3A_20#1 : i32 to vector<16xi32>
    %lt3A_1237 = arith.cmpi slt, %add3A_1235, %lt3A_1236 : vector<16xi32>
    %get3A_1238 = arith.constant 240 : index
    %get3A_1239 = tpu.vector_load %arg18[%get3A_1238] {strides = array<i32>} : memref<8208xi32, #tpu.memory_space<vmem>>, vector<16xi32>,
    %jit3A_1240 = arith.constant 0 : i32
    %broadcast_in_dim3A_1241 = vector.broadcast %jit3A_1240 : i32 to vector<16xi32>
    %select_n3A_1242 = arith.select %lt3A_1237, %get3A_1239, %broadcast_in_dim3A_1241 : vector<16xi1>, vector<16xi32>
    %gather3A_1243 = tpu.vector_load_idx %arg14[%select_n3A_1242] : memref<8192xf32, #tpu.memory_space<vmem>>[vector<16xi32>], vector<16xf32>,
    %lt3A_1244 = vector.broadcast %scan3A_20#1 : i32 to vector<16xi32>
    %lt3A_1245 = arith.cmpi slt, %add3A_1235, %lt3A_1244 : vector<16xi32>
    %jit3A_1246 = arith.constant 0.000000e+00 : f32
    %broadcast_in_dim3A_1247 = vector.broadcast %jit3A_1246 : f32 to vector<16xf32>
    %select_n3A_1248 = arith.select %lt3A_1245, %gather3A_1243, %broadcast_in_dim3A_1247 : vector<16xi1>, vector<16xf32>
    %swap3A_1249 = arith.constant 240 : index
    %swap3A_1250 = tpu.vector_load %arg19[%swap3A_1249] {strides = array<i32>} : memref<256xf32, #tpu.memory_space<vmem>>, vector<16xf32>,
    tpu.vector_store %arg19[%swap3A_1249], %select_n3A_1248 {strides = array<i32>} : memref<256xf32, #tpu.memory_space<vmem>>, vector<16xf32>,
    "tpu.region"() ({
      %run_scoped3A = tpu.sem_alloc : memref<!tpu.dma_semaphore, #tpu.memory_space<semaphore_mem>>
      %dma_start3A = tpu.memref_slice %arg8[%mul3A_962] : memref<33280xf32, #tpu.memory_space<hbm>> -> memref<256xf32, #tpu.memory_space<hbm>>
      %dma_start3A_1265 = tpu.memref_slice %arg8[%mul3A_962] : memref<33280xf32, #tpu.memory_space<hbm>> -> memref<256xf32, #tpu.memory_space<hbm>>
      tpu.enqueue_dma source(%arg19 : memref<256xf32, #tpu.memory_space<vmem>>) target(%dma_start3A_1265 : memref<256xf32, #tpu.memory_space<hbm>>) target_semaphore(%run_scoped3A : memref<!tpu.dma_semaphore, #tpu.memory_space<semaphore_mem>>)
      %dma_wait3A = tpu.memref_slice %arg8[%mul3A_962] : memref<33280xf32, #tpu.memory_space<hbm>> -> memref<256xf32, #tpu.memory_space<hbm>>
      %dma_wait3A_1266 = tpu.memref_slice %arg8[%mul3A_962] : memref<33280xf32, #tpu.memory_space<hbm>> -> memref<256xf32, #tpu.memory_space<hbm>>
      tpu.wait_dma2 semaphore(%run_scoped3A : memref<!tpu.dma_semaphore, #tpu.memory_space<semaphore_mem>>) src(%arg19 : memref<256xf32, #tpu.memory_space<vmem>>) dst(%dma_wait3A_1266 : memref<256xf32, #tpu.memory_space<hbm>>)
      tpu.yield
    }) : () -> ()
    %scan3A_1251 = arith.constant 0 : i32
    %scan3A_1252 = arith.constant 0 : i32
    %scan3A_1253 = arith.constant 64 : i32
    %scan3A_1254 = arith.addi %scan3A_1252, %scan3A_1253 : i32
    %scan3A_1255 = arith.constant 1 : i32
    %scan3A_1256 = scf.for %scan3A_1265 = %scan3A_1252 to %scan3A_1254 step %scan3A_1255 iter_args(%scan3A_1266 = %scan3A_1251) -> (i32)  : i32 {
      %mul3A_1267 = arith.constant 128 : i32
      %mul3A_1268 = arith.muli %scan3A_1265, %mul3A_1267 : i32
      %lt3A_1269 = arith.cmpi slt, %mul3A_1268, %scan3A_20#1 : i32
      %convert_element_type3A = arith.extui %lt3A_1269 : i1 to i32
      %cond3A = arith.constant 0 : i32
      %cond3A_1270 = arith.cmpi ne, %convert_element_type3A, %cond3A : i32
      scf.if %cond3A_1270 {
        %mul3A_1272 = arith.constant 128 : i32
        %mul3A_1273 = arith.muli %scan3A_1265, %mul3A_1272 : i32
        %add3A_1274 = arith.constant 0 : i32
        %add3A_1275 = arith.addi %mul3A_1273, %add3A_1274 : i32
        %add3A_1276 = vector.broadcast %add3A_1275 : i32 to vector<16xi32>
        %add3A_1277 = arith.addi %iota3A, %add3A_1276 : vector<16xi32>
        %get3A_1278 = arith.index_cast %add3A_1275 : i32 to index
        %get3A_1279 = tpu.vector_load %arg18[%get3A_1278] {strides = array<i32>} : memref<8208xi32, #tpu.memory_space<vmem>>, vector<16xi32>,
        %lt3A_1280 = vector.broadcast %scan3A_20#1 : i32 to vector<16xi32>
        %lt3A_1281 = arith.cmpi slt, %add3A_1277, %lt3A_1280 : vector<16xi32>
        %and3A = arith.constant 255 : i32
        %and3A_1282 = vector.broadcast %and3A : i32 to vector<16xi32>
        %and3A_1283 = arith.andi %add3A_1277, %and3A_1282 : vector<16xi32>
        %add3A_1284 = arith.constant 8192 : i32
        %add3A_1285 = vector.broadcast %add3A_1284 : i32 to vector<16xi32>
        %add3A_1286 = arith.addi %add3A_1285, %and3A_1283 : vector<16xi32>
        %select_n3A_1287 = arith.select %lt3A_1281, %get3A_1279, %add3A_1286 : vector<16xi1>, vector<16xi32>
        %swap3A_1288 = arith.constant 0 : i32
        %swap3A_1289 = arith.index_cast %swap3A_1288 : i32 to index
        %swap3A_1290 = arith.constant 0 : index
        %swap3A_1291 = tpu.vector_load %arg20[%swap3A_1289, %swap3A_1290] {strides = array<i32>} : memref<1x128xi32, #tpu.memory_space<vmem>>, vector<16xi32>,
        tpu.vector_store %arg20[%swap3A_1289, %swap3A_1290], %select_n3A_1287 {strides = array<i32>} : memref<1x128xi32, #tpu.memory_space<vmem>>, vector<16xi32>,
        %min3A = arith.constant 256 : i32
        %min3A_1292 = arith.minsi %scan3A_20#1, %min3A : i32
        %lt3A_1293 = vector.broadcast %min3A_1292 : i32 to vector<16xi32>
        %lt3A_1294 = arith.cmpi slt, %add3A_1277, %lt3A_1293 : vector<16xi32>
        %add3A_1295 = vector.broadcast %mul3A_962 : i32 to vector<16xi32>
        %add3A_1296 = arith.addi %add3A_1295, %add3A_1277 : vector<16xi32>
        %and3A_1297 = arith.constant 511 : i32
        %and3A_1298 = vector.broadcast %and3A_1297 : i32 to vector<16xi32>
        %and3A_1299 = arith.andi %add3A_1277, %and3A_1298 : vector<16xi32>
        %add3A_1300 = arith.constant 32768 : i32
        %add3A_1301 = vector.broadcast %add3A_1300 : i32 to vector<16xi32>
        %add3A_1302 = arith.addi %add3A_1301, %and3A_1299 : vector<16xi32>
        %select_n3A_1303 = arith.select %lt3A_1294, %add3A_1296, %add3A_1302 : vector<16xi1>, vector<16xi32>
        %swap3A_1304 = arith.constant 0 : index
        %swap3A_1305 = tpu.vector_load %arg21[%swap3A_1304] {strides = array<i32>} : memref<128xi32, #tpu.memory_space<vmem>>, vector<16xi32>,
        tpu.vector_store %arg21[%swap3A_1304], %select_n3A_1303 {strides = array<i32>} : memref<128xi32, #tpu.memory_space<vmem>>, vector<16xi32>,
        %mul3A_1306 = arith.constant 128 : i32
        %mul3A_1307 = arith.muli %scan3A_1265, %mul3A_1306 : i32
        %add3A_1308 = arith.constant 16 : i32
        %add3A_1309 = arith.addi %mul3A_1307, %add3A_1308 : i32
        %add3A_1310 = vector.broadcast %add3A_1309 : i32 to vector<16xi32>
        %add3A_1311 = arith.addi %iota3A, %add3A_1310 : vector<16xi32>
        %get3A_1312 = arith.index_cast %add3A_1309 : i32 to index
        %get3A_1313 = tpu.vector_load %arg18[%get3A_1312] {strides = array<i32>} : memref<8208xi32, #tpu.memory_space<vmem>>, vector<16xi32>,
        %lt3A_1314 = vector.broadcast %scan3A_20#1 : i32 to vector<16xi32>
        %lt3A_1315 = arith.cmpi slt, %add3A_1311, %lt3A_1314 : vector<16xi32>
        %and3A_1316 = arith.constant 255 : i32
        %and3A_1317 = vector.broadcast %and3A_1316 : i32 to vector<16xi32>
        %and3A_1318 = arith.andi %add3A_1311, %and3A_1317 : vector<16xi32>
        %add3A_1319 = arith.constant 8192 : i32
        %add3A_1320 = vector.broadcast %add3A_1319 : i32 to vector<16xi32>
        %add3A_1321 = arith.addi %add3A_1320, %and3A_1318 : vector<16xi32>
        %select_n3A_1322 = arith.select %lt3A_1315, %get3A_1313, %add3A_1321 : vector<16xi1>, vector<16xi32>
        %swap3A_1323 = arith.constant 0 : i32
        %swap3A_1324 = arith.index_cast %swap3A_1323 : i32 to index
        %swap3A_1325 = arith.constant 16 : index
        %swap3A_1326 = tpu.vector_load %arg20[%swap3A_1324, %swap3A_1325] {strides = array<i32>} : memref<1x128xi32, #tpu.memory_space<vmem>>, vector<16xi32>,
        tpu.vector_store %arg20[%swap3A_1324, %swap3A_1325], %select_n3A_1322 {strides = array<i32>} : memref<1x128xi32, #tpu.memory_space<vmem>>, vector<16xi32>,
        %min3A_1327 = arith.constant 256 : i32
        %min3A_1328 = arith.minsi %scan3A_20#1, %min3A_1327 : i32
        %lt3A_1329 = vector.broadcast %min3A_1328 : i32 to vector<16xi32>
        %lt3A_1330 = arith.cmpi slt, %add3A_1311, %lt3A_1329 : vector<16xi32>
        %add3A_1331 = vector.broadcast %mul3A_962 : i32 to vector<16xi32>
        %add3A_1332 = arith.addi %add3A_1331, %add3A_1311 : vector<16xi32>
        %and3A_1333 = arith.constant 511 : i32
        %and3A_1334 = vector.broadcast %and3A_1333 : i32 to vector<16xi32>
        %and3A_1335 = arith.andi %add3A_1311, %and3A_1334 : vector<16xi32>
        %add3A_1336 = arith.constant 32768 : i32
        %add3A_1337 = vector.broadcast %add3A_1336 : i32 to vector<16xi32>
        %add3A_1338 = arith.addi %add3A_1337, %and3A_1335 : vector<16xi32>
        %select_n3A_1339 = arith.select %lt3A_1330, %add3A_1332, %add3A_1338 : vector<16xi1>, vector<16xi32>
        %swap3A_1340 = arith.constant 16 : index
        %swap3A_1341 = tpu.vector_load %arg21[%swap3A_1340] {strides = array<i32>} : memref<128xi32, #tpu.memory_space<vmem>>, vector<16xi32>,
        tpu.vector_store %arg21[%swap3A_1340], %select_n3A_1339 {strides = array<i32>} : memref<128xi32, #tpu.memory_space<vmem>>, vector<16xi32>,
        %mul3A_1342 = arith.constant 128 : i32
        %mul3A_1343 = arith.muli %scan3A_1265, %mul3A_1342 : i32
        %add3A_1344 = arith.constant 32 : i32
        %add3A_1345 = arith.addi %mul3A_1343, %add3A_1344 : i32
        %add3A_1346 = vector.broadcast %add3A_1345 : i32 to vector<16xi32>
        %add3A_1347 = arith.addi %iota3A, %add3A_1346 : vector<16xi32>
        %get3A_1348 = arith.index_cast %add3A_1345 : i32 to index
        %get3A_1349 = tpu.vector_load %arg18[%get3A_1348] {strides = array<i32>} : memref<8208xi32, #tpu.memory_space<vmem>>, vector<16xi32>,
        %lt3A_1350 = vector.broadcast %scan3A_20#1 : i32 to vector<16xi32>
        %lt3A_1351 = arith.cmpi slt, %add3A_1347, %lt3A_1350 : vector<16xi32>
        %and3A_1352 = arith.constant 255 : i32
        %and3A_1353 = vector.broadcast %and3A_1352 : i32 to vector<16xi32>
        %and3A_1354 = arith.andi %add3A_1347, %and3A_1353 : vector<16xi32>
        %add3A_1355 = arith.constant 8192 : i32
        %add3A_1356 = vector.broadcast %add3A_1355 : i32 to vector<16xi32>
        %add3A_1357 = arith.addi %add3A_1356, %and3A_1354 : vector<16xi32>
        %select_n3A_1358 = arith.select %lt3A_1351, %get3A_1349, %add3A_1357 : vector<16xi1>, vector<16xi32>
        %swap3A_1359 = arith.constant 0 : i32
        %swap3A_1360 = arith.index_cast %swap3A_1359 : i32 to index
        %swap3A_1361 = arith.constant 32 : index
        %swap3A_1362 = tpu.vector_load %arg20[%swap3A_1360, %swap3A_1361] {strides = array<i32>} : memref<1x128xi32, #tpu.memory_space<vmem>>, vector<16xi32>,
        tpu.vector_store %arg20[%swap3A_1360, %swap3A_1361], %select_n3A_1358 {strides = array<i32>} : memref<1x128xi32, #tpu.memory_space<vmem>>, vector<16xi32>,
        %min3A_1363 = arith.constant 256 : i32
        %min3A_1364 = arith.minsi %scan3A_20#1, %min3A_1363 : i32
        %lt3A_1365 = vector.broadcast %min3A_1364 : i32 to vector<16xi32>
        %lt3A_1366 = arith.cmpi slt, %add3A_1347, %lt3A_1365 : vector<16xi32>
        %add3A_1367 = vector.broadcast %mul3A_962 : i32 to vector<16xi32>
        %add3A_1368 = arith.addi %add3A_1367, %add3A_1347 : vector<16xi32>
        %and3A_1369 = arith.constant 511 : i32
        %and3A_1370 = vector.broadcast %and3A_1369 : i32 to vector<16xi32>
        %and3A_1371 = arith.andi %add3A_1347, %and3A_1370 : vector<16xi32>
        %add3A_1372 = arith.constant 32768 : i32
        %add3A_1373 = vector.broadcast %add3A_1372 : i32 to vector<16xi32>
        %add3A_1374 = arith.addi %add3A_1373, %and3A_1371 : vector<16xi32>
        %select_n3A_1375 = arith.select %lt3A_1366, %add3A_1368, %add3A_1374 : vector<16xi1>, vector<16xi32>
        %swap3A_1376 = arith.constant 32 : index
        %swap3A_1377 = tpu.vector_load %arg21[%swap3A_1376] {strides = array<i32>} : memref<128xi32, #tpu.memory_space<vmem>>, vector<16xi32>,
        tpu.vector_store %arg21[%swap3A_1376], %select_n3A_1375 {strides = array<i32>} : memref<128xi32, #tpu.memory_space<vmem>>, vector<16xi32>,
        %mul3A_1378 = arith.constant 128 : i32
        %mul3A_1379 = arith.muli %scan3A_1265, %mul3A_1378 : i32
        %add3A_1380 = arith.constant 48 : i32
        %add3A_1381 = arith.addi %mul3A_1379, %add3A_1380 : i32
        %add3A_1382 = vector.broadcast %add3A_1381 : i32 to vector<16xi32>
        %add3A_1383 = arith.addi %iota3A, %add3A_1382 : vector<16xi32>
        %get3A_1384 = arith.index_cast %add3A_1381 : i32 to index
        %get3A_1385 = tpu.vector_load %arg18[%get3A_1384] {strides = array<i32>} : memref<8208xi32, #tpu.memory_space<vmem>>, vector<16xi32>,
        %lt3A_1386 = vector.broadcast %scan3A_20#1 : i32 to vector<16xi32>
        %lt3A_1387 = arith.cmpi slt, %add3A_1383, %lt3A_1386 : vector<16xi32>
        %and3A_1388 = arith.constant 255 : i32
        %and3A_1389 = vector.broadcast %and3A_1388 : i32 to vector<16xi32>
        %and3A_1390 = arith.andi %add3A_1383, %and3A_1389 : vector<16xi32>
        %add3A_1391 = arith.constant 8192 : i32
        %add3A_1392 = vector.broadcast %add3A_1391 : i32 to vector<16xi32>
        %add3A_1393 = arith.addi %add3A_1392, %and3A_1390 : vector<16xi32>
        %select_n3A_1394 = arith.select %lt3A_1387, %get3A_1385, %add3A_1393 : vector<16xi1>, vector<16xi32>
        %swap3A_1395 = arith.constant 0 : i32
        %swap3A_1396 = arith.index_cast %swap3A_1395 : i32 to index
        %swap3A_1397 = arith.constant 48 : index
        %swap3A_1398 = tpu.vector_load %arg20[%swap3A_1396, %swap3A_1397] {strides = array<i32>} : memref<1x128xi32, #tpu.memory_space<vmem>>, vector<16xi32>,
        tpu.vector_store %arg20[%swap3A_1396, %swap3A_1397], %select_n3A_1394 {strides = array<i32>} : memref<1x128xi32, #tpu.memory_space<vmem>>, vector<16xi32>,
        %min3A_1399 = arith.constant 256 : i32
        %min3A_1400 = arith.minsi %scan3A_20#1, %min3A_1399 : i32
        %lt3A_1401 = vector.broadcast %min3A_1400 : i32 to vector<16xi32>
        %lt3A_1402 = arith.cmpi slt, %add3A_1383, %lt3A_1401 : vector<16xi32>
        %add3A_1403 = vector.broadcast %mul3A_962 : i32 to vector<16xi32>
        %add3A_1404 = arith.addi %add3A_1403, %add3A_1383 : vector<16xi32>
        %and3A_1405 = arith.constant 511 : i32
        %and3A_1406 = vector.broadcast %and3A_1405 : i32 to vector<16xi32>
        %and3A_1407 = arith.andi %add3A_1383, %and3A_1406 : vector<16xi32>
        %add3A_1408 = arith.constant 32768 : i32
        %add3A_1409 = vector.broadcast %add3A_1408 : i32 to vector<16xi32>
        %add3A_1410 = arith.addi %add3A_1409, %and3A_1407 : vector<16xi32>
        %select_n3A_1411 = arith.select %lt3A_1402, %add3A_1404, %add3A_1410 : vector<16xi1>, vector<16xi32>
        %swap3A_1412 = arith.constant 48 : index
        %swap3A_1413 = tpu.vector_load %arg21[%swap3A_1412] {strides = array<i32>} : memref<128xi32, #tpu.memory_space<vmem>>, vector<16xi32>,
        tpu.vector_store %arg21[%swap3A_1412], %select_n3A_1411 {strides = array<i32>} : memref<128xi32, #tpu.memory_space<vmem>>, vector<16xi32>,
        %mul3A_1414 = arith.constant 128 : i32
        %mul3A_1415 = arith.muli %scan3A_1265, %mul3A_1414 : i32
        %add3A_1416 = arith.constant 64 : i32
        %add3A_1417 = arith.addi %mul3A_1415, %add3A_1416 : i32
        %add3A_1418 = vector.broadcast %add3A_1417 : i32 to vector<16xi32>
        %add3A_1419 = arith.addi %iota3A, %add3A_1418 : vector<16xi32>
        %get3A_1420 = arith.index_cast %add3A_1417 : i32 to index
        %get3A_1421 = tpu.vector_load %arg18[%get3A_1420] {strides = array<i32>} : memref<8208xi32, #tpu.memory_space<vmem>>, vector<16xi32>,
        %lt3A_1422 = vector.broadcast %scan3A_20#1 : i32 to vector<16xi32>
        %lt3A_1423 = arith.cmpi slt, %add3A_1419, %lt3A_1422 : vector<16xi32>
        %and3A_1424 = arith.constant 255 : i32
        %and3A_1425 = vector.broadcast %and3A_1424 : i32 to vector<16xi32>
        %and3A_1426 = arith.andi %add3A_1419, %and3A_1425 : vector<16xi32>
        %add3A_1427 = arith.constant 8192 : i32
        %add3A_1428 = vector.broadcast %add3A_1427 : i32 to vector<16xi32>
        %add3A_1429 = arith.addi %add3A_1428, %and3A_1426 : vector<16xi32>
        %select_n3A_1430 = arith.select %lt3A_1423, %get3A_1421, %add3A_1429 : vector<16xi1>, vector<16xi32>
        %swap3A_1431 = arith.constant 0 : i32
        %swap3A_1432 = arith.index_cast %swap3A_1431 : i32 to index
        %swap3A_1433 = arith.constant 64 : index
        %swap3A_1434 = tpu.vector_load %arg20[%swap3A_1432, %swap3A_1433] {strides = array<i32>} : memref<1x128xi32, #tpu.memory_space<vmem>>, vector<16xi32>,
        tpu.vector_store %arg20[%swap3A_1432, %swap3A_1433], %select_n3A_1430 {strides = array<i32>} : memref<1x128xi32, #tpu.memory_space<vmem>>, vector<16xi32>,
        %min3A_1435 = arith.constant 256 : i32
        %min3A_1436 = arith.minsi %scan3A_20#1, %min3A_1435 : i32
        %lt3A_1437 = vector.broadcast %min3A_1436 : i32 to vector<16xi32>
        %lt3A_1438 = arith.cmpi slt, %add3A_1419, %lt3A_1437 : vector<16xi32>
        %add3A_1439 = vector.broadcast %mul3A_962 : i32 to vector<16xi32>
        %add3A_1440 = arith.addi %add3A_1439, %add3A_1419 : vector<16xi32>
        %and3A_1441 = arith.constant 511 : i32
        %and3A_1442 = vector.broadcast %and3A_1441 : i32 to vector<16xi32>
        %and3A_1443 = arith.andi %add3A_1419, %and3A_1442 : vector<16xi32>
        %add3A_1444 = arith.constant 32768 : i32
        %add3A_1445 = vector.broadcast %add3A_1444 : i32 to vector<16xi32>
        %add3A_1446 = arith.addi %add3A_1445, %and3A_1443 : vector<16xi32>
        %select_n3A_1447 = arith.select %lt3A_1438, %add3A_1440, %add3A_1446 : vector<16xi1>, vector<16xi32>
        %swap3A_1448 = arith.constant 64 : index
        %swap3A_1449 = tpu.vector_load %arg21[%swap3A_1448] {strides = array<i32>} : memref<128xi32, #tpu.memory_space<vmem>>, vector<16xi32>,
        tpu.vector_store %arg21[%swap3A_1448], %select_n3A_1447 {strides = array<i32>} : memref<128xi32, #tpu.memory_space<vmem>>, vector<16xi32>,
        %mul3A_1450 = arith.constant 128 : i32
        %mul3A_1451 = arith.muli %scan3A_1265, %mul3A_1450 : i32
        %add3A_1452 = arith.constant 80 : i32
        %add3A_1453 = arith.addi %mul3A_1451, %add3A_1452 : i32
        %add3A_1454 = vector.broadcast %add3A_1453 : i32 to vector<16xi32>
        %add3A_1455 = arith.addi %iota3A, %add3A_1454 : vector<16xi32>
        %get3A_1456 = arith.index_cast %add3A_1453 : i32 to index
        %get3A_1457 = tpu.vector_load %arg18[%get3A_1456] {strides = array<i32>} : memref<8208xi32, #tpu.memory_space<vmem>>, vector<16xi32>,
        %lt3A_1458 = vector.broadcast %scan3A_20#1 : i32 to vector<16xi32>
        %lt3A_1459 = arith.cmpi slt, %add3A_1455, %lt3A_1458 : vector<16xi32>
        %and3A_1460 = arith.constant 255 : i32
        %and3A_1461 = vector.broadcast %and3A_1460 : i32 to vector<16xi32>
        %and3A_1462 = arith.andi %add3A_1455, %and3A_1461 : vector<16xi32>
        %add3A_1463 = arith.constant 8192 : i32
        %add3A_1464 = vector.broadcast %add3A_1463 : i32 to vector<16xi32>
        %add3A_1465 = arith.addi %add3A_1464, %and3A_1462 : vector<16xi32>
        %select_n3A_1466 = arith.select %lt3A_1459, %get3A_1457, %add3A_1465 : vector<16xi1>, vector<16xi32>
        %swap3A_1467 = arith.constant 0 : i32
        %swap3A_1468 = arith.index_cast %swap3A_1467 : i32 to index
        %swap3A_1469 = arith.constant 80 : index
        %swap3A_1470 = tpu.vector_load %arg20[%swap3A_1468, %swap3A_1469] {strides = array<i32>} : memref<1x128xi32, #tpu.memory_space<vmem>>, vector<16xi32>,
        tpu.vector_store %arg20[%swap3A_1468, %swap3A_1469], %select_n3A_1466 {strides = array<i32>} : memref<1x128xi32, #tpu.memory_space<vmem>>, vector<16xi32>,
        %min3A_1471 = arith.constant 256 : i32
        %min3A_1472 = arith.minsi %scan3A_20#1, %min3A_1471 : i32
        %lt3A_1473 = vector.broadcast %min3A_1472 : i32 to vector<16xi32>
        %lt3A_1474 = arith.cmpi slt, %add3A_1455, %lt3A_1473 : vector<16xi32>
        %add3A_1475 = vector.broadcast %mul3A_962 : i32 to vector<16xi32>
        %add3A_1476 = arith.addi %add3A_1475, %add3A_1455 : vector<16xi32>
        %and3A_1477 = arith.constant 511 : i32
        %and3A_1478 = vector.broadcast %and3A_1477 : i32 to vector<16xi32>
        %and3A_1479 = arith.andi %add3A_1455, %and3A_1478 : vector<16xi32>
        %add3A_1480 = arith.constant 32768 : i32
        %add3A_1481 = vector.broadcast %add3A_1480 : i32 to vector<16xi32>
        %add3A_1482 = arith.addi %add3A_1481, %and3A_1479 : vector<16xi32>
        %select_n3A_1483 = arith.select %lt3A_1474, %add3A_1476, %add3A_1482 : vector<16xi1>, vector<16xi32>
        %swap3A_1484 = arith.constant 80 : index
        %swap3A_1485 = tpu.vector_load %arg21[%swap3A_1484] {strides = array<i32>} : memref<128xi32, #tpu.memory_space<vmem>>, vector<16xi32>,
        tpu.vector_store %arg21[%swap3A_1484], %select_n3A_1483 {strides = array<i32>} : memref<128xi32, #tpu.memory_space<vmem>>, vector<16xi32>,
        %mul3A_1486 = arith.constant 128 : i32
        %mul3A_1487 = arith.muli %scan3A_1265, %mul3A_1486 : i32
        %add3A_1488 = arith.constant 96 : i32
        %add3A_1489 = arith.addi %mul3A_1487, %add3A_1488 : i32
        %add3A_1490 = vector.broadcast %add3A_1489 : i32 to vector<16xi32>
        %add3A_1491 = arith.addi %iota3A, %add3A_1490 : vector<16xi32>
        %get3A_1492 = arith.index_cast %add3A_1489 : i32 to index
        %get3A_1493 = tpu.vector_load %arg18[%get3A_1492] {strides = array<i32>} : memref<8208xi32, #tpu.memory_space<vmem>>, vector<16xi32>,
        %lt3A_1494 = vector.broadcast %scan3A_20#1 : i32 to vector<16xi32>
        %lt3A_1495 = arith.cmpi slt, %add3A_1491, %lt3A_1494 : vector<16xi32>
        %and3A_1496 = arith.constant 255 : i32
        %and3A_1497 = vector.broadcast %and3A_1496 : i32 to vector<16xi32>
        %and3A_1498 = arith.andi %add3A_1491, %and3A_1497 : vector<16xi32>
        %add3A_1499 = arith.constant 8192 : i32
        %add3A_1500 = vector.broadcast %add3A_1499 : i32 to vector<16xi32>
        %add3A_1501 = arith.addi %add3A_1500, %and3A_1498 : vector<16xi32>
        %select_n3A_1502 = arith.select %lt3A_1495, %get3A_1493, %add3A_1501 : vector<16xi1>, vector<16xi32>
        %swap3A_1503 = arith.constant 0 : i32
        %swap3A_1504 = arith.index_cast %swap3A_1503 : i32 to index
        %swap3A_1505 = arith.constant 96 : index
        %swap3A_1506 = tpu.vector_load %arg20[%swap3A_1504, %swap3A_1505] {strides = array<i32>} : memref<1x128xi32, #tpu.memory_space<vmem>>, vector<16xi32>,
        tpu.vector_store %arg20[%swap3A_1504, %swap3A_1505], %select_n3A_1502 {strides = array<i32>} : memref<1x128xi32, #tpu.memory_space<vmem>>, vector<16xi32>,
        %min3A_1507 = arith.constant 256 : i32
        %min3A_1508 = arith.minsi %scan3A_20#1, %min3A_1507 : i32
        %lt3A_1509 = vector.broadcast %min3A_1508 : i32 to vector<16xi32>
        %lt3A_1510 = arith.cmpi slt, %add3A_1491, %lt3A_1509 : vector<16xi32>
        %add3A_1511 = vector.broadcast %mul3A_962 : i32 to vector<16xi32>
        %add3A_1512 = arith.addi %add3A_1511, %add3A_1491 : vector<16xi32>
        %and3A_1513 = arith.constant 511 : i32
        %and3A_1514 = vector.broadcast %and3A_1513 : i32 to vector<16xi32>
        %and3A_1515 = arith.andi %add3A_1491, %and3A_1514 : vector<16xi32>
        %add3A_1516 = arith.constant 32768 : i32
        %add3A_1517 = vector.broadcast %add3A_1516 : i32 to vector<16xi32>
        %add3A_1518 = arith.addi %add3A_1517, %and3A_1515 : vector<16xi32>
        %select_n3A_1519 = arith.select %lt3A_1510, %add3A_1512, %add3A_1518 : vector<16xi1>, vector<16xi32>
        %swap3A_1520 = arith.constant 96 : index
        %swap3A_1521 = tpu.vector_load %arg21[%swap3A_1520] {strides = array<i32>} : memref<128xi32, #tpu.memory_space<vmem>>, vector<16xi32>,
        tpu.vector_store %arg21[%swap3A_1520], %select_n3A_1519 {strides = array<i32>} : memref<128xi32, #tpu.memory_space<vmem>>, vector<16xi32>,
        %mul3A_1522 = arith.constant 128 : i32
        %mul3A_1523 = arith.muli %scan3A_1265, %mul3A_1522 : i32
        %add3A_1524 = arith.constant 112 : i32
        %add3A_1525 = arith.addi %mul3A_1523, %add3A_1524 : i32
        %add3A_1526 = vector.broadcast %add3A_1525 : i32 to vector<16xi32>
        %add3A_1527 = arith.addi %iota3A, %add3A_1526 : vector<16xi32>
        %get3A_1528 = arith.index_cast %add3A_1525 : i32 to index
        %get3A_1529 = tpu.vector_load %arg18[%get3A_1528] {strides = array<i32>} : memref<8208xi32, #tpu.memory_space<vmem>>, vector<16xi32>,
        %lt3A_1530 = vector.broadcast %scan3A_20#1 : i32 to vector<16xi32>
        %lt3A_1531 = arith.cmpi slt, %add3A_1527, %lt3A_1530 : vector<16xi32>
        %and3A_1532 = arith.constant 255 : i32
        %and3A_1533 = vector.broadcast %and3A_1532 : i32 to vector<16xi32>
        %and3A_1534 = arith.andi %add3A_1527, %and3A_1533 : vector<16xi32>
        %add3A_1535 = arith.constant 8192 : i32
        %add3A_1536 = vector.broadcast %add3A_1535 : i32 to vector<16xi32>
        %add3A_1537 = arith.addi %add3A_1536, %and3A_1534 : vector<16xi32>
        %select_n3A_1538 = arith.select %lt3A_1531, %get3A_1529, %add3A_1537 : vector<16xi1>, vector<16xi32>
        %swap3A_1539 = arith.constant 0 : i32
        %swap3A_1540 = arith.index_cast %swap3A_1539 : i32 to index
        %swap3A_1541 = arith.constant 112 : index
        %swap3A_1542 = tpu.vector_load %arg20[%swap3A_1540, %swap3A_1541] {strides = array<i32>} : memref<1x128xi32, #tpu.memory_space<vmem>>, vector<16xi32>,
        tpu.vector_store %arg20[%swap3A_1540, %swap3A_1541], %select_n3A_1538 {strides = array<i32>} : memref<1x128xi32, #tpu.memory_space<vmem>>, vector<16xi32>,
        %min3A_1543 = arith.constant 256 : i32
        %min3A_1544 = arith.minsi %scan3A_20#1, %min3A_1543 : i32
        %lt3A_1545 = vector.broadcast %min3A_1544 : i32 to vector<16xi32>
        %lt3A_1546 = arith.cmpi slt, %add3A_1527, %lt3A_1545 : vector<16xi32>
        %add3A_1547 = vector.broadcast %mul3A_962 : i32 to vector<16xi32>
        %add3A_1548 = arith.addi %add3A_1547, %add3A_1527 : vector<16xi32>
        %and3A_1549 = arith.constant 511 : i32
        %and3A_1550 = vector.broadcast %and3A_1549 : i32 to vector<16xi32>
        %and3A_1551 = arith.andi %add3A_1527, %and3A_1550 : vector<16xi32>
        %add3A_1552 = arith.constant 32768 : i32
        %add3A_1553 = vector.broadcast %add3A_1552 : i32 to vector<16xi32>
        %add3A_1554 = arith.addi %add3A_1553, %and3A_1551 : vector<16xi32>
        %select_n3A_1555 = arith.select %lt3A_1546, %add3A_1548, %add3A_1554 : vector<16xi1>, vector<16xi32>
        %swap3A_1556 = arith.constant 112 : index
        %swap3A_1557 = tpu.vector_load %arg21[%swap3A_1556] {strides = array<i32>} : memref<128xi32, #tpu.memory_space<vmem>>, vector<16xi32>,
        tpu.vector_store %arg21[%swap3A_1556], %select_n3A_1555 {strides = array<i32>} : memref<128xi32, #tpu.memory_space<vmem>>, vector<16xi32>,
        %dma_start3A = arith.constant 0 : i32
        %dma_start3A_1558 = arith.constant 0 : i32
        %dma_start3A_1559 = tpu.memref_slice %arg20[%dma_start3A, %dma_start3A_1558] : memref<1x128xi32, #tpu.memory_space<vmem>> -> memref<1x128xi32, #tpu.memory_space<vmem>>
        %dma_start3A_1560 = tpu.memref_squeeze %dma_start3A_1559 : memref<1x128xi32, #tpu.memory_space<vmem>> -> memref<128xi32, #tpu.memory_space<vmem>>
        %dma_start3A_1561 = arith.constant 0 : i32
        %dma_start3A_1562 = tpu.memref_slice %arg10[%dma_start3A_1561] : memref<8448xi32, #tpu.memory_space<hbm>> -> memref<8448xi32, #tpu.memory_space<hbm>>
        tpu.enqueue_indirect_dma source(%arg21 : memref<128xi32, #tpu.memory_space<vmem>>) target(%dma_start3A_1562 : memref<8448xi32, #tpu.memory_space<hbm>>) offsets(%dma_start3A_1560 : memref<128xi32, #tpu.memory_space<vmem>>) semaphore(%arg26 : memref<!tpu.dma_semaphore, #tpu.memory_space<semaphore_mem>>)
        %dma_wait3A = arith.constant 0 : i32
        %dma_wait3A_1563 = arith.constant 0 : i32
        %dma_wait3A_1564 = tpu.memref_slice %arg20[%dma_wait3A, %dma_wait3A_1563] : memref<1x128xi32, #tpu.memory_space<vmem>> -> memref<1x128xi32, #tpu.memory_space<vmem>>
        %dma_wait3A_1565 = tpu.memref_squeeze %dma_wait3A_1564 : memref<1x128xi32, #tpu.memory_space<vmem>> -> memref<128xi32, #tpu.memory_space<vmem>>
        %dma_wait3A_1566 = arith.constant 0 : i32
        %dma_wait3A_1567 = tpu.memref_slice %arg10[%dma_wait3A_1566] : memref<8448xi32, #tpu.memory_space<hbm>> -> memref<8448xi32, #tpu.memory_space<hbm>>
        tpu.wait_indirect_dma semaphore(%arg26 : memref<!tpu.dma_semaphore, #tpu.memory_space<semaphore_mem>>) src(%arg21 : memref<128xi32, #tpu.memory_space<vmem>>) dst(%dma_wait3A_1567 : memref<8448xi32, #tpu.memory_space<hbm>>)
      } else {
      }
      %scan3A_1271 = arith.constant 0 : i32
      scf.yield %scan3A_1271 : i32
    }
    %scan3A_1257 = arith.constant 64 : i32
    %scan3A_1258 = arith.constant 0 : i32
    %scan3A_1259 = arith.constant 0 : i32
    %scan3A_1260 = arith.constant 16 : i32
    %scan3A_1261 = arith.addi %scan3A_1259, %scan3A_1260 : i32
    %scan3A_1262 = arith.constant 1 : i32
    %scan3A_1263 = scf.for %scan3A_1265 = %scan3A_1259 to %scan3A_1261 step %scan3A_1262 iter_args(%scan3A_1266 = %scan3A_1258) -> (i32)  : i32 {
      %mul3A_1267 = arith.constant 16 : i32
      %mul3A_1268 = arith.muli %scan3A_1265, %mul3A_1267 : i32
      %lt3A_1269 = arith.cmpi slt, %mul3A_1268, %scan3A_20#1 : i32
      %convert_element_type3A = arith.extui %lt3A_1269 : i1 to i32
      %cond3A = arith.constant 0 : i32
      %cond3A_1270 = arith.cmpi ne, %convert_element_type3A, %cond3A : i32
      scf.if %cond3A_1270 {
        %mul3A_1272 = arith.constant 16 : i32
        %mul3A_1273 = arith.muli %scan3A_1265, %mul3A_1272 : i32
        %add3A_1274 = vector.broadcast %mul3A_1273 : i32 to vector<16xi32>
        %add3A_1275 = arith.addi %iota3A, %add3A_1274 : vector<16xi32>
        %get3A_1276 = arith.index_cast %mul3A_1273 : i32 to index
        %get3A_1277 = tpu.vector_load %arg18[%get3A_1276] {strides = array<i32>} : memref<8208xi32, #tpu.memory_space<vmem>>, vector<16xi32>,
        %lt3A_1278 = vector.broadcast %scan3A_20#1 : i32 to vector<16xi32>
        %lt3A_1279 = arith.cmpi slt, %add3A_1275, %lt3A_1278 : vector<16xi32>
        %select_n3A_1280 = arith.select %lt3A_1279, %get3A_1277, %add3A_1275 : vector<16xi1>, vector<16xi32>
        %swap3A_1281 = arith.constant 0 : index
        %swap3A_1282 = tpu.vector_load %arg22[%swap3A_1281] {strides = array<i32>} : memref<16xi32, #tpu.memory_space<vmem>>, vector<16xi32>,
        tpu.vector_store %arg22[%swap3A_1281], %select_n3A_1280 {strides = array<i32>} : memref<16xi32, #tpu.memory_space<vmem>>, vector<16xi32>,
        %dma_start3A = arith.constant 0 : i32
        %dma_start3A_1283 = arith.constant 0 : i32
        %dma_start3A_1284 = arith.constant 0 : i32
        %dma_start3A_1285 = tpu.memref_slice %arg24[%dma_start3A, %dma_start3A_1283, %dma_start3A_1284] : memref<2x16x768xf32, #tpu.memory_space<vmem>> -> memref<1x16x768xf32, #tpu.memory_space<vmem>>
        %dma_start3A_1286 = tpu.memref_squeeze %dma_start3A_1285 : memref<1x16x768xf32, #tpu.memory_space<vmem>> -> memref<16x768xf32, #tpu.memory_space<vmem>>
        %dma_start3A_1287 = arith.constant 0 : i32
        %dma_start3A_1288 = arith.constant 0 : i32
        %dma_start3A_1289 = tpu.memref_slice %arg2[%dma_start3A_1287, %dma_start3A_1288] : memref<8192x768xf32, #tpu.memory_space<hbm>> -> memref<8192x768xf32, #tpu.memory_space<hbm>>
        tpu.enqueue_indirect_dma source(%dma_start3A_1289 : memref<8192x768xf32, #tpu.memory_space<hbm>>) target(%dma_start3A_1286 : memref<16x768xf32, #tpu.memory_space<vmem>>) offsets(%arg22 : memref<16xi32, #tpu.memory_space<vmem>>) semaphore(%arg27 : memref<!tpu.dma_semaphore, #tpu.memory_space<semaphore_mem>>)
        %dma_wait3A = arith.constant 0 : i32
        %dma_wait3A_1290 = arith.constant 0 : i32
        %dma_wait3A_1291 = arith.constant 0 : i32
        %dma_wait3A_1292 = tpu.memref_slice %arg24[%dma_wait3A, %dma_wait3A_1290, %dma_wait3A_1291] : memref<2x16x768xf32, #tpu.memory_space<vmem>> -> memref<1x16x768xf32, #tpu.memory_space<vmem>>
        %dma_wait3A_1293 = tpu.memref_squeeze %dma_wait3A_1292 : memref<1x16x768xf32, #tpu.memory_space<vmem>> -> memref<16x768xf32, #tpu.memory_space<vmem>>
        %dma_wait3A_1294 = arith.constant 0 : i32
        %dma_wait3A_1295 = arith.constant 0 : i32
        %dma_wait3A_1296 = tpu.memref_slice %arg2[%dma_wait3A_1294, %dma_wait3A_1295] : memref<8192x768xf32, #tpu.memory_space<hbm>> -> memref<8192x768xf32, #tpu.memory_space<hbm>>
        tpu.wait_indirect_dma semaphore(%arg27 : memref<!tpu.dma_semaphore, #tpu.memory_space<semaphore_mem>>) src(%dma_wait3A_1296 : memref<8192x768xf32, #tpu.memory_space<hbm>>) dst(%dma_wait3A_1293 : memref<16x768xf32, #tpu.memory_space<vmem>>)
        %add3A_1297 = arith.addi %mul3A_962, %mul3A_1273 : i32
        %run_scoped3A = arith.constant 0 : i32
        "tpu.region"() ({
          %run_scoped3A_1298 = tpu.sem_alloc : memref<!tpu.dma_semaphore, #tpu.memory_space<semaphore_mem>>
          %dma_start3A_1299 = arith.constant 0 : i32
          %dma_start3A_1300 = arith.constant 0 : i32
          %dma_start3A_1301 = tpu.memref_slice %arg24[%run_scoped3A, %dma_start3A_1299, %dma_start3A_1300] : memref<2x16x768xf32, #tpu.memory_space<vmem>> -> memref<1x16x768xf32, #tpu.memory_space<vmem>>
          %dma_start3A_1302 = tpu.memref_squeeze %dma_start3A_1301 : memref<1x16x768xf32, #tpu.memory_space<vmem>> -> memref<16x768xf32, #tpu.memory_space<vmem>>
          %dma_start3A_1303 = arith.constant 0 : i32
          %dma_start3A_1304 = tpu.memref_slice %arg7[%add3A_1297, %dma_start3A_1303] : memref<32768x768xf32, #tpu.memory_space<hbm>> -> memref<16x768xf32, #tpu.memory_space<hbm>>
          %dma_start3A_1305 = arith.constant 0 : i32
          %dma_start3A_1306 = tpu.memref_slice %arg7[%add3A_1297, %dma_start3A_1305] : memref<32768x768xf32, #tpu.memory_space<hbm>> -> memref<16x768xf32, #tpu.memory_space<hbm>>
          %dma_start3A_1307 = arith.constant 0 : i32
          %dma_start3A_1308 = arith.constant 0 : i32
          %dma_start3A_1309 = tpu.memref_slice %arg24[%run_scoped3A, %dma_start3A_1307, %dma_start3A_1308] : memref<2x16x768xf32, #tpu.memory_space<vmem>> -> memref<1x16x768xf32, #tpu.memory_space<vmem>>
          %dma_start3A_1310 = tpu.memref_squeeze %dma_start3A_1309 : memref<1x16x768xf32, #tpu.memory_space<vmem>> -> memref<16x768xf32, #tpu.memory_space<vmem>>
          tpu.enqueue_dma source(%dma_start3A_1310 : memref<16x768xf32, #tpu.memory_space<vmem>>) target(%dma_start3A_1306 : memref<16x768xf32, #tpu.memory_space<hbm>>) target_semaphore(%run_scoped3A_1298 : memref<!tpu.dma_semaphore, #tpu.memory_space<semaphore_mem>>)
          %dma_wait3A_1311 = arith.constant 0 : i32
          %dma_wait3A_1312 = arith.constant 0 : i32
          %dma_wait3A_1313 = tpu.memref_slice %arg24[%run_scoped3A, %dma_wait3A_1311, %dma_wait3A_1312] : memref<2x16x768xf32, #tpu.memory_space<vmem>> -> memref<1x16x768xf32, #tpu.memory_space<vmem>>
          %dma_wait3A_1314 = tpu.memref_squeeze %dma_wait3A_1313 : memref<1x16x768xf32, #tpu.memory_space<vmem>> -> memref<16x768xf32, #tpu.memory_space<vmem>>
          %dma_wait3A_1315 = arith.constant 0 : i32
          %dma_wait3A_1316 = tpu.memref_slice %arg7[%add3A_1297, %dma_wait3A_1315] : memref<32768x768xf32, #tpu.memory_space<hbm>> -> memref<16x768xf32, #tpu.memory_space<hbm>>
          %dma_wait3A_1317 = arith.constant 0 : i32
          %dma_wait3A_1318 = tpu.memref_slice %arg7[%add3A_1297, %dma_wait3A_1317] : memref<32768x768xf32, #tpu.memory_space<hbm>> -> memref<16x768xf32, #tpu.memory_space<hbm>>
          %dma_wait3A_1319 = arith.constant 0 : i32
          %dma_wait3A_1320 = arith.constant 0 : i32
          %dma_wait3A_1321 = tpu.memref_slice %arg24[%run_scoped3A, %dma_wait3A_1319, %dma_wait3A_1320] : memref<2x16x768xf32, #tpu.memory_space<vmem>> -> memref<1x16x768xf32, #tpu.memory_space<vmem>>
          %dma_wait3A_1322 = tpu.memref_squeeze %dma_wait3A_1321 : memref<1x16x768xf32, #tpu.memory_space<vmem>> -> memref<16x768xf32, #tpu.memory_space<vmem>>
          tpu.wait_dma2 semaphore(%run_scoped3A_1298 : memref<!tpu.dma_semaphore, #tpu.memory_space<semaphore_mem>>) src(%dma_wait3A_1322 : memref<16x768xf32, #tpu.memory_space<vmem>>) dst(%dma_wait3A_1318 : memref<16x768xf32, #tpu.memory_space<hbm>>)
          tpu.yield
        }) : () -> ()
      } else {
      }
      %scan3A_1271 = arith.constant 0 : i32
      scf.yield %scan3A_1271 : i32
    }
    %scan3A_1264 = arith.constant 16 : i32
    return
  }
}

module attributes {stable_mosaic.version = 14 : i64} {
  func.func @_ffn_body(%arg0: i32, %arg1: i32, %arg2: memref<1x512x768xf32, #tpu.memory_space<vmem>>, %arg3: memref<1x768x512xf32, #tpu.memory_space<vmem>>, %arg4: memref<1x768x512xf32, #tpu.memory_space<vmem>>, %arg5: memref<1x512x768xf32, #tpu.memory_space<vmem>>, %arg6: memref<1x512x1xf32, #tpu.memory_space<vmem>>, %arg7: memref<1x512x768xf32, #tpu.memory_space<vmem>>, %arg8: memref<512x768xf32, #tpu.memory_space<vmem>>) attributes {dimension_semantics = [#tpu.dimension_semantics<arbitrary>, #tpu.dimension_semantics<arbitrary>], iteration_bounds = array<i64: 65, 2>, scalar_prefetch = 0 : i64, scratch_operands = 1 : i64, tpu.core_type = #tpu.core_type<tc>, window_params = [{transform_indices = @transform_0, window_bounds = array<i64: 1, 512, 768>}, {transform_indices = @transform_1, window_bounds = array<i64: 1, 768, 512>}, {transform_indices = @transform_2, window_bounds = array<i64: 1, 768, 512>}, {transform_indices = @transform_3, window_bounds = array<i64: 1, 512, 768>}, {transform_indices = @transform_4, window_bounds = array<i64: 1, 512, 1>}, {transform_indices = @transform_5, window_bounds = array<i64: 1, 512, 768>}]} {
    %get3A = arith.constant 0 : index
    %get3A_0 = arith.constant 0 : index
    %get3A_1 = arith.constant 0 : index
    %get3A_2 = vector.load %arg2[%get3A, %get3A_0, %get3A_1] : memref<1x512x768xf32, #tpu.memory_space<vmem>>, vector<1x512x768xf32>
    %get3A_3 = vector.shape_cast %get3A_2 : vector<1x512x768xf32> to vector<512x768xf32>
    %convert_element_type3A = arith.truncf %get3A_3 : vector<512x768xf32> to vector<512x768xbf16>
    %get3A_4 = arith.constant 0 : index
    %get3A_5 = arith.constant 0 : index
    %get3A_6 = arith.constant 0 : index
    %get3A_7 = vector.load %arg3[%get3A_4, %get3A_5, %get3A_6] : memref<1x768x512xf32, #tpu.memory_space<vmem>>, vector<1x768x512xf32>
    %get3A_8 = vector.shape_cast %get3A_7 : vector<1x768x512xf32> to vector<768x512xf32>
    %convert_element_type3A_9 = arith.truncf %get3A_8 : vector<768x512xf32> to vector<768x512xbf16>
    %dot_general3A = arith.constant dense<0.000000e+00> : vector<512x512xf32>
    %dot_general3A_10 = tpu.matmul %convert_element_type3A, %convert_element_type3A_9, %dot_general3A {dimension_numbers = #tpu.dot_dimension_numbers<[1], [0], [0], [1], [0, 0, 1, 1], [], []>, transpose_lhs_hint = false} : vector<512x768xbf16>, vector<768x512xbf16>, vector<512x512xf32> -> vector<512x512xf32>
    %get3A_11 = arith.constant 0 : index
    %get3A_12 = arith.constant 0 : index
    %get3A_13 = arith.constant 0 : index
    %get3A_14 = vector.load %arg4[%get3A_11, %get3A_12, %get3A_13] : memref<1x768x512xf32, #tpu.memory_space<vmem>>, vector<1x768x512xf32>
    %get3A_15 = vector.shape_cast %get3A_14 : vector<1x768x512xf32> to vector<768x512xf32>
    %convert_element_type3A_16 = arith.truncf %get3A_15 : vector<768x512xf32> to vector<768x512xbf16>
    %dot_general3A_17 = arith.constant dense<0.000000e+00> : vector<512x512xf32>
    %dot_general3A_18 = tpu.matmul %convert_element_type3A, %convert_element_type3A_16, %dot_general3A_17 {dimension_numbers = #tpu.dot_dimension_numbers<[1], [0], [0], [1], [0, 0, 1, 1], [], []>, transpose_lhs_hint = false} : vector<512x768xbf16>, vector<768x512xbf16>, vector<512x512xf32> -> vector<512x512xf32>
    %logistic3A = arith.negf %dot_general3A_10 : vector<512x512xf32>
    %logistic3A_19 = math.exp %logistic3A : vector<512x512xf32>
    %logistic3A_20 = arith.constant 1.000000e+00 : f32
    %logistic3A_21 = vector.broadcast %logistic3A_20 : f32 to vector<512x512xf32>
    %logistic3A_22 = arith.addf %logistic3A_21, %logistic3A_19 : vector<512x512xf32>
    %logistic3A_23 = arith.divf %logistic3A_21, %logistic3A_22 : vector<512x512xf32>
    %mul3A = arith.mulf %dot_general3A_10, %logistic3A_23 : vector<512x512xf32>
    %mul3A_24 = arith.mulf %mul3A, %dot_general3A_18 : vector<512x512xf32>
    %convert_element_type3A_25 = arith.truncf %mul3A_24 : vector<512x512xf32> to vector<512x512xbf16>
    %get3A_26 = arith.constant 0 : index
    %get3A_27 = arith.constant 0 : index
    %get3A_28 = arith.constant 0 : index
    %get3A_29 = vector.load %arg5[%get3A_26, %get3A_27, %get3A_28] : memref<1x512x768xf32, #tpu.memory_space<vmem>>, vector<1x512x768xf32>
    %get3A_30 = vector.shape_cast %get3A_29 : vector<1x512x768xf32> to vector<512x768xf32>
    %convert_element_type3A_31 = arith.truncf %get3A_30 : vector<512x768xf32> to vector<512x768xbf16>
    %dot_general3A_32 = arith.constant dense<0.000000e+00> : vector<512x768xf32>
    %dot_general3A_33 = tpu.matmul %convert_element_type3A_25, %convert_element_type3A_31, %dot_general3A_32 {dimension_numbers = #tpu.dot_dimension_numbers<[1], [0], [0], [1], [0, 0, 1, 1], [], []>, transpose_lhs_hint = false} : vector<512x512xbf16>, vector<512x768xbf16>, vector<512x768xf32> -> vector<512x768xf32>
    %eq3A = arith.constant 0 : i32
    %eq3A_34 = arith.cmpi eq, %arg1, %eq3A : i32
    %convert_element_type3A_35 = arith.extui %eq3A_34 : i1 to i32
    %cond3A = arith.constant 0 : i32
    %cond3A_36 = arith.cmpi ne, %convert_element_type3A_35, %cond3A : i32
    scf.if %cond3A_36 {
      %swap3A = arith.constant 0 : index
      %swap3A_42 = arith.constant 0 : index
      %swap3A_43 = vector.load %arg8[%swap3A, %swap3A_42] : memref<512x768xf32, #tpu.memory_space<vmem>>, vector<512x768xf32>
      tpu.vector_store %arg8[%swap3A, %swap3A_42], %dot_general3A_33 {strides = array<i32>} : memref<512x768xf32, #tpu.memory_space<vmem>>, vector<512x768xf32>,
    } else {
    }
    %eq3A_37 = arith.constant 1 : i32
    %eq3A_38 = arith.cmpi eq, %arg1, %eq3A_37 : i32
    %convert_element_type3A_39 = arith.extui %eq3A_38 : i1 to i32
    %cond3A_40 = arith.constant 0 : i32
    %cond3A_41 = arith.cmpi ne, %convert_element_type3A_39, %cond3A_40 : i32
    scf.if %cond3A_41 {
      %get3A_42 = arith.constant 0 : index
      %get3A_43 = arith.constant 0 : index
      %get3A_44 = vector.load %arg8[%get3A_42, %get3A_43] : memref<512x768xf32, #tpu.memory_space<vmem>>, vector<512x768xf32>
      %add3A = arith.addf %get3A_44, %dot_general3A_33 : vector<512x768xf32>
      %get3A_45 = arith.constant 0 : index
      %get3A_46 = arith.constant 0 : index
      %get3A_47 = arith.constant 0 : index
      %get3A_48 = vector.load %arg6[%get3A_45, %get3A_46, %get3A_47] : memref<1x512x1xf32, #tpu.memory_space<vmem>>, vector<1x512x1xf32>
      %get3A_49 = vector.shape_cast %get3A_48 : vector<1x512x1xf32> to vector<512x1xf32>
      %mul3A_50 = vector.broadcast %get3A_49 : vector<512x1xf32> to vector<512x768xf32>
      %mul3A_51 = arith.mulf %add3A, %mul3A_50 : vector<512x768xf32>
      %swap3A = arith.constant 0 : index
      %swap3A_52 = arith.constant 0 : index
      %swap3A_53 = arith.constant 0 : index
      %swap3A_54 = vector.load %arg7[%swap3A, %swap3A_52, %swap3A_53] : memref<1x512x768xf32, #tpu.memory_space<vmem>>, vector<1x512x768xf32>
      %swap3A_55 = vector.shape_cast %swap3A_54 : vector<1x512x768xf32> to vector<512x768xf32>
      %swap3A_56 = vector.shape_cast %mul3A_51 : vector<512x768xf32> to vector<1x512x768xf32>
      tpu.vector_store %arg7[%swap3A, %swap3A_52, %swap3A_53], %swap3A_56 {strides = array<i32>} : memref<1x512x768xf32, #tpu.memory_space<vmem>>, vector<1x512x768xf32>,
    } else {
    }
    return
  }
  func.func @transform_0(%arg0: i32, %arg1: i32) -> (i32, i32, i32) {
    %min3A = arith.constant 63 : i32
    %min3A_0 = arith.minsi %arg0, %min3A : i32
    %c0_i32 = arith.constant 0 : i32
    %c0_i32_1 = arith.constant 0 : i32
    %c0_i32_2 = arith.constant 0 : i32
    return %min3A_0, %c0_i32, %c0_i32_1 : i32, i32, i32
  }
  func.func @transform_1(%arg0: i32, %arg1: i32) -> (i32, i32, i32) {
    %min3A = arith.constant 63 : i32
    %min3A_0 = arith.minsi %arg0, %min3A : i32
    %c0_i32 = arith.constant 0 : i32
    %c0_i32_1 = arith.constant 0 : i32
    return %min3A_0, %c0_i32, %arg1 : i32, i32, i32
  }
  func.func @transform_2(%arg0: i32, %arg1: i32) -> (i32, i32, i32) {
    %min3A = arith.constant 63 : i32
    %min3A_0 = arith.minsi %arg0, %min3A : i32
    %c0_i32 = arith.constant 0 : i32
    %c0_i32_1 = arith.constant 0 : i32
    return %min3A_0, %c0_i32, %arg1 : i32, i32, i32
  }
  func.func @transform_3(%arg0: i32, %arg1: i32) -> (i32, i32, i32) {
    %min3A = arith.constant 63 : i32
    %min3A_0 = arith.minsi %arg0, %min3A : i32
    %c0_i32 = arith.constant 0 : i32
    %c0_i32_1 = arith.constant 0 : i32
    return %min3A_0, %arg1, %c0_i32 : i32, i32, i32
  }
  func.func @transform_4(%arg0: i32, %arg1: i32) -> (i32, i32, i32) {
    %c0_i32 = arith.constant 0 : i32
    %c0_i32_0 = arith.constant 0 : i32
    %c0_i32_1 = arith.constant 0 : i32
    return %arg0, %c0_i32, %c0_i32_0 : i32, i32, i32
  }
  func.func @transform_5(%arg0: i32, %arg1: i32) -> (i32, i32, i32) {
    %c0_i32 = arith.constant 0 : i32
    %c0_i32_0 = arith.constant 0 : i32
    %c0_i32_1 = arith.constant 0 : i32
    return %arg0, %c0_i32, %c0_i32_0 : i32, i32, i32
  }
}

module attributes {stable_mosaic.version = 14 : i64} {
  func.func @_routing_body(%arg0: i32, %arg1: memref<512x768xf32, #tpu.memory_space<vmem>>, %arg2: memref<64x768xf32, #tpu.memory_space<vmem>>, %arg3: memref<1x64xf32, #tpu.memory_space<vmem>>, %arg4: memref<1x64xf32, #tpu.memory_space<vmem>>, %arg5: memref<1x1x512xi32, #tpu.memory_space<vmem>>, %arg6: memref<1x1x512xi32, #tpu.memory_space<vmem>>, %arg7: memref<1x1x512xf32, #tpu.memory_space<vmem>>, %arg8: memref<1x1x512xf32, #tpu.memory_space<vmem>>) attributes {dimension_semantics = [#tpu.dimension_semantics<arbitrary>], iteration_bounds = array<i64: 16>, scalar_prefetch = 0 : i64, scratch_operands = 0 : i64, tpu.core_type = #tpu.core_type<tc>, window_params = [{transform_indices = @transform_0, window_bounds = array<i64: 512, 768>}, {pipeline_mode = #tpu.pipeline_mode<synchronous>, transform_indices = @transform_1, window_bounds = array<i64: 64, 768>}, {pipeline_mode = #tpu.pipeline_mode<synchronous>, transform_indices = @transform_2, window_bounds = array<i64: 1, 64>}, {pipeline_mode = #tpu.pipeline_mode<synchronous>, transform_indices = @transform_3, window_bounds = array<i64: 1, 64>}, {transform_indices = @transform_4, window_bounds = array<i64: 1, 1, 512>}, {transform_indices = @transform_5, window_bounds = array<i64: 1, 1, 512>}, {transform_indices = @transform_6, window_bounds = array<i64: 1, 1, 512>}, {transform_indices = @transform_7, window_bounds = array<i64: 1, 1, 512>}]} {
    %get3A = arith.constant 0 : index
    %get3A_0 = arith.constant 0 : index
    %get3A_1 = vector.load %arg1[%get3A, %get3A_0] : memref<512x768xf32, #tpu.memory_space<vmem>>, vector<512x768xf32>
    %get3A_2 = arith.constant 0 : index
    %get3A_3 = arith.constant 0 : index
    %get3A_4 = vector.load %arg2[%get3A_2, %get3A_3] : memref<64x768xf32, #tpu.memory_space<vmem>>, vector<64x768xf32>
    %dot_general3A = arith.constant dense<0.000000e+00> : vector<512x64xf32>
    %dot_general3A_5 = tpu.matmul %get3A_1, %get3A_4, %dot_general3A {dimension_numbers = #tpu.dot_dimension_numbers<[1], [1], [0], [0], [0, 0, 1, 0], [], []>, transpose_lhs_hint = false} : vector<512x768xf32>, vector<64x768xf32>, vector<512x64xf32> -> vector<512x64xf32>
    %get3A_6 = arith.constant 0 : index
    %get3A_7 = arith.constant 0 : index
    %get3A_8 = vector.load %arg3[%get3A_6, %get3A_7] : memref<1x64xf32, #tpu.memory_space<vmem>>, vector<1x64xf32>
    %add3A = vector.broadcast %get3A_8 : vector<1x64xf32> to vector<512x64xf32>
    %add3A_9 = arith.addf %dot_general3A_5, %add3A : vector<512x64xf32>
    %get3A_10 = arith.constant 0 : index
    %get3A_11 = arith.constant 0 : index
    %get3A_12 = vector.load %arg4[%get3A_10, %get3A_11] : memref<1x64xf32, #tpu.memory_space<vmem>>, vector<1x64xf32>
    %mul3A = vector.broadcast %get3A_12 : vector<1x64xf32> to vector<512x64xf32>
    %mul3A_13 = arith.mulf %add3A_9, %mul3A : vector<512x64xf32>
    %iota3A = tpu.iota {dimensions = array<i32: 1>} : vector<512x64xi32>
    %reduce_max3A = arith.constant dense<0xFF800000> : vector<512xf32>
    %reduce_max3A_14 = vector.multi_reduction <maximumf>, %mul3A_13, %reduce_max3A [1] : vector<512x64xf32> to vector<512xf32>
    %broadcast_in_dim3A = vector.shape_cast %reduce_max3A_14 : vector<512xf32> to vector<512x1xf32>
    %eq3A = vector.broadcast %broadcast_in_dim3A : vector<512x1xf32> to vector<512x64xf32>
    %eq3A_15 = arith.cmpf oeq, %mul3A_13, %eq3A : vector<512x64xf32>
    %jit3A = arith.constant 64 : i32
    %broadcast_in_dim3A_16 = vector.broadcast %jit3A : i32 to vector<512x64xi32>
    %select_n3A = arith.select %eq3A_15, %iota3A, %broadcast_in_dim3A_16 : vector<512x64xi1>, vector<512x64xi32>
    %reduce_min3A = arith.constant dense<2147483647> : vector<512xi32>
    %reduce_min3A_17 = vector.multi_reduction <minsi>, %select_n3A, %reduce_min3A [1] : vector<512x64xi32> to vector<512xi32>
    %broadcast_in_dim3A_18 = vector.shape_cast %reduce_min3A_17 : vector<512xi32> to vector<512x1xi32>
    %eq3A_19 = vector.broadcast %broadcast_in_dim3A_18 : vector<512x1xi32> to vector<512x64xi32>
    %eq3A_20 = arith.cmpi eq, %iota3A, %eq3A_19 : vector<512x64xi32>
    %jit3A_21 = arith.constant -3.40282347E+38 : f32
    %broadcast_in_dim3A_22 = vector.broadcast %jit3A_21 : f32 to vector<512x64xf32>
    %select_n3A_23 = arith.select %eq3A_20, %broadcast_in_dim3A_22, %mul3A_13 : vector<512x64xi1>, vector<512x64xf32>
    %reduce_max3A_24 = arith.constant dense<0xFF800000> : vector<512xf32>
    %reduce_max3A_25 = vector.multi_reduction <maximumf>, %select_n3A_23, %reduce_max3A_24 [1] : vector<512x64xf32> to vector<512xf32>
    %broadcast_in_dim3A_26 = vector.shape_cast %reduce_max3A_25 : vector<512xf32> to vector<512x1xf32>
    %eq3A_27 = vector.broadcast %broadcast_in_dim3A_26 : vector<512x1xf32> to vector<512x64xf32>
    %eq3A_28 = arith.cmpf oeq, %select_n3A_23, %eq3A_27 : vector<512x64xf32>
    %jit3A_29 = arith.constant 64 : i32
    %broadcast_in_dim3A_30 = vector.broadcast %jit3A_29 : i32 to vector<512x64xi32>
    %select_n3A_31 = arith.select %eq3A_28, %iota3A, %broadcast_in_dim3A_30 : vector<512x64xi1>, vector<512x64xi32>
    %reduce_min3A_32 = arith.constant dense<2147483647> : vector<512xi32>
    %reduce_min3A_33 = vector.multi_reduction <minsi>, %select_n3A_31, %reduce_min3A_32 [1] : vector<512x64xi32> to vector<512xi32>
    %broadcast_in_dim3A_34 = vector.shape_cast %reduce_min3A_33 : vector<512xi32> to vector<512x1xi32>
    %sub3A = arith.subf %broadcast_in_dim3A_26, %broadcast_in_dim3A : vector<512x1xf32>
    %exp3A = math.exp %sub3A : vector<512x1xf32>
    %add3A_35 = arith.constant 1.000000e+00 : f32
    %add3A_36 = vector.broadcast %add3A_35 : f32 to vector<512x1xf32>
    %add3A_37 = arith.addf %add3A_36, %exp3A : vector<512x1xf32>
    %squeeze3A = vector.shape_cast %broadcast_in_dim3A_18 : vector<512x1xi32> to vector<512xi32>
    %swap3A = arith.constant 0 : index
    %swap3A_38 = arith.constant 0 : index
    %swap3A_39 = arith.constant 0 : index
    %swap3A_40 = vector.load %arg5[%swap3A, %swap3A_38, %swap3A_39] : memref<1x1x512xi32, #tpu.memory_space<vmem>>, vector<1x1x512xi32>
    %swap3A_41 = vector.shape_cast %swap3A_40 : vector<1x1x512xi32> to vector<512xi32>
    %swap3A_42 = vector.shape_cast %squeeze3A : vector<512xi32> to vector<1x1x512xi32>
    tpu.vector_store %arg5[%swap3A, %swap3A_38, %swap3A_39], %swap3A_42 {strides = array<i32>} : memref<1x1x512xi32, #tpu.memory_space<vmem>>, vector<1x1x512xi32>,
    %squeeze3A_43 = vector.shape_cast %broadcast_in_dim3A_34 : vector<512x1xi32> to vector<512xi32>
    %swap3A_44 = arith.constant 0 : index
    %swap3A_45 = arith.constant 0 : index
    %swap3A_46 = arith.constant 0 : index
    %swap3A_47 = vector.load %arg6[%swap3A_44, %swap3A_45, %swap3A_46] : memref<1x1x512xi32, #tpu.memory_space<vmem>>, vector<1x1x512xi32>
    %swap3A_48 = vector.shape_cast %swap3A_47 : vector<1x1x512xi32> to vector<512xi32>
    %swap3A_49 = vector.shape_cast %squeeze3A_43 : vector<512xi32> to vector<1x1x512xi32>
    tpu.vector_store %arg6[%swap3A_44, %swap3A_45, %swap3A_46], %swap3A_49 {strides = array<i32>} : memref<1x1x512xi32, #tpu.memory_space<vmem>>, vector<1x1x512xi32>,
    %div3A = arith.constant 1.000000e+00 : f32
    %div3A_50 = vector.broadcast %div3A : f32 to vector<512x1xf32>
    %div3A_51 = arith.divf %div3A_50, %add3A_37 : vector<512x1xf32>
    %squeeze3A_52 = vector.shape_cast %div3A_51 : vector<512x1xf32> to vector<512xf32>
    %swap3A_53 = arith.constant 0 : index
    %swap3A_54 = arith.constant 0 : index
    %swap3A_55 = arith.constant 0 : index
    %swap3A_56 = vector.load %arg7[%swap3A_53, %swap3A_54, %swap3A_55] : memref<1x1x512xf32, #tpu.memory_space<vmem>>, vector<1x1x512xf32>
    %swap3A_57 = vector.shape_cast %swap3A_56 : vector<1x1x512xf32> to vector<512xf32>
    %swap3A_58 = vector.shape_cast %squeeze3A_52 : vector<512xf32> to vector<1x1x512xf32>
    tpu.vector_store %arg7[%swap3A_53, %swap3A_54, %swap3A_55], %swap3A_58 {strides = array<i32>} : memref<1x1x512xf32, #tpu.memory_space<vmem>>, vector<1x1x512xf32>,
    %div3A_59 = arith.divf %exp3A, %add3A_37 : vector<512x1xf32>
    %squeeze3A_60 = vector.shape_cast %div3A_59 : vector<512x1xf32> to vector<512xf32>
    %swap3A_61 = arith.constant 0 : index
    %swap3A_62 = arith.constant 0 : index
    %swap3A_63 = arith.constant 0 : index
    %swap3A_64 = vector.load %arg8[%swap3A_61, %swap3A_62, %swap3A_63] : memref<1x1x512xf32, #tpu.memory_space<vmem>>, vector<1x1x512xf32>
    %swap3A_65 = vector.shape_cast %swap3A_64 : vector<1x1x512xf32> to vector<512xf32>
    %swap3A_66 = vector.shape_cast %squeeze3A_60 : vector<512xf32> to vector<1x1x512xf32>
    tpu.vector_store %arg8[%swap3A_61, %swap3A_62, %swap3A_63], %swap3A_66 {strides = array<i32>} : memref<1x1x512xf32, #tpu.memory_space<vmem>>, vector<1x1x512xf32>,
    return
  }
  func.func @transform_0(%arg0: i32) -> (i32, i32) {
    %c0_i32 = arith.constant 0 : i32
    %c0_i32_0 = arith.constant 0 : i32
    return %arg0, %c0_i32 : i32, i32
  }
  func.func @transform_1(%arg0: i32) -> (i32, i32) {
    %c0_i32 = arith.constant 0 : i32
    %c0_i32_0 = arith.constant 0 : i32
    %c0_i32_1 = arith.constant 0 : i32
    return %c0_i32, %c0_i32_0 : i32, i32
  }
  func.func @transform_2(%arg0: i32) -> (i32, i32) {
    %c0_i32 = arith.constant 0 : i32
    %c0_i32_0 = arith.constant 0 : i32
    %c0_i32_1 = arith.constant 0 : i32
    return %c0_i32, %c0_i32_0 : i32, i32
  }
  func.func @transform_3(%arg0: i32) -> (i32, i32) {
    %c0_i32 = arith.constant 0 : i32
    %c0_i32_0 = arith.constant 0 : i32
    %c0_i32_1 = arith.constant 0 : i32
    return %c0_i32, %c0_i32_0 : i32, i32
  }
  func.func @transform_4(%arg0: i32) -> (i32, i32, i32) {
    %c0_i32 = arith.constant 0 : i32
    %c0_i32_0 = arith.constant 0 : i32
    %c0_i32_1 = arith.constant 0 : i32
    return %arg0, %c0_i32, %c0_i32_0 : i32, i32, i32
  }
  func.func @transform_5(%arg0: i32) -> (i32, i32, i32) {
    %c0_i32 = arith.constant 0 : i32
    %c0_i32_0 = arith.constant 0 : i32
    %c0_i32_1 = arith.constant 0 : i32
    return %arg0, %c0_i32, %c0_i32_0 : i32, i32, i32
  }
  func.func @transform_6(%arg0: i32) -> (i32, i32, i32) {
    %c0_i32 = arith.constant 0 : i32
    %c0_i32_0 = arith.constant 0 : i32
    %c0_i32_1 = arith.constant 0 : i32
    return %arg0, %c0_i32, %c0_i32_0 : i32, i32, i32
  }
  func.func @transform_7(%arg0: i32) -> (i32, i32, i32) {
    %c0_i32 = arith.constant 0 : i32
    %c0_i32_0 = arith.constant 0 : i32
    %c0_i32_1 = arith.constant 0 : i32
    return %arg0, %c0_i32, %c0_i32_0 : i32, i32, i32
  }
}

</mosaic_0001>

<sc_bundles>
// kernel: kernel.6.cloned.1.call-start
scs
__scs_entry_jumppad:
0x0: {  	(pc) =	sbr.rel $0x88, $3  }
0x1: {  	(tag) =	ssettag $0x0;
	lr =	simm.s32 $0x1  }
0x2: {  	[smem:$0x3F9A] =	sst lr;
	_ =	strace $0xD0000000  }
0x3: {  	_ = 	snop  }
0x4: {  	_ = 	snop  }
0x5: {  	_ = 	snop  }
0x6: {  	_ = 	snop  }
0x7: {  	_ = 	snop  }
__scs_overlays_trampoline_lowered:
0x8: {  	[smem:$0x3FA9] =	sst s0  }
0x9: {  	[smem:$0x3FAA] =	sst s1  }
0xa: {  	[smem:$0x3FAB] =	sst s2  }
0xb: {  	[smem:$0x3FAC] =	sst s3  }
0xc: {  	[smem:$0x3FAD] =	sst s4  }
0xd: {  	[smem:$0x3FAE] =	sst s5  }
0xe: {  	[smem:$0x3FAF] =	sst s6  }
0xf: {  	[smem:$0x3FB0] =	sst s7  }
0x10: {  	[smem:$0x3FB1] =	sst s8  }
0x11: {  	[smem:$0x3FB2] =	sst s9;
	s0 =	simm.s32 @!p0 $0x0  }
0x12: {  	s1 =	sld [smem:$0x3F98];
	s0 =	simm.s32 @p0 $0x1  }
0x13: {  	[smem:$0x3FB3] =	sst s0;
	s0 =	simm.s32 @!p1 $0x0  }
0x14: {  	s2 =	sld [smem:$0x3F97];
	s0 =	simm.s32 @p1 $0x1  }
0x15: {  	[smem:$0x3FB4] =	sst s0;
	s0 =	simm.s32 @!p2 $0x0  }
0x16: {  	s3 =	sld [smem:$0x3FDB];
	s0 =	simm.s32 @p2 $0x1  }
0x17: {  	s4 =	simm.s32 $0x1BF5;
	[smem:$0x3FB6] =	sst s0  }
0x18: {  	s0 =	sld [smem:$0x3F99];
	_ =	swait.ge [sflag:s4], $0x0  }
0x19: {  	s7 =	sld [smem:$0x3F9A]  }
0x1a: {  	s8 =	sadd.s32 $0xFFFFE003, lr  }
0x1b: {  	s9 =	sadd.s32 $0xFFFFFEF7, lr;
	s5 =	simm.s32 $0xFFFFFFFF;
	p2 =	slt.u32 s8, $0xFFFFF086  }
0x1c: {  	p1 =	slt.u32 s9, $0xF7A;
	s5 =	simm.s32 @!p2 $0x0  }
0x1d: {  	s5 =	simm.s32 @p1 $0x1;
	p0 =	seq.s32 s7, s2  }
0x1e: {  	s7 =	smul.u32 @!p0 $0xF7A, s2;
	p2 =	seq.s32 @!p0 s5, $0x0  }
0x1f: {  	s9 =	smul.u32 $0xF7A, s1;
	s8 =	simm.s32 @!p0 $0x1BF5;
	p2 =	por !p2, p0  }
0x20: {  	[sflag:s8] =	ssyncset.s32 @!p0 $0xFFFFF086;
	s6 =	sadd.s32 @!p0 s3, s7;
	s7 =	simm.s32 @!p0 $0x108  }
0x21: {  	s3 =	sadd.s32 s3, s9;
	s6 =	sadd.s32 @!p0 $0x88, s6;
	s7 =	simm.s32 @p2 $0x1082  }
0x22: {  	[simem:s7], [sflag:s8] =	dma.local @!p0 [hbm:s6], $0xF7A  }
0x23: {  	s9 =	sor.u32 $0xD0000000, s2;
	s6 =	simm.s32 $0x108;
	_ =	swait.ge @!p0 [sflag:s8], $0x0  }
0x24: {  	s3 =	sadd.s32 $0x88, s3;
	s6 =	simm.s32 @!p1 $0x1082;
	[sflag:s4] =	ssyncset.s32 $0xFFFFF086  }
0x25: {  	[simem:s6], [sflag:s4] =	dma.local [hbm:s3], $0xF7A  }
0x26: {  	[smem:$0x3F9A] =	sst s1;
	(tag) =	ssettag s2;
	_ =	strace s9  }
0x27: {  	s1 =	sld [smem:$0x3FAA]  }
0x28: {  	s2 =	sld [smem:$0x3FAB]  }
0x29: {  	s4 =	sld [smem:$0x3FAD]  }
0x2a: {  	p0 =	seq.s32 s5, $0x0;
	s5 =	sld [smem:$0x3FAE]  }
0x2b: {  	s6 =	sld [smem:$0x3FAF]  }
0x2c: {  	s7 =	sld [smem:$0x3FB0]  }
0x2d: {  	s3 =	simm.s32 $0x108;
	s8 =	sld [smem:$0x3FB1]  }
0x2e: {  	s3 =	simm.s32 @!p0 $0x1082;
	s9 =	sld [smem:$0x3FB2]  }
0x2f: {  	lr =	sadd.s32 s0, s3;
	s0 =	sld [smem:$0x3FA9]  }
0x30: {  	s3 =	sld [smem:$0x3FAC]  }
0x31: {  	[smem:$0x3FB5] =	sst s10  }
0x32: {  	s10 =	sld [smem:$0x3FB3];
	_ =	sdelay $0x3  }
0x33: {  	p0 =	seq.s32 s10, $0x1;
	s10 =	sld [smem:$0x3FB5];
	_ =	sdelay $0x3  }
0x34: {  	[smem:$0x3FB5] =	sst s10  }
0x35: {  	s10 =	sld [smem:$0x3FB4];
	_ =	sdelay $0x3  }
0x36: {  	p1 =	seq.s32 s10, $0x1;
	s10 =	sld [smem:$0x3FB5];
	_ =	sdelay $0x3  }
0x37: {  	[smem:$0x3FB5] =	sst s10  }
0x38: {  	s10 =	sld [smem:$0x3FB6]  }
0x39: {  	_ = 	snop;
	(pc) =	sbr.ind lr, $3  }
0x3a: {  	_ = 	snop  }
0x3b: {  	_ = 	snop  }
0x3c: {  	p2 =	seq.s32 s10, $0x1;
	s10 =	sld [smem:$0x3FB5]  }
0x3d: {  	_ =	shalt  }
0x3e: {  	_ =	shalt  }
0x3f: {  	_ =	shalt  }
0x40: {  	_ =	shalt  }
0x41: {  	_ =	shalt  }
0x42: {  	_ =	shalt  }
0x43: {  	_ =	shalt  }
0x44: {  	_ =	shalt  }
0x45: {  	_ =	shalt  }
0x46: {  	_ =	shalt  }
0x47: {  	_ =	shalt  }
0x48: {  	_ =	shalt  }
0x49: {  	_ =	shalt  }
0x4a: {  	_ =	shalt  }
0x4b: {  	_ =	shalt  }
0x4c: {  	_ =	shalt  }
0x4d: {  	_ =	shalt  }
0x4e: {  	_ =	shalt  }
0x4f: {  	_ =	shalt  }
0x50: {  	_ =	shalt  }
0x51: {  	_ =	shalt  }
0x52: {  	_ =	shalt  }
0x53: {  	_ =	shalt  }
0x54: {  	_ =	shalt  }
0x55: {  	_ =	shalt  }
0x56: {  	_ =	shalt  }
0x57: {  	_ =	shalt  }
0x58: {  	_ =	shalt  }
0x59: {  	_ =	shalt  }
0x5a: {  	_ =	shalt  }
0x5b: {  	_ =	shalt  }
0x5c: {  	_ =	shalt  }
0x5d: {  	_ =	shalt  }
0x5e: {  	_ =	shalt  }
0x5f: {  	_ =	shalt  }
0x60: {  	_ =	shalt  }
0x61: {  	_ =	shalt  }
0x62: {  	_ =	shalt  }
0x63: {  	_ =	shalt  }
0x64: {  	_ =	shalt  }
0x65: {  	_ =	shalt  }
0x66: {  	_ =	shalt  }
0x67: {  	_ =	shalt  }
0x68: {  	_ =	shalt  }
0x69: {  	_ =	shalt  }
0x6a: {  	_ =	shalt  }
0x6b: {  	_ =	shalt  }
0x6c: {  	_ =	shalt  }
0x6d: {  	_ =	shalt  }
0x6e: {  	_ =	shalt  }
0x6f: {  	_ =	shalt  }
0x70: {  	_ =	shalt  }
0x71: {  	_ =	shalt  }
0x72: {  	_ =	shalt  }
0x73: {  	_ =	shalt  }
0x74: {  	_ =	shalt  }
0x75: {  	_ =	shalt  }
0x76: {  	_ =	shalt  }
0x77: {  	_ =	shalt  }
0x78: {  	_ =	shalt  }
0x79: {  	_ =	shalt  }
0x7a: {  	_ =	shalt  }
0x7b: {  	_ =	shalt  }
0x7c: {  	_ =	shalt  }
0x7d: {  	_ =	shalt  }
0x7e: {  	_ =	shalt  }
0x7f: {  	_ =	shalt  }
0x80: {  	_ =	shalt  }
0x81: {  	_ =	shalt  }
0x82: {  	_ =	shalt  }
0x83: {  	_ =	shalt  }
0x84: {  	_ =	shalt  }
0x85: {  	_ =	shalt  }
0x86: {  	_ =	shalt  }
0x87: {  	_ =	shalt  }
.Lfunc_end0:
.L_simem_size_0:
called_computation_lowered:
.L_overlay_start_0:
0x88: {  	s2 =	sld [smem:$0x3FD9]  }
0x89: {  	s3 =	sld [smem:$0x3FFE];
	_ =	sdelay $0x1  }
0x8a: {  	s1 =	srdreg.scid  }
0x8b: {  	s0 =	sand.u32 $0x1, s1  }
0x8c: {  	s17 =	sshll.u32 s0, $0xA;
	s2 =	sadd.s32 s3, s2  }
0x8d: {  	s2 =	sadd.s32 s2, s17  }
0x8e: {  	[smem:$0x3FC1] =	sst s2  }
0x8f: {  	_ = 	snop  }
0x90: {  	s2 =	sld [smem:$0x3FC9]  }
0x91: {  	s18 =	sld [smem:$0x3FD0];
	(tm) =	ssettm $0x1  }
0x92: {  	s4 =	sld [smem:$0x3FFB];
	_ =	sdelay $0x3  }
0x93: {  	_ =	strace s4  }
0x94: {  	s4 =	sld [smem:$0x3FFC];
	_ =	sdelay $0x3  }
0x95: {  	_ =	strace s4  }
0x96: {  	s4 =	sld [smem:$0x3FFD];
	_ =	sdelay $0x3  }
0x97: {  	_ =	strace s4  }
0x98: {  	_ =	strace $0x8FFFFFFF  }
0x99: {  	s19 =	sld [smem:$0x3FDB];
	_ =	sdelay $0x1  }
0x9a: {  	s5 =	simm.s32 $_scs_section_size  }
0x9b: {  	s6 =	simm.s32 $_size__tile_overlayer_lowered;
	s7 =	simm.s32 $_tile_overlayer_lowered  }
0x9c: {  	s22 =	simm.s32 $0x1BFF;
	s21 =	sshll.u32 s7, $0x1;
	s4 =	sadd.s32 s5, s19  }
0x9d: {  	s8 =	simm.s32 $0x0;
	s20 =	sshll.u32 s6, $0x1;
	s6 =	sadd.s32 s21, s4  }
0x9e: {  	[timem:s8], [sflag:s22] =	dma.local [hbm:s6], s20  }
0x9f: {  	_ =	swait.ge [sflag:s22], s20  }
0xa0: {  	s5 =	ssub.s32 $0x0, s20;
	[sflag:s22] =	ssyncset.done $0x0  }
0xa1: {  	[sflag:s22] =	ssyncadd.s32 s5;
	_ =	sdelay $0x1  }
0xa2: {  	s23 =	simm.s32 $0x1B8B  }
0xa3: {  	_ =	swait.ge [sflag:s23], $0x1  }
0xa4: {  	[sflag:s23] =	ssyncset.done $0x0  }
0xa5: {  	s25 =	simm.s32 $0x1B8E;
	s24 =	sld [smem:$0x3FFE];
	[sflag:s23] =	ssyncadd.s32 $0xFFFFFFFF  }
0xa6: {  	s26 =	simm.s32 $execute0_lowered;
	[smem:$0x3FD2] =	sst s25  }
0xa7: {  	s6 =	sshll.u32 s26, $0x1;
	_ =	strace $0x80000046;
	[dreg:$0x1] =	wrdreg $0xFFFFFFFF  }
0xa8: {  	s28 =	simm.s32 $_size_execute0_lowered;
	s4 =	sadd.s32 s4, s6;
	[dreg:$0x0] =	wrdreg $0x0  }
0xa9: {  	s6 =	sshll.u32 s28, $0x1;
	[dreg:$0x2] =	wrdreg s4  }
0xaa: {  	[dreg:$0x3] =	wrdreg s6  }
0xab: {  	[dreg:$0x4] =	wrdreg $0xC0  }
0xac: {  	_ =	task [dreg:s8], $0x5FFFF  }
0xad: {  	[dreg:$0x1] =	wrdreg $0xFFFFFFFF  }
0xae: {  	[dreg:$0x0] =	wrdreg $0x60  }
0xaf: {  	[dreg:$0x2] =	wrdreg s2  }
0xb0: {  	[dreg:$0x3] =	wrdreg s24  }
0xb1: {  	[dreg:$0x4] =	wrdreg s18  }
0xb2: {  	[dreg:$0x5] =	wrdreg $0x9  }
0xb3: {  	_ =	task.clear_ibuf [dreg:s8], $0x6FFFF;
	_ =	strace $0x90000046  }
0xb4: {  	s29 =	simm.s32 $0x9;
	_ =	strace $0x80000048  }
0xb5: {  	_ =	swait.ge [sflag:s29], $0x1  }
0xb6: {  	[sflag:s29] =	ssyncadd.s32 $0xFFFFFFFF  }
0xb7: {  	_ =	strace $0x90000048  }
0xb8: {  	_ =	sfence  }
0xb9: {  	s30 =	sld [smem:$0x0];
	_ =	sdelay $0x2  }
0xba: {  	s31 =	sshll.u32 s1, $0xD;
	s1 =	sshrl.u32 s1, $0x2  }
0xbb: {  	s3 =	sand.u32 $0x4000, s31;
	s1 =	sadd.s32 s1, s30  }
0xbc: {  	s0 =	sor.u32 s3, s0;
	s1 =	sshll.u32 s1, $0x11  }
0xbd: {  	s0 =	sor.u32 s1, s0  }
0xbe: {  	s0 =	sadd.s32 $0x8F2B, s0  }
0xbf: {  	[sflag:s0] =	ssyncadd.remote.s32 $0x1  }
0xc0: {  	_ =	sfence.sel $0xFFFF  }
0xc1: {  	[dreg:$0x0] =	wrdreg $0xFFFFFFFF;
	(pc) =	sbr.abs _section_cstart, $3  }
0xc2: {  	[dreg:$0x1] =	wrdreg $0xFFFFFFFF  }
0xc3: {  	_ =	task.clear_ibuf [dreg:s8], $0x2FFFF;
	_ =	strace $0x9FFFFFFF  }
0xc4: {  	(tm) =	ssettm $0x7FFFFFFF  }
0xc5: {  	_ =	shalt  }
tec
execute0_lowered:
.L_overlay_start_1:
0x0: {  	(tag) =	ssettag $0x1  }
0x1: {  	s1 =	rddreg [dreg:$0x0]  }
0x2: {  	s0 =	rddreg [dreg:$0x1]  }
0x3: {  	s3 =	rddreg [dreg:$0x2];
	s2 =	simm.s32 $0x0  }
0x4: {  	s16 =	srdreg.scid;
	s13 =	stileid.u32;
	s28 =	simm.s32 $0x8000  }
0x5: {  	s29 =	simm.s32 $0xC100;
	s30 =	simm.s32 $0xA080;
	s31 =	simm.s32 $0xE180  }
0x6: {  	[smem:$0x7FF] =	sst s2;
	s4 =	sadd.s32 $0x1C00, s0;
	s15 =	sadd.s32 $0x2000, s0  }
0x7: {  	s5 =	sadd.s32 $0x2400, s0;
	s17 =	sshll.u32 s13, $0x1;
	s6 =	sadd.s32 $0x2800, s0  }
0x8: {  	s8 =	sadd.s32 $0x302C00, s0;
	_ =	strace $0x80000047;
	[dreg:$0x4] =	wrdreg s4  }
0x9: {  	s9 =	sadd.s32 $0x303200, s0;
	s12 =	sadd.s32 $0x100, s1;
	[dreg:$0x5] =	wrdreg s15  }
0xa: {  	s22 =	sshll.u32 s13, $0xB;
	s13 =	sadd.s32 $0x200, s1;
	[dreg:$0x6] =	wrdreg s5  }
0xb: {  	s4 =	sand.u32 $0x1, s16;
	[dreg:$0x7] =	wrdreg s6;
	s6 =	sadd.s32 $0x2C00, s0  }
0xc: {  	s5 =	sor.u32 s4, s17;
	s7 =	ssub.s32 $0x2, s4;
	s4 =	sshll.u32 s4, $0xA  }
0xd: {  	s10 =	sshll.u32 s5, $0x1;
	s18 =	sshrl.u32 s7, $0x1;
	s20 =	sshll.u32 s5, $0x7  }
0xe: {  	s21 =	sshllo.u32 s5, $0x1;
	s5 =	sshll.u32 s5, $0xA;
	s4 =	sor.u32 s4, s22  }
0xf: {  	s11 =	sadd.s32 s10, s3;
	s0 =	ssub.s32 s7, s18;
	s7 =	sadd.s32 s3, s20  }
0x10: {  	s14 =	sor.u32 $0x100, s5;
	s15 =	sshrl.u32 s4, $0x3;
	s16 =	sor.u32 $0x100, s4  }
0x11: {  	s17 =	sor.u32 $0x200, s4;
	s4 =	sor.u32 $0x300, s4;
	s26 =	sshll.u32 s21, $0x9  }
0x12: {  	s18 =	sshll.u32 s21, $0x6;
	v2 =	vmov s5;
	s5 =	simm.s32 $0x0;
	s19 =	sadd.s32 $0x1000, s11  }
0x13: {  	[dreg:$0x9] =	wrdreg s7;
	s23 =	sshrl.u32 s14, $0x3;
	s15 =	smul.u32 $0x300, s15  }
0x14: {  	s16 =	sshrl.u32 s16, $0x3;
	s25 =	sshrl.u32 s17, $0x3;
	s4 =	sshrl.u32 s4, $0x3  }
0x15: {  	v1 =	vmov s21;
	s20 =	sor.u32 $0x100, s26;
	s21 =	sadd.s32 s3, s18;
	[dreg:$0x8] =	wrdreg s19  }
0x16: {  	s0 =	smax.u32 s0, $0x1;
	s7 =	sadd.s32 s3, s23;
	[dreg:$0xb] =	wrdreg s21  }
0x17: {  	v6 =	vimm.f32 $0.0e+00;
	v7 =	vlaneseq.u32;
	v8 =	vimm.s32 $0x1;
	s24 =	smul.u32 $0x300, s16;
	s22 =	sshrl.u32 s20, $0x3;
	[dreg:$0xd] =	wrdreg s0  }
0x18: {  	v10 =	vimm.s32 $0x0;
	v9 =	vor.u32 $0x2000, v7;
	v11 =	vor.u32 $0x10, v7;
	s19 =	smul.u32 $0x300, s25;
	[dreg:$0xa] =	wrdreg s7;
	s3 =	sadd.s32 s3, s22  }
0x19: {  	v12 =	vor.u32 $0x20, v7;
	v13 =	vor.u32 $0x30, v7;
	v14 =	vor.u32 $0x40, v7;
	s4 =	smul.u32 $0x300, s4;
	s23 =	sadd.s32 s15, s6;
	[dreg:$0xc] =	wrdreg s3  }
0x1a: {  	v15 =	vor.u32 $0x50, v7;
	v16 =	vor.u32 $0x60, v7;
	v17 =	vor.u32 $0x70, v7;
	s0 =	simm.s32 $0x10200;
	[dreg:$0xe] =	wrdreg s23;
	s24 =	sadd.s32 s24, s6  }
0x1b: {  	v18 =	vor.u32 $0x80, v7;
	v19 =	vor.u32 $0x90, v7;
	v20 =	vor.u32 $0xA0, v7;
	s22 =	simm.s32 $0x3;
	s25 =	sadd.s32 s19, s6;
	[dreg:$0xf] =	wrdreg s24  }
0x1c: {  	v21 =	vor.u32 $0xB0, v7;
	v22 =	vor.u32 $0xC0, v7;
	v4 =	vmov s26;
	s26 =	sadd.s32 s4, s6;
	s3 =	simm.s32 $0x80;
	[dreg:$0x10] =	wrdreg s25  }
0x1d: {  	v23 =	vor.u32 $0xD0, v7;
	v24 =	vor.u32 $0xE0, v7;
	v25 =	vor.u32 $0xF0, v7;
	s23 =	simm.s32 $0x10300;
	s4 =	simm.s32 $0x1;
	[dreg:$0x11] =	wrdreg s26  }
0x1e: {  	v0 =	vmov s10;
	v3 =	vmov s14;
	v5 =	vmov s20;
	s24 =	simm.s32 $0x4000;
	s25 =	simm.s32 $0x6000;
	s26 =	simm.s32 $0x10380  }
.LBB2_1:
0x1f: {  	s6 =	rddreg [dreg:$0x4]  }
0x20: {  	[tilespmem:s2], [sflag:$0x3] =	stream.linear.gather [hbm4b:s6+s2], $0x2000, $0x38;
	[tilespmem:$0x16580] =	vst v63  }
0x21: {  	_ =	swait.ge [sflag:s22], $0x2000  }
0x22: {  	[sflag:s22] =	ssyncset.done $0x0  }
0x23: {  	s7 =	simm.s32 $0x2000;
	s17 =	rddreg [dreg:$0x5];
	[sflag:s22] =	ssyncadd.s32 $0xFFFFE000  }
0x24: {  	[tilespmem:s7], [sflag:$0x3] =	stream.linear.gather [hbm4b:s17+s2], $0x2000, $0x38;
	[tilespmem:$0x16580] =	vst v63  }
0x25: {  	_ =	swait.ge [sflag:s22], $0x2000  }
0x26: {  	[sflag:s22] =	ssyncset.done $0x0  }
0x27: {  	s18 =	rddreg [dreg:$0x6];
	[sflag:s22] =	ssyncadd.s32 $0xFFFFE000  }
0x28: {  	[tilespmem:s24], [sflag:$0x3] =	stream.linear.gather [hbm4b:s18+s2], $0x2000, $0x38;
	[tilespmem:$0x16580] =	vst v63  }
0x29: {  	_ =	swait.ge [sflag:s22], $0x2000  }
0x2a: {  	[sflag:s22] =	ssyncset.done $0x0  }
0x2b: {  	s19 =	rddreg [dreg:$0x7];
	[sflag:s22] =	ssyncadd.s32 $0xFFFFE000  }
0x2c: {  	[tilespmem:s25], [sflag:$0x3] =	stream.linear.gather [hbm4b:s19+s2], $0x2000, $0x38;
	[tilespmem:$0x16580] =	vst v63  }
0x2d: {  	_ =	swait.ge [sflag:s22], $0x2000  }
0x2e: {  	[sflag:s22] =	ssyncset.done $0x0  }
0x2f: {  	[sflag:s22] =	ssyncadd.s32 $0xFFFFE000  }
0x30: {  	s21 =	simm.s32 $0x16480;
	s20 =	rddreg [dreg:$0x8];
	[tilespmem:$0x16480] =	vst v6  }
0x31: {  	[hbm4b:s20+s2] =	stream.linear.scatter [tilespmem:s21], [sflag:$0x3], $0x10, $0x38;
	[tilespmem:$0x16580] =	vst v63  }
0x32: {  	_ =	swait.ge [sflag:s22], $0x10  }
0x33: {  	[sflag:s22] =	ssyncset.done $0x0  }
0x34: {  	[sflag:s22] =	ssyncadd.s32 $0xFFFFFFF0  }
0x35: {  	v26 =	vld [tilespmem:s2+$0x0];
	_ =	sdelay $0x4  }
0x36: {  	vm0 =	veq.s32 v26, v0  }
0x37: {  	(xrf0) =	vadd.scan.msk.s32 vm0, v8;
	_ =	sdelay $0x2  }
0x38: {  	vm1 =	veq.s32 v26, v1;
	v26 =	vmov s2  }
0x39: {  	v26 =	vadd.s32 $0xFFFFFFFF, v26  }
0x3a: {  	(xrf0) =	vadd.scan.msk.s32 vm1, v8;
	v26 =	vbroadcast v26, $0x0  }
0x3b: {  	v27, _, _ =	vpop (xrf0)  }
0x3c: {  	v27 =	vadd.s32 v27, v26  }
0x3d: {  	v27 =	vsel vm0, v27, v9;
	_ =	sdelay $0x2  }
0x3e: {  	v28, _, _ =	vpop (xrf0)  }
0x3f: {  	v29 =	vsel vm0, $0x1, v10;
	v26 =	vadd.s32 v28, v26;
	v28 =	vor.u32 s2, v7  }
0x40: {  	(xrf0) =	vadd.scan.msk.s32 $0xffff, v29;
	[tilespmem:v27+s28+$0x0] =	vst.idx.msk $0xffff, v28;
	v27 =	vsel vm1, $0x1, v10  }
0x41: {  	(xrf0) =	vadd.scan.msk.s32 $0xffff, v27;
	_ =	sdelay $0x4  }
0x42: {  	v27, _, _ =	vpop (xrf0)  }
0x43: {  	v26 =	vsel vm1, v26, v9;
	(v2sf) =	vpush v27, $0xF;
	v27, _, _ =	vpop (xrf0)  }
0x44: {  	(v2sf) =	vpush v27, $0xF;
	_ =	sdelay $0x3  }
0x45: {  	s6 =	simm.s32 $0x10;
	[tilespmem:v26+s29+$0x0] =	vst.idx.msk $0xffff, v28  }
0x46: {  	v26 =	vld [tilespmem:s6+$0x0];
	_ =	sdelay $0x4  }
0x47: {  	vm1 =	veq.s32 v26, v0  }
0x48: {  	s11 =	simm.s32 $0x0;
	vm0 =	veq.s32 v26, v1;
	(xrf0) =	vadd.scan.msk.s32 vm1, v8  }
0x49: {  	s10 =	simm.s32 $0x0;
	s14 =	simm.s32 $0x10;
	s7 =	simm.s32 $0x20;
	v27 =	vsel vm1, $0x1, v10;
	v26 =	vsel vm0, $0x1, v10;
	(xrf0) =	vadd.scan.msk.s32 vm0, v8  }
.LBB2_2:
0x4a: {  	p0 =	sne.s32 s7, $0x1FF0  }
0x4b: {  	(xrf0) =	vadd.scan.msk.s32 $0xffff, v27;
	s15 =	spop (v2sf);
	s16 =	smov.u32 s7;
	s7 =	sadd.s32 $0x10, s7  }
0x4c: {  	(xrf0) =	vadd.scan.msk.s32 $0xffff, v26;
	s11 =	sadd.s32 s11, s15;
	s15 =	spop (v2sf)  }
0x4d: {  	v26 =	vmov s11;
	s10 =	sadd.s32 s10, s15  }
0x4e: {  	v26 =	vadd.s32 $0xFFFFFFFF, v26;
	v27 =	vmov s10  }
0x4f: {  	v26 =	vbroadcast v26, $0x0;
	v27 =	vadd.s32 $0xFFFFFFFF, v27;
	v28, _, _ =	vpop (xrf0)  }
0x50: {  	v27 =	vbroadcast v27, $0x0;
	v29, _, _ =	vpop (xrf0)  }
0x51: {  	v26 =	vadd.s32 v28, v26;
	v28, _, _ =	vpop (xrf0)  }
0x52: {  	v26 =	vsel vm1, v26, v9;
	v27 =	vadd.s32 v29, v27;
	(v2sf) =	vpush v28, $0xF;
	v28, _, _ =	vpop (xrf0)  }
0x53: {  	v27 =	vsel vm0, v27, v9;
	(v2sf) =	vpush v28, $0xF;
	_ =	sdelay $0x2  }
0x54: {  	v28 =	vor.u32 s6, v7;
	s6 =	smov.u32 s16  }
0x55: {  	[tilespmem:v26+s28+$0x0] =	vst.idx.msk $0xffff, v28  }
0x56: {  	s14 =	sadd.s32 $0x10, s14;
	[tilespmem:v27+s29+$0x0] =	vst.idx.msk $0xffff, v28  }
0x57: {  	v26 =	vld [tilespmem:s14+$0x0];
	_ =	sdelay $0x2  }
.Ltmp0:
0x58: {  	(pc) =	sbr.rel @p0 .LBB2_2-.Ltmp0, $4  }
0x59: {  	_ = 	snop  }
0x5a: {  	vm1 =	veq.s32 v26, v0;
	vm0 =	veq.s32 v26, v1  }
0x5b: {  	v27 =	vsel vm1, $0x1, v10;
	v26 =	vsel vm0, $0x1, v10;
	(xrf0) =	vadd.scan.msk.s32 vm1, v8  }
0x5c: {  	(xrf0) =	vadd.scan.msk.s32 vm0, v8  }
0x5d: {  	s7 =	spop (v2sf)  }
0x5e: {  	s7 =	sadd.s32 s11, s7;
	s19 =	spop (v2sf)  }
0x5f: {  	v28 =	vmov s7;
	s10 =	sadd.s32 s10, s19  }
0x60: {  	v28 =	vadd.s32 $0xFFFFFFFF, v28;
	v29 =	vmov s10  }
0x61: {  	v28 =	vbroadcast v28, $0x0;
	v29 =	vadd.s32 $0xFFFFFFFF, v29  }
0x62: {  	v30, _, _ =	vpop (xrf0);
	v29 =	vbroadcast v29, $0x0  }
0x63: {  	v28 =	vadd.s32 v30, v28;
	v30, _, _ =	vpop (xrf0)  }
0x64: {  	v28 =	vsel vm1, v28, v9;
	v29 =	vadd.s32 v30, v29  }
0x65: {  	v29 =	vsel vm0, v29, v9;
	_ =	sdelay $0x2  }
0x66: {  	v30 =	vor.u32 s6, v7  }
0x67: {  	[tilespmem:v28+s28+$0x0] =	vst.idx.msk $0xffff, v30  }
0x68: {  	s20 =	simm.s32 $0x2000;
	[tilespmem:v29+s29+$0x0] =	vst.idx.msk $0xffff, v30  }
0x69: {  	v28 =	vld [tilespmem:s20+$0x0];
	_ =	sdelay $0x2  }
0x6a: {  	(xrf0) =	vadd.scan.msk.s32 $0xffff, v27  }
0x6b: {  	(xrf0) =	vadd.scan.msk.s32 $0xffff, v26  }
0x6c: {  	vm0 =	veq.s32 v28, v0  }
0x6d: {  	(xrf0) =	vadd.scan.msk.s32 vm0, v8  }
0x6e: {  	s6 =	simm.s32 $0x0  }
0x6f: {  	v27 =	vmov s6  }
0x70: {  	v27 =	vadd.s32 $0xFFFFFFFF, v27;
	v26, _, _ =	vpop (xrf0)  }
0x71: {  	(v2sf) =	vpush v26, $0xF;
	v26, _, _ =	vpop (xrf0);
	vm1 =	veq.s32 v28, v1  }
0x72: {  	(v2sf) =	vpush v26, $0xF;
	v26 =	vbroadcast v27, $0x0;
	(xrf0) =	vadd.scan.msk.s32 vm1, v8  }
0x73: {  	v27, _, _ =	vpop (xrf0)  }
0x74: {  	v27 =	vadd.s32 v27, v26  }
0x75: {  	v27 =	vsel vm0, v27, v9;
	_ =	sdelay $0x2  }
0x76: {  	v28, _, _ =	vpop (xrf0)  }
0x77: {  	v29 =	vsel vm0, $0x1, v10;
	v26 =	vadd.s32 v28, v26;
	v28 =	vor.u32 s6, v7  }
0x78: {  	(xrf0) =	vadd.scan.msk.s32 $0xffff, v29;
	[tilespmem:v27+s30+$0x0] =	vst.idx.msk $0xffff, v28;
	v27 =	vsel vm1, $0x1, v10  }
0x79: {  	(xrf0) =	vadd.scan.msk.s32 $0xffff, v27;
	_ =	sdelay $0x4  }
0x7a: {  	v27, _, _ =	vpop (xrf0)  }
0x7b: {  	s21 =	spop (v2sf);
	v26 =	vsel vm1, v26, v9;
	(v2sf) =	vpush v27, $0xF;
	v27, _, _ =	vpop (xrf0)  }
0x7c: {  	s15 =	spop (v2sf);
	(v2sf) =	vpush v27, $0xF;
	_ =	sdelay $0x3  }
0x7d: {  	s14 =	simm.s32 $0x2010;
	[tilespmem:v26+s31+$0x0] =	vst.idx.msk $0xffff, v28  }
0x7e: {  	v26 =	vld [tilespmem:s14+$0x0];
	_ =	sdelay $0x4  }
0x7f: {  	vm1 =	veq.s32 v26, v0  }
0x80: {  	s16 =	simm.s32 $0x20;
	s11 =	sadd.s32 s7, s21;
	vm0 =	veq.s32 v26, v1;
	(xrf0) =	vadd.scan.msk.s32 vm1, v8  }
0x81: {  	s7 =	sadd.s32 s10, s15;
	s10 =	simm.s32 $0x10;
	s15 =	simm.s32 $0x0;
	v28 =	vsel vm1, $0x1, v10;
	v27 =	vsel vm0, $0x1, v10;
	(xrf0) =	vadd.scan.msk.s32 vm0, v8  }
.LBB2_4:
0x82: {  	p0 =	sne.s32 s16, $0x1FF0  }
0x83: {  	(xrf0) =	vadd.scan.msk.s32 $0xffff, v28;
	s17 =	spop (v2sf);
	s18 =	smov.u32 s16;
	s16 =	sadd.s32 $0x10, s16  }
0x84: {  	(xrf0) =	vadd.scan.msk.s32 $0xffff, v27;
	s6 =	sadd.s32 s6, s17;
	s17 =	spop (v2sf)  }
0x85: {  	v26 =	vmov s6;
	s15 =	sadd.s32 s15, s17  }
0x86: {  	v26 =	vadd.s32 $0xFFFFFFFF, v26;
	v27 =	vmov s15  }
0x87: {  	v26 =	vbroadcast v26, $0x0;
	v27 =	vadd.s32 $0xFFFFFFFF, v27;
	v28, _, _ =	vpop (xrf0)  }
0x88: {  	v27 =	vbroadcast v27, $0x0;
	v29, _, _ =	vpop (xrf0)  }
0x89: {  	v26 =	vadd.s32 v28, v26;
	v28, _, _ =	vpop (xrf0)  }
0x8a: {  	v26 =	vsel vm1, v26, v9;
	v27 =	vadd.s32 v29, v27;
	(v2sf) =	vpush v28, $0xF;
	v28, _, _ =	vpop (xrf0)  }
0x8b: {  	v27 =	vsel vm0, v27, v9;
	(v2sf) =	vpush v28, $0xF;
	_ =	sdelay $0x2  }
0x8c: {  	v28 =	vor.u32 s10, v7;
	s10 =	smov.u32 s18  }
0x8d: {  	[tilespmem:v26+s30+$0x0] =	vst.idx.msk $0xffff, v28  }
0x8e: {  	s14 =	sadd.s32 $0x10, s14;
	[tilespmem:v27+s31+$0x0] =	vst.idx.msk $0xffff, v28  }
0x8f: {  	v26 =	vld [tilespmem:s14+$0x0];
	_ =	sdelay $0x2  }
.Ltmp1:
0x90: {  	(pc) =	sbr.rel @p0 .LBB2_4-.Ltmp1, $4  }
0x91: {  	_ = 	snop  }
0x92: {  	vm1 =	veq.s32 v26, v0;
	vm0 =	veq.s32 v26, v1  }
0x93: {  	v28 =	vsel vm1, $0x1, v10;
	v27 =	vsel vm0, $0x1, v10;
	(xrf0) =	vadd.scan.msk.s32 vm1, v8  }
0x94: {  	(xrf0) =	vadd.scan.msk.s32 vm0, v8  }
0x95: {  	s14 =	spop (v2sf)  }
0x96: {  	s6 =	sadd.s32 s6, s14;
	s19 =	spop (v2sf)  }
0x97: {  	v26 =	vmov s6;
	s15 =	sadd.s32 s15, s19  }
0x98: {  	v26 =	vadd.s32 $0xFFFFFFFF, v26;
	v29 =	vmov s15  }
0x99: {  	v26 =	vbroadcast v26, $0x0;
	v29 =	vadd.s32 $0xFFFFFFFF, v29  }
0x9a: {  	v30, _, _ =	vpop (xrf0);
	v29 =	vbroadcast v29, $0x0  }
0x9b: {  	v31, _, _ =	vpop (xrf0);
	v26 =	vadd.s32 v30, v26  }
0x9c: {  	v26 =	vsel vm1, v26, v9;
	v29 =	vadd.s32 v31, v29  }
0x9d: {  	v29 =	vsel vm0, v29, v9;
	_ =	sdelay $0x2  }
0x9e: {  	v38 =	vor.u32 s10, v7  }
0x9f: {  	[tilespmem:v26+s30+$0x0] =	vst.idx.msk $0xffff, v38  }
0xa0: {  	[tilespmem:v29+s31+$0x0] =	vst.idx.msk $0xffff, v38  }
0xa1: {  	v29 =	vld [tilespmem:$0x8000];
	_ =	sdelay $0x2  }
0xa2: {  	v26 =	vmov s11  }
0xa3: {  	vm12 =	vgt.s32 v26, v7  }
0xa4: {  	v29 =	vnsel vm12, $0x0, v29;
	_ =	sdelay $0x1  }
0xa5: {  	v30 =	vld [tilespmem:$0x8010];
	_ =	sdelay $0x2  }
0xa6: {  	v29 =	vld.idx.msk [tilespmem:v29+s24+$0x0], $0xffff  }
0xa7: {  	vm13 =	vgt.s32 v26, v11  }
0xa8: {  	v30 =	vnsel vm13, $0x0, v30;
	_ =	sdelay $0x1  }
0xa9: {  	v39 =	vld [tilespmem:$0x8020]  }
0xaa: {  	v29 =	vnsel vm12, $0x0, v29  }
0xab: {  	[tilespmem:$0x10200] =	vst v29  }
0xac: {  	v29 =	vld.idx.msk [tilespmem:v30+s24+$0x0], $0xffff  }
0xad: {  	vm14 =	vgt.s32 v26, v12  }
0xae: {  	v40 =	vnsel vm14, $0x0, v39;
	_ =	sdelay $0x1  }
0xaf: {  	v41 =	vld [tilespmem:$0x8030]  }
0xb0: {  	v29 =	vnsel vm13, $0x0, v29  }
0xb1: {  	[tilespmem:$0x10210] =	vst v29  }
0xb2: {  	v29 =	vld.idx.msk [tilespmem:v40+s24+$0x0], $0xffff  }
0xb3: {  	vm15 =	vgt.s32 v26, v13  }
0xb4: {  	v42 =	vnsel vm15, $0x0, v41;
	_ =	sdelay $0x1  }
0xb5: {  	v43 =	vld [tilespmem:$0x8040]  }
0xb6: {  	v29 =	vnsel vm14, $0x0, v29  }
0xb7: {  	[tilespmem:$0x10220] =	vst v29  }
0xb8: {  	v29 =	vld.idx.msk [tilespmem:v42+s24+$0x0], $0xffff  }
0xb9: {  	vm4 =	vgt.s32 v26, v14  }
0xba: {  	v44 =	vnsel vm4, $0x0, v43;
	_ =	sdelay $0x1  }
0xbb: {  	v45 =	vld [tilespmem:$0x8050]  }
0xbc: {  	v29 =	vnsel vm15, $0x0, v29  }
0xbd: {  	[tilespmem:$0x10230] =	vst v29  }
0xbe: {  	v29 =	vld.idx.msk [tilespmem:v44+s24+$0x0], $0xffff  }
0xbf: {  	vm5 =	vgt.s32 v26, v15  }
0xc0: {  	v46 =	vnsel vm5, $0x0, v45;
	_ =	sdelay $0x1  }
0xc1: {  	v47 =	vld [tilespmem:$0x8060]  }
0xc2: {  	v29 =	vnsel vm4, $0x0, v29  }
0xc3: {  	[tilespmem:$0x10240] =	vst v29  }
0xc4: {  	v29 =	vld.idx.msk [tilespmem:v46+s24+$0x0], $0xffff  }
0xc5: {  	vm6 =	vgt.s32 v26, v16  }
0xc6: {  	v48 =	vnsel vm6, $0x0, v47;
	_ =	sdelay $0x1  }
0xc7: {  	v49 =	vld [tilespmem:$0x8070]  }
0xc8: {  	v29 =	vnsel vm5, $0x0, v29  }
0xc9: {  	[tilespmem:$0x10250] =	vst v29  }
0xca: {  	v29 =	vld.idx.msk [tilespmem:v48+s24+$0x0], $0xffff  }
0xcb: {  	vm7 =	vgt.s32 v26, v17  }
0xcc: {  	v50 =	vnsel vm7, $0x0, v49;
	_ =	sdelay $0x1  }
0xcd: {  	v51 =	vld [tilespmem:$0x8080]  }
0xce: {  	v29 =	vnsel vm6, $0x0, v29  }
0xcf: {  	[tilespmem:$0x10260] =	vst v29  }
0xd0: {  	v29 =	vld.idx.msk [tilespmem:v50+s24+$0x0], $0xffff  }
0xd1: {  	vm8 =	vgt.s32 v26, v18  }
0xd2: {  	v52 =	vnsel vm8, $0x0, v51;
	_ =	sdelay $0x1  }
0xd3: {  	v53 =	vld [tilespmem:$0x8090]  }
0xd4: {  	v29 =	vnsel vm7, $0x0, v29  }
0xd5: {  	[tilespmem:$0x10270] =	vst v29  }
0xd6: {  	v29 =	vld.idx.msk [tilespmem:v52+s24+$0x0], $0xffff  }
0xd7: {  	vm9 =	vgt.s32 v26, v19  }
0xd8: {  	v54 =	vnsel vm9, $0x0, v53;
	_ =	sdelay $0x1  }
0xd9: {  	v55 =	vld [tilespmem:$0x80A0]  }
0xda: {  	v29 =	vnsel vm8, $0x0, v29  }
0xdb: {  	[tilespmem:$0x10280] =	vst v29  }
0xdc: {  	v29 =	vld.idx.msk [tilespmem:v54+s24+$0x0], $0xffff  }
0xdd: {  	vm10 =	vgt.s32 v26, v20  }
0xde: {  	v56 =	vnsel vm10, $0x0, v55;
	_ =	sdelay $0x1  }
0xdf: {  	v57 =	vld [tilespmem:$0x80B0]  }
0xe0: {  	v29 =	vnsel vm9, $0x0, v29  }
0xe1: {  	[tilespmem:$0x10290] =	vst v29  }
0xe2: {  	v29 =	vld.idx.msk [tilespmem:v56+s24+$0x0], $0xffff  }
0xe3: {  	vm11 =	vgt.s32 v26, v21  }
0xe4: {  	v58 =	vnsel vm11, $0x0, v57;
	_ =	sdelay $0x1  }
0xe5: {  	v59 =	vld [tilespmem:$0x80C0]  }
0xe6: {  	v29 =	vnsel vm10, $0x0, v29  }
0xe7: {  	[tilespmem:$0x102A0] =	vst v29  }
0xe8: {  	v29 =	vld.idx.msk [tilespmem:v58+s24+$0x0], $0xffff  }
0xe9: {  	vm12 =	vgt.s32 v26, v22  }
0xea: {  	v60 =	vnsel vm12, $0x0, v59;
	_ =	sdelay $0x1  }
0xeb: {  	v61 =	vld [tilespmem:$0x80D0]  }
0xec: {  	v29 =	vnsel vm11, $0x0, v29  }
0xed: {  	[tilespmem:$0x102B0] =	vst v29  }
0xee: {  	v29 =	vld.idx.msk [tilespmem:v60+s24+$0x0], $0xffff  }
0xef: {  	vm13 =	vgt.s32 v26, v23  }
0xf0: {  	v62 =	vnsel vm13, $0x0, v61;
	_ =	sdelay $0x1  }
0xf1: {  	(xrf0) =	vadd.scan.msk.s32 $0xffff, v28;
	v28 =	vld [tilespmem:$0x80E0]  }
0xf2: {  	(xrf0) =	vadd.scan.msk.s32 $0xffff, v27;
	v27 =	vnsel vm12, $0x0, v29  }
0xf3: {  	[tilespmem:$0x102C0] =	vst v27  }
0xf4: {  	v27 =	vld.idx.msk [tilespmem:v62+s24+$0x0], $0xffff  }
0xf5: {  	vm14 =	vgt.s32 v26, v24  }
0xf6: {  	v28 =	vnsel vm14, $0x0, v28  }
0xf7: {  	v29, _, _ =	vpop (xrf0)  }
0xf8: {  	v63 =	vld [tilespmem:$0x80F0];
	(v2sf) =	vpush v29, $0xF;
	v29, _, _ =	vpop (xrf0)  }
0xf9: {  	(v2sf) =	vpush v29, $0xF;
	v27 =	vnsel vm13, $0x0, v27  }
0xfa: {  	[tilespmem:$0x102D0] =	vst v27  }
0xfb: {  	v27 =	vld.idx.msk [tilespmem:v28+s24+$0x0], $0xffff  }
0xfc: {  	vm15 =	vgt.s32 v26, v25  }
0xfd: {  	v28 =	vnsel vm15, $0x0, v63;
	_ =	sdelay $0x2  }
0xfe: {  	v27 =	vnsel vm14, $0x0, v27  }
0xff: {  	[tilespmem:$0x102E0] =	vst v27  }
0x100: {  	v27 =	vld.idx.msk [tilespmem:v28+s24+$0x0], $0xffff;
	_ =	sdelay $0x4  }
0x101: {  	s17 =	rddreg [dreg:$0x9];
	s20 =	spop (v2sf);
	v27 =	vnsel vm15, $0x0, v27  }
.Ltmp2:
0x102: {  	s14 =	simm.s32 $0x0;
	s16 =	spop (v2sf);
	[tilespmem:$0x102F0] =	vst v27;
	(pc) =	sbr.rel .LBB2_6-.Ltmp2, $4  }
0x103: {  	[hbm4b:s17+s14] =	stream.linear.scatter [tilespmem:s0], [sflag:$0x3], $0x100, $0x38;
	[tilespmem:$0x16580] =	vst v63  }
0x104: {  	_ =	swait.ge [sflag:s22], $0x100  }
0x105: {  	s21 =	smin.u32 s11, $0x100;
	s10 =	sadd.s32 s6, s20;
	[sflag:s22] =	ssyncset.done $0x0  }
0x106: {  	s6 =	sadd.s32 s15, s16;
	s15 =	simm.s32 $0x8040;
	v27 =	vmov s21;
	[sflag:s22] =	ssyncadd.s32 $0xFFFFFF00  }
.LBB2_8:
0x107: {  	s14 =	sadd.s32 $0x80, s14  }
0x108: {  	p0 =	sne.s32 s14, $0x2000  }
.Ltmp3:
0x109: {  	_ = 	snop;
	(pc) =	sbr.rel @!p0 .LBB2_9-.Ltmp3, $2  }
0x10a: {  	_ =	sdelay $0x2  }
0x10b: {  	s15 =	sadd.s32 $0x80, s15  }
.LBB2_6:
0x10c: {  	p0 =	sge.s32 s14, s11  }
.Ltmp4:
0x10d: {  	_ = 	snop;
	(pc) =	sbr.rel @p0 .LBB2_8-.Ltmp4, $1  }
0x10e: {  	_ =	sdelay $0x3  }
0x10f: {  	v28 =	vld [tilespmem:s15+$0xFFFFFFC0];
	_ =	sdelay $0x1  }
0x110: {  	v29 =	vor.u32 s14, v7  }
0x111: {  	v30 =	vand.u32 $0x8F, v29;
	vm0 =	vlt.s32 v29, v26  }
0x112: {  	v49 =	vand.u32 $0x18F, v29;
	vm13 =	vlt.u32 v29, v27;
	v30 =	vor.u32 $0x2000, v30  }
0x113: {  	v29 =	vadd.s32 v2, v29;
	v28 =	vsel vm0, v28, v30;
	v30 =	vor.u32 $0x8000, v49  }
0x114: {  	[tilespmem:$0x10300] =	vst v28;
	v28 =	vsel vm13, v29, v30  }
0x115: {  	[tilespmem:$0x10380] =	vst v28  }
0x116: {  	v28 =	vld [tilespmem:s15+$0xFFFFFFD0]  }
0x117: {  	s16 =	sadd.s32 $0x10, s14  }
0x118: {  	v29 =	vor.u32 s16, v7  }
0x119: {  	v50 =	vand.u32 $0x9F, v29;
	vm14 =	vlt.s32 v29, v26  }
0x11a: {  	v51 =	vand.u32 $0x19F, v29;
	vm15 =	vlt.u32 v29, v27;
	v30 =	vor.u32 $0x2000, v50  }
0x11b: {  	v29 =	vadd.s32 v2, v29;
	v28 =	vsel vm14, v28, v30;
	v30 =	vor.u32 $0x8000, v51  }
0x11c: {  	[tilespmem:$0x10310] =	vst v28;
	v28 =	vsel vm15, v29, v30  }
0x11d: {  	[tilespmem:$0x10390] =	vst v28  }
0x11e: {  	v28 =	vld [tilespmem:s15+$0xFFFFFFE0]  }
0x11f: {  	s21 =	sadd.s32 $0x20, s14  }
0x120: {  	v29 =	vor.u32 s21, v7  }
0x121: {  	v52 =	vand.u32 $0xAF, v29;
	vm4 =	vlt.s32 v29, v26  }
0x122: {  	v53 =	vand.u32 $0x1AF, v29;
	vm5 =	vlt.u32 v29, v27;
	v30 =	vor.u32 $0x2000, v52  }
0x123: {  	v29 =	vadd.s32 v2, v29;
	v28 =	vsel vm4, v28, v30;
	v30 =	vor.u32 $0x8000, v53  }
0x124: {  	[tilespmem:$0x10320] =	vst v28;
	v28 =	vsel vm5, v29, v30  }
0x125: {  	[tilespmem:$0x103A0] =	vst v28  }
0x126: {  	v28 =	vld [tilespmem:s15+$0xFFFFFFF0]  }
0x127: {  	s17 =	sadd.s32 $0x30, s14  }
0x128: {  	v29 =	vor.u32 s17, v7  }
0x129: {  	v54 =	vand.u32 $0xBF, v29;
	vm6 =	vlt.s32 v29, v26  }
0x12a: {  	v55 =	vand.u32 $0x1BF, v29;
	vm7 =	vlt.u32 v29, v27;
	v30 =	vor.u32 $0x2000, v54  }
0x12b: {  	v29 =	vadd.s32 v2, v29;
	v28 =	vsel vm6, v28, v30;
	v30 =	vor.u32 $0x8000, v55  }
0x12c: {  	[tilespmem:$0x10330] =	vst v28;
	v28 =	vsel vm7, v29, v30  }
0x12d: {  	[tilespmem:$0x103B0] =	vst v28  }
0x12e: {  	v28 =	vld [tilespmem:s15+$0x0]  }
0x12f: {  	s18 =	sadd.s32 $0x40, s14  }
0x130: {  	v29 =	vor.u32 s18, v7  }
0x131: {  	v56 =	vand.u32 $0xCF, v29;
	vm8 =	vlt.s32 v29, v26  }
0x132: {  	v57 =	vand.u32 $0x1CF, v29;
	vm9 =	vlt.u32 v29, v27;
	v30 =	vor.u32 $0x2000, v56  }
0x133: {  	v29 =	vadd.s32 v2, v29;
	v28 =	vsel vm8, v28, v30;
	v30 =	vor.u32 $0x8000, v57  }
0x134: {  	[tilespmem:$0x10340] =	vst v28;
	v28 =	vsel vm9, v29, v30  }
0x135: {  	[tilespmem:$0x103C0] =	vst v28  }
0x136: {  	v28 =	vld [tilespmem:s15+$0x10]  }
0x137: {  	s19 =	sadd.s32 $0x50, s14  }
0x138: {  	v29 =	vor.u32 s19, v7  }
0x139: {  	v58 =	vand.u32 $0xDF, v29;
	vm10 =	vlt.s32 v29, v26  }
0x13a: {  	v59 =	vand.u32 $0x1DF, v29;
	vm11 =	vlt.u32 v29, v27;
	v30 =	vor.u32 $0x2000, v58  }
0x13b: {  	v29 =	vadd.s32 v2, v29;
	v28 =	vsel vm10, v28, v30;
	v30 =	vor.u32 $0x8000, v59  }
0x13c: {  	[tilespmem:$0x10350] =	vst v28;
	v28 =	vsel vm11, v29, v30  }
0x13d: {  	[tilespmem:$0x103D0] =	vst v28  }
0x13e: {  	v28 =	vld [tilespmem:s15+$0x20]  }
0x13f: {  	s20 =	sadd.s32 $0x60, s14  }
0x140: {  	v29 =	vor.u32 s20, v7  }
0x141: {  	v60 =	vand.u32 $0xEF, v29;
	vm12 =	vlt.s32 v29, v26  }
0x142: {  	v61 =	vand.u32 $0x1EF, v29;
	vm13 =	vlt.u32 v29, v27;
	v30 =	vor.u32 $0x2000, v60  }
0x143: {  	v29 =	vadd.s32 v2, v29;
	v28 =	vsel vm12, v28, v30;
	v30 =	vor.u32 $0x8000, v61  }
0x144: {  	[tilespmem:$0x10360] =	vst v28;
	v28 =	vsel vm13, v29, v30  }
0x145: {  	[tilespmem:$0x103E0] =	vst v28  }
0x146: {  	v28 =	vld [tilespmem:s15+$0x30]  }
0x147: {  	s21 =	sadd.s32 $0x70, s14  }
0x148: {  	v29 =	vor.u32 s21, v7  }
0x149: {  	v62 =	vand.u32 $0xFF, v29;
	vm14 =	vlt.s32 v29, v26  }
0x14a: {  	v63 =	vand.u32 $0x1FF, v29;
	vm15 =	vlt.u32 v29, v27;
	v30 =	vor.u32 $0x2000, v62  }
0x14b: {  	v29 =	vadd.s32 v2, v29;
	v28 =	vsel vm14, v28, v30;
	v30 =	vor.u32 $0x8000, v63  }
0x14c: {  	[tilespmem:$0x10370] =	vst v28;
	v28 =	vsel vm15, v29, v30  }
.Ltmp5:
0x14d: {  	[tilespmem:$0x103F0] =	vst v28;
	(pc) =	sbr.rel .LBB2_8-.Ltmp5, $4  }
0x14e: {  	[hbm4b:s8+s3] =	stream.indirect.scatter [tilespmem:s26], [sflag:$0x1], $0x1, s23, s3, $0xb8;
	[tilespmem:$0x16580] =	vst v63  }
0x14f: {  	_ =	swait.ge [sflag:s4], $0x80  }
0x150: {  	[sflag:s4] =	ssyncset.done $0x0  }
0x151: {  	[sflag:s4] =	ssyncadd.s32 $0xFFFFFF80  }
.LBB2_9:
0x152: {  	s14 =	simm.s32 $0x8000;
	p0 =	sle.s32 s11, $0x0  }
0x153: {  	v27 =	vld @!p0 [tilespmem:s14+$0x0];
	_ =	sdelay $0x1  }
0x154: {  	s14 =	simm.s32 $0x0;
	v28 =	vlaneseq.u32 @!p0  }
0x155: {  	v29 =	vor.u32 @!p0 s14, v28  }
0x156: {  	vm0 =	vlt.s32 @!p0 v29, v26  }
0x157: {  	v27 =	vsel @!p0 vm0, v27, v29  }
0x158: {  	v29 =	vshrl.u32 @!p0 v27, $0x3  }
0x159: {  	v29 =	vmul.u32 @!p0 $0x30, v29  }
0x15a: {  	v30 =	vand.u32 @!p0 $0x7, v27  }
0x15b: {  	v31 =	vand.u32 @!p0 $0x7, v28;
	v32 =	vshrl.u32 @!p0 v28, $0x3;
	v29 =	vor.u32 @!p0 v30, v29  }
0x15c: {  	v30 =	vperm.xlane @!p0 v29, v31;
	v31 =	vmul.u32 @!p0 $0x8, v32;
	_ =	sdelay $0x1  }
0x15d: {  	v30 =	vadd.s32 @!p0 v31, v30;
	_ =	sdelay $0x2  }
0x15e: {  	v28 =	vor.u32 @!p0 $0x8, v28  }
0x15f: {  	s15 =	simm.s32 @!p0 $0x10480;
	s14 =	simm.s32 @!p0 $0x0;
	vm0 =	vmmov @!p0 $0xffff;
	[tilespmem:$0x10400] =	vst @!p0 v27;
	v28 =	vperm.xlane @!p0 v29, v28  }
0x160: {  	[tilespmem:s15], [sflag:$0x2] =	stream.indirect_vreg.gather @!p0 [hbm4b:s1+s14], $0x80, v30, vm0, $0xb8;
	[tilespmem:$0x16580] =	vst v63  }
0x161: {  	s16 =	simm.s32 @!p0 $0x10C80;
	v27 =	vadd.s32 @!p0 v31, v28  }
0x162: {  	[tilespmem:s16], [sflag:$0x2] =	stream.indirect_vreg.gather @!p0 [hbm4b:s12+s14], $0x80, v30, vm0, $0xb8;
	[tilespmem:$0x16580] =	vst v63  }
0x163: {  	s16 =	simm.s32 @!p0 $0x11480  }
0x164: {  	[tilespmem:s16], [sflag:$0x2] =	stream.indirect_vreg.gather @!p0 [hbm4b:s13+s14], $0x80, v30, vm0, $0xb8;
	[tilespmem:$0x16580] =	vst v63  }
0x165: {  	s16 =	simm.s32 @!p0 $0x11C80  }
0x166: {  	[tilespmem:s16], [sflag:$0x2] =	stream.indirect_vreg.gather @!p0 [hbm4b:s1+s14], $0x80, v27, vm0, $0xb8;
	[tilespmem:$0x16580] =	vst v63  }
0x167: {  	s16 =	simm.s32 @!p0 $0x12480  }
0x168: {  	[tilespmem:s16], [sflag:$0x2] =	stream.indirect_vreg.gather @!p0 [hbm4b:s12+s14], $0x80, v27, vm0, $0xb8;
	[tilespmem:$0x16580] =	vst v63  }
0x169: {  	s17 =	simm.s32 @!p0 $0x2;
	s16 =	simm.s32 @!p0 $0x12C80  }
0x16a: {  	[tilespmem:s16], [sflag:$0x2] =	stream.indirect_vreg.gather @!p0 [hbm4b:s13+s14], $0x80, v27, vm0, $0xb8;
	[tilespmem:$0x16580] =	vst v63  }
0x16b: {  	_ =	swait.ge @!p0 [sflag:s17], $0x3000  }
0x16c: {  	[sflag:s17] =	ssyncset.done @!p0 $0x0  }
0x16d: {  	s18 =	simm.s32 @!p0 $0x3;
	s19 =	rddreg [dreg:$0xe];
	[sflag:s17] =	ssyncadd.s32 @!p0 $0xFFFFD000  }
0x16e: {  	[hbm4b:s19+s14] =	stream.linear.scatter @!p0 [tilespmem:s15], [sflag:$0x3], $0x3000, $0x38;
	[tilespmem:$0x16580] =	vst v63  }
0x16f: {  	s16 =	simm.s32 $0x8010;
	s17 =	simm.s32 $0x20;
	_ =	swait.ge @!p0 [sflag:s18], $0x3000  }
0x170: {  	s15 =	simm.s32 $0x10;
	s14 =	sadd.s32 $0x600, s19;
	[sflag:s18] =	ssyncset.done @!p0 $0x0  }
.LBB2_10:
0x171: {  	[sflag:s18] =	ssyncadd.s32 @!p0 $0xFFFFD000  }
0x172: {  	p0 =	sge.s32 s15, s11;
	s18 =	smov.u32 s17;
	s17 =	sadd.s32 $0x10, s17  }
0x173: {  	p1 =	sne.s32 s17, $0x100;
	v27 =	vlaneseq.u32 @!p0;
	v28 =	vld @!p0 [tilespmem:s16+$0x0]  }
0x174: {  	v29 =	vor.u32 @!p0 s15, v27;
	v30 =	vand.u32 @!p0 $0x7, v27;
	v31 =	vshrl.u32 @!p0 v27, $0x3;
	s15 =	smov.u32 s18  }
0x175: {  	v27 =	vor.u32 @!p0 $0x8, v27;
	vm0 =	vlt.s32 @!p0 v29, v26;
	_ =	sdelay $0x2  }
0x176: {  	v28 =	vsel @!p0 vm0, v28, v29  }
0x177: {  	v29 =	vshrl.u32 @!p0 v28, $0x3;
	v32 =	vand.u32 @!p0 $0x7, v28  }
0x178: {  	v29 =	vmul.u32 @!p0 $0x30, v29;
	_ =	sdelay $0x1  }
0x179: {  	v29 =	vor.u32 @!p0 v32, v29  }
0x17a: {  	v31 =	vmul.u32 @!p0 $0x8, v31;
	v30 =	vperm.xlane @!p0 v29, v30;
	v27 =	vperm.xlane @!p0 v29, v27;
	_ =	sdelay $0x1  }
0x17b: {  	v29 =	vadd.s32 @!p0 v31, v30;
	_ =	sdelay $0x3  }
0x17c: {  	s19 =	simm.s32 @!p0 $0x0;
	s20 =	simm.s32 @!p0 $0x10480;
	vm0 =	vmmov @!p0 $0xffff;
	[tilespmem:$0x10400] =	vst @!p0 v28  }
0x17d: {  	[tilespmem:s20], [sflag:$0x2] =	stream.indirect_vreg.gather @!p0 [hbm4b:s1+s19], $0x80, v29, vm0, $0xb8;
	[tilespmem:$0x16580] =	vst v63  }
0x17e: {  	s18 =	simm.s32 @!p0 $0x10C80;
	v27 =	vadd.s32 @!p0 v31, v27  }
0x17f: {  	[tilespmem:s18], [sflag:$0x2] =	stream.indirect_vreg.gather @!p0 [hbm4b:s12+s19], $0x80, v29, vm0, $0xb8;
	[tilespmem:$0x16580] =	vst v63  }
0x180: {  	s18 =	simm.s32 @!p0 $0x11480  }
0x181: {  	[tilespmem:s18], [sflag:$0x2] =	stream.indirect_vreg.gather @!p0 [hbm4b:s13+s19], $0x80, v29, vm0, $0xb8;
	[tilespmem:$0x16580] =	vst v63  }
0x182: {  	s18 =	simm.s32 @!p0 $0x11C80  }
0x183: {  	[tilespmem:s18], [sflag:$0x2] =	stream.indirect_vreg.gather @!p0 [hbm4b:s1+s19], $0x80, v27, vm0, $0xb8;
	[tilespmem:$0x16580] =	vst v63  }
0x184: {  	s18 =	simm.s32 @!p0 $0x12480  }
0x185: {  	[tilespmem:s18], [sflag:$0x2] =	stream.indirect_vreg.gather @!p0 [hbm4b:s12+s19], $0x80, v27, vm0, $0xb8;
	[tilespmem:$0x16580] =	vst v63  }
0x186: {  	s21 =	simm.s32 @!p0 $0x2;
	s18 =	simm.s32 @!p0 $0x12C80  }
0x187: {  	[tilespmem:s18], [sflag:$0x2] =	stream.indirect_vreg.gather @!p0 [hbm4b:s13+s19], $0x80, v27, vm0, $0xb8;
	[tilespmem:$0x16580] =	vst v63  }
0x188: {  	_ =	swait.ge @!p0 [sflag:s21], $0x3000  }
.Ltmp6:
0x189: {  	[sflag:s21] =	ssyncset.done @!p0 $0x0;
	(pc) =	sbr.rel @p1 .LBB2_10-.Ltmp6, $4  }
0x18a: {  	s18 =	simm.s32 @!p0 $0x3;
	[sflag:s21] =	ssyncadd.s32 @!p0 $0xFFFFD000  }
0x18b: {  	[hbm4b:s14+s19] =	stream.linear.scatter @!p0 [tilespmem:s20], [sflag:$0x3], $0x3000, $0x38;
	[tilespmem:$0x16580] =	vst v63  }
0x18c: {  	_ =	swait.ge @!p0 [sflag:s18], $0x3000  }
0x18d: {  	s16 =	sadd.s32 $0x10, s16;
	s14 =	sadd.s32 $0x600, s14;
	[sflag:s18] =	ssyncset.done @!p0 $0x0  }
0x18e: {  	p1 =	sge.s32 s15, s11;
	[sflag:s18] =	ssyncadd.s32 @!p0 $0xFFFFD000  }
0x18f: {  	v27 =	vld @!p1 [tilespmem:s16+$0x0];
	_ =	sdelay $0x1  }
0x190: {  	v28 =	vlaneseq.u32 @!p1  }
0x191: {  	v29 =	vor.u32 @!p1 s15, v28  }
0x192: {  	vm0 =	vlt.s32 @!p1 v29, v26  }
0x193: {  	v26 =	vsel @!p1 vm0, v27, v29  }
0x194: {  	v27 =	vshrl.u32 @!p1 v26, $0x3  }
0x195: {  	v27 =	vmul.u32 @!p1 $0x30, v27  }
0x196: {  	v29 =	vand.u32 @!p1 $0x7, v26  }
0x197: {  	v30 =	vand.u32 @!p1 $0x7, v28;
	v31 =	vshrl.u32 @!p1 v28, $0x3;
	v27 =	vor.u32 @!p1 v29, v27  }
0x198: {  	v29 =	vperm.xlane @!p1 v27, v30;
	v30 =	vmul.u32 @!p1 $0x8, v31;
	_ =	sdelay $0x1  }
0x199: {  	v29 =	vadd.s32 @!p1 v30, v29;
	_ =	sdelay $0x2  }
0x19a: {  	v28 =	vor.u32 @!p1 $0x8, v28  }
0x19b: {  	s11 =	simm.s32 @!p1 $0x0;
	s15 =	simm.s32 @!p1 $0x10480;
	vm0 =	vmmov @!p1 $0xffff;
	[tilespmem:$0x10400] =	vst @!p1 v26;
	v27 =	vperm.xlane @!p1 v27, v28  }
0x19c: {  	[tilespmem:s15], [sflag:$0x2] =	stream.indirect_vreg.gather @!p1 [hbm4b:s1+s11], $0x80, v29, vm0, $0xb8;
	[tilespmem:$0x16580] =	vst v63  }
0x19d: {  	s16 =	simm.s32 @!p1 $0x10C80;
	v26 =	vadd.s32 @!p1 v30, v27  }
0x19e: {  	[tilespmem:s16], [sflag:$0x2] =	stream.indirect_vreg.gather @!p1 [hbm4b:s12+s11], $0x80, v29, vm0, $0xb8;
	[tilespmem:$0x16580] =	vst v63  }
0x19f: {  	s16 =	simm.s32 @!p1 $0x11480  }
0x1a0: {  	[tilespmem:s16], [sflag:$0x2] =	stream.indirect_vreg.gather @!p1 [hbm4b:s13+s11], $0x80, v29, vm0, $0xb8;
	[tilespmem:$0x16580] =	vst v63  }
0x1a1: {  	s16 =	simm.s32 @!p1 $0x11C80  }
0x1a2: {  	[tilespmem:s16], [sflag:$0x2] =	stream.indirect_vreg.gather @!p1 [hbm4b:s1+s11], $0x80, v26, vm0, $0xb8;
	[tilespmem:$0x16580] =	vst v63  }
0x1a3: {  	s16 =	simm.s32 @!p1 $0x12480  }
0x1a4: {  	[tilespmem:s16], [sflag:$0x2] =	stream.indirect_vreg.gather @!p1 [hbm4b:s12+s11], $0x80, v26, vm0, $0xb8;
	[tilespmem:$0x16580] =	vst v63  }
0x1a5: {  	s17 =	simm.s32 @!p1 $0x2;
	s16 =	simm.s32 @!p1 $0x12C80  }
0x1a6: {  	[tilespmem:s16], [sflag:$0x2] =	stream.indirect_vreg.gather @!p1 [hbm4b:s13+s11], $0x80, v26, vm0, $0xb8;
	[tilespmem:$0x16580] =	vst v63  }
0x1a7: {  	_ =	swait.ge @!p1 [sflag:s17], $0x3000  }
0x1a8: {  	[sflag:s17] =	ssyncset.done @!p1 $0x0  }
0x1a9: {  	s16 =	simm.s32 @!p1 $0x3;
	[sflag:s17] =	ssyncadd.s32 @!p1 $0xFFFFD000  }
0x1aa: {  	[hbm4b:s14+s11] =	stream.linear.scatter @!p1 [tilespmem:s15], [sflag:$0x3], $0x3000, $0x38;
	[tilespmem:$0x16580] =	vst v63  }
0x1ab: {  	_ =	swait.ge @!p1 [sflag:s16], $0x3000  }
0x1ac: {  	[sflag:s16] =	ssyncset.done @!p1 $0x0  }
0x1ad: {  	[sflag:s16] =	ssyncadd.s32 @!p1 $0xFFFFD000  }
0x1ae: {  	v27 =	vld [tilespmem:$0xA080];
	_ =	sdelay $0x2  }
0x1af: {  	v26 =	vmov s10  }
0x1b0: {  	vm13 =	vgt.s32 v26, v7  }
0x1b1: {  	v27 =	vnsel vm13, $0x0, v27;
	_ =	sdelay $0x1  }
0x1b2: {  	v28 =	vld [tilespmem:$0xA090];
	_ =	sdelay $0x2  }
0x1b3: {  	v27 =	vld.idx.msk [tilespmem:v27+s25+$0x0], $0xffff  }
0x1b4: {  	vm1 =	vgt.s32 v26, v11  }
0x1b5: {  	v28 =	vnsel vm1, $0x0, v28;
	_ =	sdelay $0x1  }
0x1b6: {  	v29 =	vld [tilespmem:$0xA0A0]  }
0x1b7: {  	v27 =	vnsel vm13, $0x0, v27  }
0x1b8: {  	[tilespmem:$0x10200] =	vst v27  }
0x1b9: {  	v27 =	vld.idx.msk [tilespmem:v28+s25+$0x0], $0xffff  }
0x1ba: {  	vm14 =	vgt.s32 v26, v12  }
0x1bb: {  	v28 =	vnsel vm14, $0x0, v29;
	_ =	sdelay $0x1  }
0x1bc: {  	v29 =	vld [tilespmem:$0xA0B0]  }
0x1bd: {  	v27 =	vnsel vm1, $0x0, v27  }
0x1be: {  	[tilespmem:$0x10210] =	vst v27  }
0x1bf: {  	v27 =	vld.idx.msk [tilespmem:v28+s25+$0x0], $0xffff  }
0x1c0: {  	vm15 =	vgt.s32 v26, v13  }
0x1c1: {  	v28 =	vnsel vm15, $0x0, v29;
	_ =	sdelay $0x1  }
0x1c2: {  	v29 =	vld [tilespmem:$0xA0C0]  }
0x1c3: {  	v27 =	vnsel vm14, $0x0, v27  }
0x1c4: {  	[tilespmem:$0x10220] =	vst v27  }
0x1c5: {  	v27 =	vld.idx.msk [tilespmem:v28+s25+$0x0], $0xffff  }
0x1c6: {  	vm4 =	vgt.s32 v26, v14  }
0x1c7: {  	v28 =	vnsel vm4, $0x0, v29;
	_ =	sdelay $0x1  }
0x1c8: {  	v29 =	vld [tilespmem:$0xA0D0]  }
0x1c9: {  	v27 =	vnsel vm15, $0x0, v27  }
0x1ca: {  	[tilespmem:$0x10230] =	vst v27  }
0x1cb: {  	v27 =	vld.idx.msk [tilespmem:v28+s25+$0x0], $0xffff  }
0x1cc: {  	vm5 =	vgt.s32 v26, v15  }
0x1cd: {  	v28 =	vnsel vm5, $0x0, v29;
	_ =	sdelay $0x1  }
0x1ce: {  	v29 =	vld [tilespmem:$0xA0E0]  }
0x1cf: {  	v27 =	vnsel vm4, $0x0, v27  }
0x1d0: {  	[tilespmem:$0x10240] =	vst v27  }
0x1d1: {  	v27 =	vld.idx.msk [tilespmem:v28+s25+$0x0], $0xffff  }
0x1d2: {  	vm6 =	vgt.s32 v26, v16  }
0x1d3: {  	v28 =	vnsel vm6, $0x0, v29;
	_ =	sdelay $0x1  }
0x1d4: {  	v29 =	vld [tilespmem:$0xA0F0]  }
0x1d5: {  	v27 =	vnsel vm5, $0x0, v27  }
0x1d6: {  	[tilespmem:$0x10250] =	vst v27  }
0x1d7: {  	v27 =	vld.idx.msk [tilespmem:v28+s25+$0x0], $0xffff  }
0x1d8: {  	vm7 =	vgt.s32 v26, v17  }
0x1d9: {  	v28 =	vnsel vm7, $0x0, v29;
	_ =	sdelay $0x1  }
0x1da: {  	v29 =	vld [tilespmem:$0xA100]  }
0x1db: {  	v27 =	vnsel vm6, $0x0, v27  }
0x1dc: {  	[tilespmem:$0x10260] =	vst v27  }
0x1dd: {  	v27 =	vld.idx.msk [tilespmem:v28+s25+$0x0], $0xffff  }
0x1de: {  	vm8 =	vgt.s32 v26, v18  }
0x1df: {  	v28 =	vnsel vm8, $0x0, v29;
	_ =	sdelay $0x1  }
0x1e0: {  	v29 =	vld [tilespmem:$0xA110]  }
0x1e1: {  	v27 =	vnsel vm7, $0x0, v27  }
0x1e2: {  	[tilespmem:$0x10270] =	vst v27  }
0x1e3: {  	v27 =	vld.idx.msk [tilespmem:v28+s25+$0x0], $0xffff  }
0x1e4: {  	vm9 =	vgt.s32 v26, v19  }
0x1e5: {  	v28 =	vnsel vm9, $0x0, v29;
	_ =	sdelay $0x1  }
0x1e6: {  	v29 =	vld [tilespmem:$0xA120]  }
0x1e7: {  	v27 =	vnsel vm8, $0x0, v27  }
0x1e8: {  	[tilespmem:$0x10280] =	vst v27  }
0x1e9: {  	v27 =	vld.idx.msk [tilespmem:v28+s25+$0x0], $0xffff  }
0x1ea: {  	vm10 =	vgt.s32 v26, v20  }
0x1eb: {  	v28 =	vnsel vm10, $0x0, v29;
	_ =	sdelay $0x1  }
0x1ec: {  	v29 =	vld [tilespmem:$0xA130]  }
0x1ed: {  	v27 =	vnsel vm9, $0x0, v27  }
0x1ee: {  	[tilespmem:$0x10290] =	vst v27  }
0x1ef: {  	v27 =	vld.idx.msk [tilespmem:v28+s25+$0x0], $0xffff  }
0x1f0: {  	vm11 =	vgt.s32 v26, v21  }
0x1f1: {  	v28 =	vnsel vm11, $0x0, v29;
	_ =	sdelay $0x1  }
0x1f2: {  	v29 =	vld [tilespmem:$0xA140]  }
0x1f3: {  	v27 =	vnsel vm10, $0x0, v27  }
0x1f4: {  	[tilespmem:$0x102A0] =	vst v27  }
0x1f5: {  	v27 =	vld.idx.msk [tilespmem:v28+s25+$0x0], $0xffff  }
0x1f6: {  	vm12 =	vgt.s32 v26, v22  }
0x1f7: {  	v28 =	vnsel vm12, $0x0, v29;
	_ =	sdelay $0x1  }
0x1f8: {  	v29 =	vld [tilespmem:$0xA150]  }
0x1f9: {  	v27 =	vnsel vm11, $0x0, v27  }
0x1fa: {  	[tilespmem:$0x102B0] =	vst v27  }
0x1fb: {  	v27 =	vld.idx.msk [tilespmem:v28+s25+$0x0], $0xffff  }
0x1fc: {  	vm13 =	vgt.s32 v26, v23  }
0x1fd: {  	v28 =	vnsel vm13, $0x0, v29;
	_ =	sdelay $0x1  }
0x1fe: {  	v29 =	vld [tilespmem:$0xA160]  }
0x1ff: {  	v27 =	vnsel vm12, $0x0, v27  }
0x200: {  	[tilespmem:$0x102C0] =	vst v27  }
0x201: {  	v27 =	vld.idx.msk [tilespmem:v28+s25+$0x0], $0xffff  }
0x202: {  	vm14 =	vgt.s32 v26, v24  }
0x203: {  	v28 =	vnsel vm14, $0x0, v29;
	_ =	sdelay $0x1  }
0x204: {  	v29 =	vld [tilespmem:$0xA170]  }
0x205: {  	v27 =	vnsel vm13, $0x0, v27  }
0x206: {  	[tilespmem:$0x102D0] =	vst v27  }
0x207: {  	v27 =	vld.idx.msk [tilespmem:v28+s25+$0x0], $0xffff  }
0x208: {  	vm15 =	vgt.s32 v26, v25  }
0x209: {  	v28 =	vnsel vm15, $0x0, v29;
	_ =	sdelay $0x2  }
0x20a: {  	v27 =	vnsel vm14, $0x0, v27  }
0x20b: {  	[tilespmem:$0x102E0] =	vst v27  }
0x20c: {  	v27 =	vld.idx.msk [tilespmem:v28+s25+$0x0], $0xffff;
	_ =	sdelay $0x4  }
0x20d: {  	v27 =	vnsel vm15, $0x0, v27  }
.Ltmp7:
0x20e: {  	s11 =	simm.s32 $0x0;
	s20 =	rddreg [dreg:$0xa];
	[tilespmem:$0x102F0] =	vst v27;
	(pc) =	sbr.rel .LBB2_12-.Ltmp7, $4  }
0x20f: {  	[hbm4b:s20+s11] =	stream.linear.scatter [tilespmem:s0], [sflag:$0x3], $0x100, $0x38;
	[tilespmem:$0x16580] =	vst v63  }
0x210: {  	_ =	swait.ge [sflag:s22], $0x100  }
0x211: {  	s21 =	smin.u32 s10, $0x100;
	[sflag:s22] =	ssyncset.done $0x0  }
0x212: {  	s14 =	simm.s32 $0xA0C0;
	v27 =	vmov s21;
	[sflag:s22] =	ssyncadd.s32 $0xFFFFFF00  }
.LBB2_14:
0x213: {  	s11 =	sadd.s32 $0x80, s11  }
0x214: {  	p0 =	sne.s32 s11, $0x2000  }
.Ltmp8:
0x215: {  	_ = 	snop;
	(pc) =	sbr.rel @!p0 .LBB2_15-.Ltmp8, $2  }
0x216: {  	_ =	sdelay $0x2  }
0x217: {  	s14 =	sadd.s32 $0x80, s14  }
.LBB2_12:
0x218: {  	p0 =	sge.s32 s11, s10  }
.Ltmp9:
0x219: {  	_ = 	snop;
	(pc) =	sbr.rel @p0 .LBB2_14-.Ltmp9, $1  }
0x21a: {  	_ =	sdelay $0x3  }
0x21b: {  	v28 =	vld [tilespmem:s14+$0xFFFFFFC0];
	_ =	sdelay $0x1  }
0x21c: {  	v29 =	vor.u32 s11, v7  }
0x21d: {  	v30 =	vand.u32 $0x8F, v29;
	vm0 =	vlt.s32 v29, v26  }
0x21e: {  	v49 =	vand.u32 $0x18F, v29;
	vm13 =	vlt.u32 v29, v27;
	v30 =	vor.u32 $0x2000, v30  }
0x21f: {  	v29 =	vadd.s32 v3, v29;
	v28 =	vsel vm0, v28, v30;
	v30 =	vor.u32 $0x8000, v49  }
0x220: {  	[tilespmem:$0x10300] =	vst v28;
	v28 =	vsel vm13, v29, v30  }
0x221: {  	[tilespmem:$0x10380] =	vst v28  }
0x222: {  	v28 =	vld [tilespmem:s14+$0xFFFFFFD0]  }
0x223: {  	s15 =	sadd.s32 $0x10, s11  }
0x224: {  	v29 =	vor.u32 s15, v7  }
0x225: {  	v50 =	vand.u32 $0x9F, v29;
	vm14 =	vlt.s32 v29, v26  }
0x226: {  	v51 =	vand.u32 $0x19F, v29;
	vm15 =	vlt.u32 v29, v27;
	v30 =	vor.u32 $0x2000, v50  }
0x227: {  	v29 =	vadd.s32 v3, v29;
	v28 =	vsel vm14, v28, v30;
	v30 =	vor.u32 $0x8000, v51  }
0x228: {  	[tilespmem:$0x10310] =	vst v28;
	v28 =	vsel vm15, v29, v30  }
0x229: {  	[tilespmem:$0x10390] =	vst v28  }
0x22a: {  	v28 =	vld [tilespmem:s14+$0xFFFFFFE0]  }
0x22b: {  	s16 =	sadd.s32 $0x20, s11  }
0x22c: {  	v29 =	vor.u32 s16, v7  }
0x22d: {  	v52 =	vand.u32 $0xAF, v29;
	vm4 =	vlt.s32 v29, v26  }
0x22e: {  	v53 =	vand.u32 $0x1AF, v29;
	vm5 =	vlt.u32 v29, v27;
	v30 =	vor.u32 $0x2000, v52  }
0x22f: {  	v29 =	vadd.s32 v3, v29;
	v28 =	vsel vm4, v28, v30;
	v30 =	vor.u32 $0x8000, v53  }
0x230: {  	[tilespmem:$0x10320] =	vst v28;
	v28 =	vsel vm5, v29, v30  }
0x231: {  	[tilespmem:$0x103A0] =	vst v28  }
0x232: {  	v28 =	vld [tilespmem:s14+$0xFFFFFFF0]  }
0x233: {  	s17 =	sadd.s32 $0x30, s11  }
0x234: {  	v29 =	vor.u32 s17, v7  }
0x235: {  	v54 =	vand.u32 $0xBF, v29;
	vm6 =	vlt.s32 v29, v26  }
0x236: {  	v55 =	vand.u32 $0x1BF, v29;
	vm7 =	vlt.u32 v29, v27;
	v30 =	vor.u32 $0x2000, v54  }
0x237: {  	v29 =	vadd.s32 v3, v29;
	v28 =	vsel vm6, v28, v30;
	v30 =	vor.u32 $0x8000, v55  }
0x238: {  	[tilespmem:$0x10330] =	vst v28;
	v28 =	vsel vm7, v29, v30  }
0x239: {  	[tilespmem:$0x103B0] =	vst v28  }
0x23a: {  	v28 =	vld [tilespmem:s14+$0x0]  }
0x23b: {  	s18 =	sadd.s32 $0x40, s11  }
0x23c: {  	v29 =	vor.u32 s18, v7  }
0x23d: {  	v56 =	vand.u32 $0xCF, v29;
	vm8 =	vlt.s32 v29, v26  }
0x23e: {  	v57 =	vand.u32 $0x1CF, v29;
	vm9 =	vlt.u32 v29, v27;
	v30 =	vor.u32 $0x2000, v56  }
0x23f: {  	v29 =	vadd.s32 v3, v29;
	v28 =	vsel vm8, v28, v30;
	v30 =	vor.u32 $0x8000, v57  }
0x240: {  	[tilespmem:$0x10340] =	vst v28;
	v28 =	vsel vm9, v29, v30  }
0x241: {  	[tilespmem:$0x103C0] =	vst v28  }
0x242: {  	v28 =	vld [tilespmem:s14+$0x10]  }
0x243: {  	s19 =	sadd.s32 $0x50, s11  }
0x244: {  	v29 =	vor.u32 s19, v7  }
0x245: {  	v58 =	vand.u32 $0xDF, v29;
	vm10 =	vlt.s32 v29, v26  }
0x246: {  	v59 =	vand.u32 $0x1DF, v29;
	vm11 =	vlt.u32 v29, v27;
	v30 =	vor.u32 $0x2000, v58  }
0x247: {  	v29 =	vadd.s32 v3, v29;
	v28 =	vsel vm10, v28, v30;
	v30 =	vor.u32 $0x8000, v59  }
0x248: {  	[tilespmem:$0x10350] =	vst v28;
	v28 =	vsel vm11, v29, v30  }
0x249: {  	[tilespmem:$0x103D0] =	vst v28  }
0x24a: {  	v28 =	vld [tilespmem:s14+$0x20]  }
0x24b: {  	s20 =	sadd.s32 $0x60, s11  }
0x24c: {  	v29 =	vor.u32 s20, v7  }
0x24d: {  	v60 =	vand.u32 $0xEF, v29;
	vm12 =	vlt.s32 v29, v26  }
0x24e: {  	v61 =	vand.u32 $0x1EF, v29;
	vm13 =	vlt.u32 v29, v27;
	v30 =	vor.u32 $0x2000, v60  }
0x24f: {  	v29 =	vadd.s32 v3, v29;
	v28 =	vsel vm12, v28, v30;
	v30 =	vor.u32 $0x8000, v61  }
0x250: {  	[tilespmem:$0x10360] =	vst v28;
	v28 =	vsel vm13, v29, v30  }
0x251: {  	[tilespmem:$0x103E0] =	vst v28  }
0x252: {  	v28 =	vld [tilespmem:s14+$0x30]  }
0x253: {  	s21 =	sadd.s32 $0x70, s11  }
0x254: {  	v29 =	vor.u32 s21, v7  }
0x255: {  	v62 =	vand.u32 $0xFF, v29;
	vm14 =	vlt.s32 v29, v26  }
0x256: {  	v63 =	vand.u32 $0x1FF, v29;
	vm15 =	vlt.u32 v29, v27;
	v30 =	vor.u32 $0x2000, v62  }
0x257: {  	v29 =	vadd.s32 v3, v29;
	v28 =	vsel vm14, v28, v30;
	v30 =	vor.u32 $0x8000, v63  }
0x258: {  	[tilespmem:$0x10370] =	vst v28;
	v28 =	vsel vm15, v29, v30  }
.Ltmp10:
0x259: {  	[tilespmem:$0x103F0] =	vst v28;
	(pc) =	sbr.rel .LBB2_14-.Ltmp10, $4  }
0x25a: {  	[hbm4b:s9+s3] =	stream.indirect.scatter [tilespmem:s26], [sflag:$0x1], $0x1, s23, s3, $0xb8;
	[tilespmem:$0x16580] =	vst v63  }
0x25b: {  	_ =	swait.ge [sflag:s4], $0x80  }
0x25c: {  	[sflag:s4] =	ssyncset.done $0x0  }
0x25d: {  	[sflag:s4] =	ssyncadd.s32 $0xFFFFFF80  }
.LBB2_15:
0x25e: {  	s11 =	simm.s32 $0xA080;
	p0 =	sle.s32 s10, $0x0  }
0x25f: {  	v27 =	vld @!p0 [tilespmem:s11+$0x0];
	_ =	sdelay $0x1  }
0x260: {  	s11 =	simm.s32 $0x0;
	v28 =	vlaneseq.u32 @!p0  }
0x261: {  	v29 =	vor.u32 @!p0 s11, v28  }
0x262: {  	vm0 =	vlt.s32 @!p0 v29, v26  }
0x263: {  	v27 =	vsel @!p0 vm0, v27, v29  }
0x264: {  	v29 =	vshrl.u32 @!p0 v27, $0x3  }
0x265: {  	v29 =	vmul.u32 @!p0 $0x30, v29  }
0x266: {  	v30 =	vand.u32 @!p0 $0x7, v27  }
0x267: {  	v31 =	vand.u32 @!p0 $0x7, v28;
	v32 =	vshrl.u32 @!p0 v28, $0x3;
	v29 =	vor.u32 @!p0 v30, v29  }
0x268: {  	v30 =	vperm.xlane @!p0 v29, v31;
	v31 =	vmul.u32 @!p0 $0x8, v32;
	_ =	sdelay $0x1  }
0x269: {  	v30 =	vadd.s32 @!p0 v31, v30;
	_ =	sdelay $0x2  }
0x26a: {  	v28 =	vor.u32 @!p0 $0x8, v28  }
0x26b: {  	s14 =	simm.s32 @!p0 $0x10480;
	s11 =	simm.s32 @!p0 $0x0;
	vm0 =	vmmov @!p0 $0xffff;
	[tilespmem:$0x10400] =	vst @!p0 v27;
	v28 =	vperm.xlane @!p0 v29, v28  }
0x26c: {  	[tilespmem:s14], [sflag:$0x2] =	stream.indirect_vreg.gather @!p0 [hbm4b:s1+s11], $0x80, v30, vm0, $0xb8;
	[tilespmem:$0x16580] =	vst v63  }
0x26d: {  	s15 =	simm.s32 @!p0 $0x10C80;
	v27 =	vadd.s32 @!p0 v31, v28  }
0x26e: {  	[tilespmem:s15], [sflag:$0x2] =	stream.indirect_vreg.gather @!p0 [hbm4b:s12+s11], $0x80, v30, vm0, $0xb8;
	[tilespmem:$0x16580] =	vst v63  }
0x26f: {  	s15 =	simm.s32 @!p0 $0x11480  }
0x270: {  	[tilespmem:s15], [sflag:$0x2] =	stream.indirect_vreg.gather @!p0 [hbm4b:s13+s11], $0x80, v30, vm0, $0xb8;
	[tilespmem:$0x16580] =	vst v63  }
0x271: {  	s15 =	simm.s32 @!p0 $0x11C80  }
0x272: {  	[tilespmem:s15], [sflag:$0x2] =	stream.indirect_vreg.gather @!p0 [hbm4b:s1+s11], $0x80, v27, vm0, $0xb8;
	[tilespmem:$0x16580] =	vst v63  }
0x273: {  	s15 =	simm.s32 @!p0 $0x12480  }
0x274: {  	[tilespmem:s15], [sflag:$0x2] =	stream.indirect_vreg.gather @!p0 [hbm4b:s12+s11], $0x80, v27, vm0, $0xb8;
	[tilespmem:$0x16580] =	vst v63  }
0x275: {  	s16 =	simm.s32 @!p0 $0x2;
	s15 =	simm.s32 @!p0 $0x12C80  }
0x276: {  	[tilespmem:s15], [sflag:$0x2] =	stream.indirect_vreg.gather @!p0 [hbm4b:s13+s11], $0x80, v27, vm0, $0xb8;
	[tilespmem:$0x16580] =	vst v63  }
0x277: {  	_ =	swait.ge @!p0 [sflag:s16], $0x3000  }
0x278: {  	[sflag:s16] =	ssyncset.done @!p0 $0x0  }
0x279: {  	s17 =	simm.s32 @!p0 $0x3;
	s18 =	rddreg [dreg:$0xf];
	[sflag:s16] =	ssyncadd.s32 @!p0 $0xFFFFD000  }
0x27a: {  	[hbm4b:s18+s11] =	stream.linear.scatter @!p0 [tilespmem:s14], [sflag:$0x3], $0x3000, $0x38;
	[tilespmem:$0x16580] =	vst v63  }
0x27b: {  	s15 =	simm.s32 $0xA090;
	s16 =	simm.s32 $0x20;
	_ =	swait.ge @!p0 [sflag:s17], $0x3000  }
0x27c: {  	s14 =	simm.s32 $0x10;
	s11 =	sadd.s32 $0x600, s18;
	[sflag:s17] =	ssyncset.done @!p0 $0x0  }
.LBB2_16:
0x27d: {  	[sflag:s17] =	ssyncadd.s32 @!p0 $0xFFFFD000  }
0x27e: {  	p0 =	sge.s32 s14, s10;
	s17 =	smov.u32 s16;
	s16 =	sadd.s32 $0x10, s16  }
0x27f: {  	p1 =	sne.s32 s16, $0x100;
	v27 =	vlaneseq.u32 @!p0;
	v28 =	vld @!p0 [tilespmem:s15+$0x0]  }
0x280: {  	v29 =	vor.u32 @!p0 s14, v27;
	v30 =	vand.u32 @!p0 $0x7, v27;
	v31 =	vshrl.u32 @!p0 v27, $0x3;
	s14 =	smov.u32 s17  }
0x281: {  	v27 =	vor.u32 @!p0 $0x8, v27;
	vm0 =	vlt.s32 @!p0 v29, v26;
	_ =	sdelay $0x2  }
0x282: {  	v28 =	vsel @!p0 vm0, v28, v29  }
0x283: {  	v29 =	vshrl.u32 @!p0 v28, $0x3;
	v32 =	vand.u32 @!p0 $0x7, v28  }
0x284: {  	v29 =	vmul.u32 @!p0 $0x30, v29;
	_ =	sdelay $0x1  }
0x285: {  	v29 =	vor.u32 @!p0 v32, v29  }
0x286: {  	v31 =	vmul.u32 @!p0 $0x8, v31;
	v30 =	vperm.xlane @!p0 v29, v30;
	v27 =	vperm.xlane @!p0 v29, v27;
	_ =	sdelay $0x1  }
0x287: {  	v29 =	vadd.s32 @!p0 v31, v30;
	_ =	sdelay $0x3  }
0x288: {  	s18 =	simm.s32 @!p0 $0x0;
	s19 =	simm.s32 @!p0 $0x10480;
	vm0 =	vmmov @!p0 $0xffff;
	[tilespmem:$0x10400] =	vst @!p0 v28  }
0x289: {  	[tilespmem:s19], [sflag:$0x2] =	stream.indirect_vreg.gather @!p0 [hbm4b:s1+s18], $0x80, v29, vm0, $0xb8;
	[tilespmem:$0x16580] =	vst v63  }
0x28a: {  	s17 =	simm.s32 @!p0 $0x10C80;
	v27 =	vadd.s32 @!p0 v31, v27  }
0x28b: {  	[tilespmem:s17], [sflag:$0x2] =	stream.indirect_vreg.gather @!p0 [hbm4b:s12+s18], $0x80, v29, vm0, $0xb8;
	[tilespmem:$0x16580] =	vst v63  }
0x28c: {  	s17 =	simm.s32 @!p0 $0x11480  }
0x28d: {  	[tilespmem:s17], [sflag:$0x2] =	stream.indirect_vreg.gather @!p0 [hbm4b:s13+s18], $0x80, v29, vm0, $0xb8;
	[tilespmem:$0x16580] =	vst v63  }
0x28e: {  	s17 =	simm.s32 @!p0 $0x11C80  }
0x28f: {  	[tilespmem:s17], [sflag:$0x2] =	stream.indirect_vreg.gather @!p0 [hbm4b:s1+s18], $0x80, v27, vm0, $0xb8;
	[tilespmem:$0x16580] =	vst v63  }
0x290: {  	s17 =	simm.s32 @!p0 $0x12480  }
0x291: {  	[tilespmem:s17], [sflag:$0x2] =	stream.indirect_vreg.gather @!p0 [hbm4b:s12+s18], $0x80, v27, vm0, $0xb8;
	[tilespmem:$0x16580] =	vst v63  }
0x292: {  	s20 =	simm.s32 @!p0 $0x2;
	s17 =	simm.s32 @!p0 $0x12C80  }
0x293: {  	[tilespmem:s17], [sflag:$0x2] =	stream.indirect_vreg.gather @!p0 [hbm4b:s13+s18], $0x80, v27, vm0, $0xb8;
	[tilespmem:$0x16580] =	vst v63  }
0x294: {  	_ =	swait.ge @!p0 [sflag:s20], $0x3000  }
.Ltmp11:
0x295: {  	[sflag:s20] =	ssyncset.done @!p0 $0x0;
	(pc) =	sbr.rel @p1 .LBB2_16-.Ltmp11, $4  }
0x296: {  	s17 =	simm.s32 @!p0 $0x3;
	[sflag:s20] =	ssyncadd.s32 @!p0 $0xFFFFD000  }
0x297: {  	[hbm4b:s11+s18] =	stream.linear.scatter @!p0 [tilespmem:s19], [sflag:$0x3], $0x3000, $0x38;
	[tilespmem:$0x16580] =	vst v63  }
0x298: {  	_ =	swait.ge @!p0 [sflag:s17], $0x3000  }
0x299: {  	s15 =	sadd.s32 $0x10, s15;
	s11 =	sadd.s32 $0x600, s11;
	[sflag:s17] =	ssyncset.done @!p0 $0x0  }
0x29a: {  	p1 =	sge.s32 s14, s10;
	[sflag:s17] =	ssyncadd.s32 @!p0 $0xFFFFD000  }
0x29b: {  	v27 =	vld @!p1 [tilespmem:s15+$0x0];
	_ =	sdelay $0x1  }
0x29c: {  	v28 =	vlaneseq.u32 @!p1  }
0x29d: {  	v29 =	vor.u32 @!p1 s14, v28  }
0x29e: {  	vm0 =	vlt.s32 @!p1 v29, v26  }
0x29f: {  	v26 =	vsel @!p1 vm0, v27, v29  }
0x2a0: {  	v27 =	vshrl.u32 @!p1 v26, $0x3  }
0x2a1: {  	v27 =	vmul.u32 @!p1 $0x30, v27  }
0x2a2: {  	v29 =	vand.u32 @!p1 $0x7, v26  }
0x2a3: {  	v30 =	vand.u32 @!p1 $0x7, v28;
	v31 =	vshrl.u32 @!p1 v28, $0x3;
	v27 =	vor.u32 @!p1 v29, v27  }
0x2a4: {  	v29 =	vperm.xlane @!p1 v27, v30;
	v30 =	vmul.u32 @!p1 $0x8, v31;
	_ =	sdelay $0x1  }
0x2a5: {  	v29 =	vadd.s32 @!p1 v30, v29;
	_ =	sdelay $0x2  }
0x2a6: {  	v28 =	vor.u32 @!p1 $0x8, v28  }
0x2a7: {  	s10 =	simm.s32 @!p1 $0x0;
	s14 =	simm.s32 @!p1 $0x10480;
	vm0 =	vmmov @!p1 $0xffff;
	[tilespmem:$0x10400] =	vst @!p1 v26;
	v27 =	vperm.xlane @!p1 v27, v28  }
0x2a8: {  	[tilespmem:s14], [sflag:$0x2] =	stream.indirect_vreg.gather @!p1 [hbm4b:s1+s10], $0x80, v29, vm0, $0xb8;
	[tilespmem:$0x16580] =	vst v63  }
0x2a9: {  	s15 =	simm.s32 @!p1 $0x10C80;
	v26 =	vadd.s32 @!p1 v30, v27  }
0x2aa: {  	[tilespmem:s15], [sflag:$0x2] =	stream.indirect_vreg.gather @!p1 [hbm4b:s12+s10], $0x80, v29, vm0, $0xb8;
	[tilespmem:$0x16580] =	vst v63  }
0x2ab: {  	s15 =	simm.s32 @!p1 $0x11480  }
0x2ac: {  	[tilespmem:s15], [sflag:$0x2] =	stream.indirect_vreg.gather @!p1 [hbm4b:s13+s10], $0x80, v29, vm0, $0xb8;
	[tilespmem:$0x16580] =	vst v63  }
0x2ad: {  	s15 =	simm.s32 @!p1 $0x11C80  }
0x2ae: {  	[tilespmem:s15], [sflag:$0x2] =	stream.indirect_vreg.gather @!p1 [hbm4b:s1+s10], $0x80, v26, vm0, $0xb8;
	[tilespmem:$0x16580] =	vst v63  }
0x2af: {  	s15 =	simm.s32 @!p1 $0x12480  }
0x2b0: {  	[tilespmem:s15], [sflag:$0x2] =	stream.indirect_vreg.gather @!p1 [hbm4b:s12+s10], $0x80, v26, vm0, $0xb8;
	[tilespmem:$0x16580] =	vst v63  }
0x2b1: {  	s16 =	simm.s32 @!p1 $0x2;
	s15 =	simm.s32 @!p1 $0x12C80  }
0x2b2: {  	[tilespmem:s15], [sflag:$0x2] =	stream.indirect_vreg.gather @!p1 [hbm4b:s13+s10], $0x80, v26, vm0, $0xb8;
	[tilespmem:$0x16580] =	vst v63  }
0x2b3: {  	_ =	swait.ge @!p1 [sflag:s16], $0x3000  }
0x2b4: {  	[sflag:s16] =	ssyncset.done @!p1 $0x0  }
0x2b5: {  	s15 =	simm.s32 @!p1 $0x3;
	[sflag:s16] =	ssyncadd.s32 @!p1 $0xFFFFD000  }
0x2b6: {  	[hbm4b:s11+s10] =	stream.linear.scatter @!p1 [tilespmem:s14], [sflag:$0x3], $0x3000, $0x38;
	[tilespmem:$0x16580] =	vst v63  }
0x2b7: {  	_ =	swait.ge @!p1 [sflag:s15], $0x3000  }
0x2b8: {  	[sflag:s15] =	ssyncset.done @!p1 $0x0  }
0x2b9: {  	[sflag:s15] =	ssyncadd.s32 @!p1 $0xFFFFD000  }
0x2ba: {  	v27 =	vld [tilespmem:$0xC100];
	_ =	sdelay $0x2  }
0x2bb: {  	v26 =	vmov s7  }
0x2bc: {  	vm13 =	vgt.s32 v26, v7  }
0x2bd: {  	v27 =	vnsel vm13, $0x0, v27;
	_ =	sdelay $0x1  }
0x2be: {  	v28 =	vld [tilespmem:$0xC110];
	_ =	sdelay $0x2  }
0x2bf: {  	v27 =	vld.idx.msk [tilespmem:v27+s24+$0x0], $0xffff  }
0x2c0: {  	vm1 =	vgt.s32 v26, v11  }
0x2c1: {  	v28 =	vnsel vm1, $0x0, v28;
	_ =	sdelay $0x1  }
0x2c2: {  	v29 =	vld [tilespmem:$0xC120]  }
0x2c3: {  	v27 =	vnsel vm13, $0x0, v27  }
0x2c4: {  	[tilespmem:$0x10200] =	vst v27  }
0x2c5: {  	v27 =	vld.idx.msk [tilespmem:v28+s24+$0x0], $0xffff  }
0x2c6: {  	vm14 =	vgt.s32 v26, v12  }
0x2c7: {  	v28 =	vnsel vm14, $0x0, v29;
	_ =	sdelay $0x1  }
0x2c8: {  	v29 =	vld [tilespmem:$0xC130]  }
0x2c9: {  	v27 =	vnsel vm1, $0x0, v27  }
0x2ca: {  	[tilespmem:$0x10210] =	vst v27  }
0x2cb: {  	v27 =	vld.idx.msk [tilespmem:v28+s24+$0x0], $0xffff  }
0x2cc: {  	vm15 =	vgt.s32 v26, v13  }
0x2cd: {  	v28 =	vnsel vm15, $0x0, v29;
	_ =	sdelay $0x1  }
0x2ce: {  	v29 =	vld [tilespmem:$0xC140]  }
0x2cf: {  	v27 =	vnsel vm14, $0x0, v27  }
0x2d0: {  	[tilespmem:$0x10220] =	vst v27  }
0x2d1: {  	v27 =	vld.idx.msk [tilespmem:v28+s24+$0x0], $0xffff  }
0x2d2: {  	vm4 =	vgt.s32 v26, v14  }
0x2d3: {  	v28 =	vnsel vm4, $0x0, v29;
	_ =	sdelay $0x1  }
0x2d4: {  	v29 =	vld [tilespmem:$0xC150]  }
0x2d5: {  	v27 =	vnsel vm15, $0x0, v27  }
0x2d6: {  	[tilespmem:$0x10230] =	vst v27  }
0x2d7: {  	v27 =	vld.idx.msk [tilespmem:v28+s24+$0x0], $0xffff  }
0x2d8: {  	vm5 =	vgt.s32 v26, v15  }
0x2d9: {  	v28 =	vnsel vm5, $0x0, v29;
	_ =	sdelay $0x1  }
0x2da: {  	v29 =	vld [tilespmem:$0xC160]  }
0x2db: {  	v27 =	vnsel vm4, $0x0, v27  }
0x2dc: {  	[tilespmem:$0x10240] =	vst v27  }
0x2dd: {  	v27 =	vld.idx.msk [tilespmem:v28+s24+$0x0], $0xffff  }
0x2de: {  	vm6 =	vgt.s32 v26, v16  }
0x2df: {  	v28 =	vnsel vm6, $0x0, v29;
	_ =	sdelay $0x1  }
0x2e0: {  	v29 =	vld [tilespmem:$0xC170]  }
0x2e1: {  	v27 =	vnsel vm5, $0x0, v27  }
0x2e2: {  	[tilespmem:$0x10250] =	vst v27  }
0x2e3: {  	v27 =	vld.idx.msk [tilespmem:v28+s24+$0x0], $0xffff  }
0x2e4: {  	vm7 =	vgt.s32 v26, v17  }
0x2e5: {  	v28 =	vnsel vm7, $0x0, v29;
	_ =	sdelay $0x1  }
0x2e6: {  	v29 =	vld [tilespmem:$0xC180]  }
0x2e7: {  	v27 =	vnsel vm6, $0x0, v27  }
0x2e8: {  	[tilespmem:$0x10260] =	vst v27  }
0x2e9: {  	v27 =	vld.idx.msk [tilespmem:v28+s24+$0x0], $0xffff  }
0x2ea: {  	vm8 =	vgt.s32 v26, v18  }
0x2eb: {  	v28 =	vnsel vm8, $0x0, v29;
	_ =	sdelay $0x1  }
0x2ec: {  	v29 =	vld [tilespmem:$0xC190]  }
0x2ed: {  	v27 =	vnsel vm7, $0x0, v27  }
0x2ee: {  	[tilespmem:$0x10270] =	vst v27  }
0x2ef: {  	v27 =	vld.idx.msk [tilespmem:v28+s24+$0x0], $0xffff  }
0x2f0: {  	vm9 =	vgt.s32 v26, v19  }
0x2f1: {  	v28 =	vnsel vm9, $0x0, v29;
	_ =	sdelay $0x1  }
0x2f2: {  	v29 =	vld [tilespmem:$0xC1A0]  }
0x2f3: {  	v27 =	vnsel vm8, $0x0, v27  }
0x2f4: {  	[tilespmem:$0x10280] =	vst v27  }
0x2f5: {  	v27 =	vld.idx.msk [tilespmem:v28+s24+$0x0], $0xffff  }
0x2f6: {  	vm10 =	vgt.s32 v26, v20  }
0x2f7: {  	v28 =	vnsel vm10, $0x0, v29;
	_ =	sdelay $0x1  }
0x2f8: {  	v29 =	vld [tilespmem:$0xC1B0]  }
0x2f9: {  	v27 =	vnsel vm9, $0x0, v27  }
0x2fa: {  	[tilespmem:$0x10290] =	vst v27  }
0x2fb: {  	v27 =	vld.idx.msk [tilespmem:v28+s24+$0x0], $0xffff  }
0x2fc: {  	vm11 =	vgt.s32 v26, v21  }
0x2fd: {  	v28 =	vnsel vm11, $0x0, v29;
	_ =	sdelay $0x1  }
0x2fe: {  	v29 =	vld [tilespmem:$0xC1C0]  }
0x2ff: {  	v27 =	vnsel vm10, $0x0, v27  }
0x300: {  	[tilespmem:$0x102A0] =	vst v27  }
0x301: {  	v27 =	vld.idx.msk [tilespmem:v28+s24+$0x0], $0xffff  }
0x302: {  	vm12 =	vgt.s32 v26, v22  }
0x303: {  	v28 =	vnsel vm12, $0x0, v29;
	_ =	sdelay $0x1  }
0x304: {  	v29 =	vld [tilespmem:$0xC1D0]  }
0x305: {  	v27 =	vnsel vm11, $0x0, v27  }
0x306: {  	[tilespmem:$0x102B0] =	vst v27  }
0x307: {  	v27 =	vld.idx.msk [tilespmem:v28+s24+$0x0], $0xffff  }
0x308: {  	vm13 =	vgt.s32 v26, v23  }
0x309: {  	v28 =	vnsel vm13, $0x0, v29;
	_ =	sdelay $0x1  }
0x30a: {  	v29 =	vld [tilespmem:$0xC1E0]  }
0x30b: {  	v27 =	vnsel vm12, $0x0, v27  }
0x30c: {  	[tilespmem:$0x102C0] =	vst v27  }
0x30d: {  	v27 =	vld.idx.msk [tilespmem:v28+s24+$0x0], $0xffff  }
0x30e: {  	vm14 =	vgt.s32 v26, v24  }
0x30f: {  	v28 =	vnsel vm14, $0x0, v29;
	_ =	sdelay $0x1  }
0x310: {  	v29 =	vld [tilespmem:$0xC1F0]  }
0x311: {  	v27 =	vnsel vm13, $0x0, v27  }
0x312: {  	[tilespmem:$0x102D0] =	vst v27  }
0x313: {  	v27 =	vld.idx.msk [tilespmem:v28+s24+$0x0], $0xffff  }
0x314: {  	vm15 =	vgt.s32 v26, v25  }
0x315: {  	v28 =	vnsel vm15, $0x0, v29;
	_ =	sdelay $0x2  }
0x316: {  	v27 =	vnsel vm14, $0x0, v27  }
0x317: {  	[tilespmem:$0x102E0] =	vst v27  }
0x318: {  	v27 =	vld.idx.msk [tilespmem:v28+s24+$0x0], $0xffff;
	_ =	sdelay $0x4  }
0x319: {  	v27 =	vnsel vm15, $0x0, v27  }
.Ltmp12:
0x31a: {  	s10 =	simm.s32 $0x0;
	s20 =	rddreg [dreg:$0xb];
	[tilespmem:$0x102F0] =	vst v27;
	(pc) =	sbr.rel .LBB2_18-.Ltmp12, $4  }
0x31b: {  	[hbm4b:s20+s10] =	stream.linear.scatter [tilespmem:s0], [sflag:$0x3], $0x100, $0x38;
	[tilespmem:$0x16580] =	vst v63  }
0x31c: {  	_ =	swait.ge [sflag:s22], $0x100  }
0x31d: {  	s21 =	smin.u32 s7, $0x100;
	[sflag:s22] =	ssyncset.done $0x0  }
0x31e: {  	s11 =	simm.s32 $0xC140;
	v27 =	vmov s21;
	[sflag:s22] =	ssyncadd.s32 $0xFFFFFF00  }
.LBB2_20:
0x31f: {  	s10 =	sadd.s32 $0x80, s10  }
0x320: {  	p0 =	sne.s32 s10, $0x2000  }
.Ltmp13:
0x321: {  	_ = 	snop;
	(pc) =	sbr.rel @!p0 .LBB2_21-.Ltmp13, $2  }
0x322: {  	_ =	sdelay $0x2  }
0x323: {  	s11 =	sadd.s32 $0x80, s11  }
.LBB2_18:
0x324: {  	p0 =	sge.s32 s10, s7  }
.Ltmp14:
0x325: {  	_ = 	snop;
	(pc) =	sbr.rel @p0 .LBB2_20-.Ltmp14, $1  }
0x326: {  	_ =	sdelay $0x3  }
0x327: {  	v28 =	vld [tilespmem:s11+$0xFFFFFFC0];
	_ =	sdelay $0x1  }
0x328: {  	v29 =	vor.u32 s10, v7  }
0x329: {  	v30 =	vand.u32 $0x8F, v29;
	vm0 =	vlt.s32 v29, v26  }
0x32a: {  	v49 =	vand.u32 $0x18F, v29;
	vm13 =	vlt.u32 v29, v27;
	v30 =	vor.u32 $0x2000, v30  }
0x32b: {  	v29 =	vadd.s32 v4, v29;
	v28 =	vsel vm0, v28, v30;
	v30 =	vor.u32 $0x8000, v49  }
0x32c: {  	[tilespmem:$0x10300] =	vst v28;
	v28 =	vsel vm13, v29, v30  }
0x32d: {  	[tilespmem:$0x10380] =	vst v28  }
0x32e: {  	v28 =	vld [tilespmem:s11+$0xFFFFFFD0]  }
0x32f: {  	s14 =	sadd.s32 $0x10, s10  }
0x330: {  	v29 =	vor.u32 s14, v7  }
0x331: {  	v50 =	vand.u32 $0x9F, v29;
	vm14 =	vlt.s32 v29, v26  }
0x332: {  	v51 =	vand.u32 $0x19F, v29;
	vm15 =	vlt.u32 v29, v27;
	v30 =	vor.u32 $0x2000, v50  }
0x333: {  	v29 =	vadd.s32 v4, v29;
	v28 =	vsel vm14, v28, v30;
	v30 =	vor.u32 $0x8000, v51  }
0x334: {  	[tilespmem:$0x10310] =	vst v28;
	v28 =	vsel vm15, v29, v30  }
0x335: {  	[tilespmem:$0x10390] =	vst v28  }
0x336: {  	v28 =	vld [tilespmem:s11+$0xFFFFFFE0]  }
0x337: {  	s16 =	sadd.s32 $0x20, s10  }
0x338: {  	v29 =	vor.u32 s16, v7  }
0x339: {  	v52 =	vand.u32 $0xAF, v29;
	vm4 =	vlt.s32 v29, v26  }
0x33a: {  	v53 =	vand.u32 $0x1AF, v29;
	vm5 =	vlt.u32 v29, v27;
	v30 =	vor.u32 $0x2000, v52  }
0x33b: {  	v29 =	vadd.s32 v4, v29;
	v28 =	vsel vm4, v28, v30;
	v30 =	vor.u32 $0x8000, v53  }
0x33c: {  	[tilespmem:$0x10320] =	vst v28;
	v28 =	vsel vm5, v29, v30  }
0x33d: {  	[tilespmem:$0x103A0] =	vst v28  }
0x33e: {  	v28 =	vld [tilespmem:s11+$0xFFFFFFF0]  }
0x33f: {  	s17 =	sadd.s32 $0x30, s10  }
0x340: {  	v29 =	vor.u32 s17, v7  }
0x341: {  	v54 =	vand.u32 $0xBF, v29;
	vm6 =	vlt.s32 v29, v26  }
0x342: {  	v55 =	vand.u32 $0x1BF, v29;
	vm7 =	vlt.u32 v29, v27;
	v30 =	vor.u32 $0x2000, v54  }
0x343: {  	v29 =	vadd.s32 v4, v29;
	v28 =	vsel vm6, v28, v30;
	v30 =	vor.u32 $0x8000, v55  }
0x344: {  	[tilespmem:$0x10330] =	vst v28;
	v28 =	vsel vm7, v29, v30  }
0x345: {  	[tilespmem:$0x103B0] =	vst v28  }
0x346: {  	v28 =	vld [tilespmem:s11+$0x0]  }
0x347: {  	s18 =	sadd.s32 $0x40, s10  }
0x348: {  	v29 =	vor.u32 s18, v7  }
0x349: {  	v56 =	vand.u32 $0xCF, v29;
	vm8 =	vlt.s32 v29, v26  }
0x34a: {  	v57 =	vand.u32 $0x1CF, v29;
	vm9 =	vlt.u32 v29, v27;
	v30 =	vor.u32 $0x2000, v56  }
0x34b: {  	v29 =	vadd.s32 v4, v29;
	v28 =	vsel vm8, v28, v30;
	v30 =	vor.u32 $0x8000, v57  }
0x34c: {  	[tilespmem:$0x10340] =	vst v28;
	v28 =	vsel vm9, v29, v30  }
0x34d: {  	[tilespmem:$0x103C0] =	vst v28  }
0x34e: {  	v28 =	vld [tilespmem:s11+$0x10]  }
0x34f: {  	s19 =	sadd.s32 $0x50, s10  }
0x350: {  	v29 =	vor.u32 s19, v7  }
0x351: {  	v58 =	vand.u32 $0xDF, v29;
	vm10 =	vlt.s32 v29, v26  }
0x352: {  	v59 =	vand.u32 $0x1DF, v29;
	vm11 =	vlt.u32 v29, v27;
	v30 =	vor.u32 $0x2000, v58  }
0x353: {  	v29 =	vadd.s32 v4, v29;
	v28 =	vsel vm10, v28, v30;
	v30 =	vor.u32 $0x8000, v59  }
0x354: {  	[tilespmem:$0x10350] =	vst v28;
	v28 =	vsel vm11, v29, v30  }
0x355: {  	[tilespmem:$0x103D0] =	vst v28  }
0x356: {  	v28 =	vld [tilespmem:s11+$0x20]  }
0x357: {  	s20 =	sadd.s32 $0x60, s10  }
0x358: {  	v29 =	vor.u32 s20, v7  }
0x359: {  	v60 =	vand.u32 $0xEF, v29;
	vm12 =	vlt.s32 v29, v26  }
0x35a: {  	v61 =	vand.u32 $0x1EF, v29;
	vm13 =	vlt.u32 v29, v27;
	v30 =	vor.u32 $0x2000, v60  }
0x35b: {  	v29 =	vadd.s32 v4, v29;
	v28 =	vsel vm12, v28, v30;
	v30 =	vor.u32 $0x8000, v61  }
0x35c: {  	[tilespmem:$0x10360] =	vst v28;
	v28 =	vsel vm13, v29, v30  }
0x35d: {  	[tilespmem:$0x103E0] =	vst v28  }
0x35e: {  	v28 =	vld [tilespmem:s11+$0x30]  }
0x35f: {  	s21 =	sadd.s32 $0x70, s10  }
0x360: {  	v29 =	vor.u32 s21, v7  }
0x361: {  	v62 =	vand.u32 $0xFF, v29;
	vm14 =	vlt.s32 v29, v26  }
0x362: {  	v63 =	vand.u32 $0x1FF, v29;
	vm15 =	vlt.u32 v29, v27;
	v30 =	vor.u32 $0x2000, v62  }
0x363: {  	v29 =	vadd.s32 v4, v29;
	v28 =	vsel vm14, v28, v30;
	v30 =	vor.u32 $0x8000, v63  }
0x364: {  	[tilespmem:$0x10370] =	vst v28;
	v28 =	vsel vm15, v29, v30  }
.Ltmp15:
0x365: {  	[tilespmem:$0x103F0] =	vst v28;
	(pc) =	sbr.rel .LBB2_20-.Ltmp15, $4  }
0x366: {  	[hbm4b:s8+s3] =	stream.indirect.scatter [tilespmem:s26], [sflag:$0x1], $0x1, s23, s3, $0xb8;
	[tilespmem:$0x16580] =	vst v63  }
0x367: {  	_ =	swait.ge [sflag:s4], $0x80  }
0x368: {  	[sflag:s4] =	ssyncset.done $0x0  }
0x369: {  	[sflag:s4] =	ssyncadd.s32 $0xFFFFFF80  }
.LBB2_21:
0x36a: {  	s10 =	simm.s32 $0xC100;
	p0 =	sle.s32 s7, $0x0  }
0x36b: {  	v27 =	vld @!p0 [tilespmem:s10+$0x0];
	_ =	sdelay $0x1  }
0x36c: {  	s10 =	simm.s32 $0x0;
	v28 =	vlaneseq.u32 @!p0  }
0x36d: {  	v29 =	vor.u32 @!p0 s10, v28  }
0x36e: {  	vm0 =	vlt.s32 @!p0 v29, v26  }
0x36f: {  	v27 =	vsel @!p0 vm0, v27, v29  }
0x370: {  	v29 =	vshrl.u32 @!p0 v27, $0x3  }
0x371: {  	v29 =	vmul.u32 @!p0 $0x30, v29  }
0x372: {  	v30 =	vand.u32 @!p0 $0x7, v27  }
0x373: {  	v31 =	vand.u32 @!p0 $0x7, v28;
	v32 =	vshrl.u32 @!p0 v28, $0x3;
	v29 =	vor.u32 @!p0 v30, v29  }
0x374: {  	v30 =	vperm.xlane @!p0 v29, v31;
	v31 =	vmul.u32 @!p0 $0x8, v32;
	_ =	sdelay $0x1  }
0x375: {  	v30 =	vadd.s32 @!p0 v31, v30;
	_ =	sdelay $0x2  }
0x376: {  	v28 =	vor.u32 @!p0 $0x8, v28  }
0x377: {  	s11 =	simm.s32 @!p0 $0x10480;
	s10 =	simm.s32 @!p0 $0x0;
	vm0 =	vmmov @!p0 $0xffff;
	[tilespmem:$0x10400] =	vst @!p0 v27;
	v28 =	vperm.xlane @!p0 v29, v28  }
0x378: {  	[tilespmem:s11], [sflag:$0x2] =	stream.indirect_vreg.gather @!p0 [hbm4b:s1+s10], $0x80, v30, vm0, $0xb8;
	[tilespmem:$0x16580] =	vst v63  }
0x379: {  	s14 =	simm.s32 @!p0 $0x10C80;
	v27 =	vadd.s32 @!p0 v31, v28  }
0x37a: {  	[tilespmem:s14], [sflag:$0x2] =	stream.indirect_vreg.gather @!p0 [hbm4b:s12+s10], $0x80, v30, vm0, $0xb8;
	[tilespmem:$0x16580] =	vst v63  }
0x37b: {  	s14 =	simm.s32 @!p0 $0x11480  }
0x37c: {  	[tilespmem:s14], [sflag:$0x2] =	stream.indirect_vreg.gather @!p0 [hbm4b:s13+s10], $0x80, v30, vm0, $0xb8;
	[tilespmem:$0x16580] =	vst v63  }
0x37d: {  	s14 =	simm.s32 @!p0 $0x11C80  }
0x37e: {  	[tilespmem:s14], [sflag:$0x2] =	stream.indirect_vreg.gather @!p0 [hbm4b:s1+s10], $0x80, v27, vm0, $0xb8;
	[tilespmem:$0x16580] =	vst v63  }
0x37f: {  	s14 =	simm.s32 @!p0 $0x12480  }
0x380: {  	[tilespmem:s14], [sflag:$0x2] =	stream.indirect_vreg.gather @!p0 [hbm4b:s12+s10], $0x80, v27, vm0, $0xb8;
	[tilespmem:$0x16580] =	vst v63  }
0x381: {  	s15 =	simm.s32 @!p0 $0x2;
	s14 =	simm.s32 @!p0 $0x12C80  }
0x382: {  	[tilespmem:s14], [sflag:$0x2] =	stream.indirect_vreg.gather @!p0 [hbm4b:s13+s10], $0x80, v27, vm0, $0xb8;
	[tilespmem:$0x16580] =	vst v63  }
0x383: {  	_ =	swait.ge @!p0 [sflag:s15], $0x3000  }
0x384: {  	[sflag:s15] =	ssyncset.done @!p0 $0x0  }
0x385: {  	s16 =	simm.s32 @!p0 $0x3;
	s17 =	rddreg [dreg:$0x10];
	[sflag:s15] =	ssyncadd.s32 @!p0 $0xFFFFD000  }
0x386: {  	[hbm4b:s17+s10] =	stream.linear.scatter @!p0 [tilespmem:s11], [sflag:$0x3], $0x3000, $0x38;
	[tilespmem:$0x16580] =	vst v63  }
0x387: {  	s14 =	simm.s32 $0xC110;
	s15 =	simm.s32 $0x20;
	_ =	swait.ge @!p0 [sflag:s16], $0x3000  }
0x388: {  	s11 =	simm.s32 $0x10;
	s10 =	sadd.s32 $0x600, s17;
	[sflag:s16] =	ssyncset.done @!p0 $0x0  }
.LBB2_22:
0x389: {  	[sflag:s16] =	ssyncadd.s32 @!p0 $0xFFFFD000  }
0x38a: {  	p0 =	sge.s32 s11, s7;
	s16 =	smov.u32 s15;
	s15 =	sadd.s32 $0x10, s15  }
0x38b: {  	p1 =	sne.s32 s15, $0x100;
	v27 =	vlaneseq.u32 @!p0;
	v28 =	vld @!p0 [tilespmem:s14+$0x0]  }
0x38c: {  	v29 =	vor.u32 @!p0 s11, v27;
	v30 =	vand.u32 @!p0 $0x7, v27;
	v31 =	vshrl.u32 @!p0 v27, $0x3;
	s11 =	smov.u32 s16  }
0x38d: {  	v27 =	vor.u32 @!p0 $0x8, v27;
	vm0 =	vlt.s32 @!p0 v29, v26;
	_ =	sdelay $0x2  }
0x38e: {  	v28 =	vsel @!p0 vm0, v28, v29  }
0x38f: {  	v29 =	vshrl.u32 @!p0 v28, $0x3;
	v32 =	vand.u32 @!p0 $0x7, v28  }
0x390: {  	v29 =	vmul.u32 @!p0 $0x30, v29;
	_ =	sdelay $0x1  }
0x391: {  	v29 =	vor.u32 @!p0 v32, v29  }
0x392: {  	v31 =	vmul.u32 @!p0 $0x8, v31;
	v30 =	vperm.xlane @!p0 v29, v30;
	v27 =	vperm.xlane @!p0 v29, v27;
	_ =	sdelay $0x1  }
0x393: {  	v29 =	vadd.s32 @!p0 v31, v30;
	_ =	sdelay $0x3  }
0x394: {  	s17 =	simm.s32 @!p0 $0x0;
	s18 =	simm.s32 @!p0 $0x10480;
	vm0 =	vmmov @!p0 $0xffff;
	[tilespmem:$0x10400] =	vst @!p0 v28  }
0x395: {  	[tilespmem:s18], [sflag:$0x2] =	stream.indirect_vreg.gather @!p0 [hbm4b:s1+s17], $0x80, v29, vm0, $0xb8;
	[tilespmem:$0x16580] =	vst v63  }
0x396: {  	s16 =	simm.s32 @!p0 $0x10C80;
	v27 =	vadd.s32 @!p0 v31, v27  }
0x397: {  	[tilespmem:s16], [sflag:$0x2] =	stream.indirect_vreg.gather @!p0 [hbm4b:s12+s17], $0x80, v29, vm0, $0xb8;
	[tilespmem:$0x16580] =	vst v63  }
0x398: {  	s16 =	simm.s32 @!p0 $0x11480  }
0x399: {  	[tilespmem:s16], [sflag:$0x2] =	stream.indirect_vreg.gather @!p0 [hbm4b:s13+s17], $0x80, v29, vm0, $0xb8;
	[tilespmem:$0x16580] =	vst v63  }
0x39a: {  	s16 =	simm.s32 @!p0 $0x11C80  }
0x39b: {  	[tilespmem:s16], [sflag:$0x2] =	stream.indirect_vreg.gather @!p0 [hbm4b:s1+s17], $0x80, v27, vm0, $0xb8;
	[tilespmem:$0x16580] =	vst v63  }
0x39c: {  	s16 =	simm.s32 @!p0 $0x12480  }
0x39d: {  	[tilespmem:s16], [sflag:$0x2] =	stream.indirect_vreg.gather @!p0 [hbm4b:s12+s17], $0x80, v27, vm0, $0xb8;
	[tilespmem:$0x16580] =	vst v63  }
0x39e: {  	s19 =	simm.s32 @!p0 $0x2;
	s16 =	simm.s32 @!p0 $0x12C80  }
0x39f: {  	[tilespmem:s16], [sflag:$0x2] =	stream.indirect_vreg.gather @!p0 [hbm4b:s13+s17], $0x80, v27, vm0, $0xb8;
	[tilespmem:$0x16580] =	vst v63  }
0x3a0: {  	_ =	swait.ge @!p0 [sflag:s19], $0x3000  }
.Ltmp16:
0x3a1: {  	[sflag:s19] =	ssyncset.done @!p0 $0x0;
	(pc) =	sbr.rel @p1 .LBB2_22-.Ltmp16, $4  }
0x3a2: {  	s16 =	simm.s32 @!p0 $0x3;
	[sflag:s19] =	ssyncadd.s32 @!p0 $0xFFFFD000  }
0x3a3: {  	[hbm4b:s10+s17] =	stream.linear.scatter @!p0 [tilespmem:s18], [sflag:$0x3], $0x3000, $0x38;
	[tilespmem:$0x16580] =	vst v63  }
0x3a4: {  	_ =	swait.ge @!p0 [sflag:s16], $0x3000  }
0x3a5: {  	s14 =	sadd.s32 $0x10, s14;
	s10 =	sadd.s32 $0x600, s10;
	[sflag:s16] =	ssyncset.done @!p0 $0x0  }
0x3a6: {  	p1 =	sge.s32 s11, s7;
	[sflag:s16] =	ssyncadd.s32 @!p0 $0xFFFFD000  }
0x3a7: {  	v27 =	vld @!p1 [tilespmem:s14+$0x0];
	_ =	sdelay $0x1  }
0x3a8: {  	v28 =	vlaneseq.u32 @!p1  }
0x3a9: {  	v29 =	vor.u32 @!p1 s11, v28  }
0x3aa: {  	vm0 =	vlt.s32 @!p1 v29, v26  }
0x3ab: {  	v26 =	vsel @!p1 vm0, v27, v29  }
0x3ac: {  	v27 =	vshrl.u32 @!p1 v26, $0x3  }
0x3ad: {  	v27 =	vmul.u32 @!p1 $0x30, v27  }
0x3ae: {  	v29 =	vand.u32 @!p1 $0x7, v26  }
0x3af: {  	v30 =	vand.u32 @!p1 $0x7, v28;
	v31 =	vshrl.u32 @!p1 v28, $0x3;
	v27 =	vor.u32 @!p1 v29, v27  }
0x3b0: {  	v29 =	vperm.xlane @!p1 v27, v30;
	v30 =	vmul.u32 @!p1 $0x8, v31;
	_ =	sdelay $0x1  }
0x3b1: {  	v29 =	vadd.s32 @!p1 v30, v29;
	_ =	sdelay $0x2  }
0x3b2: {  	v28 =	vor.u32 @!p1 $0x8, v28  }
0x3b3: {  	s7 =	simm.s32 @!p1 $0x0;
	s11 =	simm.s32 @!p1 $0x10480;
	vm0 =	vmmov @!p1 $0xffff;
	[tilespmem:$0x10400] =	vst @!p1 v26;
	v27 =	vperm.xlane @!p1 v27, v28  }
0x3b4: {  	[tilespmem:s11], [sflag:$0x2] =	stream.indirect_vreg.gather @!p1 [hbm4b:s1+s7], $0x80, v29, vm0, $0xb8;
	[tilespmem:$0x16580] =	vst v63  }
0x3b5: {  	s14 =	simm.s32 @!p1 $0x10C80;
	v26 =	vadd.s32 @!p1 v30, v27  }
0x3b6: {  	[tilespmem:s14], [sflag:$0x2] =	stream.indirect_vreg.gather @!p1 [hbm4b:s12+s7], $0x80, v29, vm0, $0xb8;
	[tilespmem:$0x16580] =	vst v63  }
0x3b7: {  	s14 =	simm.s32 @!p1 $0x11480  }
0x3b8: {  	[tilespmem:s14], [sflag:$0x2] =	stream.indirect_vreg.gather @!p1 [hbm4b:s13+s7], $0x80, v29, vm0, $0xb8;
	[tilespmem:$0x16580] =	vst v63  }
0x3b9: {  	s14 =	simm.s32 @!p1 $0x11C80  }
0x3ba: {  	[tilespmem:s14], [sflag:$0x2] =	stream.indirect_vreg.gather @!p1 [hbm4b:s1+s7], $0x80, v26, vm0, $0xb8;
	[tilespmem:$0x16580] =	vst v63  }
0x3bb: {  	s14 =	simm.s32 @!p1 $0x12480  }
0x3bc: {  	[tilespmem:s14], [sflag:$0x2] =	stream.indirect_vreg.gather @!p1 [hbm4b:s12+s7], $0x80, v26, vm0, $0xb8;
	[tilespmem:$0x16580] =	vst v63  }
0x3bd: {  	s15 =	simm.s32 @!p1 $0x2;
	s14 =	simm.s32 @!p1 $0x12C80  }
0x3be: {  	[tilespmem:s14], [sflag:$0x2] =	stream.indirect_vreg.gather @!p1 [hbm4b:s13+s7], $0x80, v26, vm0, $0xb8;
	[tilespmem:$0x16580] =	vst v63  }
0x3bf: {  	_ =	swait.ge @!p1 [sflag:s15], $0x3000  }
0x3c0: {  	[sflag:s15] =	ssyncset.done @!p1 $0x0  }
0x3c1: {  	s14 =	simm.s32 @!p1 $0x3;
	[sflag:s15] =	ssyncadd.s32 @!p1 $0xFFFFD000  }
0x3c2: {  	[hbm4b:s10+s7] =	stream.linear.scatter @!p1 [tilespmem:s11], [sflag:$0x3], $0x3000, $0x38;
	[tilespmem:$0x16580] =	vst v63  }
0x3c3: {  	_ =	swait.ge @!p1 [sflag:s14], $0x3000  }
0x3c4: {  	[sflag:s14] =	ssyncset.done @!p1 $0x0  }
0x3c5: {  	[sflag:s14] =	ssyncadd.s32 @!p1 $0xFFFFD000  }
0x3c6: {  	v27 =	vld [tilespmem:$0xE180];
	_ =	sdelay $0x2  }
0x3c7: {  	v26 =	vmov s6  }
0x3c8: {  	vm13 =	vgt.s32 v26, v7  }
0x3c9: {  	v27 =	vnsel vm13, $0x0, v27;
	_ =	sdelay $0x1  }
0x3ca: {  	v28 =	vld [tilespmem:$0xE190];
	_ =	sdelay $0x2  }
0x3cb: {  	v27 =	vld.idx.msk [tilespmem:v27+s25+$0x0], $0xffff  }
0x3cc: {  	vm1 =	vgt.s32 v26, v11  }
0x3cd: {  	v28 =	vnsel vm1, $0x0, v28;
	_ =	sdelay $0x1  }
0x3ce: {  	v29 =	vld [tilespmem:$0xE1A0]  }
0x3cf: {  	v27 =	vnsel vm13, $0x0, v27  }
0x3d0: {  	[tilespmem:$0x10200] =	vst v27  }
0x3d1: {  	v27 =	vld.idx.msk [tilespmem:v28+s25+$0x0], $0xffff  }
0x3d2: {  	vm14 =	vgt.s32 v26, v12  }
0x3d3: {  	v28 =	vnsel vm14, $0x0, v29;
	_ =	sdelay $0x1  }
0x3d4: {  	v29 =	vld [tilespmem:$0xE1B0]  }
0x3d5: {  	v27 =	vnsel vm1, $0x0, v27  }
0x3d6: {  	[tilespmem:$0x10210] =	vst v27  }
0x3d7: {  	v27 =	vld.idx.msk [tilespmem:v28+s25+$0x0], $0xffff  }
0x3d8: {  	vm15 =	vgt.s32 v26, v13  }
0x3d9: {  	v28 =	vnsel vm15, $0x0, v29;
	_ =	sdelay $0x1  }
0x3da: {  	v29 =	vld [tilespmem:$0xE1C0]  }
0x3db: {  	v27 =	vnsel vm14, $0x0, v27  }
0x3dc: {  	[tilespmem:$0x10220] =	vst v27  }
0x3dd: {  	v27 =	vld.idx.msk [tilespmem:v28+s25+$0x0], $0xffff  }
0x3de: {  	vm4 =	vgt.s32 v26, v14  }
0x3df: {  	v28 =	vnsel vm4, $0x0, v29;
	_ =	sdelay $0x1  }
0x3e0: {  	v29 =	vld [tilespmem:$0xE1D0]  }
0x3e1: {  	v27 =	vnsel vm15, $0x0, v27  }
0x3e2: {  	[tilespmem:$0x10230] =	vst v27  }
0x3e3: {  	v27 =	vld.idx.msk [tilespmem:v28+s25+$0x0], $0xffff  }
0x3e4: {  	vm5 =	vgt.s32 v26, v15  }
0x3e5: {  	v28 =	vnsel vm5, $0x0, v29;
	_ =	sdelay $0x1  }
0x3e6: {  	v29 =	vld [tilespmem:$0xE1E0]  }
0x3e7: {  	v27 =	vnsel vm4, $0x0, v27  }
0x3e8: {  	[tilespmem:$0x10240] =	vst v27  }
0x3e9: {  	v27 =	vld.idx.msk [tilespmem:v28+s25+$0x0], $0xffff  }
0x3ea: {  	vm6 =	vgt.s32 v26, v16  }
0x3eb: {  	v28 =	vnsel vm6, $0x0, v29;
	_ =	sdelay $0x1  }
0x3ec: {  	v29 =	vld [tilespmem:$0xE1F0]  }
0x3ed: {  	v27 =	vnsel vm5, $0x0, v27  }
0x3ee: {  	[tilespmem:$0x10250] =	vst v27  }
0x3ef: {  	v27 =	vld.idx.msk [tilespmem:v28+s25+$0x0], $0xffff  }
0x3f0: {  	vm7 =	vgt.s32 v26, v17  }
0x3f1: {  	v28 =	vnsel vm7, $0x0, v29;
	_ =	sdelay $0x1  }
0x3f2: {  	v29 =	vld [tilespmem:$0xE200]  }
0x3f3: {  	v27 =	vnsel vm6, $0x0, v27  }
0x3f4: {  	[tilespmem:$0x10260] =	vst v27  }
0x3f5: {  	v27 =	vld.idx.msk [tilespmem:v28+s25+$0x0], $0xffff  }
0x3f6: {  	vm8 =	vgt.s32 v26, v18  }
0x3f7: {  	v28 =	vnsel vm8, $0x0, v29;
	_ =	sdelay $0x1  }
0x3f8: {  	v29 =	vld [tilespmem:$0xE210]  }
0x3f9: {  	v27 =	vnsel vm7, $0x0, v27  }
0x3fa: {  	[tilespmem:$0x10270] =	vst v27  }
0x3fb: {  	v27 =	vld.idx.msk [tilespmem:v28+s25+$0x0], $0xffff  }
0x3fc: {  	vm9 =	vgt.s32 v26, v19  }
0x3fd: {  	v28 =	vnsel vm9, $0x0, v29;
	_ =	sdelay $0x1  }
0x3fe: {  	v29 =	vld [tilespmem:$0xE220]  }
0x3ff: {  	v27 =	vnsel vm8, $0x0, v27  }
0x400: {  	[tilespmem:$0x10280] =	vst v27  }
0x401: {  	v27 =	vld.idx.msk [tilespmem:v28+s25+$0x0], $0xffff  }
0x402: {  	vm10 =	vgt.s32 v26, v20  }
0x403: {  	v28 =	vnsel vm10, $0x0, v29;
	_ =	sdelay $0x1  }
0x404: {  	v29 =	vld [tilespmem:$0xE230]  }
0x405: {  	v27 =	vnsel vm9, $0x0, v27  }
0x406: {  	[tilespmem:$0x10290] =	vst v27  }
0x407: {  	v27 =	vld.idx.msk [tilespmem:v28+s25+$0x0], $0xffff  }
0x408: {  	vm11 =	vgt.s32 v26, v21  }
0x409: {  	v28 =	vnsel vm11, $0x0, v29;
	_ =	sdelay $0x1  }
0x40a: {  	v29 =	vld [tilespmem:$0xE240]  }
0x40b: {  	v27 =	vnsel vm10, $0x0, v27  }
0x40c: {  	[tilespmem:$0x102A0] =	vst v27  }
0x40d: {  	v27 =	vld.idx.msk [tilespmem:v28+s25+$0x0], $0xffff  }
0x40e: {  	vm12 =	vgt.s32 v26, v22  }
0x40f: {  	v28 =	vnsel vm12, $0x0, v29;
	_ =	sdelay $0x1  }
0x410: {  	v29 =	vld [tilespmem:$0xE250]  }
0x411: {  	v27 =	vnsel vm11, $0x0, v27  }
0x412: {  	[tilespmem:$0x102B0] =	vst v27  }
0x413: {  	v27 =	vld.idx.msk [tilespmem:v28+s25+$0x0], $0xffff  }
0x414: {  	vm13 =	vgt.s32 v26, v23  }
0x415: {  	v28 =	vnsel vm13, $0x0, v29;
	_ =	sdelay $0x1  }
0x416: {  	v29 =	vld [tilespmem:$0xE260]  }
0x417: {  	v27 =	vnsel vm12, $0x0, v27  }
0x418: {  	[tilespmem:$0x102C0] =	vst v27  }
0x419: {  	v27 =	vld.idx.msk [tilespmem:v28+s25+$0x0], $0xffff  }
0x41a: {  	vm14 =	vgt.s32 v26, v24  }
0x41b: {  	v28 =	vnsel vm14, $0x0, v29;
	_ =	sdelay $0x1  }
0x41c: {  	v29 =	vld [tilespmem:$0xE270]  }
0x41d: {  	v27 =	vnsel vm13, $0x0, v27  }
0x41e: {  	[tilespmem:$0x102D0] =	vst v27  }
0x41f: {  	v27 =	vld.idx.msk [tilespmem:v28+s25+$0x0], $0xffff  }
0x420: {  	vm15 =	vgt.s32 v26, v25  }
0x421: {  	v28 =	vnsel vm15, $0x0, v29;
	_ =	sdelay $0x2  }
0x422: {  	v27 =	vnsel vm14, $0x0, v27  }
0x423: {  	[tilespmem:$0x102E0] =	vst v27  }
0x424: {  	v27 =	vld.idx.msk [tilespmem:v28+s25+$0x0], $0xffff;
	_ =	sdelay $0x4  }
0x425: {  	v27 =	vnsel vm15, $0x0, v27  }
.Ltmp17:
0x426: {  	s7 =	simm.s32 $0x0;
	s20 =	rddreg [dreg:$0xc];
	[tilespmem:$0x102F0] =	vst v27;
	(pc) =	sbr.rel .LBB2_24-.Ltmp17, $4  }
0x427: {  	[hbm4b:s20+s7] =	stream.linear.scatter [tilespmem:s0], [sflag:$0x3], $0x100, $0x38;
	[tilespmem:$0x16580] =	vst v63  }
0x428: {  	_ =	swait.ge [sflag:s22], $0x100  }
0x429: {  	s21 =	smin.u32 s6, $0x100;
	[sflag:s22] =	ssyncset.done $0x0  }
0x42a: {  	s10 =	simm.s32 $0xE1C0;
	v27 =	vmov s21;
	[sflag:s22] =	ssyncadd.s32 $0xFFFFFF00  }
.LBB2_26:
0x42b: {  	s7 =	sadd.s32 $0x80, s7  }
0x42c: {  	p0 =	sne.s32 s7, $0x2000  }
.Ltmp18:
0x42d: {  	_ = 	snop;
	(pc) =	sbr.rel @!p0 .LBB2_27-.Ltmp18, $2  }
0x42e: {  	_ =	sdelay $0x2  }
0x42f: {  	s10 =	sadd.s32 $0x80, s10  }
.LBB2_24:
0x430: {  	p0 =	sge.s32 s7, s6  }
.Ltmp19:
0x431: {  	_ = 	snop;
	(pc) =	sbr.rel @p0 .LBB2_26-.Ltmp19, $1  }
0x432: {  	_ =	sdelay $0x3  }
0x433: {  	v28 =	vld [tilespmem:s10+$0xFFFFFFC0];
	_ =	sdelay $0x1  }
0x434: {  	v29 =	vor.u32 s7, v7  }
0x435: {  	v30 =	vand.u32 $0x8F, v29;
	vm0 =	vlt.s32 v29, v26  }
0x436: {  	v49 =	vand.u32 $0x18F, v29;
	vm13 =	vlt.u32 v29, v27;
	v30 =	vor.u32 $0x2000, v30  }
0x437: {  	v29 =	vadd.s32 v5, v29;
	v28 =	vsel vm0, v28, v30;
	v30 =	vor.u32 $0x8000, v49  }
0x438: {  	[tilespmem:$0x10300] =	vst v28;
	v28 =	vsel vm13, v29, v30  }
0x439: {  	[tilespmem:$0x10380] =	vst v28  }
0x43a: {  	v28 =	vld [tilespmem:s10+$0xFFFFFFD0]  }
0x43b: {  	s11 =	sadd.s32 $0x10, s7  }
0x43c: {  	v29 =	vor.u32 s11, v7  }
0x43d: {  	v50 =	vand.u32 $0x9F, v29;
	vm14 =	vlt.s32 v29, v26  }
0x43e: {  	v51 =	vand.u32 $0x19F, v29;
	vm15 =	vlt.u32 v29, v27;
	v30 =	vor.u32 $0x2000, v50  }
0x43f: {  	v29 =	vadd.s32 v5, v29;
	v28 =	vsel vm14, v28, v30;
	v30 =	vor.u32 $0x8000, v51  }
0x440: {  	[tilespmem:$0x10310] =	vst v28;
	v28 =	vsel vm15, v29, v30  }
0x441: {  	[tilespmem:$0x10390] =	vst v28  }
0x442: {  	v28 =	vld [tilespmem:s10+$0xFFFFFFE0]  }
0x443: {  	s16 =	sadd.s32 $0x20, s7  }
0x444: {  	v29 =	vor.u32 s16, v7  }
0x445: {  	v52 =	vand.u32 $0xAF, v29;
	vm4 =	vlt.s32 v29, v26  }
0x446: {  	v53 =	vand.u32 $0x1AF, v29;
	vm5 =	vlt.u32 v29, v27;
	v30 =	vor.u32 $0x2000, v52  }
0x447: {  	v29 =	vadd.s32 v5, v29;
	v28 =	vsel vm4, v28, v30;
	v30 =	vor.u32 $0x8000, v53  }
0x448: {  	[tilespmem:$0x10320] =	vst v28;
	v28 =	vsel vm5, v29, v30  }
0x449: {  	[tilespmem:$0x103A0] =	vst v28  }
0x44a: {  	v28 =	vld [tilespmem:s10+$0xFFFFFFF0]  }
0x44b: {  	s17 =	sadd.s32 $0x30, s7  }
0x44c: {  	v29 =	vor.u32 s17, v7  }
0x44d: {  	v54 =	vand.u32 $0xBF, v29;
	vm6 =	vlt.s32 v29, v26  }
0x44e: {  	v55 =	vand.u32 $0x1BF, v29;
	vm7 =	vlt.u32 v29, v27;
	v30 =	vor.u32 $0x2000, v54  }
0x44f: {  	v29 =	vadd.s32 v5, v29;
	v28 =	vsel vm6, v28, v30;
	v30 =	vor.u32 $0x8000, v55  }
0x450: {  	[tilespmem:$0x10330] =	vst v28;
	v28 =	vsel vm7, v29, v30  }
0x451: {  	[tilespmem:$0x103B0] =	vst v28  }
0x452: {  	v28 =	vld [tilespmem:s10+$0x0]  }
0x453: {  	s18 =	sadd.s32 $0x40, s7  }
0x454: {  	v29 =	vor.u32 s18, v7  }
0x455: {  	v56 =	vand.u32 $0xCF, v29;
	vm8 =	vlt.s32 v29, v26  }
0x456: {  	v57 =	vand.u32 $0x1CF, v29;
	vm9 =	vlt.u32 v29, v27;
	v30 =	vor.u32 $0x2000, v56  }
0x457: {  	v29 =	vadd.s32 v5, v29;
	v28 =	vsel vm8, v28, v30;
	v30 =	vor.u32 $0x8000, v57  }
0x458: {  	[tilespmem:$0x10340] =	vst v28;
	v28 =	vsel vm9, v29, v30  }
0x459: {  	[tilespmem:$0x103C0] =	vst v28  }
0x45a: {  	v28 =	vld [tilespmem:s10+$0x10]  }
0x45b: {  	s19 =	sadd.s32 $0x50, s7  }
0x45c: {  	v29 =	vor.u32 s19, v7  }
0x45d: {  	v58 =	vand.u32 $0xDF, v29;
	vm10 =	vlt.s32 v29, v26  }
0x45e: {  	v59 =	vand.u32 $0x1DF, v29;
	vm11 =	vlt.u32 v29, v27;
	v30 =	vor.u32 $0x2000, v58  }
0x45f: {  	v29 =	vadd.s32 v5, v29;
	v28 =	vsel vm10, v28, v30;
	v30 =	vor.u32 $0x8000, v59  }
0x460: {  	[tilespmem:$0x10350] =	vst v28;
	v28 =	vsel vm11, v29, v30  }
0x461: {  	[tilespmem:$0x103D0] =	vst v28  }
0x462: {  	v28 =	vld [tilespmem:s10+$0x20]  }
0x463: {  	s20 =	sadd.s32 $0x60, s7  }
0x464: {  	v29 =	vor.u32 s20, v7  }
0x465: {  	v60 =	vand.u32 $0xEF, v29;
	vm12 =	vlt.s32 v29, v26  }
0x466: {  	v61 =	vand.u32 $0x1EF, v29;
	vm13 =	vlt.u32 v29, v27;
	v30 =	vor.u32 $0x2000, v60  }
0x467: {  	v29 =	vadd.s32 v5, v29;
	v28 =	vsel vm12, v28, v30;
	v30 =	vor.u32 $0x8000, v61  }
0x468: {  	[tilespmem:$0x10360] =	vst v28;
	v28 =	vsel vm13, v29, v30  }
0x469: {  	[tilespmem:$0x103E0] =	vst v28  }
0x46a: {  	v28 =	vld [tilespmem:s10+$0x30]  }
0x46b: {  	s21 =	sadd.s32 $0x70, s7  }
0x46c: {  	v29 =	vor.u32 s21, v7  }
0x46d: {  	v62 =	vand.u32 $0xFF, v29;
	vm14 =	vlt.s32 v29, v26  }
0x46e: {  	v63 =	vand.u32 $0x1FF, v29;
	vm15 =	vlt.u32 v29, v27;
	v30 =	vor.u32 $0x2000, v62  }
0x46f: {  	v29 =	vadd.s32 v5, v29;
	v28 =	vsel vm14, v28, v30;
	v30 =	vor.u32 $0x8000, v63  }
0x470: {  	[tilespmem:$0x10370] =	vst v28;
	v28 =	vsel vm15, v29, v30  }
.Ltmp20:
0x471: {  	[tilespmem:$0x103F0] =	vst v28;
	(pc) =	sbr.rel .LBB2_26-.Ltmp20, $4  }
0x472: {  	[hbm4b:s9+s3] =	stream.indirect.scatter [tilespmem:s26], [sflag:$0x1], $0x1, s23, s3, $0xb8;
	[tilespmem:$0x16580] =	vst v63  }
0x473: {  	_ =	swait.ge [sflag:s4], $0x80  }
0x474: {  	[sflag:s4] =	ssyncset.done $0x0  }
0x475: {  	[sflag:s4] =	ssyncadd.s32 $0xFFFFFF80  }
.LBB2_27:
0x476: {  	s7 =	simm.s32 $0xE180;
	p0 =	sle.s32 s6, $0x0  }
0x477: {  	v27 =	vld @!p0 [tilespmem:s7+$0x0];
	_ =	sdelay $0x1  }
0x478: {  	s7 =	simm.s32 $0x0;
	v28 =	vlaneseq.u32 @!p0  }
0x479: {  	v29 =	vor.u32 @!p0 s7, v28  }
0x47a: {  	vm0 =	vlt.s32 @!p0 v29, v26  }
0x47b: {  	v27 =	vsel @!p0 vm0, v27, v29  }
0x47c: {  	v29 =	vshrl.u32 @!p0 v27, $0x3  }
0x47d: {  	v29 =	vmul.u32 @!p0 $0x30, v29  }
0x47e: {  	v30 =	vand.u32 @!p0 $0x7, v27  }
0x47f: {  	v31 =	vand.u32 @!p0 $0x7, v28;
	v32 =	vshrl.u32 @!p0 v28, $0x3;
	v29 =	vor.u32 @!p0 v30, v29  }
0x480: {  	v30 =	vperm.xlane @!p0 v29, v31;
	v31 =	vmul.u32 @!p0 $0x8, v32;
	_ =	sdelay $0x1  }
0x481: {  	v30 =	vadd.s32 @!p0 v31, v30;
	_ =	sdelay $0x2  }
0x482: {  	v28 =	vor.u32 @!p0 $0x8, v28  }
0x483: {  	s10 =	simm.s32 @!p0 $0x10480;
	s7 =	simm.s32 @!p0 $0x0;
	vm0 =	vmmov @!p0 $0xffff;
	[tilespmem:$0x10400] =	vst @!p0 v27;
	v28 =	vperm.xlane @!p0 v29, v28  }
0x484: {  	[tilespmem:s10], [sflag:$0x2] =	stream.indirect_vreg.gather @!p0 [hbm4b:s1+s7], $0x80, v30, vm0, $0xb8;
	[tilespmem:$0x16580] =	vst v63  }
0x485: {  	s11 =	simm.s32 @!p0 $0x10C80;
	v27 =	vadd.s32 @!p0 v31, v28  }
0x486: {  	[tilespmem:s11], [sflag:$0x2] =	stream.indirect_vreg.gather @!p0 [hbm4b:s12+s7], $0x80, v30, vm0, $0xb8;
	[tilespmem:$0x16580] =	vst v63  }
0x487: {  	s11 =	simm.s32 @!p0 $0x11480  }
0x488: {  	[tilespmem:s11], [sflag:$0x2] =	stream.indirect_vreg.gather @!p0 [hbm4b:s13+s7], $0x80, v30, vm0, $0xb8;
	[tilespmem:$0x16580] =	vst v63  }
0x489: {  	s11 =	simm.s32 @!p0 $0x11C80  }
0x48a: {  	[tilespmem:s11], [sflag:$0x2] =	stream.indirect_vreg.gather @!p0 [hbm4b:s1+s7], $0x80, v27, vm0, $0xb8;
	[tilespmem:$0x16580] =	vst v63  }
0x48b: {  	s11 =	simm.s32 @!p0 $0x12480  }
0x48c: {  	[tilespmem:s11], [sflag:$0x2] =	stream.indirect_vreg.gather @!p0 [hbm4b:s12+s7], $0x80, v27, vm0, $0xb8;
	[tilespmem:$0x16580] =	vst v63  }
0x48d: {  	s14 =	simm.s32 @!p0 $0x2;
	s11 =	simm.s32 @!p0 $0x12C80  }
0x48e: {  	[tilespmem:s11], [sflag:$0x2] =	stream.indirect_vreg.gather @!p0 [hbm4b:s13+s7], $0x80, v27, vm0, $0xb8;
	[tilespmem:$0x16580] =	vst v63  }
0x48f: {  	_ =	swait.ge @!p0 [sflag:s14], $0x3000  }
0x490: {  	[sflag:s14] =	ssyncset.done @!p0 $0x0  }
0x491: {  	s15 =	simm.s32 @!p0 $0x3;
	s16 =	rddreg [dreg:$0x11];
	[sflag:s14] =	ssyncadd.s32 @!p0 $0xFFFFD000  }
0x492: {  	[hbm4b:s16+s7] =	stream.linear.scatter @!p0 [tilespmem:s10], [sflag:$0x3], $0x3000, $0x38;
	[tilespmem:$0x16580] =	vst v63  }
0x493: {  	s11 =	simm.s32 $0xE190;
	s14 =	simm.s32 $0x20;
	_ =	swait.ge @!p0 [sflag:s15], $0x3000  }
0x494: {  	s10 =	simm.s32 $0x10;
	s7 =	sadd.s32 $0x600, s16;
	[sflag:s15] =	ssyncset.done @!p0 $0x0  }
.LBB2_28:
0x495: {  	[sflag:s15] =	ssyncadd.s32 @!p0 $0xFFFFD000  }
0x496: {  	p0 =	sge.s32 s10, s6;
	s15 =	smov.u32 s14;
	s14 =	sadd.s32 $0x10, s14  }
0x497: {  	p1 =	sne.s32 s14, $0x100;
	v27 =	vlaneseq.u32 @!p0;
	v28 =	vld @!p0 [tilespmem:s11+$0x0]  }
0x498: {  	v29 =	vor.u32 @!p0 s10, v27;
	v30 =	vand.u32 @!p0 $0x7, v27;
	v31 =	vshrl.u32 @!p0 v27, $0x3;
	s10 =	smov.u32 s15  }
0x499: {  	v27 =	vor.u32 @!p0 $0x8, v27;
	vm0 =	vlt.s32 @!p0 v29, v26;
	_ =	sdelay $0x2  }
0x49a: {  	v28 =	vsel @!p0 vm0, v28, v29  }
0x49b: {  	v29 =	vshrl.u32 @!p0 v28, $0x3;
	v32 =	vand.u32 @!p0 $0x7, v28  }
0x49c: {  	v29 =	vmul.u32 @!p0 $0x30, v29;
	_ =	sdelay $0x1  }
0x49d: {  	v29 =	vor.u32 @!p0 v32, v29  }
0x49e: {  	v31 =	vmul.u32 @!p0 $0x8, v31;
	v30 =	vperm.xlane @!p0 v29, v30;
	v27 =	vperm.xlane @!p0 v29, v27;
	_ =	sdelay $0x1  }
0x49f: {  	v29 =	vadd.s32 @!p0 v31, v30;
	_ =	sdelay $0x3  }
0x4a0: {  	s16 =	simm.s32 @!p0 $0x0;
	s17 =	simm.s32 @!p0 $0x10480;
	vm0 =	vmmov @!p0 $0xffff;
	[tilespmem:$0x10400] =	vst @!p0 v28  }
0x4a1: {  	[tilespmem:s17], [sflag:$0x2] =	stream.indirect_vreg.gather @!p0 [hbm4b:s1+s16], $0x80, v29, vm0, $0xb8;
	[tilespmem:$0x16580] =	vst v63  }
0x4a2: {  	s15 =	simm.s32 @!p0 $0x10C80;
	v27 =	vadd.s32 @!p0 v31, v27  }
0x4a3: {  	[tilespmem:s15], [sflag:$0x2] =	stream.indirect_vreg.gather @!p0 [hbm4b:s12+s16], $0x80, v29, vm0, $0xb8;
	[tilespmem:$0x16580] =	vst v63  }
0x4a4: {  	s15 =	simm.s32 @!p0 $0x11480  }
0x4a5: {  	[tilespmem:s15], [sflag:$0x2] =	stream.indirect_vreg.gather @!p0 [hbm4b:s13+s16], $0x80, v29, vm0, $0xb8;
	[tilespmem:$0x16580] =	vst v63  }
0x4a6: {  	s15 =	simm.s32 @!p0 $0x11C80  }
0x4a7: {  	[tilespmem:s15], [sflag:$0x2] =	stream.indirect_vreg.gather @!p0 [hbm4b:s1+s16], $0x80, v27, vm0, $0xb8;
	[tilespmem:$0x16580] =	vst v63  }
0x4a8: {  	s15 =	simm.s32 @!p0 $0x12480  }
0x4a9: {  	[tilespmem:s15], [sflag:$0x2] =	stream.indirect_vreg.gather @!p0 [hbm4b:s12+s16], $0x80, v27, vm0, $0xb8;
	[tilespmem:$0x16580] =	vst v63  }
0x4aa: {  	s18 =	simm.s32 @!p0 $0x2;
	s15 =	simm.s32 @!p0 $0x12C80  }
0x4ab: {  	[tilespmem:s15], [sflag:$0x2] =	stream.indirect_vreg.gather @!p0 [hbm4b:s13+s16], $0x80, v27, vm0, $0xb8;
	[tilespmem:$0x16580] =	vst v63  }
0x4ac: {  	_ =	swait.ge @!p0 [sflag:s18], $0x3000  }
.Ltmp21:
0x4ad: {  	[sflag:s18] =	ssyncset.done @!p0 $0x0;
	(pc) =	sbr.rel @p1 .LBB2_28-.Ltmp21, $4  }
0x4ae: {  	s15 =	simm.s32 @!p0 $0x3;
	[sflag:s18] =	ssyncadd.s32 @!p0 $0xFFFFD000  }
0x4af: {  	[hbm4b:s7+s16] =	stream.linear.scatter @!p0 [tilespmem:s17], [sflag:$0x3], $0x3000, $0x38;
	[tilespmem:$0x16580] =	vst v63  }
0x4b0: {  	_ =	swait.ge @!p0 [sflag:s15], $0x3000  }
0x4b1: {  	s11 =	sadd.s32 $0x10, s11;
	s7 =	sadd.s32 $0x600, s7;
	[sflag:s15] =	ssyncset.done @!p0 $0x0  }
0x4b2: {  	p1 =	sge.s32 s10, s6;
	[sflag:s15] =	ssyncadd.s32 @!p0 $0xFFFFD000  }
0x4b3: {  	v27 =	vld @!p1 [tilespmem:s11+$0x0];
	_ =	sdelay $0x1  }
0x4b4: {  	v28 =	vlaneseq.u32 @!p1  }
0x4b5: {  	v29 =	vor.u32 @!p1 s10, v28  }
0x4b6: {  	vm0 =	vlt.s32 @!p1 v29, v26  }
0x4b7: {  	v26 =	vsel @!p1 vm0, v27, v29  }
0x4b8: {  	v27 =	vshrl.u32 @!p1 v26, $0x3  }
0x4b9: {  	v27 =	vmul.u32 @!p1 $0x30, v27  }
0x4ba: {  	v29 =	vand.u32 @!p1 $0x7, v26  }
0x4bb: {  	v30 =	vand.u32 @!p1 $0x7, v28;
	v31 =	vshrl.u32 @!p1 v28, $0x3;
	v27 =	vor.u32 @!p1 v29, v27  }
0x4bc: {  	v29 =	vperm.xlane @!p1 v27, v30;
	v30 =	vmul.u32 @!p1 $0x8, v31;
	_ =	sdelay $0x1  }
0x4bd: {  	v29 =	vadd.s32 @!p1 v30, v29;
	_ =	sdelay $0x2  }
0x4be: {  	v28 =	vor.u32 @!p1 $0x8, v28  }
0x4bf: {  	s6 =	simm.s32 @!p1 $0x0;
	s10 =	simm.s32 @!p1 $0x10480;
	vm0 =	vmmov @!p1 $0xffff;
	[tilespmem:$0x10400] =	vst @!p1 v26;
	v27 =	vperm.xlane @!p1 v27, v28  }
0x4c0: {  	[tilespmem:s10], [sflag:$0x2] =	stream.indirect_vreg.gather @!p1 [hbm4b:s1+s6], $0x80, v29, vm0, $0xb8;
	[tilespmem:$0x16580] =	vst v63  }
0x4c1: {  	s11 =	simm.s32 @!p1 $0x10C80;
	v26 =	vadd.s32 @!p1 v30, v27  }
0x4c2: {  	[tilespmem:s11], [sflag:$0x2] =	stream.indirect_vreg.gather @!p1 [hbm4b:s12+s6], $0x80, v29, vm0, $0xb8;
	[tilespmem:$0x16580] =	vst v63  }
0x4c3: {  	s11 =	simm.s32 @!p1 $0x11480  }
0x4c4: {  	[tilespmem:s11], [sflag:$0x2] =	stream.indirect_vreg.gather @!p1 [hbm4b:s13+s6], $0x80, v29, vm0, $0xb8;
	[tilespmem:$0x16580] =	vst v63  }
0x4c5: {  	s11 =	simm.s32 @!p1 $0x11C80  }
0x4c6: {  	[tilespmem:s11], [sflag:$0x2] =	stream.indirect_vreg.gather @!p1 [hbm4b:s1+s6], $0x80, v26, vm0, $0xb8;
	[tilespmem:$0x16580] =	vst v63  }
0x4c7: {  	s11 =	simm.s32 @!p1 $0x12480  }
0x4c8: {  	[tilespmem:s11], [sflag:$0x2] =	stream.indirect_vreg.gather @!p1 [hbm4b:s12+s6], $0x80, v26, vm0, $0xb8;
	[tilespmem:$0x16580] =	vst v63  }
0x4c9: {  	s14 =	simm.s32 @!p1 $0x2;
	s11 =	simm.s32 @!p1 $0x12C80  }
0x4ca: {  	[tilespmem:s11], [sflag:$0x2] =	stream.indirect_vreg.gather @!p1 [hbm4b:s13+s6], $0x80, v26, vm0, $0xb8;
	[tilespmem:$0x16580] =	vst v63  }
0x4cb: {  	_ =	swait.ge @!p1 [sflag:s14], $0x3000  }
0x4cc: {  	[sflag:s14] =	ssyncset.done @!p1 $0x0  }
0x4cd: {  	s11 =	simm.s32 @!p1 $0x3;
	[sflag:s14] =	ssyncadd.s32 @!p1 $0xFFFFD000  }
0x4ce: {  	[hbm4b:s7+s6] =	stream.linear.scatter @!p1 [tilespmem:s10], [sflag:$0x3], $0x3000, $0x38;
	[tilespmem:$0x16580] =	vst v63  }
0x4cf: {  	_ =	swait.ge @!p1 [sflag:s11], $0x3000  }
0x4d0: {  	s5 =	sadd.s32 $0x1, s5;
	s21 =	rddreg [dreg:$0xd]  }
0x4d1: {  	p0 =	sne.s32 s5, s21  }
.Ltmp22:
0x4d2: {  	_ = 	snop;
	(pc) =	sbr.rel @p0 .LBB2_1-.Ltmp22, $3  }
0x4d3: {  	_ =	sdelay $0x1  }
0x4d4: {  	[sflag:s11] =	ssyncset.done @!p1 $0x0  }
0x4d5: {  	[sflag:s11] =	ssyncadd.s32 @!p1 $0xFFFFD000  }
0x4d6: {  	_ =	sfence.sel $0x180000  }
0x4d7: {  	[bflag:$0x0] =	sbarrier.arrive $0xFFFF  }
0x4d8: {  	_ =	strace $0x90000047  }
0x4d9: {  	s0 =	stileid.u32;
	[bflag:$0x2] =	sbarrier.arrive $0xFFFF  }
0x4da: {  	p0 =	sne.s32 s0, $0x0;
	s0 =	rddreg [dreg:$0x3]  }
0x4db: {  	s0 =	sadd.s32 @!p0 $0x100000, s0  }
0x4dc: {  	[sflag:s0] =	ssyncadd.tile.s32 @!p0 $0x1;
	_ =	shalt  }
.Lfunc_end2:
_tile_overlayer_lowered:
.L_overlay_start_2:
0x4dd: {  	(tag) =	ssettag $0x2  }
0x4de: {  	s0 =	rddreg [dreg:$0x0];
	s2 =	stileid.u32  }
0x4df: {  	s1 =	rddreg [dreg:$0x1];
	p0 =	sne.s32 s2, $0x0  }
0x4e0: {  	s3 =	rddreg [dreg:$0x2];
	[bflag:$0x3] =	sbarrier.arrive $0xFFFF;
	s2 =	simm.s32 @!p0 $0x1C03  }
0x4e1: {  	[timem:s3], [sflag:s2] =	dma.local @!p0 [hbm:s0], s1  }
0x4e2: {  	s0 =	simm.s32 @!p0 $0x3  }
0x4e3: {  	_ =	swait.ge @!p0 [sflag:s0], s1  }
0x4e4: {  	s1 =	ssub.s32 @!p0 $0x0, s1;
	[sflag:s0] =	ssyncset.done @!p0 $0x0  }
0x4e5: {  	[sflag:s0] =	ssyncadd.s32 @!p0 s1  }
0x4e6: {  	[bflag:$0x3] =	sbarrier.arrive $0xFFFF  }
0x4e7: {  	_ =	shalt  }

// kernel: kernel.9.cloned.1.call-start
scs
__scs_entry_jumppad:
0x0: {  	(pc) =	sbr.rel $0x88, $3  }
0x1: {  	(tag) =	ssettag $0x0;
	lr =	simm.s32 $0x1  }
0x2: {  	[smem:$0x3F9A] =	sst lr;
	_ =	strace $0xD0000000  }
0x3: {  	_ = 	snop  }
0x4: {  	_ = 	snop  }
0x5: {  	_ = 	snop  }
0x6: {  	_ = 	snop  }
0x7: {  	_ = 	snop  }
__scs_overlays_trampoline_lowered:
0x8: {  	[smem:$0x3FA9] =	sst s0  }
0x9: {  	[smem:$0x3FAA] =	sst s1  }
0xa: {  	[smem:$0x3FAB] =	sst s2  }
0xb: {  	[smem:$0x3FAC] =	sst s3  }
0xc: {  	[smem:$0x3FAD] =	sst s4  }
0xd: {  	[smem:$0x3FAE] =	sst s5  }
0xe: {  	[smem:$0x3FAF] =	sst s6  }
0xf: {  	[smem:$0x3FB0] =	sst s7  }
0x10: {  	[smem:$0x3FB1] =	sst s8  }
0x11: {  	[smem:$0x3FB2] =	sst s9;
	s0 =	simm.s32 @!p0 $0x0  }
0x12: {  	s1 =	sld [smem:$0x3F98];
	s0 =	simm.s32 @p0 $0x1  }
0x13: {  	[smem:$0x3FB3] =	sst s0;
	s0 =	simm.s32 @!p1 $0x0  }
0x14: {  	s2 =	sld [smem:$0x3F97];
	s0 =	simm.s32 @p1 $0x1  }
0x15: {  	[smem:$0x3FB4] =	sst s0;
	s0 =	simm.s32 @!p2 $0x0  }
0x16: {  	s3 =	sld [smem:$0x3FDB];
	s0 =	simm.s32 @p2 $0x1  }
0x17: {  	s4 =	simm.s32 $0x1BF5;
	[smem:$0x3FB6] =	sst s0  }
0x18: {  	s0 =	sld [smem:$0x3F99];
	_ =	swait.ge [sflag:s4], $0x0  }
0x19: {  	s7 =	sld [smem:$0x3F9A]  }
0x1a: {  	s8 =	sadd.s32 $0xFFFFE003, lr  }
0x1b: {  	s9 =	sadd.s32 $0xFFFFFEF7, lr;
	s5 =	simm.s32 $0xFFFFFFFF;
	p2 =	slt.u32 s8, $0xFFFFF086  }
0x1c: {  	p1 =	slt.u32 s9, $0xF7A;
	s5 =	simm.s32 @!p2 $0x0  }
0x1d: {  	s5 =	simm.s32 @p1 $0x1;
	p0 =	seq.s32 s7, s2  }
0x1e: {  	s7 =	smul.u32 @!p0 $0xF7A, s2;
	p2 =	seq.s32 @!p0 s5, $0x0  }
0x1f: {  	s9 =	smul.u32 $0xF7A, s1;
	s8 =	simm.s32 @!p0 $0x1BF5;
	p2 =	por !p2, p0  }
0x20: {  	[sflag:s8] =	ssyncset.s32 @!p0 $0xFFFFF086;
	s6 =	sadd.s32 @!p0 s3, s7;
	s7 =	simm.s32 @!p0 $0x108  }
0x21: {  	s3 =	sadd.s32 s3, s9;
	s6 =	sadd.s32 @!p0 $0x88, s6;
	s7 =	simm.s32 @p2 $0x1082  }
0x22: {  	[simem:s7], [sflag:s8] =	dma.local @!p0 [hbm:s6], $0xF7A  }
0x23: {  	s9 =	sor.u32 $0xD0000000, s2;
	s6 =	simm.s32 $0x108;
	_ =	swait.ge @!p0 [sflag:s8], $0x0  }
0x24: {  	s3 =	sadd.s32 $0x88, s3;
	s6 =	simm.s32 @!p1 $0x1082;
	[sflag:s4] =	ssyncset.s32 $0xFFFFF086  }
0x25: {  	[simem:s6], [sflag:s4] =	dma.local [hbm:s3], $0xF7A  }
0x26: {  	[smem:$0x3F9A] =	sst s1;
	(tag) =	ssettag s2;
	_ =	strace s9  }
0x27: {  	s1 =	sld [smem:$0x3FAA]  }
0x28: {  	s2 =	sld [smem:$0x3FAB]  }
0x29: {  	s4 =	sld [smem:$0x3FAD]  }
0x2a: {  	p0 =	seq.s32 s5, $0x0;
	s5 =	sld [smem:$0x3FAE]  }
0x2b: {  	s6 =	sld [smem:$0x3FAF]  }
0x2c: {  	s7 =	sld [smem:$0x3FB0]  }
0x2d: {  	s3 =	simm.s32 $0x108;
	s8 =	sld [smem:$0x3FB1]  }
0x2e: {  	s3 =	simm.s32 @!p0 $0x1082;
	s9 =	sld [smem:$0x3FB2]  }
0x2f: {  	lr =	sadd.s32 s0, s3;
	s0 =	sld [smem:$0x3FA9]  }
0x30: {  	s3 =	sld [smem:$0x3FAC]  }
0x31: {  	[smem:$0x3FB5] =	sst s10  }
0x32: {  	s10 =	sld [smem:$0x3FB3];
	_ =	sdelay $0x3  }
0x33: {  	p0 =	seq.s32 s10, $0x1;
	s10 =	sld [smem:$0x3FB5];
	_ =	sdelay $0x3  }
0x34: {  	[smem:$0x3FB5] =	sst s10  }
0x35: {  	s10 =	sld [smem:$0x3FB4];
	_ =	sdelay $0x3  }
0x36: {  	p1 =	seq.s32 s10, $0x1;
	s10 =	sld [smem:$0x3FB5];
	_ =	sdelay $0x3  }
0x37: {  	[smem:$0x3FB5] =	sst s10  }
0x38: {  	s10 =	sld [smem:$0x3FB6]  }
0x39: {  	_ = 	snop;
	(pc) =	sbr.ind lr, $3  }
0x3a: {  	_ = 	snop  }
0x3b: {  	_ = 	snop  }
0x3c: {  	p2 =	seq.s32 s10, $0x1;
	s10 =	sld [smem:$0x3FB5]  }
0x3d: {  	_ =	shalt  }
0x3e: {  	_ =	shalt  }
0x3f: {  	_ =	shalt  }
0x40: {  	_ =	shalt  }
0x41: {  	_ =	shalt  }
0x42: {  	_ =	shalt  }
0x43: {  	_ =	shalt  }
0x44: {  	_ =	shalt  }
0x45: {  	_ =	shalt  }
0x46: {  	_ =	shalt  }
0x47: {  	_ =	shalt  }
0x48: {  	_ =	shalt  }
0x49: {  	_ =	shalt  }
0x4a: {  	_ =	shalt  }
0x4b: {  	_ =	shalt  }
0x4c: {  	_ =	shalt  }
0x4d: {  	_ =	shalt  }
0x4e: {  	_ =	shalt  }
0x4f: {  	_ =	shalt  }
0x50: {  	_ =	shalt  }
0x51: {  	_ =	shalt  }
0x52: {  	_ =	shalt  }
0x53: {  	_ =	shalt  }
0x54: {  	_ =	shalt  }
0x55: {  	_ =	shalt  }
0x56: {  	_ =	shalt  }
0x57: {  	_ =	shalt  }
0x58: {  	_ =	shalt  }
0x59: {  	_ =	shalt  }
0x5a: {  	_ =	shalt  }
0x5b: {  	_ =	shalt  }
0x5c: {  	_ =	shalt  }
0x5d: {  	_ =	shalt  }
0x5e: {  	_ =	shalt  }
0x5f: {  	_ =	shalt  }
0x60: {  	_ =	shalt  }
0x61: {  	_ =	shalt  }
0x62: {  	_ =	shalt  }
0x63: {  	_ =	shalt  }
0x64: {  	_ =	shalt  }
0x65: {  	_ =	shalt  }
0x66: {  	_ =	shalt  }
0x67: {  	_ =	shalt  }
0x68: {  	_ =	shalt  }
0x69: {  	_ =	shalt  }
0x6a: {  	_ =	shalt  }
0x6b: {  	_ =	shalt  }
0x6c: {  	_ =	shalt  }
0x6d: {  	_ =	shalt  }
0x6e: {  	_ =	shalt  }
0x6f: {  	_ =	shalt  }
0x70: {  	_ =	shalt  }
0x71: {  	_ =	shalt  }
0x72: {  	_ =	shalt  }
0x73: {  	_ =	shalt  }
0x74: {  	_ =	shalt  }
0x75: {  	_ =	shalt  }
0x76: {  	_ =	shalt  }
0x77: {  	_ =	shalt  }
0x78: {  	_ =	shalt  }
0x79: {  	_ =	shalt  }
0x7a: {  	_ =	shalt  }
0x7b: {  	_ =	shalt  }
0x7c: {  	_ =	shalt  }
0x7d: {  	_ =	shalt  }
0x7e: {  	_ =	shalt  }
0x7f: {  	_ =	shalt  }
0x80: {  	_ =	shalt  }
0x81: {  	_ =	shalt  }
0x82: {  	_ =	shalt  }
0x83: {  	_ =	shalt  }
0x84: {  	_ =	shalt  }
0x85: {  	_ =	shalt  }
0x86: {  	_ =	shalt  }
0x87: {  	_ =	shalt  }
.Lfunc_end0:
.L_simem_size_0:
called_computation.1_lowered:
.L_overlay_start_0:
0x88: {  	s2 =	sld [smem:$0x3FD9]  }
0x89: {  	s3 =	sld [smem:$0x3FFE];
	_ =	sdelay $0x1  }
0x8a: {  	s1 =	srdreg.scid  }
0x8b: {  	s0 =	sand.u32 $0x1, s1  }
0x8c: {  	s17 =	sshll.u32 s0, $0xA;
	s2 =	sadd.s32 s3, s2  }
0x8d: {  	s2 =	sadd.s32 s2, s17  }
0x8e: {  	[smem:$0x3FC1] =	sst s2  }
0x8f: {  	_ = 	snop  }
0x90: {  	s2 =	sld [smem:$0x3FD0];
	(tm) =	ssettm $0x1  }
0x91: {  	s18 =	sld [smem:$0x3FFB];
	_ =	sdelay $0x3  }
0x92: {  	_ =	strace s18  }
0x93: {  	s3 =	sld [smem:$0x3FFC];
	_ =	sdelay $0x3  }
0x94: {  	_ =	strace s3  }
0x95: {  	s3 =	sld [smem:$0x3FFD];
	_ =	sdelay $0x3  }
0x96: {  	_ =	strace s3  }
0x97: {  	_ =	strace $0x8FFFFFFF  }
0x98: {  	s19 =	sld [smem:$0x3FDB];
	_ =	sdelay $0x1  }
0x99: {  	s4 =	simm.s32 $_scs_section_size  }
0x9a: {  	s5 =	simm.s32 $_size__tile_overlayer_lowered;
	s6 =	simm.s32 $_tile_overlayer_lowered  }
0x9b: {  	s22 =	simm.s32 $0x1BFF;
	s21 =	sshll.u32 s6, $0x1;
	s3 =	sadd.s32 s4, s19  }
0x9c: {  	s7 =	simm.s32 $0x0;
	s20 =	sshll.u32 s5, $0x1;
	s5 =	sadd.s32 s21, s3  }
0x9d: {  	[timem:s7], [sflag:s22] =	dma.local [hbm:s5], s20  }
0x9e: {  	_ =	swait.ge [sflag:s22], s20  }
0x9f: {  	s4 =	ssub.s32 $0x0, s20;
	[sflag:s22] =	ssyncset.done $0x0  }
0xa0: {  	[sflag:s22] =	ssyncadd.s32 s4;
	_ =	sdelay $0x1  }
0xa1: {  	s23 =	simm.s32 $0x1B8B  }
0xa2: {  	_ =	swait.ge [sflag:s23], $0x1  }
0xa3: {  	[sflag:s23] =	ssyncset.done $0x0  }
0xa4: {  	s25 =	simm.s32 $0x1B8E;
	s24 =	sld [smem:$0x3FFE];
	[sflag:s23] =	ssyncadd.s32 $0xFFFFFFFF  }
0xa5: {  	s26 =	simm.s32 $execute0_lowered;
	[smem:$0x3FD2] =	sst s25  }
0xa6: {  	s5 =	sshll.u32 s26, $0x1;
	_ =	strace $0x80000049;
	[dreg:$0x1] =	wrdreg $0xFFFFFFFF  }
0xa7: {  	s28 =	simm.s32 $_size_execute0_lowered;
	s3 =	sadd.s32 s3, s5;
	[dreg:$0x0] =	wrdreg $0x0  }
0xa8: {  	s5 =	sshll.u32 s28, $0x1;
	[dreg:$0x2] =	wrdreg s3  }
0xa9: {  	[dreg:$0x3] =	wrdreg s5  }
0xaa: {  	[dreg:$0x4] =	wrdreg $0xC0  }
0xab: {  	_ =	task [dreg:s7], $0x5FFFF  }
0xac: {  	[dreg:$0x1] =	wrdreg $0xFFFFFFFF  }
0xad: {  	[dreg:$0x0] =	wrdreg $0x60  }
0xae: {  	[dreg:$0x2] =	wrdreg s24  }
0xaf: {  	[dreg:$0x3] =	wrdreg s2  }
0xb0: {  	[dreg:$0x4] =	wrdreg $0x9  }
0xb1: {  	_ =	task.clear_ibuf [dreg:s7], $0x5FFFF;
	_ =	strace $0x90000049  }
0xb2: {  	s29 =	simm.s32 $0x9;
	_ =	strace $0x8000004B  }
0xb3: {  	_ =	swait.ge [sflag:s29], $0x1  }
0xb4: {  	[sflag:s29] =	ssyncadd.s32 $0xFFFFFFFF  }
0xb5: {  	_ =	strace $0x9000004B  }
0xb6: {  	_ =	sfence  }
0xb7: {  	s30 =	sld [smem:$0x0];
	_ =	sdelay $0x2  }
0xb8: {  	s31 =	sshll.u32 s1, $0xD;
	s1 =	sshrl.u32 s1, $0x2  }
0xb9: {  	s3 =	sand.u32 $0x4000, s31;
	s1 =	sadd.s32 s1, s30  }
0xba: {  	s0 =	sor.u32 s3, s0;
	s1 =	sshll.u32 s1, $0x11  }
0xbb: {  	s0 =	sor.u32 s1, s0  }
0xbc: {  	s0 =	sadd.s32 $0x8F2B, s0  }
0xbd: {  	[sflag:s0] =	ssyncadd.remote.s32 $0x1  }
0xbe: {  	_ =	sfence.sel $0xFFFF  }
0xbf: {  	[dreg:$0x0] =	wrdreg $0xFFFFFFFF;
	(pc) =	sbr.abs _section_cstart, $3  }
0xc0: {  	[dreg:$0x1] =	wrdreg $0xFFFFFFFF  }
0xc1: {  	_ =	task.clear_ibuf [dreg:s7], $0x2FFFF;
	_ =	strace $0x9FFFFFFF  }
0xc2: {  	(tm) =	ssettm $0x7FFFFFFF  }
0xc3: {  	_ =	shalt  }
tec
execute0_lowered:
.L_overlay_start_1:
0x0: {  	(tag) =	ssettag $0x1  }
0x1: {  	s0 =	rddreg [dreg:$0x0]  }
0x2: {  	s1 =	srdreg.scid;
	s2 =	stileid.u32;
	s3 =	simm.s32 $0x0  }
0x3: {  	s11 =	simm.s32 $0x3;
	s15 =	simm.s32 $0x1200;
	s16 =	simm.s32 $0x1A00  }
0x4: {  	s17 =	simm.s32 $0x2200;
	s18 =	simm.s32 $0x2A00;
	s19 =	simm.s32 $0x3200  }
0x5: {  	s20 =	simm.s32 $0x3A00;
	s21 =	simm.s32 $0x4200;
	s22 =	simm.s32 $0x4A00  }
0x6: {  	s23 =	simm.s32 $0x5200;
	s24 =	simm.s32 $0x5A00;
	s25 =	simm.s32 $0x1  }
0x7: {  	s26 =	simm.s32 $0x2;
	s28 =	simm.s32 $0x6200;
	s1 =	sand.u32 $0x1, s1  }
0x8: {  	s4 =	sshll.u32 s2, $0x9;
	s5 =	sshll.u32 s1, $0x8;
	s1 =	ssub.s32 $0x2, s1  }
0x9: {  	s14 =	simm.s32 $0x0;
	s4 =	sor.u32 s5, s4;
	s7 =	sshrl.u32 s1, $0x1  }
0xa: {  	[smem:$0x7FF] =	sst s3;
	s6 =	sshrl.u32 s4, $0x3;
	s1 =	ssub.s32 s1, s7  }
0xb: {  	s8 =	sadd.s32 $0x303900, s0;
	s6 =	sadd.s32 s6, s0;
	s31 =	smax.u32 s1, $0x1  }
0xc: {  	v2 =	vlaneseq.u32;
	_ =	strace $0x8000004A;
	s29 =	sadd.s32 $0x302C00, s6;
	[dreg:$0x5] =	wrdreg s31  }
0xd: {  	vm0 =	vmmov $0xffff;
	s9 =	sadd.s32 $0x303A00, s0;
	v1 =	vshrl.u32 v2, $0x3;
	s30 =	sadd.s32 $0x303200, s6;
	[dreg:$0x3] =	wrdreg s29  }
0xe: {  	v0 =	vand.u32 $0x7, v2;
	v2 =	vor.u32 $0x8, v2;
	v1 =	vmul.u32 $0x8, v1;
	s5 =	sadd.s32 $0x303800, s0;
	s1 =	simm.s32 $0x0;
	[dreg:$0x4] =	wrdreg s30  }
.LBB2_1:
0xf: {  	[dreg:$0x6] =	wrdreg s1  }
0x10: {  	s0 =	simm.s32 $0x0;
	s29 =	rddreg [dreg:$0x3]  }
0x11: {  	[tilespmem:s0], [sflag:$0x3] =	stream.linear.gather [hbm4b:s29+s0], $0x100, $0x38;
	[tilespmem:$0x9200] =	vst v63  }
0x12: {  	_ =	swait.ge [sflag:s11], $0x100  }
0x13: {  	[sflag:s11] =	ssyncset.done $0x0  }
0x14: {  	s2 =	simm.s32 $0x100;
	s31 =	rddreg [dreg:$0x4];
	[sflag:s11] =	ssyncadd.s32 $0xFFFFFF00  }
0x15: {  	[tilespmem:s2], [sflag:$0x3] =	stream.linear.gather [hbm4b:s31+s0], $0x100, $0x38;
	[tilespmem:$0x9200] =	vst v63  }
0x16: {  	_ =	swait.ge [sflag:s11], $0x100  }
0x17: {  	[sflag:s11] =	ssyncset.done $0x0  }
0x18: {  	s30 =	simm.s32 $0x0;
	[sflag:s11] =	ssyncadd.s32 $0xFFFFFF00  }
.LBB2_2:
0x19: {  	s31 =	sshll.u32 s30, $0x4  }
0x1a: {  	v3 =	vld [tilespmem:s31+$0x0];
	_ =	sdelay $0x4  }
0x1b: {  	v4 =	vshrl.u32 v3, $0x3  }
0x1c: {  	v4 =	vmul.u32 $0x30, v4  }
0x1d: {  	v3 =	vand.u32 $0x7, v3  }
0x1e: {  	v3 =	vor.u32 v3, v4  }
0x1f: {  	v4 =	vperm.xlane v3, v0;
	_ =	sdelay $0x1  }
0x20: {  	v4 =	vadd.s32 v1, v4;
	_ =	sdelay $0x3  }
0x21: {  	s0 =	simm.s32 $0x0;
	s1 =	simm.s32 $0x200;
	v3 =	vperm.xlane v3, v2  }
0x22: {  	[tilespmem:s1], [sflag:$0x1] =	stream.indirect_vreg.gather [hbm4b:s5+s0], $0x80, v4, vm0, $0xb8;
	[tilespmem:$0x9200] =	vst v63  }
0x23: {  	s12 =	simm.s32 $0xA00;
	v3 =	vadd.s32 v1, v3  }
0x24: {  	[tilespmem:s12], [sflag:$0x1] =	stream.indirect_vreg.gather [hbm4b:s8+s0], $0x80, v4, vm0, $0xb8;
	[tilespmem:$0x9200] =	vst v63  }
0x25: {  	_ = 	snop  }
0x26: {  	[tilespmem:s15], [sflag:$0x1] =	stream.indirect_vreg.gather [hbm4b:s9+s0], $0x80, v4, vm0, $0xb8;
	[tilespmem:$0x9200] =	vst v63  }
0x27: {  	_ = 	snop  }
0x28: {  	[tilespmem:s16], [sflag:$0x1] =	stream.indirect_vreg.gather [hbm4b:s5+s0], $0x80, v3, vm0, $0xb8;
	[tilespmem:$0x9200] =	vst v63  }
0x29: {  	_ = 	snop  }
0x2a: {  	[tilespmem:s17], [sflag:$0x1] =	stream.indirect_vreg.gather [hbm4b:s8+s0], $0x80, v3, vm0, $0xb8;
	[tilespmem:$0x9200] =	vst v63  }
0x2b: {  	_ = 	snop  }
0x2c: {  	[tilespmem:s18], [sflag:$0x1] =	stream.indirect_vreg.gather [hbm4b:s9+s0], $0x80, v3, vm0, $0xb8;
	[tilespmem:$0x9200] =	vst v63  }
0x2d: {  	v3 =	vld [tilespmem:s31+$0x100];
	_ =	sdelay $0x4  }
0x2e: {  	v4 =	vshrl.u32 v3, $0x3  }
0x2f: {  	v4 =	vmul.u32 $0x30, v4  }
0x30: {  	v3 =	vand.u32 $0x7, v3  }
0x31: {  	v3 =	vor.u32 v3, v4  }
0x32: {  	v4 =	vperm.xlane v3, v0;
	_ =	sdelay $0x1  }
0x33: {  	v4 =	vadd.s32 v1, v4;
	_ =	sdelay $0x3  }
0x34: {  	v3 =	vperm.xlane v3, v2  }
0x35: {  	[tilespmem:s19], [sflag:$0x2] =	stream.indirect_vreg.gather [hbm4b:s5+s0], $0x80, v4, vm0, $0xb8;
	[tilespmem:$0x9200] =	vst v63  }
0x36: {  	v3 =	vadd.s32 v1, v3  }
0x37: {  	[tilespmem:s20], [sflag:$0x2] =	stream.indirect_vreg.gather [hbm4b:s8+s0], $0x80, v4, vm0, $0xb8;
	[tilespmem:$0x9200] =	vst v63  }
0x38: {  	_ = 	snop  }
0x39: {  	[tilespmem:s21], [sflag:$0x2] =	stream.indirect_vreg.gather [hbm4b:s9+s0], $0x80, v4, vm0, $0xb8;
	[tilespmem:$0x9200] =	vst v63  }
0x3a: {  	_ = 	snop  }
0x3b: {  	[tilespmem:s22], [sflag:$0x2] =	stream.indirect_vreg.gather [hbm4b:s5+s0], $0x80, v3, vm0, $0xb8;
	[tilespmem:$0x9200] =	vst v63  }
0x3c: {  	s6 =	simm.s32 $0x1  }
0x3d: {  	[tilespmem:s23], [sflag:$0x2] =	stream.indirect_vreg.gather [hbm4b:s8+s0], $0x80, v3, vm0, $0xb8;
	[tilespmem:$0x9200] =	vst v63  }
0x3e: {  	s6 =	smul.u32 $0xAAAB, s6  }
0x3f: {  	[tilespmem:s24], [sflag:$0x2] =	stream.indirect_vreg.gather [hbm4b:s9+s0], $0x80, v3, vm0, $0xb8;
	[tilespmem:$0x9200] =	vst v63  }
0x40: {  	s10 =	sshrl.u32 s6, $0x15;
	s0 =	smul.u32 $0xAAAB, s0  }
0x41: {  	s3 =	sshrl.u32 s6, $0x18;
	s10 =	smul.u32 $0x30, s10  }
0x42: {  	s6 =	sshrl.u32 s6, $0xE;
	_ =	swait.ge [sflag:s25], $0x3000;
	s13 =	sshrl.u32 s0, $0x15  }
0x43: {  	s10 =	ssub.s32 $0x1, s10;
	[sflag:s25] =	ssyncset.done $0x0;
	s1 =	smul.u32 $0x30, s13  }
0x44: {  	s2 =	sshrl.u32 s0, $0x18;
	s0 =	sshrl.u32 s0, $0xE;
	[sflag:s25] =	ssyncadd.s32 $0xFFFFD000  }
0x45: {  	s12 =	smul.u32 $0x1800, s2;
	s0 =	sand.u32 $0x380, s0;
	s7 =	ssub.s32 $0x0, s1  }
0x46: {  	s13 =	smul.u32 $0x1800, s3;
	_ =	swait.ge [sflag:s26], $0x3000;
	s29 =	sshll.u32 s7, $0x7  }
0x47: {  	[sflag:s26] =	ssyncset.done $0x0;
	s1 =	simm.s32 $0x2;
	s29 =	sand.u32 $0x1C00, s29  }
0x48: {  	s7 =	sshll.u32 s7, $0x4;
	[sflag:s26] =	ssyncadd.s32 $0xFFFFD000;
	s12 =	sadd.s32 s29, s12  }
0x49: {  	s7 =	sand.u32 $0x70, s7;
	s29 =	sshll.u32 s10, $0x7;
	s0 =	sor.u32 s0, s12  }
0x4a: {  	s12 =	smul.u32 $0xAAAB, s1;
	s29 =	sand.u32 $0x1C00, s29;
	s0 =	sor.u32 s7, s0  }
0x4b: {  	s6 =	sand.u32 $0x380, s6;
	s7 =	sadd.s32 s29, s13;
	v3 =	vld [tilespmem:s0+$0x200]  }
0x4c: {  	s2 =	sshll.u32 s10, $0x4;
	s29 =	sshrl.u32 s12, $0x15;
	s7 =	sor.u32 s6, s7;
	v4 =	vld [tilespmem:s0+$0x3200]  }
0x4d: {  	s6 =	simm.s32 $0x3;
	s10 =	smul.u32 $0x30, s29;
	s29 =	sand.u32 $0x70, s2  }
.LBB2_3:
0x4e: {  	s2 =	smov.u32 s12;
	s12 =	smul.u32 $0xAAAB, s6  }
0x4f: {  	s3 =	smov.u32 s0;
	s0 =	sor.u32 s29, s7;
	s7 =	smov.u32 s1  }
0x50: {  	s1 =	smov.u32 s6;
	p0 =	sne.s32 s6, $0x2FF;
	s7 =	ssub.s32 s7, s10  }
.Ltmp0:
0x51: {  	s10 =	sshrl.u32 s2, $0x18;
	s2 =	sshrl.u32 s2, $0xE;
	v5 =	vadd.f32 v4, v3;
	v3 =	vld [tilespmem:s0+$0x200];
	(pc) =	sbr.rel @p0 .LBB2_3-.Ltmp0, $4  }
0x52: {  	s29 =	sshrl.u32 s12, $0x15;
	s10 =	smul.u32 $0x1800, s10;
	s13 =	sshll.u32 s7, $0x7;
	v4 =	vld [tilespmem:s0+$0x3200]  }
0x53: {  	s6 =	sadd.s32 $0x1, s6;
	s13 =	sand.u32 $0x1C00, s13;
	[tilespmem:s3+$0x6200] =	vst v5  }
0x54: {  	s2 =	sand.u32 $0x380, s2;
	s3 =	sshll.u32 s7, $0x4;
	s7 =	sadd.s32 s13, s10  }
0x55: {  	s10 =	smul.u32 $0x30, s29;
	s29 =	sand.u32 $0x70, s3;
	s7 =	sor.u32 s2, s7  }
0x56: {  	_ = 	snop  }
0x57: {  	s2 =	sshrl.u32 s12, $0x18;
	s1 =	ssub.s32 s1, s10  }
0x58: {  	s2 =	smul.u32 $0x1800, s2;
	s3 =	sshll.u32 s1, $0x7  }
0x59: {  	s6 =	sor.u32 s29, s7;
	s10 =	sshrl.u32 s12, $0xE;
	s3 =	sand.u32 $0x1C00, s3  }
0x5a: {  	v3 =	vadd.f32 v4, v3;
	s1 =	sshll.u32 s1, $0x4;
	s12 =	sand.u32 $0x380, s10;
	s2 =	sadd.s32 s3, s2  }
0x5b: {  	v5 =	vld [tilespmem:s6+$0x200];
	s1 =	sand.u32 $0x70, s1;
	s2 =	sor.u32 s12, s2  }
0x5c: {  	v63 =	vld [tilespmem:s6+$0x3200];
	[tilespmem:s0+$0x6200] =	vst v3;
	s13 =	sor.u32 s1, s2  }
0x5d: {  	v3 =	vld [tilespmem:s13+$0x200]  }
0x5e: {  	v6 =	vld [tilespmem:s13+$0x3200];
	_ =	sdelay $0x2  }
0x5f: {  	s29 =	sor.u32 s4, s31  }
0x60: {  	v4 =	vadd.f32 v63, v5;
	s1 =	sshrl.u32 s29, $0x3  }
0x61: {  	s30 =	sadd.s32 $0x1, s30;
	s1 =	smul.u32 $0x300, s1;
	v3 =	vadd.f32 v6, v3  }
0x62: {  	s31 =	rddreg [dreg:$0x1];
	p0 =	sne.s32 s30, $0x10;
	[tilespmem:s6+$0x6200] =	vst v4  }
.Ltmp1:
0x63: {  	s0 =	sadd.s32 s31, s1;
	[tilespmem:s13+$0x6200] =	vst v3;
	(pc) =	sbr.rel @p0 .LBB2_2-.Ltmp1, $4  }
0x64: {  	[hbm4b:s0+s14] =	stream.linear.scatter [tilespmem:s28], [sflag:$0x3], $0x3000, $0x38;
	[tilespmem:$0x9200] =	vst v63  }
0x65: {  	_ =	swait.ge [sflag:s11], $0x3000  }
0x66: {  	[sflag:s11] =	ssyncset.done $0x0  }
0x67: {  	[sflag:s11] =	ssyncadd.s32 $0xFFFFD000  }
0x68: {  	s1 =	rddreg [dreg:$0x6]  }
0x69: {  	s0 =	rddreg [dreg:$0x5];
	s1 =	sadd.s32 $0x1, s1  }
0x6a: {  	p0 =	sne.s32 s1, s0  }
.Ltmp2:
0x6b: {  	_ = 	snop;
	(pc) =	sbr.rel @p0 .LBB2_1-.Ltmp2, $1  }
0x6c: {  	_ =	sdelay $0x3  }
0x6d: {  	_ =	sfence.sel $0x180000  }
0x6e: {  	[bflag:$0x0] =	sbarrier.arrive $0xFFFF  }
0x6f: {  	_ =	strace $0x9000004A  }
0x70: {  	s0 =	stileid.u32;
	[bflag:$0x2] =	sbarrier.arrive $0xFFFF  }
0x71: {  	p0 =	sne.s32 s0, $0x0;
	s0 =	rddreg [dreg:$0x2]  }
0x72: {  	s0 =	sadd.s32 @!p0 $0x100000, s0  }
0x73: {  	[sflag:s0] =	ssyncadd.tile.s32 @!p0 $0x1;
	_ =	shalt  }
.Lfunc_end2:
_tile_overlayer_lowered:
.L_overlay_start_2:
0x74: {  	(tag) =	ssettag $0x2  }
0x75: {  	s0 =	rddreg [dreg:$0x0];
	s2 =	stileid.u32  }
0x76: {  	s1 =	rddreg [dreg:$0x1];
	p0 =	sne.s32 s2, $0x0  }
0x77: {  	s3 =	rddreg [dreg:$0x2];
	[bflag:$0x3] =	sbarrier.arrive $0xFFFF;
	s2 =	simm.s32 @!p0 $0x1C03  }
0x78: {  	[timem:s3], [sflag:s2] =	dma.local @!p0 [hbm:s0], s1  }
0x79: {  	s0 =	simm.s32 @!p0 $0x3  }
0x7a: {  	_ =	swait.ge @!p0 [sflag:s0], s1  }
0x7b: {  	s1 =	ssub.s32 @!p0 $0x0, s1;
	[sflag:s0] =	ssyncset.done @!p0 $0x0  }
0x7c: {  	[sflag:s0] =	ssyncadd.s32 @!p0 s1  }
0x7d: {  	[bflag:$0x3] =	sbarrier.arrive $0xFFFF  }
0x7e: {  	_ =	shalt  }

</sc_bundles>
